<compile_context>
chip_gen: v7x
topology: tpu7x:2x2x1
jax: 0.10.2.dev20260603
libtpu: 0.0.44.dev20260713+nightly
codegen_flags: <defaults>
</compile_context>

<pallas_src>
import functools

import jax
import jax.numpy as jnp
from jax import lax
from jax.experimental import pallas as pl
from jax.experimental.pallas import tpu as pltpu
from jax.experimental.pallas import tpu_sc as plsc

_LANES = 16
_NUM_CORES = 2
_NUM_SUBCORES = 16
_NUM_WORKERS = _NUM_CORES * _NUM_SUBCORES
_RB = 8
_CB = 512


def _make_sc_kernel(n: int, h: int, s: int):
    rows_per_w = n // _NUM_WORKERS
    slabs = rows_per_w // _RB
    quarters = h // _CB
    chunks = slabs * quarters
    groups = _CB // _LANES

    mesh = plsc.VectorSubcoreMesh(core_axis_name="c", subcore_axis_name="s")

    @functools.partial(
        pl.kernel,
        mesh=mesh,
        compiler_params=pltpu.CompilerParams(
            needs_layout_passes=False, use_tc_tiling_on_sc=True
        ),
        out_type=(
            jax.ShapeDtypeStruct((n, h), jnp.float32),
            jax.ShapeDtypeStruct((n, h), jnp.int32),
        ),
        scratch_types=[
            pltpu.VMEM((2, _RB, s, _CB), jnp.float32),
            pltpu.VMEM((2, _RB, _CB), jnp.float32),
            pltpu.VMEM((2, _RB, _CB), jnp.float32),
            pltpu.VMEM((2, _RB, _CB), jnp.int32),
            pltpu.SemaphoreType.DMA,
            pltpu.SemaphoreType.DMA,
            pltpu.SemaphoreType.DMA,
            pltpu.SemaphoreType.DMA,
        ],
    )
    def sc_kernel(
        d_hbm, y_hbm, val_hbm, idx_hbm, dbuf, ybuf, vbuf, ibuf, in0, in1, out0, out1
    ):
        wid = lax.axis_index("s") * _NUM_CORES + lax.axis_index("c")
        row0 = wid * rows_per_w
        in_sems = (in0, in1)
        out_sems = (out0, out1)

        def src_slices(c):
            r8 = row0 + (c // quarters) * _RB
            cq = (c % quarters) * _CB
            return pl.ds(r8, _RB), pl.ds(cq, _CB)

        def compute(db, yb, vb, ib):
            def one_group(i, g):
                sl = pl.ds(g * _LANES, _LANES)
                v = db[i, 0, sl]
                best_v = v
                best_a = jnp.abs(v)
                best_i = jnp.zeros((_LANES,), jnp.int32)
                for k in range(1, s):
                    v = db[i, k, sl]
                    a = jnp.abs(v)
                    p = a > best_a
                    best_a = jnp.where(p, a, best_a)
                    best_v = jnp.where(p, v, best_v)
                    best_i = jnp.where(p, k, best_i)
                gate = 1.0 / (1.0 + jnp.exp(-best_v))
                vb[i, sl] = yb[i, sl] * gate
                ib[i, sl] = best_i

            for i in range(_RB):
                def group_body(g, _):
                    one_group(i, g)
                    return 0

                lax.fori_loop(0, groups, group_body, 0)

        def start_in(c, b):
            rs, cs = src_slices(c)
            pltpu.async_copy(d_hbm.at[rs, :, cs], dbuf.at[b], in_sems[b])
            pltpu.async_copy(y_hbm.at[rs, cs], ybuf.at[b], in_sems[b])

        def half(b, c):
            db, yb = dbuf.at[b], ybuf.at[b]
            vb, ib = vbuf.at[b], ibuf.at[b]
            rs, cs = src_slices(c)
            pltpu.make_async_copy(d_hbm.at[rs, :, cs], db, in_sems[b]).wait()
            pltpu.make_async_copy(y_hbm.at[rs, cs], yb, in_sems[b]).wait()

            @pl.when(c >= 2)
            def _():
                prs, pcs = src_slices(c - 2)
                pltpu.make_async_copy(vb, val_hbm.at[prs, pcs], out_sems[b]).wait()
                pltpu.make_async_copy(ib, idx_hbm.at[prs, pcs], out_sems[b]).wait()

            compute(db, yb, vb, ib)
            pltpu.async_copy(vb, val_hbm.at[rs, cs], out_sems[b])
            pltpu.async_copy(ib, idx_hbm.at[rs, cs], out_sems[b])

            @pl.when(c + 2 < chunks)
            def _():
                start_in(c + 2, b)

        start_in(0, 0)
        start_in(1, 1)

        def pair_body(p, _):
            half(0, 2 * p)
            half(1, 2 * p + 1)
            return 0

        lax.fori_loop(0, chunks // 2, pair_body, 0)

        frs, fcs = src_slices(chunks - 2)
        pltpu.make_async_copy(vbuf.at[0], val_hbm.at[frs, fcs], out0).wait()
        pltpu.make_async_copy(ibuf.at[0], idx_hbm.at[frs, fcs], out0).wait()
        frs, fcs = src_slices(chunks - 1)
        pltpu.make_async_copy(vbuf.at[1], val_hbm.at[frs, fcs], out1).wait()
        pltpu.make_async_copy(ibuf.at[1], idx_hbm.at[frs, fcs], out1).wait()

    return sc_kernel


def kernel(y, dendrite_activations):
    n, h = y.shape
    s = dendrite_activations.shape[2]
    d_t = jnp.transpose(dendrite_activations, (0, 2, 1))
    sc = _make_sc_kernel(n, h, s)
    return sc(d_t, y)

# --- scband reference (transcript-rebuilt; emitter-appended) ---
"""Pipeline reference for scband-dendritic-absolute-max-gate1d-72971494359272 (READ-ONLY COPY).

The authoritative reference and input builder live on the scoring server;
editing this copy changes nothing except your own understanding.
"""

import jax, jax.numpy as jnp
import numpy as np


def setup_inputs(seed: int = 0) -> dict:
    key = jax.random.key(seed)
    k1, k2 = jax.random.split(key)
    y = jax.random.normal(k1, (4096, 2048), dtype=jnp.float32)
    dendrite_activations = jax.random.normal(k2, (4096, 2048, 8), dtype=jnp.float32)
    return {"y": y, "dendrite_activations": dendrite_activations}


def reference(y, dendrite_activations):
    # indices of the absolute-max dendrite activation along the segment axis
    indices = jnp.argmax(jnp.abs(dendrite_activations), axis=2)
    # gather the (signed) winning activations
    winning_activations = jnp.take_along_axis(
        dendrite_activations, indices[:, :, None], axis=2
    ).squeeze(axis=2)
    values = y * jax.nn.sigmoid(winning_activations)
    return (values, indices)

if __name__ == "__main__":
    import jax
    _d = setup_inputs()
    print(jax.jit(kernel)(*tuple(_d.values())))

</pallas_src>

<mosaic_0001>
#map = affine_map<(d0, d1) -> (0, 0, 0)>
#map1 = affine_map<(d0, d1) -> (0, 0)>
module attributes {stable_mosaic.version = 14 : i64} {
  func.func @sc_kernel(%arg0: i32, %arg1: i32, %arg2: memref<4096x8x2048xf32, #tpu.memory_space<hbm>>, %arg3: memref<4096x2048xf32, #tpu.memory_space<hbm>>, %arg4: memref<4096x2048xf32, #tpu.memory_space<hbm>>, %arg5: memref<4096x2048xi32, #tpu.memory_space<hbm>>, %arg6: memref<2x8x8x512xf32, #tpu.memory_space<vmem>>, %arg7: memref<2x8x512xf32, #tpu.memory_space<vmem>>, %arg8: memref<2x8x512xf32, #tpu.memory_space<vmem>>, %arg9: memref<2x8x512xi32, #tpu.memory_space<vmem>>, %arg10: memref<!tpu.dma_semaphore, #tpu.memory_space<semaphore_mem>>, %arg11: memref<!tpu.dma_semaphore, #tpu.memory_space<semaphore_mem>>, %arg12: memref<!tpu.dma_semaphore, #tpu.memory_space<semaphore_mem>>, %arg13: memref<!tpu.dma_semaphore, #tpu.memory_space<semaphore_mem>>) attributes {dimension_semantics = [#tpu.dimension_semantics<core_parallel>, #tpu.dimension_semantics<subcore_parallel>], iteration_bounds = array<i64: 2, 16>, scalar_prefetch = 0 : i64, scratch_operands = 8 : i64, tpu.core_type = #tpu.core_type<sc_vector_subcore>, window_params = [{transform_indices = #map}, {transform_indices = #map1}, {transform_indices = #map1}, {transform_indices = #map1}]} {
    %mul3A = arith.constant 2 : i32
    %mul3A_0 = arith.muli %arg1, %mul3A : i32
    %add3A = arith.addi %mul3A_0, %arg0 : i32
    %mul3A_1 = arith.constant 128 : i32
    %mul3A_2 = arith.muli %add3A, %mul3A_1 : i32
    %add3A_3 = arith.constant 0 : i32
    %add3A_4 = arith.addi %mul3A_2, %add3A_3 : i32
    %dma_start3A = arith.constant 0 : i32
    %dma_start3A_5 = arith.constant 0 : i32
    %dma_start3A_6 = arith.constant 0 : i32
    %dma_start3A_7 = arith.constant 0 : i32
    %dma_start3A_8 = tpu.memref_slice %arg6[%dma_start3A, %dma_start3A_5, %dma_start3A_6, %dma_start3A_7] : memref<2x8x8x512xf32, #tpu.memory_space<vmem>> -> memref<1x8x8x512xf32, #tpu.memory_space<vmem>>
    %dma_start3A_9 = tpu.memref_squeeze %dma_start3A_8 : memref<1x8x8x512xf32, #tpu.memory_space<vmem>> -> memref<8x8x512xf32, #tpu.memory_space<vmem>>
    %dma_start3A_10 = arith.constant 0 : i32
    %dma_start3A_11 = arith.constant 0 : i32
    %dma_start3A_12 = tpu.memref_slice %arg2[%add3A_4, %dma_start3A_10, %dma_start3A_11] : memref<4096x8x2048xf32, #tpu.memory_space<hbm>> -> memref<8x8x512xf32, #tpu.memory_space<hbm>>
    %dma_start3A_13 = arith.constant 0 : i32
    %dma_start3A_14 = arith.constant 0 : i32
    %dma_start3A_15 = arith.constant 0 : i32
    %dma_start3A_16 = tpu.memref_slice %arg6[%dma_start3A, %dma_start3A_13, %dma_start3A_14, %dma_start3A_15] : memref<2x8x8x512xf32, #tpu.memory_space<vmem>> -> memref<1x8x8x512xf32, #tpu.memory_space<vmem>>
    %dma_start3A_17 = tpu.memref_squeeze %dma_start3A_16 : memref<1x8x8x512xf32, #tpu.memory_space<vmem>> -> memref<8x8x512xf32, #tpu.memory_space<vmem>>
    %dma_start3A_18 = arith.constant 0 : i32
    %dma_start3A_19 = arith.constant 0 : i32
    %dma_start3A_20 = tpu.memref_slice %arg2[%add3A_4, %dma_start3A_18, %dma_start3A_19] : memref<4096x8x2048xf32, #tpu.memory_space<hbm>> -> memref<8x8x512xf32, #tpu.memory_space<hbm>>
    tpu.enqueue_dma source(%dma_start3A_20 : memref<8x8x512xf32, #tpu.memory_space<hbm>>) target(%dma_start3A_17 : memref<8x8x512xf32, #tpu.memory_space<vmem>>) target_semaphore(%arg10 : memref<!tpu.dma_semaphore, #tpu.memory_space<semaphore_mem>>)
    %dma_start3A_21 = arith.constant 0 : i32
    %dma_start3A_22 = arith.constant 0 : i32
    %dma_start3A_23 = arith.constant 0 : i32
    %dma_start3A_24 = tpu.memref_slice %arg7[%dma_start3A_21, %dma_start3A_22, %dma_start3A_23] : memref<2x8x512xf32, #tpu.memory_space<vmem>> -> memref<1x8x512xf32, #tpu.memory_space<vmem>>
    %dma_start3A_25 = tpu.memref_squeeze %dma_start3A_24 : memref<1x8x512xf32, #tpu.memory_space<vmem>> -> memref<8x512xf32, #tpu.memory_space<vmem>>
    %dma_start3A_26 = arith.constant 0 : i32
    %dma_start3A_27 = tpu.memref_slice %arg3[%add3A_4, %dma_start3A_26] : memref<4096x2048xf32, #tpu.memory_space<hbm>> -> memref<8x512xf32, #tpu.memory_space<hbm>>
    %dma_start3A_28 = arith.constant 0 : i32
    %dma_start3A_29 = arith.constant 0 : i32
    %dma_start3A_30 = tpu.memref_slice %arg7[%dma_start3A_21, %dma_start3A_28, %dma_start3A_29] : memref<2x8x512xf32, #tpu.memory_space<vmem>> -> memref<1x8x512xf32, #tpu.memory_space<vmem>>
    %dma_start3A_31 = tpu.memref_squeeze %dma_start3A_30 : memref<1x8x512xf32, #tpu.memory_space<vmem>> -> memref<8x512xf32, #tpu.memory_space<vmem>>
    %dma_start3A_32 = arith.constant 0 : i32
    %dma_start3A_33 = tpu.memref_slice %arg3[%add3A_4, %dma_start3A_32] : memref<4096x2048xf32, #tpu.memory_space<hbm>> -> memref<8x512xf32, #tpu.memory_space<hbm>>
    tpu.enqueue_dma source(%dma_start3A_33 : memref<8x512xf32, #tpu.memory_space<hbm>>) target(%dma_start3A_31 : memref<8x512xf32, #tpu.memory_space<vmem>>) target_semaphore(%arg10 : memref<!tpu.dma_semaphore, #tpu.memory_space<semaphore_mem>>)
    %add3A_34 = arith.constant 0 : i32
    %add3A_35 = arith.addi %mul3A_2, %add3A_34 : i32
    %dma_start3A_36 = arith.constant 1 : i32
    %dma_start3A_37 = arith.constant 0 : i32
    %dma_start3A_38 = arith.constant 0 : i32
    %dma_start3A_39 = arith.constant 0 : i32
    %dma_start3A_40 = tpu.memref_slice %arg6[%dma_start3A_36, %dma_start3A_37, %dma_start3A_38, %dma_start3A_39] : memref<2x8x8x512xf32, #tpu.memory_space<vmem>> -> memref<1x8x8x512xf32, #tpu.memory_space<vmem>>
    %dma_start3A_41 = tpu.memref_squeeze %dma_start3A_40 : memref<1x8x8x512xf32, #tpu.memory_space<vmem>> -> memref<8x8x512xf32, #tpu.memory_space<vmem>>
    %dma_start3A_42 = arith.constant 0 : i32
    %dma_start3A_43 = arith.constant 512 : i32
    %dma_start3A_44 = tpu.memref_slice %arg2[%add3A_35, %dma_start3A_42, %dma_start3A_43] : memref<4096x8x2048xf32, #tpu.memory_space<hbm>> -> memref<8x8x512xf32, #tpu.memory_space<hbm>>
    %dma_start3A_45 = arith.constant 0 : i32
    %dma_start3A_46 = arith.constant 0 : i32
    %dma_start3A_47 = arith.constant 0 : i32
    %dma_start3A_48 = tpu.memref_slice %arg6[%dma_start3A_36, %dma_start3A_45, %dma_start3A_46, %dma_start3A_47] : memref<2x8x8x512xf32, #tpu.memory_space<vmem>> -> memref<1x8x8x512xf32, #tpu.memory_space<vmem>>
    %dma_start3A_49 = tpu.memref_squeeze %dma_start3A_48 : memref<1x8x8x512xf32, #tpu.memory_space<vmem>> -> memref<8x8x512xf32, #tpu.memory_space<vmem>>
    %dma_start3A_50 = arith.constant 0 : i32
    %dma_start3A_51 = arith.constant 512 : i32
    %dma_start3A_52 = tpu.memref_slice %arg2[%add3A_35, %dma_start3A_50, %dma_start3A_51] : memref<4096x8x2048xf32, #tpu.memory_space<hbm>> -> memref<8x8x512xf32, #tpu.memory_space<hbm>>
    tpu.enqueue_dma source(%dma_start3A_52 : memref<8x8x512xf32, #tpu.memory_space<hbm>>) target(%dma_start3A_49 : memref<8x8x512xf32, #tpu.memory_space<vmem>>) target_semaphore(%arg11 : memref<!tpu.dma_semaphore, #tpu.memory_space<semaphore_mem>>)
    %dma_start3A_53 = arith.constant 1 : i32
    %dma_start3A_54 = arith.constant 0 : i32
    %dma_start3A_55 = arith.constant 0 : i32
    %dma_start3A_56 = tpu.memref_slice %arg7[%dma_start3A_53, %dma_start3A_54, %dma_start3A_55] : memref<2x8x512xf32, #tpu.memory_space<vmem>> -> memref<1x8x512xf32, #tpu.memory_space<vmem>>
    %dma_start3A_57 = tpu.memref_squeeze %dma_start3A_56 : memref<1x8x512xf32, #tpu.memory_space<vmem>> -> memref<8x512xf32, #tpu.memory_space<vmem>>
    %dma_start3A_58 = arith.constant 512 : i32
    %dma_start3A_59 = tpu.memref_slice %arg3[%add3A_35, %dma_start3A_58] : memref<4096x2048xf32, #tpu.memory_space<hbm>> -> memref<8x512xf32, #tpu.memory_space<hbm>>
    %dma_start3A_60 = arith.constant 0 : i32
    %dma_start3A_61 = arith.constant 0 : i32
    %dma_start3A_62 = tpu.memref_slice %arg7[%dma_start3A_53, %dma_start3A_60, %dma_start3A_61] : memref<2x8x512xf32, #tpu.memory_space<vmem>> -> memref<1x8x512xf32, #tpu.memory_space<vmem>>
    %dma_start3A_63 = tpu.memref_squeeze %dma_start3A_62 : memref<1x8x512xf32, #tpu.memory_space<vmem>> -> memref<8x512xf32, #tpu.memory_space<vmem>>
    %dma_start3A_64 = arith.constant 512 : i32
    %dma_start3A_65 = tpu.memref_slice %arg3[%add3A_35, %dma_start3A_64] : memref<4096x2048xf32, #tpu.memory_space<hbm>> -> memref<8x512xf32, #tpu.memory_space<hbm>>
    tpu.enqueue_dma source(%dma_start3A_65 : memref<8x512xf32, #tpu.memory_space<hbm>>) target(%dma_start3A_63 : memref<8x512xf32, #tpu.memory_space<vmem>>) target_semaphore(%arg11 : memref<!tpu.dma_semaphore, #tpu.memory_space<semaphore_mem>>)
    %scan3A = arith.constant 0 : i32
    %scan3A_66 = arith.constant 0 : i32
    %scan3A_67 = arith.constant 32 : i32
    %scan3A_68 = arith.addi %scan3A_66, %scan3A_67 : i32
    %scan3A_69 = arith.constant 1 : i32
    %scan3A_70 = scf.for %scan3A_127 = %scan3A_66 to %scan3A_68 step %scan3A_69 iter_args(%scan3A_128 = %scan3A) -> (i32)  : i32 {
      %mul3A_129 = arith.constant 2 : i32
      %mul3A_130 = arith.muli %mul3A_129, %scan3A_127 : i32
      %jit3A = arith.constant 4 : i32
      %div3A = arith.divsi %mul3A_130, %jit3A : i32
      %sign3A = arith.constant 0 : i32
      %sign3A_131 = arith.cmpi sgt, %mul3A_130, %sign3A : i32
      %sign3A_132 = arith.extui %sign3A_131 : i1 to i32
      %sign3A_133 = arith.constant 0 : i32
      %sign3A_134 = arith.cmpi slt, %mul3A_130, %sign3A_133 : i32
      %sign3A_135 = arith.extui %sign3A_134 : i1 to i32
      %sign3A_136 = arith.subi %sign3A_132, %sign3A_135 : i32
      %sign3A_137 = arith.constant 0 : i32
      %sign3A_138 = arith.cmpi sgt, %jit3A, %sign3A_137 : i32
      %sign3A_139 = arith.extui %sign3A_138 : i1 to i32
      %sign3A_140 = arith.constant 0 : i32
      %sign3A_141 = arith.cmpi slt, %jit3A, %sign3A_140 : i32
      %sign3A_142 = arith.extui %sign3A_141 : i1 to i32
      %sign3A_143 = arith.subi %sign3A_139, %sign3A_142 : i32
      %ne3A = arith.cmpi ne, %sign3A_136, %sign3A_143 : i32
      %rem3A = arith.remsi %mul3A_130, %jit3A : i32
      %ne3A_144 = arith.constant 0 : i32
      %ne3A_145 = arith.cmpi ne, %rem3A, %ne3A_144 : i32
      %and3A = arith.andi %ne3A, %ne3A_145 : i1
      %sub3A = arith.constant 1 : i32
      %sub3A_146 = arith.subi %div3A, %sub3A : i32
      %select_n3A = arith.select %and3A, %sub3A_146, %div3A : i32
      %mul3A_147 = arith.constant 8 : i32
      %mul3A_148 = arith.muli %select_n3A, %mul3A_147 : i32
      %add3A_149 = arith.addi %mul3A_2, %mul3A_148 : i32
      %jit3A_150 = arith.constant 4 : i32
      %eq3A = arith.constant 0 : i32
      %eq3A_151 = arith.cmpi eq, %jit3A_150, %eq3A : i32
      %jit3A_152 = arith.constant 1 : i32
      %select_n3A_153 = arith.select %eq3A_151, %jit3A_152, %jit3A_150 : i32
      %rem3A_154 = arith.remsi %mul3A_130, %select_n3A_153 : i32
      %ne3A_155 = arith.constant 0 : i32
      %ne3A_156 = arith.cmpi ne, %rem3A_154, %ne3A_155 : i32
      %lt3A = arith.constant 0 : i32
      %lt3A_157 = arith.cmpi slt, %rem3A_154, %lt3A : i32
      %lt3A_158 = arith.constant 0 : i32
      %lt3A_159 = arith.cmpi slt, %select_n3A_153, %lt3A_158 : i32
      %ne3A_160 = arith.xori %lt3A_157, %lt3A_159 : i1
      %and3A_161 = arith.andi %ne3A_160, %ne3A_156 : i1
      %add3A_162 = arith.addi %rem3A_154, %select_n3A_153 : i32
      %select_n3A_163 = arith.select %and3A_161, %add3A_162, %rem3A_154 : i32
      %mul3A_164 = arith.constant 512 : i32
      %mul3A_165 = arith.muli %select_n3A_163, %mul3A_164 : i32
      %dma_wait3A_166 = arith.constant 0 : i32
      %dma_wait3A_167 = arith.constant 0 : i32
      %dma_wait3A_168 = arith.constant 0 : i32
      %dma_wait3A_169 = arith.constant 0 : i32
      %dma_wait3A_170 = tpu.memref_slice %arg6[%dma_wait3A_166, %dma_wait3A_167, %dma_wait3A_168, %dma_wait3A_169] : memref<2x8x8x512xf32, #tpu.memory_space<vmem>> -> memref<1x8x8x512xf32, #tpu.memory_space<vmem>>
      %dma_wait3A_171 = tpu.memref_squeeze %dma_wait3A_170 : memref<1x8x8x512xf32, #tpu.memory_space<vmem>> -> memref<8x8x512xf32, #tpu.memory_space<vmem>>
      %dma_wait3A_172 = arith.constant 0 : i32
      %dma_wait3A_173 = tpu.memref_slice %arg2[%add3A_149, %dma_wait3A_172, %mul3A_165] : memref<4096x8x2048xf32, #tpu.memory_space<hbm>> -> memref<8x8x512xf32, #tpu.memory_space<hbm>>
      %dma_wait3A_174 = arith.constant 0 : i32
      %dma_wait3A_175 = arith.constant 0 : i32
      %dma_wait3A_176 = arith.constant 0 : i32
      %dma_wait3A_177 = tpu.memref_slice %arg6[%dma_wait3A_166, %dma_wait3A_174, %dma_wait3A_175, %dma_wait3A_176] : memref<2x8x8x512xf32, #tpu.memory_space<vmem>> -> memref<1x8x8x512xf32, #tpu.memory_space<vmem>>
      %dma_wait3A_178 = tpu.memref_squeeze %dma_wait3A_177 : memref<1x8x8x512xf32, #tpu.memory_space<vmem>> -> memref<8x8x512xf32, #tpu.memory_space<vmem>>
      %dma_wait3A_179 = arith.constant 0 : i32
      %dma_wait3A_180 = tpu.memref_slice %arg2[%add3A_149, %dma_wait3A_179, %mul3A_165] : memref<4096x8x2048xf32, #tpu.memory_space<hbm>> -> memref<8x8x512xf32, #tpu.memory_space<hbm>>
      tpu.wait_dma2 semaphore(%arg10 : memref<!tpu.dma_semaphore, #tpu.memory_space<semaphore_mem>>) src(%dma_wait3A_180 : memref<8x8x512xf32, #tpu.memory_space<hbm>>) dst(%dma_wait3A_178 : memref<8x8x512xf32, #tpu.memory_space<vmem>>)
      %dma_wait3A_181 = arith.constant 0 : i32
      %dma_wait3A_182 = arith.constant 0 : i32
      %dma_wait3A_183 = arith.constant 0 : i32
      %dma_wait3A_184 = tpu.memref_slice %arg7[%dma_wait3A_181, %dma_wait3A_182, %dma_wait3A_183] : memref<2x8x512xf32, #tpu.memory_space<vmem>> -> memref<1x8x512xf32, #tpu.memory_space<vmem>>
      %dma_wait3A_185 = tpu.memref_squeeze %dma_wait3A_184 : memref<1x8x512xf32, #tpu.memory_space<vmem>> -> memref<8x512xf32, #tpu.memory_space<vmem>>
      %dma_wait3A_186 = tpu.memref_slice %arg3[%add3A_149, %mul3A_165] : memref<4096x2048xf32, #tpu.memory_space<hbm>> -> memref<8x512xf32, #tpu.memory_space<hbm>>
      %dma_wait3A_187 = arith.constant 0 : i32
      %dma_wait3A_188 = arith.constant 0 : i32
      %dma_wait3A_189 = tpu.memref_slice %arg7[%dma_wait3A_181, %dma_wait3A_187, %dma_wait3A_188] : memref<2x8x512xf32, #tpu.memory_space<vmem>> -> memref<1x8x512xf32, #tpu.memory_space<vmem>>
      %dma_wait3A_190 = tpu.memref_squeeze %dma_wait3A_189 : memref<1x8x512xf32, #tpu.memory_space<vmem>> -> memref<8x512xf32, #tpu.memory_space<vmem>>
      %dma_wait3A_191 = tpu.memref_slice %arg3[%add3A_149, %mul3A_165] : memref<4096x2048xf32, #tpu.memory_space<hbm>> -> memref<8x512xf32, #tpu.memory_space<hbm>>
      tpu.wait_dma2 semaphore(%arg10 : memref<!tpu.dma_semaphore, #tpu.memory_space<semaphore_mem>>) src(%dma_wait3A_191 : memref<8x512xf32, #tpu.memory_space<hbm>>) dst(%dma_wait3A_190 : memref<8x512xf32, #tpu.memory_space<vmem>>)
      %ge3A = arith.constant 2 : i32
      %ge3A_192 = arith.cmpi sge, %mul3A_130, %ge3A : i32
      %convert_element_type3A = arith.extui %ge3A_192 : i1 to i32
      %cond3A = arith.constant 0 : i32
      %cond3A_193 = arith.constant 0 : i32
      %cond3A_194 = arith.constant 0 : i32
      %cond3A_195 = arith.cmpi ne, %convert_element_type3A, %cond3A_194 : i32
      scf.if %cond3A_195 {
        %sub3A_513 = arith.constant 2 : i32
        %sub3A_514 = arith.subi %mul3A_130, %sub3A_513 : i32
        %jit3A_515 = arith.constant 4 : i32
        %div3A_516 = arith.divsi %sub3A_514, %jit3A_515 : i32
        %sign3A_517 = arith.constant 0 : i32
        %sign3A_518 = arith.cmpi sgt, %sub3A_514, %sign3A_517 : i32
        %sign3A_519 = arith.extui %sign3A_518 : i1 to i32
        %sign3A_520 = arith.constant 0 : i32
        %sign3A_521 = arith.cmpi slt, %sub3A_514, %sign3A_520 : i32
        %sign3A_522 = arith.extui %sign3A_521 : i1 to i32
        %sign3A_523 = arith.subi %sign3A_519, %sign3A_522 : i32
        %sign3A_524 = arith.constant 0 : i32
        %sign3A_525 = arith.cmpi sgt, %jit3A_515, %sign3A_524 : i32
        %sign3A_526 = arith.extui %sign3A_525 : i1 to i32
        %sign3A_527 = arith.constant 0 : i32
        %sign3A_528 = arith.cmpi slt, %jit3A_515, %sign3A_527 : i32
        %sign3A_529 = arith.extui %sign3A_528 : i1 to i32
        %sign3A_530 = arith.subi %sign3A_526, %sign3A_529 : i32
        %ne3A_531 = arith.cmpi ne, %sign3A_523, %sign3A_530 : i32
        %rem3A_532 = arith.remsi %sub3A_514, %jit3A_515 : i32
        %ne3A_533 = arith.constant 0 : i32
        %ne3A_534 = arith.cmpi ne, %rem3A_532, %ne3A_533 : i32
        %and3A_535 = arith.andi %ne3A_531, %ne3A_534 : i1
        %sub3A_536 = arith.constant 1 : i32
        %sub3A_537 = arith.subi %div3A_516, %sub3A_536 : i32
        %select_n3A_538 = arith.select %and3A_535, %sub3A_537, %div3A_516 : i32
        %mul3A_539 = arith.constant 8 : i32
        %mul3A_540 = arith.muli %select_n3A_538, %mul3A_539 : i32
        %add3A_541 = arith.addi %mul3A_2, %mul3A_540 : i32
        %jit3A_542 = arith.constant 4 : i32
        %eq3A_543 = arith.constant 0 : i32
        %eq3A_544 = arith.cmpi eq, %jit3A_542, %eq3A_543 : i32
        %jit3A_545 = arith.constant 1 : i32
        %select_n3A_546 = arith.select %eq3A_544, %jit3A_545, %jit3A_542 : i32
        %rem3A_547 = arith.remsi %sub3A_514, %select_n3A_546 : i32
        %ne3A_548 = arith.constant 0 : i32
        %ne3A_549 = arith.cmpi ne, %rem3A_547, %ne3A_548 : i32
        %lt3A_550 = arith.constant 0 : i32
        %lt3A_551 = arith.cmpi slt, %rem3A_547, %lt3A_550 : i32
        %lt3A_552 = arith.constant 0 : i32
        %lt3A_553 = arith.cmpi slt, %select_n3A_546, %lt3A_552 : i32
        %ne3A_554 = arith.xori %lt3A_551, %lt3A_553 : i1
        %and3A_555 = arith.andi %ne3A_554, %ne3A_549 : i1
        %add3A_556 = arith.addi %rem3A_547, %select_n3A_546 : i32
        %select_n3A_557 = arith.select %and3A_555, %add3A_556, %rem3A_547 : i32
        %mul3A_558 = arith.constant 512 : i32
        %mul3A_559 = arith.muli %select_n3A_557, %mul3A_558 : i32
        %dma_wait3A_560 = arith.constant 0 : i32
        %dma_wait3A_561 = arith.constant 0 : i32
        %dma_wait3A_562 = tpu.memref_slice %arg8[%cond3A, %dma_wait3A_560, %dma_wait3A_561] : memref<2x8x512xf32, #tpu.memory_space<vmem>> -> memref<1x8x512xf32, #tpu.memory_space<vmem>>
        %dma_wait3A_563 = tpu.memref_squeeze %dma_wait3A_562 : memref<1x8x512xf32, #tpu.memory_space<vmem>> -> memref<8x512xf32, #tpu.memory_space<vmem>>
        %dma_wait3A_564 = tpu.memref_slice %arg4[%add3A_541, %mul3A_559] : memref<4096x2048xf32, #tpu.memory_space<hbm>> -> memref<8x512xf32, #tpu.memory_space<hbm>>
        %dma_wait3A_565 = tpu.memref_slice %arg4[%add3A_541, %mul3A_559] : memref<4096x2048xf32, #tpu.memory_space<hbm>> -> memref<8x512xf32, #tpu.memory_space<hbm>>
        %dma_wait3A_566 = arith.constant 0 : i32
        %dma_wait3A_567 = arith.constant 0 : i32
        %dma_wait3A_568 = tpu.memref_slice %arg8[%cond3A, %dma_wait3A_566, %dma_wait3A_567] : memref<2x8x512xf32, #tpu.memory_space<vmem>> -> memref<1x8x512xf32, #tpu.memory_space<vmem>>
        %dma_wait3A_569 = tpu.memref_squeeze %dma_wait3A_568 : memref<1x8x512xf32, #tpu.memory_space<vmem>> -> memref<8x512xf32, #tpu.memory_space<vmem>>
        tpu.wait_dma2 semaphore(%arg12 : memref<!tpu.dma_semaphore, #tpu.memory_space<semaphore_mem>>) src(%dma_wait3A_569 : memref<8x512xf32, #tpu.memory_space<vmem>>) dst(%dma_wait3A_565 : memref<8x512xf32, #tpu.memory_space<hbm>>)
        %dma_wait3A_570 = arith.constant 0 : i32
        %dma_wait3A_571 = arith.constant 0 : i32
        %dma_wait3A_572 = tpu.memref_slice %arg9[%cond3A_193, %dma_wait3A_570, %dma_wait3A_571] : memref<2x8x512xi32, #tpu.memory_space<vmem>> -> memref<1x8x512xi32, #tpu.memory_space<vmem>>
        %dma_wait3A_573 = tpu.memref_squeeze %dma_wait3A_572 : memref<1x8x512xi32, #tpu.memory_space<vmem>> -> memref<8x512xi32, #tpu.memory_space<vmem>>
        %dma_wait3A_574 = tpu.memref_slice %arg5[%add3A_541, %mul3A_559] : memref<4096x2048xi32, #tpu.memory_space<hbm>> -> memref<8x512xi32, #tpu.memory_space<hbm>>
        %dma_wait3A_575 = tpu.memref_slice %arg5[%add3A_541, %mul3A_559] : memref<4096x2048xi32, #tpu.memory_space<hbm>> -> memref<8x512xi32, #tpu.memory_space<hbm>>
        %dma_wait3A_576 = arith.constant 0 : i32
        %dma_wait3A_577 = arith.constant 0 : i32
        %dma_wait3A_578 = tpu.memref_slice %arg9[%cond3A_193, %dma_wait3A_576, %dma_wait3A_577] : memref<2x8x512xi32, #tpu.memory_space<vmem>> -> memref<1x8x512xi32, #tpu.memory_space<vmem>>
        %dma_wait3A_579 = tpu.memref_squeeze %dma_wait3A_578 : memref<1x8x512xi32, #tpu.memory_space<vmem>> -> memref<8x512xi32, #tpu.memory_space<vmem>>
        tpu.wait_dma2 semaphore(%arg12 : memref<!tpu.dma_semaphore, #tpu.memory_space<semaphore_mem>>) src(%dma_wait3A_579 : memref<8x512xi32, #tpu.memory_space<vmem>>) dst(%dma_wait3A_575 : memref<8x512xi32, #tpu.memory_space<hbm>>)
      } else {
      }
      %scan3A_196 = arith.constant 0 : i32
      %scan3A_197 = arith.constant 0 : i32
      %scan3A_198 = arith.constant 0 : i32
      %scan3A_199 = arith.constant 0 : i32
      %scan3A_200 = arith.constant 0 : i32
      %scan3A_201 = arith.constant 0 : i32
      %scan3A_202 = arith.constant 32 : i32
      %scan3A_203 = arith.addi %scan3A_201, %scan3A_202 : i32
      %scan3A_204 = arith.constant 1 : i32
      %scan3A_205 = scf.for %scan3A_513 = %scan3A_201 to %scan3A_203 step %scan3A_204 iter_args(%scan3A_514 = %scan3A_200) -> (i32)  : i32 {
        %mul3A_515 = arith.constant 16 : i32
        %mul3A_516 = arith.muli %scan3A_513, %mul3A_515 : i32
        %get3A = arith.constant 0 : i32
        %get3A_517 = arith.constant 0 : i32
        %get3A_518 = arith.constant 0 : i32
        %get3A_519 = arith.constant 0 : i32
        %get3A_520 = arith.constant 0 : i32
        %get3A_521 = tpu.memref_slice %arg6[%scan3A_196, %get3A_518, %get3A_519, %get3A_520] : memref<2x8x8x512xf32, #tpu.memory_space<vmem>> -> memref<1x8x8x512xf32, #tpu.memory_space<vmem>>
        %get3A_522 = tpu.memref_squeeze %get3A_521 : memref<1x8x8x512xf32, #tpu.memory_space<vmem>> -> memref<8x8x512xf32, #tpu.memory_space<vmem>>
        %get3A_523 = arith.index_cast %get3A : i32 to index
        %get3A_524 = arith.index_cast %get3A_517 : i32 to index
        %get3A_525 = arith.index_cast %mul3A_516 : i32 to index
        %get3A_526 = tpu.vector_load %get3A_522[%get3A_523, %get3A_524, %get3A_525] {strides = array<i32>} : memref<8x8x512xf32, #tpu.memory_space<vmem>>, vector<16xf32>,
        %abs3A = math.absf %get3A_526 : vector<16xf32>
        %broadcast_in_dim3A = arith.constant 0 : i32
        %broadcast_in_dim3A_527 = vector.broadcast %broadcast_in_dim3A : i32 to vector<16xi32>
        %get3A_528 = arith.constant 0 : i32
        %get3A_529 = arith.constant 1 : i32
        %get3A_530 = arith.constant 0 : i32
        %get3A_531 = arith.constant 0 : i32
        %get3A_532 = arith.constant 0 : i32
        %get3A_533 = tpu.memref_slice %arg6[%scan3A_196, %get3A_530, %get3A_531, %get3A_532] : memref<2x8x8x512xf32, #tpu.memory_space<vmem>> -> memref<1x8x8x512xf32, #tpu.memory_space<vmem>>
        %get3A_534 = tpu.memref_squeeze %get3A_533 : memref<1x8x8x512xf32, #tpu.memory_space<vmem>> -> memref<8x8x512xf32, #tpu.memory_space<vmem>>
        %get3A_535 = arith.index_cast %get3A_528 : i32 to index
        %get3A_536 = arith.index_cast %get3A_529 : i32 to index
        %get3A_537 = arith.index_cast %mul3A_516 : i32 to index
        %get3A_538 = tpu.vector_load %get3A_534[%get3A_535, %get3A_536, %get3A_537] {strides = array<i32>} : memref<8x8x512xf32, #tpu.memory_space<vmem>>, vector<16xf32>,
        %abs3A_539 = math.absf %get3A_538 : vector<16xf32>
        %gt3A = arith.cmpf ogt, %abs3A_539, %abs3A : vector<16xf32>
        %select_n3A_540 = arith.select %gt3A, %abs3A_539, %abs3A : vector<16xi1>, vector<16xf32>
        %select_n3A_541 = arith.select %gt3A, %get3A_538, %get3A_526 : vector<16xi1>, vector<16xf32>
        %jit3A_542 = arith.constant 1 : i32
        %broadcast_in_dim3A_543 = vector.broadcast %jit3A_542 : i32 to vector<16xi32>
        %select_n3A_544 = arith.select %gt3A, %broadcast_in_dim3A_543, %broadcast_in_dim3A_527 : vector<16xi1>, vector<16xi32>
        %get3A_545 = arith.constant 0 : i32
        %get3A_546 = arith.constant 2 : i32
        %get3A_547 = arith.constant 0 : i32
        %get3A_548 = arith.constant 0 : i32
        %get3A_549 = arith.constant 0 : i32
        %get3A_550 = tpu.memref_slice %arg6[%scan3A_196, %get3A_547, %get3A_548, %get3A_549] : memref<2x8x8x512xf32, #tpu.memory_space<vmem>> -> memref<1x8x8x512xf32, #tpu.memory_space<vmem>>
        %get3A_551 = tpu.memref_squeeze %get3A_550 : memref<1x8x8x512xf32, #tpu.memory_space<vmem>> -> memref<8x8x512xf32, #tpu.memory_space<vmem>>
        %get3A_552 = arith.index_cast %get3A_545 : i32 to index
        %get3A_553 = arith.index_cast %get3A_546 : i32 to index
        %get3A_554 = arith.index_cast %mul3A_516 : i32 to index
        %get3A_555 = tpu.vector_load %get3A_551[%get3A_552, %get3A_553, %get3A_554] {strides = array<i32>} : memref<8x8x512xf32, #tpu.memory_space<vmem>>, vector<16xf32>,
        %abs3A_556 = math.absf %get3A_555 : vector<16xf32>
        %gt3A_557 = arith.cmpf ogt, %abs3A_556, %select_n3A_540 : vector<16xf32>
        %select_n3A_558 = arith.select %gt3A_557, %abs3A_556, %select_n3A_540 : vector<16xi1>, vector<16xf32>
        %select_n3A_559 = arith.select %gt3A_557, %get3A_555, %select_n3A_541 : vector<16xi1>, vector<16xf32>
        %jit3A_560 = arith.constant 2 : i32
        %broadcast_in_dim3A_561 = vector.broadcast %jit3A_560 : i32 to vector<16xi32>
        %select_n3A_562 = arith.select %gt3A_557, %broadcast_in_dim3A_561, %select_n3A_544 : vector<16xi1>, vector<16xi32>
        %get3A_563 = arith.constant 0 : i32
        %get3A_564 = arith.constant 3 : i32
        %get3A_565 = arith.constant 0 : i32
        %get3A_566 = arith.constant 0 : i32
        %get3A_567 = arith.constant 0 : i32
        %get3A_568 = tpu.memref_slice %arg6[%scan3A_196, %get3A_565, %get3A_566, %get3A_567] : memref<2x8x8x512xf32, #tpu.memory_space<vmem>> -> memref<1x8x8x512xf32, #tpu.memory_space<vmem>>
        %get3A_569 = tpu.memref_squeeze %get3A_568 : memref<1x8x8x512xf32, #tpu.memory_space<vmem>> -> memref<8x8x512xf32, #tpu.memory_space<vmem>>
        %get3A_570 = arith.index_cast %get3A_563 : i32 to index
        %get3A_571 = arith.index_cast %get3A_564 : i32 to index
        %get3A_572 = arith.index_cast %mul3A_516 : i32 to index
        %get3A_573 = tpu.vector_load %get3A_569[%get3A_570, %get3A_571, %get3A_572] {strides = array<i32>} : memref<8x8x512xf32, #tpu.memory_space<vmem>>, vector<16xf32>,
        %abs3A_574 = math.absf %get3A_573 : vector<16xf32>
        %gt3A_575 = arith.cmpf ogt, %abs3A_574, %select_n3A_558 : vector<16xf32>
        %select_n3A_576 = arith.select %gt3A_575, %abs3A_574, %select_n3A_558 : vector<16xi1>, vector<16xf32>
        %select_n3A_577 = arith.select %gt3A_575, %get3A_573, %select_n3A_559 : vector<16xi1>, vector<16xf32>
        %jit3A_578 = arith.constant 3 : i32
        %broadcast_in_dim3A_579 = vector.broadcast %jit3A_578 : i32 to vector<16xi32>
        %select_n3A_580 = arith.select %gt3A_575, %broadcast_in_dim3A_579, %select_n3A_562 : vector<16xi1>, vector<16xi32>
        %get3A_581 = arith.constant 0 : i32
        %get3A_582 = arith.constant 4 : i32
        %get3A_583 = arith.constant 0 : i32
        %get3A_584 = arith.constant 0 : i32
        %get3A_585 = arith.constant 0 : i32
        %get3A_586 = tpu.memref_slice %arg6[%scan3A_196, %get3A_583, %get3A_584, %get3A_585] : memref<2x8x8x512xf32, #tpu.memory_space<vmem>> -> memref<1x8x8x512xf32, #tpu.memory_space<vmem>>
        %get3A_587 = tpu.memref_squeeze %get3A_586 : memref<1x8x8x512xf32, #tpu.memory_space<vmem>> -> memref<8x8x512xf32, #tpu.memory_space<vmem>>
        %get3A_588 = arith.index_cast %get3A_581 : i32 to index
        %get3A_589 = arith.index_cast %get3A_582 : i32 to index
        %get3A_590 = arith.index_cast %mul3A_516 : i32 to index
        %get3A_591 = tpu.vector_load %get3A_587[%get3A_588, %get3A_589, %get3A_590] {strides = array<i32>} : memref<8x8x512xf32, #tpu.memory_space<vmem>>, vector<16xf32>,
        %abs3A_592 = math.absf %get3A_591 : vector<16xf32>
        %gt3A_593 = arith.cmpf ogt, %abs3A_592, %select_n3A_576 : vector<16xf32>
        %select_n3A_594 = arith.select %gt3A_593, %abs3A_592, %select_n3A_576 : vector<16xi1>, vector<16xf32>
        %select_n3A_595 = arith.select %gt3A_593, %get3A_591, %select_n3A_577 : vector<16xi1>, vector<16xf32>
        %jit3A_596 = arith.constant 4 : i32
        %broadcast_in_dim3A_597 = vector.broadcast %jit3A_596 : i32 to vector<16xi32>
        %select_n3A_598 = arith.select %gt3A_593, %broadcast_in_dim3A_597, %select_n3A_580 : vector<16xi1>, vector<16xi32>
        %get3A_599 = arith.constant 0 : i32
        %get3A_600 = arith.constant 5 : i32
        %get3A_601 = arith.constant 0 : i32
        %get3A_602 = arith.constant 0 : i32
        %get3A_603 = arith.constant 0 : i32
        %get3A_604 = tpu.memref_slice %arg6[%scan3A_196, %get3A_601, %get3A_602, %get3A_603] : memref<2x8x8x512xf32, #tpu.memory_space<vmem>> -> memref<1x8x8x512xf32, #tpu.memory_space<vmem>>
        %get3A_605 = tpu.memref_squeeze %get3A_604 : memref<1x8x8x512xf32, #tpu.memory_space<vmem>> -> memref<8x8x512xf32, #tpu.memory_space<vmem>>
        %get3A_606 = arith.index_cast %get3A_599 : i32 to index
        %get3A_607 = arith.index_cast %get3A_600 : i32 to index
        %get3A_608 = arith.index_cast %mul3A_516 : i32 to index
        %get3A_609 = tpu.vector_load %get3A_605[%get3A_606, %get3A_607, %get3A_608] {strides = array<i32>} : memref<8x8x512xf32, #tpu.memory_space<vmem>>, vector<16xf32>,
        %abs3A_610 = math.absf %get3A_609 : vector<16xf32>
        %gt3A_611 = arith.cmpf ogt, %abs3A_610, %select_n3A_594 : vector<16xf32>
        %select_n3A_612 = arith.select %gt3A_611, %abs3A_610, %select_n3A_594 : vector<16xi1>, vector<16xf32>
        %select_n3A_613 = arith.select %gt3A_611, %get3A_609, %select_n3A_595 : vector<16xi1>, vector<16xf32>
        %jit3A_614 = arith.constant 5 : i32
        %broadcast_in_dim3A_615 = vector.broadcast %jit3A_614 : i32 to vector<16xi32>
        %select_n3A_616 = arith.select %gt3A_611, %broadcast_in_dim3A_615, %select_n3A_598 : vector<16xi1>, vector<16xi32>
        %get3A_617 = arith.constant 0 : i32
        %get3A_618 = arith.constant 6 : i32
        %get3A_619 = arith.constant 0 : i32
        %get3A_620 = arith.constant 0 : i32
        %get3A_621 = arith.constant 0 : i32
        %get3A_622 = tpu.memref_slice %arg6[%scan3A_196, %get3A_619, %get3A_620, %get3A_621] : memref<2x8x8x512xf32, #tpu.memory_space<vmem>> -> memref<1x8x8x512xf32, #tpu.memory_space<vmem>>
        %get3A_623 = tpu.memref_squeeze %get3A_622 : memref<1x8x8x512xf32, #tpu.memory_space<vmem>> -> memref<8x8x512xf32, #tpu.memory_space<vmem>>
        %get3A_624 = arith.index_cast %get3A_617 : i32 to index
        %get3A_625 = arith.index_cast %get3A_618 : i32 to index
        %get3A_626 = arith.index_cast %mul3A_516 : i32 to index
        %get3A_627 = tpu.vector_load %get3A_623[%get3A_624, %get3A_625, %get3A_626] {strides = array<i32>} : memref<8x8x512xf32, #tpu.memory_space<vmem>>, vector<16xf32>,
        %abs3A_628 = math.absf %get3A_627 : vector<16xf32>
        %gt3A_629 = arith.cmpf ogt, %abs3A_628, %select_n3A_612 : vector<16xf32>
        %select_n3A_630 = arith.select %gt3A_629, %abs3A_628, %select_n3A_612 : vector<16xi1>, vector<16xf32>
        %select_n3A_631 = arith.select %gt3A_629, %get3A_627, %select_n3A_613 : vector<16xi1>, vector<16xf32>
        %jit3A_632 = arith.constant 6 : i32
        %broadcast_in_dim3A_633 = vector.broadcast %jit3A_632 : i32 to vector<16xi32>
        %select_n3A_634 = arith.select %gt3A_629, %broadcast_in_dim3A_633, %select_n3A_616 : vector<16xi1>, vector<16xi32>
        %get3A_635 = arith.constant 0 : i32
        %get3A_636 = arith.constant 7 : i32
        %get3A_637 = arith.constant 0 : i32
        %get3A_638 = arith.constant 0 : i32
        %get3A_639 = arith.constant 0 : i32
        %get3A_640 = tpu.memref_slice %arg6[%scan3A_196, %get3A_637, %get3A_638, %get3A_639] : memref<2x8x8x512xf32, #tpu.memory_space<vmem>> -> memref<1x8x8x512xf32, #tpu.memory_space<vmem>>
        %get3A_641 = tpu.memref_squeeze %get3A_640 : memref<1x8x8x512xf32, #tpu.memory_space<vmem>> -> memref<8x8x512xf32, #tpu.memory_space<vmem>>
        %get3A_642 = arith.index_cast %get3A_635 : i32 to index
        %get3A_643 = arith.index_cast %get3A_636 : i32 to index
        %get3A_644 = arith.index_cast %mul3A_516 : i32 to index
        %get3A_645 = tpu.vector_load %get3A_641[%get3A_642, %get3A_643, %get3A_644] {strides = array<i32>} : memref<8x8x512xf32, #tpu.memory_space<vmem>>, vector<16xf32>,
        %abs3A_646 = math.absf %get3A_645 : vector<16xf32>
        %gt3A_647 = arith.cmpf ogt, %abs3A_646, %select_n3A_630 : vector<16xf32>
        %select_n3A_648 = arith.select %gt3A_647, %abs3A_646, %select_n3A_630 : vector<16xi1>, vector<16xf32>
        %select_n3A_649 = arith.select %gt3A_647, %get3A_645, %select_n3A_631 : vector<16xi1>, vector<16xf32>
        %jit3A_650 = arith.constant 7 : i32
        %broadcast_in_dim3A_651 = vector.broadcast %jit3A_650 : i32 to vector<16xi32>
        %select_n3A_652 = arith.select %gt3A_647, %broadcast_in_dim3A_651, %select_n3A_634 : vector<16xi1>, vector<16xi32>
        %neg3A = arith.constant 0.000000e+00 : f32
        %neg3A_653 = vector.broadcast %neg3A : f32 to vector<16xf32>
        %neg3A_654 = arith.subf %neg3A_653, %select_n3A_649 : vector<16xf32>
        %exp3A = math.exp %neg3A_654 : vector<16xf32>
        %add3A_655 = arith.constant 1.000000e+00 : f32
        %add3A_656 = vector.broadcast %add3A_655 : f32 to vector<16xf32>
        %add3A_657 = arith.addf %add3A_656, %exp3A : vector<16xf32>
        %div3A_658 = arith.constant 1.000000e+00 : f32
        %div3A_659 = vector.broadcast %div3A_658 : f32 to vector<16xf32>
        %div3A_660 = arith.divf %div3A_659, %add3A_657 : vector<16xf32>
        %get3A_661 = arith.constant 0 : i32
        %get3A_662 = arith.constant 0 : i32
        %get3A_663 = arith.constant 0 : i32
        %get3A_664 = tpu.memref_slice %arg7[%scan3A_197, %get3A_662, %get3A_663] : memref<2x8x512xf32, #tpu.memory_space<vmem>> -> memref<1x8x512xf32, #tpu.memory_space<vmem>>
        %get3A_665 = tpu.memref_squeeze %get3A_664 : memref<1x8x512xf32, #tpu.memory_space<vmem>> -> memref<8x512xf32, #tpu.memory_space<vmem>>
        %get3A_666 = arith.index_cast %get3A_661 : i32 to index
        %get3A_667 = arith.index_cast %mul3A_516 : i32 to index
        %get3A_668 = tpu.vector_load %get3A_665[%get3A_666, %get3A_667] {strides = array<i32>} : memref<8x512xf32, #tpu.memory_space<vmem>>, vector<16xf32>,
        %mul3A_669 = arith.mulf %get3A_668, %div3A_660 : vector<16xf32>
        %swap3A = arith.constant 0 : i32
        %swap3A_670 = arith.constant 0 : i32
        %swap3A_671 = arith.constant 0 : i32
        %swap3A_672 = tpu.memref_slice %arg8[%scan3A_198, %swap3A_670, %swap3A_671] : memref<2x8x512xf32, #tpu.memory_space<vmem>> -> memref<1x8x512xf32, #tpu.memory_space<vmem>>
        %swap3A_673 = tpu.memref_squeeze %swap3A_672 : memref<1x8x512xf32, #tpu.memory_space<vmem>> -> memref<8x512xf32, #tpu.memory_space<vmem>>
        %swap3A_674 = arith.index_cast %swap3A : i32 to index
        %swap3A_675 = arith.index_cast %mul3A_516 : i32 to index
        %swap3A_676 = tpu.vector_load %swap3A_673[%swap3A_674, %swap3A_675] {strides = array<i32>} : memref<8x512xf32, #tpu.memory_space<vmem>>, vector<16xf32>,
        tpu.vector_store %swap3A_673[%swap3A_674, %swap3A_675], %mul3A_669 {strides = array<i32>} : memref<8x512xf32, #tpu.memory_space<vmem>>, vector<16xf32>,
        %swap3A_677 = arith.constant 0 : i32
        %swap3A_678 = arith.constant 0 : i32
        %swap3A_679 = arith.constant 0 : i32
        %swap3A_680 = tpu.memref_slice %arg9[%scan3A_199, %swap3A_678, %swap3A_679] : memref<2x8x512xi32, #tpu.memory_space<vmem>> -> memref<1x8x512xi32, #tpu.memory_space<vmem>>
        %swap3A_681 = tpu.memref_squeeze %swap3A_680 : memref<1x8x512xi32, #tpu.memory_space<vmem>> -> memref<8x512xi32, #tpu.memory_space<vmem>>
        %swap3A_682 = arith.index_cast %swap3A_677 : i32 to index
        %swap3A_683 = arith.index_cast %mul3A_516 : i32 to index
        %swap3A_684 = tpu.vector_load %swap3A_681[%swap3A_682, %swap3A_683] {strides = array<i32>} : memref<8x512xi32, #tpu.memory_space<vmem>>, vector<16xi32>,
        tpu.vector_store %swap3A_681[%swap3A_682, %swap3A_683], %select_n3A_652 {strides = array<i32>} : memref<8x512xi32, #tpu.memory_space<vmem>>, vector<16xi32>,
        %scan3A_685 = arith.constant 0 : i32
        scf.yield %scan3A_685 : i32
      }
      %scan3A_206 = arith.constant 32 : i32
      %scan3A_207 = arith.constant 0 : i32
      %scan3A_208 = arith.constant 0 : i32
      %scan3A_209 = arith.constant 0 : i32
      %scan3A_210 = arith.constant 0 : i32
      %scan3A_211 = arith.constant 0 : i32
      %scan3A_212 = arith.constant 0 : i32
      %scan3A_213 = arith.constant 32 : i32
      %scan3A_214 = arith.addi %scan3A_212, %scan3A_213 : i32
      %scan3A_215 = arith.constant 1 : i32
      %scan3A_216 = scf.for %scan3A_513 = %scan3A_212 to %scan3A_214 step %scan3A_215 iter_args(%scan3A_514 = %scan3A_211) -> (i32)  : i32 {
        %mul3A_515 = arith.constant 16 : i32
        %mul3A_516 = arith.muli %scan3A_513, %mul3A_515 : i32
        %get3A = arith.constant 1 : i32
        %get3A_517 = arith.constant 0 : i32
        %get3A_518 = arith.constant 0 : i32
        %get3A_519 = arith.constant 0 : i32
        %get3A_520 = arith.constant 0 : i32
        %get3A_521 = tpu.memref_slice %arg6[%scan3A_207, %get3A_518, %get3A_519, %get3A_520] : memref<2x8x8x512xf32, #tpu.memory_space<vmem>> -> memref<1x8x8x512xf32, #tpu.memory_space<vmem>>
        %get3A_522 = tpu.memref_squeeze %get3A_521 : memref<1x8x8x512xf32, #tpu.memory_space<vmem>> -> memref<8x8x512xf32, #tpu.memory_space<vmem>>
        %get3A_523 = arith.index_cast %get3A : i32 to index
        %get3A_524 = arith.index_cast %get3A_517 : i32 to index
        %get3A_525 = arith.index_cast %mul3A_516 : i32 to index
        %get3A_526 = tpu.vector_load %get3A_522[%get3A_523, %get3A_524, %get3A_525] {strides = array<i32>} : memref<8x8x512xf32, #tpu.memory_space<vmem>>, vector<16xf32>,
        %abs3A = math.absf %get3A_526 : vector<16xf32>
        %broadcast_in_dim3A = arith.constant 0 : i32
        %broadcast_in_dim3A_527 = vector.broadcast %broadcast_in_dim3A : i32 to vector<16xi32>
        %get3A_528 = arith.constant 1 : i32
        %get3A_529 = arith.constant 1 : i32
        %get3A_530 = arith.constant 0 : i32
        %get3A_531 = arith.constant 0 : i32
        %get3A_532 = arith.constant 0 : i32
        %get3A_533 = tpu.memref_slice %arg6[%scan3A_207, %get3A_530, %get3A_531, %get3A_532] : memref<2x8x8x512xf32, #tpu.memory_space<vmem>> -> memref<1x8x8x512xf32, #tpu.memory_space<vmem>>
        %get3A_534 = tpu.memref_squeeze %get3A_533 : memref<1x8x8x512xf32, #tpu.memory_space<vmem>> -> memref<8x8x512xf32, #tpu.memory_space<vmem>>
        %get3A_535 = arith.index_cast %get3A_528 : i32 to index
        %get3A_536 = arith.index_cast %get3A_529 : i32 to index
        %get3A_537 = arith.index_cast %mul3A_516 : i32 to index
        %get3A_538 = tpu.vector_load %get3A_534[%get3A_535, %get3A_536, %get3A_537] {strides = array<i32>} : memref<8x8x512xf32, #tpu.memory_space<vmem>>, vector<16xf32>,
        %abs3A_539 = math.absf %get3A_538 : vector<16xf32>
        %gt3A = arith.cmpf ogt, %abs3A_539, %abs3A : vector<16xf32>
        %select_n3A_540 = arith.select %gt3A, %abs3A_539, %abs3A : vector<16xi1>, vector<16xf32>
        %select_n3A_541 = arith.select %gt3A, %get3A_538, %get3A_526 : vector<16xi1>, vector<16xf32>
        %jit3A_542 = arith.constant 1 : i32
        %broadcast_in_dim3A_543 = vector.broadcast %jit3A_542 : i32 to vector<16xi32>
        %select_n3A_544 = arith.select %gt3A, %broadcast_in_dim3A_543, %broadcast_in_dim3A_527 : vector<16xi1>, vector<16xi32>
        %get3A_545 = arith.constant 1 : i32
        %get3A_546 = arith.constant 2 : i32
        %get3A_547 = arith.constant 0 : i32
        %get3A_548 = arith.constant 0 : i32
        %get3A_549 = arith.constant 0 : i32
        %get3A_550 = tpu.memref_slice %arg6[%scan3A_207, %get3A_547, %get3A_548, %get3A_549] : memref<2x8x8x512xf32, #tpu.memory_space<vmem>> -> memref<1x8x8x512xf32, #tpu.memory_space<vmem>>
        %get3A_551 = tpu.memref_squeeze %get3A_550 : memref<1x8x8x512xf32, #tpu.memory_space<vmem>> -> memref<8x8x512xf32, #tpu.memory_space<vmem>>
        %get3A_552 = arith.index_cast %get3A_545 : i32 to index
        %get3A_553 = arith.index_cast %get3A_546 : i32 to index
        %get3A_554 = arith.index_cast %mul3A_516 : i32 to index
        %get3A_555 = tpu.vector_load %get3A_551[%get3A_552, %get3A_553, %get3A_554] {strides = array<i32>} : memref<8x8x512xf32, #tpu.memory_space<vmem>>, vector<16xf32>,
        %abs3A_556 = math.absf %get3A_555 : vector<16xf32>
        %gt3A_557 = arith.cmpf ogt, %abs3A_556, %select_n3A_540 : vector<16xf32>
        %select_n3A_558 = arith.select %gt3A_557, %abs3A_556, %select_n3A_540 : vector<16xi1>, vector<16xf32>
        %select_n3A_559 = arith.select %gt3A_557, %get3A_555, %select_n3A_541 : vector<16xi1>, vector<16xf32>
        %jit3A_560 = arith.constant 2 : i32
        %broadcast_in_dim3A_561 = vector.broadcast %jit3A_560 : i32 to vector<16xi32>
        %select_n3A_562 = arith.select %gt3A_557, %broadcast_in_dim3A_561, %select_n3A_544 : vector<16xi1>, vector<16xi32>
        %get3A_563 = arith.constant 1 : i32
        %get3A_564 = arith.constant 3 : i32
        %get3A_565 = arith.constant 0 : i32
        %get3A_566 = arith.constant 0 : i32
        %get3A_567 = arith.constant 0 : i32
        %get3A_568 = tpu.memref_slice %arg6[%scan3A_207, %get3A_565, %get3A_566, %get3A_567] : memref<2x8x8x512xf32, #tpu.memory_space<vmem>> -> memref<1x8x8x512xf32, #tpu.memory_space<vmem>>
        %get3A_569 = tpu.memref_squeeze %get3A_568 : memref<1x8x8x512xf32, #tpu.memory_space<vmem>> -> memref<8x8x512xf32, #tpu.memory_space<vmem>>
        %get3A_570 = arith.index_cast %get3A_563 : i32 to index
        %get3A_571 = arith.index_cast %get3A_564 : i32 to index
        %get3A_572 = arith.index_cast %mul3A_516 : i32 to index
        %get3A_573 = tpu.vector_load %get3A_569[%get3A_570, %get3A_571, %get3A_572] {strides = array<i32>} : memref<8x8x512xf32, #tpu.memory_space<vmem>>, vector<16xf32>,
        %abs3A_574 = math.absf %get3A_573 : vector<16xf32>
        %gt3A_575 = arith.cmpf ogt, %abs3A_574, %select_n3A_558 : vector<16xf32>
        %select_n3A_576 = arith.select %gt3A_575, %abs3A_574, %select_n3A_558 : vector<16xi1>, vector<16xf32>
        %select_n3A_577 = arith.select %gt3A_575, %get3A_573, %select_n3A_559 : vector<16xi1>, vector<16xf32>
        %jit3A_578 = arith.constant 3 : i32
        %broadcast_in_dim3A_579 = vector.broadcast %jit3A_578 : i32 to vector<16xi32>
        %select_n3A_580 = arith.select %gt3A_575, %broadcast_in_dim3A_579, %select_n3A_562 : vector<16xi1>, vector<16xi32>
        %get3A_581 = arith.constant 1 : i32
        %get3A_582 = arith.constant 4 : i32
        %get3A_583 = arith.constant 0 : i32
        %get3A_584 = arith.constant 0 : i32
        %get3A_585 = arith.constant 0 : i32
        %get3A_586 = tpu.memref_slice %arg6[%scan3A_207, %get3A_583, %get3A_584, %get3A_585] : memref<2x8x8x512xf32, #tpu.memory_space<vmem>> -> memref<1x8x8x512xf32, #tpu.memory_space<vmem>>
        %get3A_587 = tpu.memref_squeeze %get3A_586 : memref<1x8x8x512xf32, #tpu.memory_space<vmem>> -> memref<8x8x512xf32, #tpu.memory_space<vmem>>
        %get3A_588 = arith.index_cast %get3A_581 : i32 to index
        %get3A_589 = arith.index_cast %get3A_582 : i32 to index
        %get3A_590 = arith.index_cast %mul3A_516 : i32 to index
        %get3A_591 = tpu.vector_load %get3A_587[%get3A_588, %get3A_589, %get3A_590] {strides = array<i32>} : memref<8x8x512xf32, #tpu.memory_space<vmem>>, vector<16xf32>,
        %abs3A_592 = math.absf %get3A_591 : vector<16xf32>
        %gt3A_593 = arith.cmpf ogt, %abs3A_592, %select_n3A_576 : vector<16xf32>
        %select_n3A_594 = arith.select %gt3A_593, %abs3A_592, %select_n3A_576 : vector<16xi1>, vector<16xf32>
        %select_n3A_595 = arith.select %gt3A_593, %get3A_591, %select_n3A_577 : vector<16xi1>, vector<16xf32>
        %jit3A_596 = arith.constant 4 : i32
        %broadcast_in_dim3A_597 = vector.broadcast %jit3A_596 : i32 to vector<16xi32>
        %select_n3A_598 = arith.select %gt3A_593, %broadcast_in_dim3A_597, %select_n3A_580 : vector<16xi1>, vector<16xi32>
        %get3A_599 = arith.constant 1 : i32
        %get3A_600 = arith.constant 5 : i32
        %get3A_601 = arith.constant 0 : i32
        %get3A_602 = arith.constant 0 : i32
        %get3A_603 = arith.constant 0 : i32
        %get3A_604 = tpu.memref_slice %arg6[%scan3A_207, %get3A_601, %get3A_602, %get3A_603] : memref<2x8x8x512xf32, #tpu.memory_space<vmem>> -> memref<1x8x8x512xf32, #tpu.memory_space<vmem>>
        %get3A_605 = tpu.memref_squeeze %get3A_604 : memref<1x8x8x512xf32, #tpu.memory_space<vmem>> -> memref<8x8x512xf32, #tpu.memory_space<vmem>>
        %get3A_606 = arith.index_cast %get3A_599 : i32 to index
        %get3A_607 = arith.index_cast %get3A_600 : i32 to index
        %get3A_608 = arith.index_cast %mul3A_516 : i32 to index
        %get3A_609 = tpu.vector_load %get3A_605[%get3A_606, %get3A_607, %get3A_608] {strides = array<i32>} : memref<8x8x512xf32, #tpu.memory_space<vmem>>, vector<16xf32>,
        %abs3A_610 = math.absf %get3A_609 : vector<16xf32>
        %gt3A_611 = arith.cmpf ogt, %abs3A_610, %select_n3A_594 : vector<16xf32>
        %select_n3A_612 = arith.select %gt3A_611, %abs3A_610, %select_n3A_594 : vector<16xi1>, vector<16xf32>
        %select_n3A_613 = arith.select %gt3A_611, %get3A_609, %select_n3A_595 : vector<16xi1>, vector<16xf32>
        %jit3A_614 = arith.constant 5 : i32
        %broadcast_in_dim3A_615 = vector.broadcast %jit3A_614 : i32 to vector<16xi32>
        %select_n3A_616 = arith.select %gt3A_611, %broadcast_in_dim3A_615, %select_n3A_598 : vector<16xi1>, vector<16xi32>
        %get3A_617 = arith.constant 1 : i32
        %get3A_618 = arith.constant 6 : i32
        %get3A_619 = arith.constant 0 : i32
        %get3A_620 = arith.constant 0 : i32
        %get3A_621 = arith.constant 0 : i32
        %get3A_622 = tpu.memref_slice %arg6[%scan3A_207, %get3A_619, %get3A_620, %get3A_621] : memref<2x8x8x512xf32, #tpu.memory_space<vmem>> -> memref<1x8x8x512xf32, #tpu.memory_space<vmem>>
        %get3A_623 = tpu.memref_squeeze %get3A_622 : memref<1x8x8x512xf32, #tpu.memory_space<vmem>> -> memref<8x8x512xf32, #tpu.memory_space<vmem>>
        %get3A_624 = arith.index_cast %get3A_617 : i32 to index
        %get3A_625 = arith.index_cast %get3A_618 : i32 to index
        %get3A_626 = arith.index_cast %mul3A_516 : i32 to index
        %get3A_627 = tpu.vector_load %get3A_623[%get3A_624, %get3A_625, %get3A_626] {strides = array<i32>} : memref<8x8x512xf32, #tpu.memory_space<vmem>>, vector<16xf32>,
        %abs3A_628 = math.absf %get3A_627 : vector<16xf32>
        %gt3A_629 = arith.cmpf ogt, %abs3A_628, %select_n3A_612 : vector<16xf32>
        %select_n3A_630 = arith.select %gt3A_629, %abs3A_628, %select_n3A_612 : vector<16xi1>, vector<16xf32>
        %select_n3A_631 = arith.select %gt3A_629, %get3A_627, %select_n3A_613 : vector<16xi1>, vector<16xf32>
        %jit3A_632 = arith.constant 6 : i32
        %broadcast_in_dim3A_633 = vector.broadcast %jit3A_632 : i32 to vector<16xi32>
        %select_n3A_634 = arith.select %gt3A_629, %broadcast_in_dim3A_633, %select_n3A_616 : vector<16xi1>, vector<16xi32>
        %get3A_635 = arith.constant 1 : i32
        %get3A_636 = arith.constant 7 : i32
        %get3A_637 = arith.constant 0 : i32
        %get3A_638 = arith.constant 0 : i32
        %get3A_639 = arith.constant 0 : i32
        %get3A_640 = tpu.memref_slice %arg6[%scan3A_207, %get3A_637, %get3A_638, %get3A_639] : memref<2x8x8x512xf32, #tpu.memory_space<vmem>> -> memref<1x8x8x512xf32, #tpu.memory_space<vmem>>
        %get3A_641 = tpu.memref_squeeze %get3A_640 : memref<1x8x8x512xf32, #tpu.memory_space<vmem>> -> memref<8x8x512xf32, #tpu.memory_space<vmem>>
        %get3A_642 = arith.index_cast %get3A_635 : i32 to index
        %get3A_643 = arith.index_cast %get3A_636 : i32 to index
        %get3A_644 = arith.index_cast %mul3A_516 : i32 to index
        %get3A_645 = tpu.vector_load %get3A_641[%get3A_642, %get3A_643, %get3A_644] {strides = array<i32>} : memref<8x8x512xf32, #tpu.memory_space<vmem>>, vector<16xf32>,
        %abs3A_646 = math.absf %get3A_645 : vector<16xf32>
        %gt3A_647 = arith.cmpf ogt, %abs3A_646, %select_n3A_630 : vector<16xf32>
        %select_n3A_648 = arith.select %gt3A_647, %abs3A_646, %select_n3A_630 : vector<16xi1>, vector<16xf32>
        %select_n3A_649 = arith.select %gt3A_647, %get3A_645, %select_n3A_631 : vector<16xi1>, vector<16xf32>
        %jit3A_650 = arith.constant 7 : i32
        %broadcast_in_dim3A_651 = vector.broadcast %jit3A_650 : i32 to vector<16xi32>
        %select_n3A_652 = arith.select %gt3A_647, %broadcast_in_dim3A_651, %select_n3A_634 : vector<16xi1>, vector<16xi32>
        %neg3A = arith.constant 0.000000e+00 : f32
        %neg3A_653 = vector.broadcast %neg3A : f32 to vector<16xf32>
        %neg3A_654 = arith.subf %neg3A_653, %select_n3A_649 : vector<16xf32>
        %exp3A = math.exp %neg3A_654 : vector<16xf32>
        %add3A_655 = arith.constant 1.000000e+00 : f32
        %add3A_656 = vector.broadcast %add3A_655 : f32 to vector<16xf32>
        %add3A_657 = arith.addf %add3A_656, %exp3A : vector<16xf32>
        %div3A_658 = arith.constant 1.000000e+00 : f32
        %div3A_659 = vector.broadcast %div3A_658 : f32 to vector<16xf32>
        %div3A_660 = arith.divf %div3A_659, %add3A_657 : vector<16xf32>
        %get3A_661 = arith.constant 1 : i32
        %get3A_662 = arith.constant 0 : i32
        %get3A_663 = arith.constant 0 : i32
        %get3A_664 = tpu.memref_slice %arg7[%scan3A_208, %get3A_662, %get3A_663] : memref<2x8x512xf32, #tpu.memory_space<vmem>> -> memref<1x8x512xf32, #tpu.memory_space<vmem>>
        %get3A_665 = tpu.memref_squeeze %get3A_664 : memref<1x8x512xf32, #tpu.memory_space<vmem>> -> memref<8x512xf32, #tpu.memory_space<vmem>>
        %get3A_666 = arith.index_cast %get3A_661 : i32 to index
        %get3A_667 = arith.index_cast %mul3A_516 : i32 to index
        %get3A_668 = tpu.vector_load %get3A_665[%get3A_666, %get3A_667] {strides = array<i32>} : memref<8x512xf32, #tpu.memory_space<vmem>>, vector<16xf32>,
        %mul3A_669 = arith.mulf %get3A_668, %div3A_660 : vector<16xf32>
        %swap3A = arith.constant 1 : i32
        %swap3A_670 = arith.constant 0 : i32
        %swap3A_671 = arith.constant 0 : i32
        %swap3A_672 = tpu.memref_slice %arg8[%scan3A_209, %swap3A_670, %swap3A_671] : memref<2x8x512xf32, #tpu.memory_space<vmem>> -> memref<1x8x512xf32, #tpu.memory_space<vmem>>
        %swap3A_673 = tpu.memref_squeeze %swap3A_672 : memref<1x8x512xf32, #tpu.memory_space<vmem>> -> memref<8x512xf32, #tpu.memory_space<vmem>>
        %swap3A_674 = arith.index_cast %swap3A : i32 to index
        %swap3A_675 = arith.index_cast %mul3A_516 : i32 to index
        %swap3A_676 = tpu.vector_load %swap3A_673[%swap3A_674, %swap3A_675] {strides = array<i32>} : memref<8x512xf32, #tpu.memory_space<vmem>>, vector<16xf32>,
        tpu.vector_store %swap3A_673[%swap3A_674, %swap3A_675], %mul3A_669 {strides = array<i32>} : memref<8x512xf32, #tpu.memory_space<vmem>>, vector<16xf32>,
        %swap3A_677 = arith.constant 1 : i32
        %swap3A_678 = arith.constant 0 : i32
        %swap3A_679 = arith.constant 0 : i32
        %swap3A_680 = tpu.memref_slice %arg9[%scan3A_210, %swap3A_678, %swap3A_679] : memref<2x8x512xi32, #tpu.memory_space<vmem>> -> memref<1x8x512xi32, #tpu.memory_space<vmem>>
        %swap3A_681 = tpu.memref_squeeze %swap3A_680 : memref<1x8x512xi32, #tpu.memory_space<vmem>> -> memref<8x512xi32, #tpu.memory_space<vmem>>
        %swap3A_682 = arith.index_cast %swap3A_677 : i32 to index
        %swap3A_683 = arith.index_cast %mul3A_516 : i32 to index
        %swap3A_684 = tpu.vector_load %swap3A_681[%swap3A_682, %swap3A_683] {strides = array<i32>} : memref<8x512xi32, #tpu.memory_space<vmem>>, vector<16xi32>,
        tpu.vector_store %swap3A_681[%swap3A_682, %swap3A_683], %select_n3A_652 {strides = array<i32>} : memref<8x512xi32, #tpu.memory_space<vmem>>, vector<16xi32>,
        %scan3A_685 = arith.constant 0 : i32
        scf.yield %scan3A_685 : i32
      }
      %scan3A_217 = arith.constant 32 : i32
      %scan3A_218 = arith.constant 0 : i32
      %scan3A_219 = arith.constant 0 : i32
      %scan3A_220 = arith.constant 0 : i32
      %scan3A_221 = arith.constant 0 : i32
      %scan3A_222 = arith.constant 0 : i32
      %scan3A_223 = arith.constant 0 : i32
      %scan3A_224 = arith.constant 32 : i32
      %scan3A_225 = arith.addi %scan3A_223, %scan3A_224 : i32
      %scan3A_226 = arith.constant 1 : i32
      %scan3A_227 = scf.for %scan3A_513 = %scan3A_223 to %scan3A_225 step %scan3A_226 iter_args(%scan3A_514 = %scan3A_222) -> (i32)  : i32 {
        %mul3A_515 = arith.constant 16 : i32
        %mul3A_516 = arith.muli %scan3A_513, %mul3A_515 : i32
        %get3A = arith.constant 2 : i32
        %get3A_517 = arith.constant 0 : i32
        %get3A_518 = arith.constant 0 : i32
        %get3A_519 = arith.constant 0 : i32
        %get3A_520 = arith.constant 0 : i32
        %get3A_521 = tpu.memref_slice %arg6[%scan3A_218, %get3A_518, %get3A_519, %get3A_520] : memref<2x8x8x512xf32, #tpu.memory_space<vmem>> -> memref<1x8x8x512xf32, #tpu.memory_space<vmem>>
        %get3A_522 = tpu.memref_squeeze %get3A_521 : memref<1x8x8x512xf32, #tpu.memory_space<vmem>> -> memref<8x8x512xf32, #tpu.memory_space<vmem>>
        %get3A_523 = arith.index_cast %get3A : i32 to index
        %get3A_524 = arith.index_cast %get3A_517 : i32 to index
        %get3A_525 = arith.index_cast %mul3A_516 : i32 to index
        %get3A_526 = tpu.vector_load %get3A_522[%get3A_523, %get3A_524, %get3A_525] {strides = array<i32>} : memref<8x8x512xf32, #tpu.memory_space<vmem>>, vector<16xf32>,
        %abs3A = math.absf %get3A_526 : vector<16xf32>
        %broadcast_in_dim3A = arith.constant 0 : i32
        %broadcast_in_dim3A_527 = vector.broadcast %broadcast_in_dim3A : i32 to vector<16xi32>
        %get3A_528 = arith.constant 2 : i32
        %get3A_529 = arith.constant 1 : i32
        %get3A_530 = arith.constant 0 : i32
        %get3A_531 = arith.constant 0 : i32
        %get3A_532 = arith.constant 0 : i32
        %get3A_533 = tpu.memref_slice %arg6[%scan3A_218, %get3A_530, %get3A_531, %get3A_532] : memref<2x8x8x512xf32, #tpu.memory_space<vmem>> -> memref<1x8x8x512xf32, #tpu.memory_space<vmem>>
        %get3A_534 = tpu.memref_squeeze %get3A_533 : memref<1x8x8x512xf32, #tpu.memory_space<vmem>> -> memref<8x8x512xf32, #tpu.memory_space<vmem>>
        %get3A_535 = arith.index_cast %get3A_528 : i32 to index
        %get3A_536 = arith.index_cast %get3A_529 : i32 to index
        %get3A_537 = arith.index_cast %mul3A_516 : i32 to index
        %get3A_538 = tpu.vector_load %get3A_534[%get3A_535, %get3A_536, %get3A_537] {strides = array<i32>} : memref<8x8x512xf32, #tpu.memory_space<vmem>>, vector<16xf32>,
        %abs3A_539 = math.absf %get3A_538 : vector<16xf32>
        %gt3A = arith.cmpf ogt, %abs3A_539, %abs3A : vector<16xf32>
        %select_n3A_540 = arith.select %gt3A, %abs3A_539, %abs3A : vector<16xi1>, vector<16xf32>
        %select_n3A_541 = arith.select %gt3A, %get3A_538, %get3A_526 : vector<16xi1>, vector<16xf32>
        %jit3A_542 = arith.constant 1 : i32
        %broadcast_in_dim3A_543 = vector.broadcast %jit3A_542 : i32 to vector<16xi32>
        %select_n3A_544 = arith.select %gt3A, %broadcast_in_dim3A_543, %broadcast_in_dim3A_527 : vector<16xi1>, vector<16xi32>
        %get3A_545 = arith.constant 2 : i32
        %get3A_546 = arith.constant 2 : i32
        %get3A_547 = arith.constant 0 : i32
        %get3A_548 = arith.constant 0 : i32
        %get3A_549 = arith.constant 0 : i32
        %get3A_550 = tpu.memref_slice %arg6[%scan3A_218, %get3A_547, %get3A_548, %get3A_549] : memref<2x8x8x512xf32, #tpu.memory_space<vmem>> -> memref<1x8x8x512xf32, #tpu.memory_space<vmem>>
        %get3A_551 = tpu.memref_squeeze %get3A_550 : memref<1x8x8x512xf32, #tpu.memory_space<vmem>> -> memref<8x8x512xf32, #tpu.memory_space<vmem>>
        %get3A_552 = arith.index_cast %get3A_545 : i32 to index
        %get3A_553 = arith.index_cast %get3A_546 : i32 to index
        %get3A_554 = arith.index_cast %mul3A_516 : i32 to index
        %get3A_555 = tpu.vector_load %get3A_551[%get3A_552, %get3A_553, %get3A_554] {strides = array<i32>} : memref<8x8x512xf32, #tpu.memory_space<vmem>>, vector<16xf32>,
        %abs3A_556 = math.absf %get3A_555 : vector<16xf32>
        %gt3A_557 = arith.cmpf ogt, %abs3A_556, %select_n3A_540 : vector<16xf32>
        %select_n3A_558 = arith.select %gt3A_557, %abs3A_556, %select_n3A_540 : vector<16xi1>, vector<16xf32>
        %select_n3A_559 = arith.select %gt3A_557, %get3A_555, %select_n3A_541 : vector<16xi1>, vector<16xf32>
        %jit3A_560 = arith.constant 2 : i32
        %broadcast_in_dim3A_561 = vector.broadcast %jit3A_560 : i32 to vector<16xi32>
        %select_n3A_562 = arith.select %gt3A_557, %broadcast_in_dim3A_561, %select_n3A_544 : vector<16xi1>, vector<16xi32>
        %get3A_563 = arith.constant 2 : i32
        %get3A_564 = arith.constant 3 : i32
        %get3A_565 = arith.constant 0 : i32
        %get3A_566 = arith.constant 0 : i32
        %get3A_567 = arith.constant 0 : i32
        %get3A_568 = tpu.memref_slice %arg6[%scan3A_218, %get3A_565, %get3A_566, %get3A_567] : memref<2x8x8x512xf32, #tpu.memory_space<vmem>> -> memref<1x8x8x512xf32, #tpu.memory_space<vmem>>
        %get3A_569 = tpu.memref_squeeze %get3A_568 : memref<1x8x8x512xf32, #tpu.memory_space<vmem>> -> memref<8x8x512xf32, #tpu.memory_space<vmem>>
        %get3A_570 = arith.index_cast %get3A_563 : i32 to index
        %get3A_571 = arith.index_cast %get3A_564 : i32 to index
        %get3A_572 = arith.index_cast %mul3A_516 : i32 to index
        %get3A_573 = tpu.vector_load %get3A_569[%get3A_570, %get3A_571, %get3A_572] {strides = array<i32>} : memref<8x8x512xf32, #tpu.memory_space<vmem>>, vector<16xf32>,
        %abs3A_574 = math.absf %get3A_573 : vector<16xf32>
        %gt3A_575 = arith.cmpf ogt, %abs3A_574, %select_n3A_558 : vector<16xf32>
        %select_n3A_576 = arith.select %gt3A_575, %abs3A_574, %select_n3A_558 : vector<16xi1>, vector<16xf32>
        %select_n3A_577 = arith.select %gt3A_575, %get3A_573, %select_n3A_559 : vector<16xi1>, vector<16xf32>
        %jit3A_578 = arith.constant 3 : i32
        %broadcast_in_dim3A_579 = vector.broadcast %jit3A_578 : i32 to vector<16xi32>
        %select_n3A_580 = arith.select %gt3A_575, %broadcast_in_dim3A_579, %select_n3A_562 : vector<16xi1>, vector<16xi32>
        %get3A_581 = arith.constant 2 : i32
        %get3A_582 = arith.constant 4 : i32
        %get3A_583 = arith.constant 0 : i32
        %get3A_584 = arith.constant 0 : i32
        %get3A_585 = arith.constant 0 : i32
        %get3A_586 = tpu.memref_slice %arg6[%scan3A_218, %get3A_583, %get3A_584, %get3A_585] : memref<2x8x8x512xf32, #tpu.memory_space<vmem>> -> memref<1x8x8x512xf32, #tpu.memory_space<vmem>>
        %get3A_587 = tpu.memref_squeeze %get3A_586 : memref<1x8x8x512xf32, #tpu.memory_space<vmem>> -> memref<8x8x512xf32, #tpu.memory_space<vmem>>
        %get3A_588 = arith.index_cast %get3A_581 : i32 to index
        %get3A_589 = arith.index_cast %get3A_582 : i32 to index
        %get3A_590 = arith.index_cast %mul3A_516 : i32 to index
        %get3A_591 = tpu.vector_load %get3A_587[%get3A_588, %get3A_589, %get3A_590] {strides = array<i32>} : memref<8x8x512xf32, #tpu.memory_space<vmem>>, vector<16xf32>,
        %abs3A_592 = math.absf %get3A_591 : vector<16xf32>
        %gt3A_593 = arith.cmpf ogt, %abs3A_592, %select_n3A_576 : vector<16xf32>
        %select_n3A_594 = arith.select %gt3A_593, %abs3A_592, %select_n3A_576 : vector<16xi1>, vector<16xf32>
        %select_n3A_595 = arith.select %gt3A_593, %get3A_591, %select_n3A_577 : vector<16xi1>, vector<16xf32>
        %jit3A_596 = arith.constant 4 : i32
        %broadcast_in_dim3A_597 = vector.broadcast %jit3A_596 : i32 to vector<16xi32>
        %select_n3A_598 = arith.select %gt3A_593, %broadcast_in_dim3A_597, %select_n3A_580 : vector<16xi1>, vector<16xi32>
        %get3A_599 = arith.constant 2 : i32
        %get3A_600 = arith.constant 5 : i32
        %get3A_601 = arith.constant 0 : i32
        %get3A_602 = arith.constant 0 : i32
        %get3A_603 = arith.constant 0 : i32
        %get3A_604 = tpu.memref_slice %arg6[%scan3A_218, %get3A_601, %get3A_602, %get3A_603] : memref<2x8x8x512xf32, #tpu.memory_space<vmem>> -> memref<1x8x8x512xf32, #tpu.memory_space<vmem>>
        %get3A_605 = tpu.memref_squeeze %get3A_604 : memref<1x8x8x512xf32, #tpu.memory_space<vmem>> -> memref<8x8x512xf32, #tpu.memory_space<vmem>>
        %get3A_606 = arith.index_cast %get3A_599 : i32 to index
        %get3A_607 = arith.index_cast %get3A_600 : i32 to index
        %get3A_608 = arith.index_cast %mul3A_516 : i32 to index
        %get3A_609 = tpu.vector_load %get3A_605[%get3A_606, %get3A_607, %get3A_608] {strides = array<i32>} : memref<8x8x512xf32, #tpu.memory_space<vmem>>, vector<16xf32>,
        %abs3A_610 = math.absf %get3A_609 : vector<16xf32>
        %gt3A_611 = arith.cmpf ogt, %abs3A_610, %select_n3A_594 : vector<16xf32>
        %select_n3A_612 = arith.select %gt3A_611, %abs3A_610, %select_n3A_594 : vector<16xi1>, vector<16xf32>
        %select_n3A_613 = arith.select %gt3A_611, %get3A_609, %select_n3A_595 : vector<16xi1>, vector<16xf32>
        %jit3A_614 = arith.constant 5 : i32
        %broadcast_in_dim3A_615 = vector.broadcast %jit3A_614 : i32 to vector<16xi32>
        %select_n3A_616 = arith.select %gt3A_611, %broadcast_in_dim3A_615, %select_n3A_598 : vector<16xi1>, vector<16xi32>
        %get3A_617 = arith.constant 2 : i32
        %get3A_618 = arith.constant 6 : i32
        %get3A_619 = arith.constant 0 : i32
        %get3A_620 = arith.constant 0 : i32
        %get3A_621 = arith.constant 0 : i32
        %get3A_622 = tpu.memref_slice %arg6[%scan3A_218, %get3A_619, %get3A_620, %get3A_621] : memref<2x8x8x512xf32, #tpu.memory_space<vmem>> -> memref<1x8x8x512xf32, #tpu.memory_space<vmem>>
        %get3A_623 = tpu.memref_squeeze %get3A_622 : memref<1x8x8x512xf32, #tpu.memory_space<vmem>> -> memref<8x8x512xf32, #tpu.memory_space<vmem>>
        %get3A_624 = arith.index_cast %get3A_617 : i32 to index
        %get3A_625 = arith.index_cast %get3A_618 : i32 to index
        %get3A_626 = arith.index_cast %mul3A_516 : i32 to index
        %get3A_627 = tpu.vector_load %get3A_623[%get3A_624, %get3A_625, %get3A_626] {strides = array<i32>} : memref<8x8x512xf32, #tpu.memory_space<vmem>>, vector<16xf32>,
        %abs3A_628 = math.absf %get3A_627 : vector<16xf32>
        %gt3A_629 = arith.cmpf ogt, %abs3A_628, %select_n3A_612 : vector<16xf32>
        %select_n3A_630 = arith.select %gt3A_629, %abs3A_628, %select_n3A_612 : vector<16xi1>, vector<16xf32>
        %select_n3A_631 = arith.select %gt3A_629, %get3A_627, %select_n3A_613 : vector<16xi1>, vector<16xf32>
        %jit3A_632 = arith.constant 6 : i32
        %broadcast_in_dim3A_633 = vector.broadcast %jit3A_632 : i32 to vector<16xi32>
        %select_n3A_634 = arith.select %gt3A_629, %broadcast_in_dim3A_633, %select_n3A_616 : vector<16xi1>, vector<16xi32>
        %get3A_635 = arith.constant 2 : i32
        %get3A_636 = arith.constant 7 : i32
        %get3A_637 = arith.constant 0 : i32
        %get3A_638 = arith.constant 0 : i32
        %get3A_639 = arith.constant 0 : i32
        %get3A_640 = tpu.memref_slice %arg6[%scan3A_218, %get3A_637, %get3A_638, %get3A_639] : memref<2x8x8x512xf32, #tpu.memory_space<vmem>> -> memref<1x8x8x512xf32, #tpu.memory_space<vmem>>
        %get3A_641 = tpu.memref_squeeze %get3A_640 : memref<1x8x8x512xf32, #tpu.memory_space<vmem>> -> memref<8x8x512xf32, #tpu.memory_space<vmem>>
        %get3A_642 = arith.index_cast %get3A_635 : i32 to index
        %get3A_643 = arith.index_cast %get3A_636 : i32 to index
        %get3A_644 = arith.index_cast %mul3A_516 : i32 to index
        %get3A_645 = tpu.vector_load %get3A_641[%get3A_642, %get3A_643, %get3A_644] {strides = array<i32>} : memref<8x8x512xf32, #tpu.memory_space<vmem>>, vector<16xf32>,
        %abs3A_646 = math.absf %get3A_645 : vector<16xf32>
        %gt3A_647 = arith.cmpf ogt, %abs3A_646, %select_n3A_630 : vector<16xf32>
        %select_n3A_648 = arith.select %gt3A_647, %abs3A_646, %select_n3A_630 : vector<16xi1>, vector<16xf32>
        %select_n3A_649 = arith.select %gt3A_647, %get3A_645, %select_n3A_631 : vector<16xi1>, vector<16xf32>
        %jit3A_650 = arith.constant 7 : i32
        %broadcast_in_dim3A_651 = vector.broadcast %jit3A_650 : i32 to vector<16xi32>
        %select_n3A_652 = arith.select %gt3A_647, %broadcast_in_dim3A_651, %select_n3A_634 : vector<16xi1>, vector<16xi32>
        %neg3A = arith.constant 0.000000e+00 : f32
        %neg3A_653 = vector.broadcast %neg3A : f32 to vector<16xf32>
        %neg3A_654 = arith.subf %neg3A_653, %select_n3A_649 : vector<16xf32>
        %exp3A = math.exp %neg3A_654 : vector<16xf32>
        %add3A_655 = arith.constant 1.000000e+00 : f32
        %add3A_656 = vector.broadcast %add3A_655 : f32 to vector<16xf32>
        %add3A_657 = arith.addf %add3A_656, %exp3A : vector<16xf32>
        %div3A_658 = arith.constant 1.000000e+00 : f32
        %div3A_659 = vector.broadcast %div3A_658 : f32 to vector<16xf32>
        %div3A_660 = arith.divf %div3A_659, %add3A_657 : vector<16xf32>
        %get3A_661 = arith.constant 2 : i32
        %get3A_662 = arith.constant 0 : i32
        %get3A_663 = arith.constant 0 : i32
        %get3A_664 = tpu.memref_slice %arg7[%scan3A_219, %get3A_662, %get3A_663] : memref<2x8x512xf32, #tpu.memory_space<vmem>> -> memref<1x8x512xf32, #tpu.memory_space<vmem>>
        %get3A_665 = tpu.memref_squeeze %get3A_664 : memref<1x8x512xf32, #tpu.memory_space<vmem>> -> memref<8x512xf32, #tpu.memory_space<vmem>>
        %get3A_666 = arith.index_cast %get3A_661 : i32 to index
        %get3A_667 = arith.index_cast %mul3A_516 : i32 to index
        %get3A_668 = tpu.vector_load %get3A_665[%get3A_666, %get3A_667] {strides = array<i32>} : memref<8x512xf32, #tpu.memory_space<vmem>>, vector<16xf32>,
        %mul3A_669 = arith.mulf %get3A_668, %div3A_660 : vector<16xf32>
        %swap3A = arith.constant 2 : i32
        %swap3A_670 = arith.constant 0 : i32
        %swap3A_671 = arith.constant 0 : i32
        %swap3A_672 = tpu.memref_slice %arg8[%scan3A_220, %swap3A_670, %swap3A_671] : memref<2x8x512xf32, #tpu.memory_space<vmem>> -> memref<1x8x512xf32, #tpu.memory_space<vmem>>
        %swap3A_673 = tpu.memref_squeeze %swap3A_672 : memref<1x8x512xf32, #tpu.memory_space<vmem>> -> memref<8x512xf32, #tpu.memory_space<vmem>>
        %swap3A_674 = arith.index_cast %swap3A : i32 to index
        %swap3A_675 = arith.index_cast %mul3A_516 : i32 to index
        %swap3A_676 = tpu.vector_load %swap3A_673[%swap3A_674, %swap3A_675] {strides = array<i32>} : memref<8x512xf32, #tpu.memory_space<vmem>>, vector<16xf32>,
        tpu.vector_store %swap3A_673[%swap3A_674, %swap3A_675], %mul3A_669 {strides = array<i32>} : memref<8x512xf32, #tpu.memory_space<vmem>>, vector<16xf32>,
        %swap3A_677 = arith.constant 2 : i32
        %swap3A_678 = arith.constant 0 : i32
        %swap3A_679 = arith.constant 0 : i32
        %swap3A_680 = tpu.memref_slice %arg9[%scan3A_221, %swap3A_678, %swap3A_679] : memref<2x8x512xi32, #tpu.memory_space<vmem>> -> memref<1x8x512xi32, #tpu.memory_space<vmem>>
        %swap3A_681 = tpu.memref_squeeze %swap3A_680 : memref<1x8x512xi32, #tpu.memory_space<vmem>> -> memref<8x512xi32, #tpu.memory_space<vmem>>
        %swap3A_682 = arith.index_cast %swap3A_677 : i32 to index
        %swap3A_683 = arith.index_cast %mul3A_516 : i32 to index
        %swap3A_684 = tpu.vector_load %swap3A_681[%swap3A_682, %swap3A_683] {strides = array<i32>} : memref<8x512xi32, #tpu.memory_space<vmem>>, vector<16xi32>,
        tpu.vector_store %swap3A_681[%swap3A_682, %swap3A_683], %select_n3A_652 {strides = array<i32>} : memref<8x512xi32, #tpu.memory_space<vmem>>, vector<16xi32>,
        %scan3A_685 = arith.constant 0 : i32
        scf.yield %scan3A_685 : i32
      }
      %scan3A_228 = arith.constant 32 : i32
      %scan3A_229 = arith.constant 0 : i32
      %scan3A_230 = arith.constant 0 : i32
      %scan3A_231 = arith.constant 0 : i32
      %scan3A_232 = arith.constant 0 : i32
      %scan3A_233 = arith.constant 0 : i32
      %scan3A_234 = arith.constant 0 : i32
      %scan3A_235 = arith.constant 32 : i32
      %scan3A_236 = arith.addi %scan3A_234, %scan3A_235 : i32
      %scan3A_237 = arith.constant 1 : i32
      %scan3A_238 = scf.for %scan3A_513 = %scan3A_234 to %scan3A_236 step %scan3A_237 iter_args(%scan3A_514 = %scan3A_233) -> (i32)  : i32 {
        %mul3A_515 = arith.constant 16 : i32
        %mul3A_516 = arith.muli %scan3A_513, %mul3A_515 : i32
        %get3A = arith.constant 3 : i32
        %get3A_517 = arith.constant 0 : i32
        %get3A_518 = arith.constant 0 : i32
        %get3A_519 = arith.constant 0 : i32
        %get3A_520 = arith.constant 0 : i32
        %get3A_521 = tpu.memref_slice %arg6[%scan3A_229, %get3A_518, %get3A_519, %get3A_520] : memref<2x8x8x512xf32, #tpu.memory_space<vmem>> -> memref<1x8x8x512xf32, #tpu.memory_space<vmem>>
        %get3A_522 = tpu.memref_squeeze %get3A_521 : memref<1x8x8x512xf32, #tpu.memory_space<vmem>> -> memref<8x8x512xf32, #tpu.memory_space<vmem>>
        %get3A_523 = arith.index_cast %get3A : i32 to index
        %get3A_524 = arith.index_cast %get3A_517 : i32 to index
        %get3A_525 = arith.index_cast %mul3A_516 : i32 to index
        %get3A_526 = tpu.vector_load %get3A_522[%get3A_523, %get3A_524, %get3A_525] {strides = array<i32>} : memref<8x8x512xf32, #tpu.memory_space<vmem>>, vector<16xf32>,
        %abs3A = math.absf %get3A_526 : vector<16xf32>
        %broadcast_in_dim3A = arith.constant 0 : i32
        %broadcast_in_dim3A_527 = vector.broadcast %broadcast_in_dim3A : i32 to vector<16xi32>
        %get3A_528 = arith.constant 3 : i32
        %get3A_529 = arith.constant 1 : i32
        %get3A_530 = arith.constant 0 : i32
        %get3A_531 = arith.constant 0 : i32
        %get3A_532 = arith.constant 0 : i32
        %get3A_533 = tpu.memref_slice %arg6[%scan3A_229, %get3A_530, %get3A_531, %get3A_532] : memref<2x8x8x512xf32, #tpu.memory_space<vmem>> -> memref<1x8x8x512xf32, #tpu.memory_space<vmem>>
        %get3A_534 = tpu.memref_squeeze %get3A_533 : memref<1x8x8x512xf32, #tpu.memory_space<vmem>> -> memref<8x8x512xf32, #tpu.memory_space<vmem>>
        %get3A_535 = arith.index_cast %get3A_528 : i32 to index
        %get3A_536 = arith.index_cast %get3A_529 : i32 to index
        %get3A_537 = arith.index_cast %mul3A_516 : i32 to index
        %get3A_538 = tpu.vector_load %get3A_534[%get3A_535, %get3A_536, %get3A_537] {strides = array<i32>} : memref<8x8x512xf32, #tpu.memory_space<vmem>>, vector<16xf32>,
        %abs3A_539 = math.absf %get3A_538 : vector<16xf32>
        %gt3A = arith.cmpf ogt, %abs3A_539, %abs3A : vector<16xf32>
        %select_n3A_540 = arith.select %gt3A, %abs3A_539, %abs3A : vector<16xi1>, vector<16xf32>
        %select_n3A_541 = arith.select %gt3A, %get3A_538, %get3A_526 : vector<16xi1>, vector<16xf32>
        %jit3A_542 = arith.constant 1 : i32
        %broadcast_in_dim3A_543 = vector.broadcast %jit3A_542 : i32 to vector<16xi32>
        %select_n3A_544 = arith.select %gt3A, %broadcast_in_dim3A_543, %broadcast_in_dim3A_527 : vector<16xi1>, vector<16xi32>
        %get3A_545 = arith.constant 3 : i32
        %get3A_546 = arith.constant 2 : i32
        %get3A_547 = arith.constant 0 : i32
        %get3A_548 = arith.constant 0 : i32
        %get3A_549 = arith.constant 0 : i32
        %get3A_550 = tpu.memref_slice %arg6[%scan3A_229, %get3A_547, %get3A_548, %get3A_549] : memref<2x8x8x512xf32, #tpu.memory_space<vmem>> -> memref<1x8x8x512xf32, #tpu.memory_space<vmem>>
        %get3A_551 = tpu.memref_squeeze %get3A_550 : memref<1x8x8x512xf32, #tpu.memory_space<vmem>> -> memref<8x8x512xf32, #tpu.memory_space<vmem>>
        %get3A_552 = arith.index_cast %get3A_545 : i32 to index
        %get3A_553 = arith.index_cast %get3A_546 : i32 to index
        %get3A_554 = arith.index_cast %mul3A_516 : i32 to index
        %get3A_555 = tpu.vector_load %get3A_551[%get3A_552, %get3A_553, %get3A_554] {strides = array<i32>} : memref<8x8x512xf32, #tpu.memory_space<vmem>>, vector<16xf32>,
        %abs3A_556 = math.absf %get3A_555 : vector<16xf32>
        %gt3A_557 = arith.cmpf ogt, %abs3A_556, %select_n3A_540 : vector<16xf32>
        %select_n3A_558 = arith.select %gt3A_557, %abs3A_556, %select_n3A_540 : vector<16xi1>, vector<16xf32>
        %select_n3A_559 = arith.select %gt3A_557, %get3A_555, %select_n3A_541 : vector<16xi1>, vector<16xf32>
        %jit3A_560 = arith.constant 2 : i32
        %broadcast_in_dim3A_561 = vector.broadcast %jit3A_560 : i32 to vector<16xi32>
        %select_n3A_562 = arith.select %gt3A_557, %broadcast_in_dim3A_561, %select_n3A_544 : vector<16xi1>, vector<16xi32>
        %get3A_563 = arith.constant 3 : i32
        %get3A_564 = arith.constant 3 : i32
        %get3A_565 = arith.constant 0 : i32
        %get3A_566 = arith.constant 0 : i32
        %get3A_567 = arith.constant 0 : i32
        %get3A_568 = tpu.memref_slice %arg6[%scan3A_229, %get3A_565, %get3A_566, %get3A_567] : memref<2x8x8x512xf32, #tpu.memory_space<vmem>> -> memref<1x8x8x512xf32, #tpu.memory_space<vmem>>
        %get3A_569 = tpu.memref_squeeze %get3A_568 : memref<1x8x8x512xf32, #tpu.memory_space<vmem>> -> memref<8x8x512xf32, #tpu.memory_space<vmem>>
        %get3A_570 = arith.index_cast %get3A_563 : i32 to index
        %get3A_571 = arith.index_cast %get3A_564 : i32 to index
        %get3A_572 = arith.index_cast %mul3A_516 : i32 to index
        %get3A_573 = tpu.vector_load %get3A_569[%get3A_570, %get3A_571, %get3A_572] {strides = array<i32>} : memref<8x8x512xf32, #tpu.memory_space<vmem>>, vector<16xf32>,
        %abs3A_574 = math.absf %get3A_573 : vector<16xf32>
        %gt3A_575 = arith.cmpf ogt, %abs3A_574, %select_n3A_558 : vector<16xf32>
        %select_n3A_576 = arith.select %gt3A_575, %abs3A_574, %select_n3A_558 : vector<16xi1>, vector<16xf32>
        %select_n3A_577 = arith.select %gt3A_575, %get3A_573, %select_n3A_559 : vector<16xi1>, vector<16xf32>
        %jit3A_578 = arith.constant 3 : i32
        %broadcast_in_dim3A_579 = vector.broadcast %jit3A_578 : i32 to vector<16xi32>
        %select_n3A_580 = arith.select %gt3A_575, %broadcast_in_dim3A_579, %select_n3A_562 : vector<16xi1>, vector<16xi32>
        %get3A_581 = arith.constant 3 : i32
        %get3A_582 = arith.constant 4 : i32
        %get3A_583 = arith.constant 0 : i32
        %get3A_584 = arith.constant 0 : i32
        %get3A_585 = arith.constant 0 : i32
        %get3A_586 = tpu.memref_slice %arg6[%scan3A_229, %get3A_583, %get3A_584, %get3A_585] : memref<2x8x8x512xf32, #tpu.memory_space<vmem>> -> memref<1x8x8x512xf32, #tpu.memory_space<vmem>>
        %get3A_587 = tpu.memref_squeeze %get3A_586 : memref<1x8x8x512xf32, #tpu.memory_space<vmem>> -> memref<8x8x512xf32, #tpu.memory_space<vmem>>
        %get3A_588 = arith.index_cast %get3A_581 : i32 to index
        %get3A_589 = arith.index_cast %get3A_582 : i32 to index
        %get3A_590 = arith.index_cast %mul3A_516 : i32 to index
        %get3A_591 = tpu.vector_load %get3A_587[%get3A_588, %get3A_589, %get3A_590] {strides = array<i32>} : memref<8x8x512xf32, #tpu.memory_space<vmem>>, vector<16xf32>,
        %abs3A_592 = math.absf %get3A_591 : vector<16xf32>
        %gt3A_593 = arith.cmpf ogt, %abs3A_592, %select_n3A_576 : vector<16xf32>
        %select_n3A_594 = arith.select %gt3A_593, %abs3A_592, %select_n3A_576 : vector<16xi1>, vector<16xf32>
        %select_n3A_595 = arith.select %gt3A_593, %get3A_591, %select_n3A_577 : vector<16xi1>, vector<16xf32>
        %jit3A_596 = arith.constant 4 : i32
        %broadcast_in_dim3A_597 = vector.broadcast %jit3A_596 : i32 to vector<16xi32>
        %select_n3A_598 = arith.select %gt3A_593, %broadcast_in_dim3A_597, %select_n3A_580 : vector<16xi1>, vector<16xi32>
        %get3A_599 = arith.constant 3 : i32
        %get3A_600 = arith.constant 5 : i32
        %get3A_601 = arith.constant 0 : i32
        %get3A_602 = arith.constant 0 : i32
        %get3A_603 = arith.constant 0 : i32
        %get3A_604 = tpu.memref_slice %arg6[%scan3A_229, %get3A_601, %get3A_602, %get3A_603] : memref<2x8x8x512xf32, #tpu.memory_space<vmem>> -> memref<1x8x8x512xf32, #tpu.memory_space<vmem>>
        %get3A_605 = tpu.memref_squeeze %get3A_604 : memref<1x8x8x512xf32, #tpu.memory_space<vmem>> -> memref<8x8x512xf32, #tpu.memory_space<vmem>>
        %get3A_606 = arith.index_cast %get3A_599 : i32 to index
        %get3A_607 = arith.index_cast %get3A_600 : i32 to index
        %get3A_608 = arith.index_cast %mul3A_516 : i32 to index
        %get3A_609 = tpu.vector_load %get3A_605[%get3A_606, %get3A_607, %get3A_608] {strides = array<i32>} : memref<8x8x512xf32, #tpu.memory_space<vmem>>, vector<16xf32>,
        %abs3A_610 = math.absf %get3A_609 : vector<16xf32>
        %gt3A_611 = arith.cmpf ogt, %abs3A_610, %select_n3A_594 : vector<16xf32>
        %select_n3A_612 = arith.select %gt3A_611, %abs3A_610, %select_n3A_594 : vector<16xi1>, vector<16xf32>
        %select_n3A_613 = arith.select %gt3A_611, %get3A_609, %select_n3A_595 : vector<16xi1>, vector<16xf32>
        %jit3A_614 = arith.constant 5 : i32
        %broadcast_in_dim3A_615 = vector.broadcast %jit3A_614 : i32 to vector<16xi32>
        %select_n3A_616 = arith.select %gt3A_611, %broadcast_in_dim3A_615, %select_n3A_598 : vector<16xi1>, vector<16xi32>
        %get3A_617 = arith.constant 3 : i32
        %get3A_618 = arith.constant 6 : i32
        %get3A_619 = arith.constant 0 : i32
        %get3A_620 = arith.constant 0 : i32
        %get3A_621 = arith.constant 0 : i32
        %get3A_622 = tpu.memref_slice %arg6[%scan3A_229, %get3A_619, %get3A_620, %get3A_621] : memref<2x8x8x512xf32, #tpu.memory_space<vmem>> -> memref<1x8x8x512xf32, #tpu.memory_space<vmem>>
        %get3A_623 = tpu.memref_squeeze %get3A_622 : memref<1x8x8x512xf32, #tpu.memory_space<vmem>> -> memref<8x8x512xf32, #tpu.memory_space<vmem>>
        %get3A_624 = arith.index_cast %get3A_617 : i32 to index
        %get3A_625 = arith.index_cast %get3A_618 : i32 to index
        %get3A_626 = arith.index_cast %mul3A_516 : i32 to index
        %get3A_627 = tpu.vector_load %get3A_623[%get3A_624, %get3A_625, %get3A_626] {strides = array<i32>} : memref<8x8x512xf32, #tpu.memory_space<vmem>>, vector<16xf32>,
        %abs3A_628 = math.absf %get3A_627 : vector<16xf32>
        %gt3A_629 = arith.cmpf ogt, %abs3A_628, %select_n3A_612 : vector<16xf32>
        %select_n3A_630 = arith.select %gt3A_629, %abs3A_628, %select_n3A_612 : vector<16xi1>, vector<16xf32>
        %select_n3A_631 = arith.select %gt3A_629, %get3A_627, %select_n3A_613 : vector<16xi1>, vector<16xf32>
        %jit3A_632 = arith.constant 6 : i32
        %broadcast_in_dim3A_633 = vector.broadcast %jit3A_632 : i32 to vector<16xi32>
        %select_n3A_634 = arith.select %gt3A_629, %broadcast_in_dim3A_633, %select_n3A_616 : vector<16xi1>, vector<16xi32>
        %get3A_635 = arith.constant 3 : i32
        %get3A_636 = arith.constant 7 : i32
        %get3A_637 = arith.constant 0 : i32
        %get3A_638 = arith.constant 0 : i32
        %get3A_639 = arith.constant 0 : i32
        %get3A_640 = tpu.memref_slice %arg6[%scan3A_229, %get3A_637, %get3A_638, %get3A_639] : memref<2x8x8x512xf32, #tpu.memory_space<vmem>> -> memref<1x8x8x512xf32, #tpu.memory_space<vmem>>
        %get3A_641 = tpu.memref_squeeze %get3A_640 : memref<1x8x8x512xf32, #tpu.memory_space<vmem>> -> memref<8x8x512xf32, #tpu.memory_space<vmem>>
        %get3A_642 = arith.index_cast %get3A_635 : i32 to index
        %get3A_643 = arith.index_cast %get3A_636 : i32 to index
        %get3A_644 = arith.index_cast %mul3A_516 : i32 to index
        %get3A_645 = tpu.vector_load %get3A_641[%get3A_642, %get3A_643, %get3A_644] {strides = array<i32>} : memref<8x8x512xf32, #tpu.memory_space<vmem>>, vector<16xf32>,
        %abs3A_646 = math.absf %get3A_645 : vector<16xf32>
        %gt3A_647 = arith.cmpf ogt, %abs3A_646, %select_n3A_630 : vector<16xf32>
        %select_n3A_648 = arith.select %gt3A_647, %abs3A_646, %select_n3A_630 : vector<16xi1>, vector<16xf32>
        %select_n3A_649 = arith.select %gt3A_647, %get3A_645, %select_n3A_631 : vector<16xi1>, vector<16xf32>
        %jit3A_650 = arith.constant 7 : i32
        %broadcast_in_dim3A_651 = vector.broadcast %jit3A_650 : i32 to vector<16xi32>
        %select_n3A_652 = arith.select %gt3A_647, %broadcast_in_dim3A_651, %select_n3A_634 : vector<16xi1>, vector<16xi32>
        %neg3A = arith.constant 0.000000e+00 : f32
        %neg3A_653 = vector.broadcast %neg3A : f32 to vector<16xf32>
        %neg3A_654 = arith.subf %neg3A_653, %select_n3A_649 : vector<16xf32>
        %exp3A = math.exp %neg3A_654 : vector<16xf32>
        %add3A_655 = arith.constant 1.000000e+00 : f32
        %add3A_656 = vector.broadcast %add3A_655 : f32 to vector<16xf32>
        %add3A_657 = arith.addf %add3A_656, %exp3A : vector<16xf32>
        %div3A_658 = arith.constant 1.000000e+00 : f32
        %div3A_659 = vector.broadcast %div3A_658 : f32 to vector<16xf32>
        %div3A_660 = arith.divf %div3A_659, %add3A_657 : vector<16xf32>
        %get3A_661 = arith.constant 3 : i32
        %get3A_662 = arith.constant 0 : i32
        %get3A_663 = arith.constant 0 : i32
        %get3A_664 = tpu.memref_slice %arg7[%scan3A_230, %get3A_662, %get3A_663] : memref<2x8x512xf32, #tpu.memory_space<vmem>> -> memref<1x8x512xf32, #tpu.memory_space<vmem>>
        %get3A_665 = tpu.memref_squeeze %get3A_664 : memref<1x8x512xf32, #tpu.memory_space<vmem>> -> memref<8x512xf32, #tpu.memory_space<vmem>>
        %get3A_666 = arith.index_cast %get3A_661 : i32 to index
        %get3A_667 = arith.index_cast %mul3A_516 : i32 to index
        %get3A_668 = tpu.vector_load %get3A_665[%get3A_666, %get3A_667] {strides = array<i32>} : memref<8x512xf32, #tpu.memory_space<vmem>>, vector<16xf32>,
        %mul3A_669 = arith.mulf %get3A_668, %div3A_660 : vector<16xf32>
        %swap3A = arith.constant 3 : i32
        %swap3A_670 = arith.constant 0 : i32
        %swap3A_671 = arith.constant 0 : i32
        %swap3A_672 = tpu.memref_slice %arg8[%scan3A_231, %swap3A_670, %swap3A_671] : memref<2x8x512xf32, #tpu.memory_space<vmem>> -> memref<1x8x512xf32, #tpu.memory_space<vmem>>
        %swap3A_673 = tpu.memref_squeeze %swap3A_672 : memref<1x8x512xf32, #tpu.memory_space<vmem>> -> memref<8x512xf32, #tpu.memory_space<vmem>>
        %swap3A_674 = arith.index_cast %swap3A : i32 to index
        %swap3A_675 = arith.index_cast %mul3A_516 : i32 to index
        %swap3A_676 = tpu.vector_load %swap3A_673[%swap3A_674, %swap3A_675] {strides = array<i32>} : memref<8x512xf32, #tpu.memory_space<vmem>>, vector<16xf32>,
        tpu.vector_store %swap3A_673[%swap3A_674, %swap3A_675], %mul3A_669 {strides = array<i32>} : memref<8x512xf32, #tpu.memory_space<vmem>>, vector<16xf32>,
        %swap3A_677 = arith.constant 3 : i32
        %swap3A_678 = arith.constant 0 : i32
        %swap3A_679 = arith.constant 0 : i32
        %swap3A_680 = tpu.memref_slice %arg9[%scan3A_232, %swap3A_678, %swap3A_679] : memref<2x8x512xi32, #tpu.memory_space<vmem>> -> memref<1x8x512xi32, #tpu.memory_space<vmem>>
        %swap3A_681 = tpu.memref_squeeze %swap3A_680 : memref<1x8x512xi32, #tpu.memory_space<vmem>> -> memref<8x512xi32, #tpu.memory_space<vmem>>
        %swap3A_682 = arith.index_cast %swap3A_677 : i32 to index
        %swap3A_683 = arith.index_cast %mul3A_516 : i32 to index
        %swap3A_684 = tpu.vector_load %swap3A_681[%swap3A_682, %swap3A_683] {strides = array<i32>} : memref<8x512xi32, #tpu.memory_space<vmem>>, vector<16xi32>,
        tpu.vector_store %swap3A_681[%swap3A_682, %swap3A_683], %select_n3A_652 {strides = array<i32>} : memref<8x512xi32, #tpu.memory_space<vmem>>, vector<16xi32>,
        %scan3A_685 = arith.constant 0 : i32
        scf.yield %scan3A_685 : i32
      }
      %scan3A_239 = arith.constant 32 : i32
      %scan3A_240 = arith.constant 0 : i32
      %scan3A_241 = arith.constant 0 : i32
      %scan3A_242 = arith.constant 0 : i32
      %scan3A_243 = arith.constant 0 : i32
      %scan3A_244 = arith.constant 0 : i32
      %scan3A_245 = arith.constant 0 : i32
      %scan3A_246 = arith.constant 32 : i32
      %scan3A_247 = arith.addi %scan3A_245, %scan3A_246 : i32
      %scan3A_248 = arith.constant 1 : i32
      %scan3A_249 = scf.for %scan3A_513 = %scan3A_245 to %scan3A_247 step %scan3A_248 iter_args(%scan3A_514 = %scan3A_244) -> (i32)  : i32 {
        %mul3A_515 = arith.constant 16 : i32
        %mul3A_516 = arith.muli %scan3A_513, %mul3A_515 : i32
        %get3A = arith.constant 4 : i32
        %get3A_517 = arith.constant 0 : i32
        %get3A_518 = arith.constant 0 : i32
        %get3A_519 = arith.constant 0 : i32
        %get3A_520 = arith.constant 0 : i32
        %get3A_521 = tpu.memref_slice %arg6[%scan3A_240, %get3A_518, %get3A_519, %get3A_520] : memref<2x8x8x512xf32, #tpu.memory_space<vmem>> -> memref<1x8x8x512xf32, #tpu.memory_space<vmem>>
        %get3A_522 = tpu.memref_squeeze %get3A_521 : memref<1x8x8x512xf32, #tpu.memory_space<vmem>> -> memref<8x8x512xf32, #tpu.memory_space<vmem>>
        %get3A_523 = arith.index_cast %get3A : i32 to index
        %get3A_524 = arith.index_cast %get3A_517 : i32 to index
        %get3A_525 = arith.index_cast %mul3A_516 : i32 to index
        %get3A_526 = tpu.vector_load %get3A_522[%get3A_523, %get3A_524, %get3A_525] {strides = array<i32>} : memref<8x8x512xf32, #tpu.memory_space<vmem>>, vector<16xf32>,
        %abs3A = math.absf %get3A_526 : vector<16xf32>
        %broadcast_in_dim3A = arith.constant 0 : i32
        %broadcast_in_dim3A_527 = vector.broadcast %broadcast_in_dim3A : i32 to vector<16xi32>
        %get3A_528 = arith.constant 4 : i32
        %get3A_529 = arith.constant 1 : i32
        %get3A_530 = arith.constant 0 : i32
        %get3A_531 = arith.constant 0 : i32
        %get3A_532 = arith.constant 0 : i32
        %get3A_533 = tpu.memref_slice %arg6[%scan3A_240, %get3A_530, %get3A_531, %get3A_532] : memref<2x8x8x512xf32, #tpu.memory_space<vmem>> -> memref<1x8x8x512xf32, #tpu.memory_space<vmem>>
        %get3A_534 = tpu.memref_squeeze %get3A_533 : memref<1x8x8x512xf32, #tpu.memory_space<vmem>> -> memref<8x8x512xf32, #tpu.memory_space<vmem>>
        %get3A_535 = arith.index_cast %get3A_528 : i32 to index
        %get3A_536 = arith.index_cast %get3A_529 : i32 to index
        %get3A_537 = arith.index_cast %mul3A_516 : i32 to index
        %get3A_538 = tpu.vector_load %get3A_534[%get3A_535, %get3A_536, %get3A_537] {strides = array<i32>} : memref<8x8x512xf32, #tpu.memory_space<vmem>>, vector<16xf32>,
        %abs3A_539 = math.absf %get3A_538 : vector<16xf32>
        %gt3A = arith.cmpf ogt, %abs3A_539, %abs3A : vector<16xf32>
        %select_n3A_540 = arith.select %gt3A, %abs3A_539, %abs3A : vector<16xi1>, vector<16xf32>
        %select_n3A_541 = arith.select %gt3A, %get3A_538, %get3A_526 : vector<16xi1>, vector<16xf32>
        %jit3A_542 = arith.constant 1 : i32
        %broadcast_in_dim3A_543 = vector.broadcast %jit3A_542 : i32 to vector<16xi32>
        %select_n3A_544 = arith.select %gt3A, %broadcast_in_dim3A_543, %broadcast_in_dim3A_527 : vector<16xi1>, vector<16xi32>
        %get3A_545 = arith.constant 4 : i32
        %get3A_546 = arith.constant 2 : i32
        %get3A_547 = arith.constant 0 : i32
        %get3A_548 = arith.constant 0 : i32
        %get3A_549 = arith.constant 0 : i32
        %get3A_550 = tpu.memref_slice %arg6[%scan3A_240, %get3A_547, %get3A_548, %get3A_549] : memref<2x8x8x512xf32, #tpu.memory_space<vmem>> -> memref<1x8x8x512xf32, #tpu.memory_space<vmem>>
        %get3A_551 = tpu.memref_squeeze %get3A_550 : memref<1x8x8x512xf32, #tpu.memory_space<vmem>> -> memref<8x8x512xf32, #tpu.memory_space<vmem>>
        %get3A_552 = arith.index_cast %get3A_545 : i32 to index
        %get3A_553 = arith.index_cast %get3A_546 : i32 to index
        %get3A_554 = arith.index_cast %mul3A_516 : i32 to index
        %get3A_555 = tpu.vector_load %get3A_551[%get3A_552, %get3A_553, %get3A_554] {strides = array<i32>} : memref<8x8x512xf32, #tpu.memory_space<vmem>>, vector<16xf32>,
        %abs3A_556 = math.absf %get3A_555 : vector<16xf32>
        %gt3A_557 = arith.cmpf ogt, %abs3A_556, %select_n3A_540 : vector<16xf32>
        %select_n3A_558 = arith.select %gt3A_557, %abs3A_556, %select_n3A_540 : vector<16xi1>, vector<16xf32>
        %select_n3A_559 = arith.select %gt3A_557, %get3A_555, %select_n3A_541 : vector<16xi1>, vector<16xf32>
        %jit3A_560 = arith.constant 2 : i32
        %broadcast_in_dim3A_561 = vector.broadcast %jit3A_560 : i32 to vector<16xi32>
        %select_n3A_562 = arith.select %gt3A_557, %broadcast_in_dim3A_561, %select_n3A_544 : vector<16xi1>, vector<16xi32>
        %get3A_563 = arith.constant 4 : i32
        %get3A_564 = arith.constant 3 : i32
        %get3A_565 = arith.constant 0 : i32
        %get3A_566 = arith.constant 0 : i32
        %get3A_567 = arith.constant 0 : i32
        %get3A_568 = tpu.memref_slice %arg6[%scan3A_240, %get3A_565, %get3A_566, %get3A_567] : memref<2x8x8x512xf32, #tpu.memory_space<vmem>> -> memref<1x8x8x512xf32, #tpu.memory_space<vmem>>
        %get3A_569 = tpu.memref_squeeze %get3A_568 : memref<1x8x8x512xf32, #tpu.memory_space<vmem>> -> memref<8x8x512xf32, #tpu.memory_space<vmem>>
        %get3A_570 = arith.index_cast %get3A_563 : i32 to index
        %get3A_571 = arith.index_cast %get3A_564 : i32 to index
        %get3A_572 = arith.index_cast %mul3A_516 : i32 to index
        %get3A_573 = tpu.vector_load %get3A_569[%get3A_570, %get3A_571, %get3A_572] {strides = array<i32>} : memref<8x8x512xf32, #tpu.memory_space<vmem>>, vector<16xf32>,
        %abs3A_574 = math.absf %get3A_573 : vector<16xf32>
        %gt3A_575 = arith.cmpf ogt, %abs3A_574, %select_n3A_558 : vector<16xf32>
        %select_n3A_576 = arith.select %gt3A_575, %abs3A_574, %select_n3A_558 : vector<16xi1>, vector<16xf32>
        %select_n3A_577 = arith.select %gt3A_575, %get3A_573, %select_n3A_559 : vector<16xi1>, vector<16xf32>
        %jit3A_578 = arith.constant 3 : i32
        %broadcast_in_dim3A_579 = vector.broadcast %jit3A_578 : i32 to vector<16xi32>
        %select_n3A_580 = arith.select %gt3A_575, %broadcast_in_dim3A_579, %select_n3A_562 : vector<16xi1>, vector<16xi32>
        %get3A_581 = arith.constant 4 : i32
        %get3A_582 = arith.constant 4 : i32
        %get3A_583 = arith.constant 0 : i32
        %get3A_584 = arith.constant 0 : i32
        %get3A_585 = arith.constant 0 : i32
        %get3A_586 = tpu.memref_slice %arg6[%scan3A_240, %get3A_583, %get3A_584, %get3A_585] : memref<2x8x8x512xf32, #tpu.memory_space<vmem>> -> memref<1x8x8x512xf32, #tpu.memory_space<vmem>>
        %get3A_587 = tpu.memref_squeeze %get3A_586 : memref<1x8x8x512xf32, #tpu.memory_space<vmem>> -> memref<8x8x512xf32, #tpu.memory_space<vmem>>
        %get3A_588 = arith.index_cast %get3A_581 : i32 to index
        %get3A_589 = arith.index_cast %get3A_582 : i32 to index
        %get3A_590 = arith.index_cast %mul3A_516 : i32 to index
        %get3A_591 = tpu.vector_load %get3A_587[%get3A_588, %get3A_589, %get3A_590] {strides = array<i32>} : memref<8x8x512xf32, #tpu.memory_space<vmem>>, vector<16xf32>,
        %abs3A_592 = math.absf %get3A_591 : vector<16xf32>
        %gt3A_593 = arith.cmpf ogt, %abs3A_592, %select_n3A_576 : vector<16xf32>
        %select_n3A_594 = arith.select %gt3A_593, %abs3A_592, %select_n3A_576 : vector<16xi1>, vector<16xf32>
        %select_n3A_595 = arith.select %gt3A_593, %get3A_591, %select_n3A_577 : vector<16xi1>, vector<16xf32>
        %jit3A_596 = arith.constant 4 : i32
        %broadcast_in_dim3A_597 = vector.broadcast %jit3A_596 : i32 to vector<16xi32>
        %select_n3A_598 = arith.select %gt3A_593, %broadcast_in_dim3A_597, %select_n3A_580 : vector<16xi1>, vector<16xi32>
        %get3A_599 = arith.constant 4 : i32
        %get3A_600 = arith.constant 5 : i32
        %get3A_601 = arith.constant 0 : i32
        %get3A_602 = arith.constant 0 : i32
        %get3A_603 = arith.constant 0 : i32
        %get3A_604 = tpu.memref_slice %arg6[%scan3A_240, %get3A_601, %get3A_602, %get3A_603] : memref<2x8x8x512xf32, #tpu.memory_space<vmem>> -> memref<1x8x8x512xf32, #tpu.memory_space<vmem>>
        %get3A_605 = tpu.memref_squeeze %get3A_604 : memref<1x8x8x512xf32, #tpu.memory_space<vmem>> -> memref<8x8x512xf32, #tpu.memory_space<vmem>>
        %get3A_606 = arith.index_cast %get3A_599 : i32 to index
        %get3A_607 = arith.index_cast %get3A_600 : i32 to index
        %get3A_608 = arith.index_cast %mul3A_516 : i32 to index
        %get3A_609 = tpu.vector_load %get3A_605[%get3A_606, %get3A_607, %get3A_608] {strides = array<i32>} : memref<8x8x512xf32, #tpu.memory_space<vmem>>, vector<16xf32>,
        %abs3A_610 = math.absf %get3A_609 : vector<16xf32>
        %gt3A_611 = arith.cmpf ogt, %abs3A_610, %select_n3A_594 : vector<16xf32>
        %select_n3A_612 = arith.select %gt3A_611, %abs3A_610, %select_n3A_594 : vector<16xi1>, vector<16xf32>
        %select_n3A_613 = arith.select %gt3A_611, %get3A_609, %select_n3A_595 : vector<16xi1>, vector<16xf32>
        %jit3A_614 = arith.constant 5 : i32
        %broadcast_in_dim3A_615 = vector.broadcast %jit3A_614 : i32 to vector<16xi32>
        %select_n3A_616 = arith.select %gt3A_611, %broadcast_in_dim3A_615, %select_n3A_598 : vector<16xi1>, vector<16xi32>
        %get3A_617 = arith.constant 4 : i32
        %get3A_618 = arith.constant 6 : i32
        %get3A_619 = arith.constant 0 : i32
        %get3A_620 = arith.constant 0 : i32
        %get3A_621 = arith.constant 0 : i32
        %get3A_622 = tpu.memref_slice %arg6[%scan3A_240, %get3A_619, %get3A_620, %get3A_621] : memref<2x8x8x512xf32, #tpu.memory_space<vmem>> -> memref<1x8x8x512xf32, #tpu.memory_space<vmem>>
        %get3A_623 = tpu.memref_squeeze %get3A_622 : memref<1x8x8x512xf32, #tpu.memory_space<vmem>> -> memref<8x8x512xf32, #tpu.memory_space<vmem>>
        %get3A_624 = arith.index_cast %get3A_617 : i32 to index
        %get3A_625 = arith.index_cast %get3A_618 : i32 to index
        %get3A_626 = arith.index_cast %mul3A_516 : i32 to index
        %get3A_627 = tpu.vector_load %get3A_623[%get3A_624, %get3A_625, %get3A_626] {strides = array<i32>} : memref<8x8x512xf32, #tpu.memory_space<vmem>>, vector<16xf32>,
        %abs3A_628 = math.absf %get3A_627 : vector<16xf32>
        %gt3A_629 = arith.cmpf ogt, %abs3A_628, %select_n3A_612 : vector<16xf32>
        %select_n3A_630 = arith.select %gt3A_629, %abs3A_628, %select_n3A_612 : vector<16xi1>, vector<16xf32>
        %select_n3A_631 = arith.select %gt3A_629, %get3A_627, %select_n3A_613 : vector<16xi1>, vector<16xf32>
        %jit3A_632 = arith.constant 6 : i32
        %broadcast_in_dim3A_633 = vector.broadcast %jit3A_632 : i32 to vector<16xi32>
        %select_n3A_634 = arith.select %gt3A_629, %broadcast_in_dim3A_633, %select_n3A_616 : vector<16xi1>, vector<16xi32>
        %get3A_635 = arith.constant 4 : i32
        %get3A_636 = arith.constant 7 : i32
        %get3A_637 = arith.constant 0 : i32
        %get3A_638 = arith.constant 0 : i32
        %get3A_639 = arith.constant 0 : i32
        %get3A_640 = tpu.memref_slice %arg6[%scan3A_240, %get3A_637, %get3A_638, %get3A_639] : memref<2x8x8x512xf32, #tpu.memory_space<vmem>> -> memref<1x8x8x512xf32, #tpu.memory_space<vmem>>
        %get3A_641 = tpu.memref_squeeze %get3A_640 : memref<1x8x8x512xf32, #tpu.memory_space<vmem>> -> memref<8x8x512xf32, #tpu.memory_space<vmem>>
        %get3A_642 = arith.index_cast %get3A_635 : i32 to index
        %get3A_643 = arith.index_cast %get3A_636 : i32 to index
        %get3A_644 = arith.index_cast %mul3A_516 : i32 to index
        %get3A_645 = tpu.vector_load %get3A_641[%get3A_642, %get3A_643, %get3A_644] {strides = array<i32>} : memref<8x8x512xf32, #tpu.memory_space<vmem>>, vector<16xf32>,
        %abs3A_646 = math.absf %get3A_645 : vector<16xf32>
        %gt3A_647 = arith.cmpf ogt, %abs3A_646, %select_n3A_630 : vector<16xf32>
        %select_n3A_648 = arith.select %gt3A_647, %abs3A_646, %select_n3A_630 : vector<16xi1>, vector<16xf32>
        %select_n3A_649 = arith.select %gt3A_647, %get3A_645, %select_n3A_631 : vector<16xi1>, vector<16xf32>
        %jit3A_650 = arith.constant 7 : i32
        %broadcast_in_dim3A_651 = vector.broadcast %jit3A_650 : i32 to vector<16xi32>
        %select_n3A_652 = arith.select %gt3A_647, %broadcast_in_dim3A_651, %select_n3A_634 : vector<16xi1>, vector<16xi32>
        %neg3A = arith.constant 0.000000e+00 : f32
        %neg3A_653 = vector.broadcast %neg3A : f32 to vector<16xf32>
        %neg3A_654 = arith.subf %neg3A_653, %select_n3A_649 : vector<16xf32>
        %exp3A = math.exp %neg3A_654 : vector<16xf32>
        %add3A_655 = arith.constant 1.000000e+00 : f32
        %add3A_656 = vector.broadcast %add3A_655 : f32 to vector<16xf32>
        %add3A_657 = arith.addf %add3A_656, %exp3A : vector<16xf32>
        %div3A_658 = arith.constant 1.000000e+00 : f32
        %div3A_659 = vector.broadcast %div3A_658 : f32 to vector<16xf32>
        %div3A_660 = arith.divf %div3A_659, %add3A_657 : vector<16xf32>
        %get3A_661 = arith.constant 4 : i32
        %get3A_662 = arith.constant 0 : i32
        %get3A_663 = arith.constant 0 : i32
        %get3A_664 = tpu.memref_slice %arg7[%scan3A_241, %get3A_662, %get3A_663] : memref<2x8x512xf32, #tpu.memory_space<vmem>> -> memref<1x8x512xf32, #tpu.memory_space<vmem>>
        %get3A_665 = tpu.memref_squeeze %get3A_664 : memref<1x8x512xf32, #tpu.memory_space<vmem>> -> memref<8x512xf32, #tpu.memory_space<vmem>>
        %get3A_666 = arith.index_cast %get3A_661 : i32 to index
        %get3A_667 = arith.index_cast %mul3A_516 : i32 to index
        %get3A_668 = tpu.vector_load %get3A_665[%get3A_666, %get3A_667] {strides = array<i32>} : memref<8x512xf32, #tpu.memory_space<vmem>>, vector<16xf32>,
        %mul3A_669 = arith.mulf %get3A_668, %div3A_660 : vector<16xf32>
        %swap3A = arith.constant 4 : i32
        %swap3A_670 = arith.constant 0 : i32
        %swap3A_671 = arith.constant 0 : i32
        %swap3A_672 = tpu.memref_slice %arg8[%scan3A_242, %swap3A_670, %swap3A_671] : memref<2x8x512xf32, #tpu.memory_space<vmem>> -> memref<1x8x512xf32, #tpu.memory_space<vmem>>
        %swap3A_673 = tpu.memref_squeeze %swap3A_672 : memref<1x8x512xf32, #tpu.memory_space<vmem>> -> memref<8x512xf32, #tpu.memory_space<vmem>>
        %swap3A_674 = arith.index_cast %swap3A : i32 to index
        %swap3A_675 = arith.index_cast %mul3A_516 : i32 to index
        %swap3A_676 = tpu.vector_load %swap3A_673[%swap3A_674, %swap3A_675] {strides = array<i32>} : memref<8x512xf32, #tpu.memory_space<vmem>>, vector<16xf32>,
        tpu.vector_store %swap3A_673[%swap3A_674, %swap3A_675], %mul3A_669 {strides = array<i32>} : memref<8x512xf32, #tpu.memory_space<vmem>>, vector<16xf32>,
        %swap3A_677 = arith.constant 4 : i32
        %swap3A_678 = arith.constant 0 : i32
        %swap3A_679 = arith.constant 0 : i32
        %swap3A_680 = tpu.memref_slice %arg9[%scan3A_243, %swap3A_678, %swap3A_679] : memref<2x8x512xi32, #tpu.memory_space<vmem>> -> memref<1x8x512xi32, #tpu.memory_space<vmem>>
        %swap3A_681 = tpu.memref_squeeze %swap3A_680 : memref<1x8x512xi32, #tpu.memory_space<vmem>> -> memref<8x512xi32, #tpu.memory_space<vmem>>
        %swap3A_682 = arith.index_cast %swap3A_677 : i32 to index
        %swap3A_683 = arith.index_cast %mul3A_516 : i32 to index
        %swap3A_684 = tpu.vector_load %swap3A_681[%swap3A_682, %swap3A_683] {strides = array<i32>} : memref<8x512xi32, #tpu.memory_space<vmem>>, vector<16xi32>,
        tpu.vector_store %swap3A_681[%swap3A_682, %swap3A_683], %select_n3A_652 {strides = array<i32>} : memref<8x512xi32, #tpu.memory_space<vmem>>, vector<16xi32>,
        %scan3A_685 = arith.constant 0 : i32
        scf.yield %scan3A_685 : i32
      }
      %scan3A_250 = arith.constant 32 : i32
      %scan3A_251 = arith.constant 0 : i32
      %scan3A_252 = arith.constant 0 : i32
      %scan3A_253 = arith.constant 0 : i32
      %scan3A_254 = arith.constant 0 : i32
      %scan3A_255 = arith.constant 0 : i32
      %scan3A_256 = arith.constant 0 : i32
      %scan3A_257 = arith.constant 32 : i32
      %scan3A_258 = arith.addi %scan3A_256, %scan3A_257 : i32
      %scan3A_259 = arith.constant 1 : i32
      %scan3A_260 = scf.for %scan3A_513 = %scan3A_256 to %scan3A_258 step %scan3A_259 iter_args(%scan3A_514 = %scan3A_255) -> (i32)  : i32 {
        %mul3A_515 = arith.constant 16 : i32
        %mul3A_516 = arith.muli %scan3A_513, %mul3A_515 : i32
        %get3A = arith.constant 5 : i32
        %get3A_517 = arith.constant 0 : i32
        %get3A_518 = arith.constant 0 : i32
        %get3A_519 = arith.constant 0 : i32
        %get3A_520 = arith.constant 0 : i32
        %get3A_521 = tpu.memref_slice %arg6[%scan3A_251, %get3A_518, %get3A_519, %get3A_520] : memref<2x8x8x512xf32, #tpu.memory_space<vmem>> -> memref<1x8x8x512xf32, #tpu.memory_space<vmem>>
        %get3A_522 = tpu.memref_squeeze %get3A_521 : memref<1x8x8x512xf32, #tpu.memory_space<vmem>> -> memref<8x8x512xf32, #tpu.memory_space<vmem>>
        %get3A_523 = arith.index_cast %get3A : i32 to index
        %get3A_524 = arith.index_cast %get3A_517 : i32 to index
        %get3A_525 = arith.index_cast %mul3A_516 : i32 to index
        %get3A_526 = tpu.vector_load %get3A_522[%get3A_523, %get3A_524, %get3A_525] {strides = array<i32>} : memref<8x8x512xf32, #tpu.memory_space<vmem>>, vector<16xf32>,
        %abs3A = math.absf %get3A_526 : vector<16xf32>
        %broadcast_in_dim3A = arith.constant 0 : i32
        %broadcast_in_dim3A_527 = vector.broadcast %broadcast_in_dim3A : i32 to vector<16xi32>
        %get3A_528 = arith.constant 5 : i32
        %get3A_529 = arith.constant 1 : i32
        %get3A_530 = arith.constant 0 : i32
        %get3A_531 = arith.constant 0 : i32
        %get3A_532 = arith.constant 0 : i32
        %get3A_533 = tpu.memref_slice %arg6[%scan3A_251, %get3A_530, %get3A_531, %get3A_532] : memref<2x8x8x512xf32, #tpu.memory_space<vmem>> -> memref<1x8x8x512xf32, #tpu.memory_space<vmem>>
        %get3A_534 = tpu.memref_squeeze %get3A_533 : memref<1x8x8x512xf32, #tpu.memory_space<vmem>> -> memref<8x8x512xf32, #tpu.memory_space<vmem>>
        %get3A_535 = arith.index_cast %get3A_528 : i32 to index
        %get3A_536 = arith.index_cast %get3A_529 : i32 to index
        %get3A_537 = arith.index_cast %mul3A_516 : i32 to index
        %get3A_538 = tpu.vector_load %get3A_534[%get3A_535, %get3A_536, %get3A_537] {strides = array<i32>} : memref<8x8x512xf32, #tpu.memory_space<vmem>>, vector<16xf32>,
        %abs3A_539 = math.absf %get3A_538 : vector<16xf32>
        %gt3A = arith.cmpf ogt, %abs3A_539, %abs3A : vector<16xf32>
        %select_n3A_540 = arith.select %gt3A, %abs3A_539, %abs3A : vector<16xi1>, vector<16xf32>
        %select_n3A_541 = arith.select %gt3A, %get3A_538, %get3A_526 : vector<16xi1>, vector<16xf32>
        %jit3A_542 = arith.constant 1 : i32
        %broadcast_in_dim3A_543 = vector.broadcast %jit3A_542 : i32 to vector<16xi32>
        %select_n3A_544 = arith.select %gt3A, %broadcast_in_dim3A_543, %broadcast_in_dim3A_527 : vector<16xi1>, vector<16xi32>
        %get3A_545 = arith.constant 5 : i32
        %get3A_546 = arith.constant 2 : i32
        %get3A_547 = arith.constant 0 : i32
        %get3A_548 = arith.constant 0 : i32
        %get3A_549 = arith.constant 0 : i32
        %get3A_550 = tpu.memref_slice %arg6[%scan3A_251, %get3A_547, %get3A_548, %get3A_549] : memref<2x8x8x512xf32, #tpu.memory_space<vmem>> -> memref<1x8x8x512xf32, #tpu.memory_space<vmem>>
        %get3A_551 = tpu.memref_squeeze %get3A_550 : memref<1x8x8x512xf32, #tpu.memory_space<vmem>> -> memref<8x8x512xf32, #tpu.memory_space<vmem>>
        %get3A_552 = arith.index_cast %get3A_545 : i32 to index
        %get3A_553 = arith.index_cast %get3A_546 : i32 to index
        %get3A_554 = arith.index_cast %mul3A_516 : i32 to index
        %get3A_555 = tpu.vector_load %get3A_551[%get3A_552, %get3A_553, %get3A_554] {strides = array<i32>} : memref<8x8x512xf32, #tpu.memory_space<vmem>>, vector<16xf32>,
        %abs3A_556 = math.absf %get3A_555 : vector<16xf32>
        %gt3A_557 = arith.cmpf ogt, %abs3A_556, %select_n3A_540 : vector<16xf32>
        %select_n3A_558 = arith.select %gt3A_557, %abs3A_556, %select_n3A_540 : vector<16xi1>, vector<16xf32>
        %select_n3A_559 = arith.select %gt3A_557, %get3A_555, %select_n3A_541 : vector<16xi1>, vector<16xf32>
        %jit3A_560 = arith.constant 2 : i32
        %broadcast_in_dim3A_561 = vector.broadcast %jit3A_560 : i32 to vector<16xi32>
        %select_n3A_562 = arith.select %gt3A_557, %broadcast_in_dim3A_561, %select_n3A_544 : vector<16xi1>, vector<16xi32>
        %get3A_563 = arith.constant 5 : i32
        %get3A_564 = arith.constant 3 : i32
        %get3A_565 = arith.constant 0 : i32
        %get3A_566 = arith.constant 0 : i32
        %get3A_567 = arith.constant 0 : i32
        %get3A_568 = tpu.memref_slice %arg6[%scan3A_251, %get3A_565, %get3A_566, %get3A_567] : memref<2x8x8x512xf32, #tpu.memory_space<vmem>> -> memref<1x8x8x512xf32, #tpu.memory_space<vmem>>
        %get3A_569 = tpu.memref_squeeze %get3A_568 : memref<1x8x8x512xf32, #tpu.memory_space<vmem>> -> memref<8x8x512xf32, #tpu.memory_space<vmem>>
        %get3A_570 = arith.index_cast %get3A_563 : i32 to index
        %get3A_571 = arith.index_cast %get3A_564 : i32 to index
        %get3A_572 = arith.index_cast %mul3A_516 : i32 to index
        %get3A_573 = tpu.vector_load %get3A_569[%get3A_570, %get3A_571, %get3A_572] {strides = array<i32>} : memref<8x8x512xf32, #tpu.memory_space<vmem>>, vector<16xf32>,
        %abs3A_574 = math.absf %get3A_573 : vector<16xf32>
        %gt3A_575 = arith.cmpf ogt, %abs3A_574, %select_n3A_558 : vector<16xf32>
        %select_n3A_576 = arith.select %gt3A_575, %abs3A_574, %select_n3A_558 : vector<16xi1>, vector<16xf32>
        %select_n3A_577 = arith.select %gt3A_575, %get3A_573, %select_n3A_559 : vector<16xi1>, vector<16xf32>
        %jit3A_578 = arith.constant 3 : i32
        %broadcast_in_dim3A_579 = vector.broadcast %jit3A_578 : i32 to vector<16xi32>
        %select_n3A_580 = arith.select %gt3A_575, %broadcast_in_dim3A_579, %select_n3A_562 : vector<16xi1>, vector<16xi32>
        %get3A_581 = arith.constant 5 : i32
        %get3A_582 = arith.constant 4 : i32
        %get3A_583 = arith.constant 0 : i32
        %get3A_584 = arith.constant 0 : i32
        %get3A_585 = arith.constant 0 : i32
        %get3A_586 = tpu.memref_slice %arg6[%scan3A_251, %get3A_583, %get3A_584, %get3A_585] : memref<2x8x8x512xf32, #tpu.memory_space<vmem>> -> memref<1x8x8x512xf32, #tpu.memory_space<vmem>>
        %get3A_587 = tpu.memref_squeeze %get3A_586 : memref<1x8x8x512xf32, #tpu.memory_space<vmem>> -> memref<8x8x512xf32, #tpu.memory_space<vmem>>
        %get3A_588 = arith.index_cast %get3A_581 : i32 to index
        %get3A_589 = arith.index_cast %get3A_582 : i32 to index
        %get3A_590 = arith.index_cast %mul3A_516 : i32 to index
        %get3A_591 = tpu.vector_load %get3A_587[%get3A_588, %get3A_589, %get3A_590] {strides = array<i32>} : memref<8x8x512xf32, #tpu.memory_space<vmem>>, vector<16xf32>,
        %abs3A_592 = math.absf %get3A_591 : vector<16xf32>
        %gt3A_593 = arith.cmpf ogt, %abs3A_592, %select_n3A_576 : vector<16xf32>
        %select_n3A_594 = arith.select %gt3A_593, %abs3A_592, %select_n3A_576 : vector<16xi1>, vector<16xf32>
        %select_n3A_595 = arith.select %gt3A_593, %get3A_591, %select_n3A_577 : vector<16xi1>, vector<16xf32>
        %jit3A_596 = arith.constant 4 : i32
        %broadcast_in_dim3A_597 = vector.broadcast %jit3A_596 : i32 to vector<16xi32>
        %select_n3A_598 = arith.select %gt3A_593, %broadcast_in_dim3A_597, %select_n3A_580 : vector<16xi1>, vector<16xi32>
        %get3A_599 = arith.constant 5 : i32
        %get3A_600 = arith.constant 5 : i32
        %get3A_601 = arith.constant 0 : i32
        %get3A_602 = arith.constant 0 : i32
        %get3A_603 = arith.constant 0 : i32
        %get3A_604 = tpu.memref_slice %arg6[%scan3A_251, %get3A_601, %get3A_602, %get3A_603] : memref<2x8x8x512xf32, #tpu.memory_space<vmem>> -> memref<1x8x8x512xf32, #tpu.memory_space<vmem>>
        %get3A_605 = tpu.memref_squeeze %get3A_604 : memref<1x8x8x512xf32, #tpu.memory_space<vmem>> -> memref<8x8x512xf32, #tpu.memory_space<vmem>>
        %get3A_606 = arith.index_cast %get3A_599 : i32 to index
        %get3A_607 = arith.index_cast %get3A_600 : i32 to index
        %get3A_608 = arith.index_cast %mul3A_516 : i32 to index
        %get3A_609 = tpu.vector_load %get3A_605[%get3A_606, %get3A_607, %get3A_608] {strides = array<i32>} : memref<8x8x512xf32, #tpu.memory_space<vmem>>, vector<16xf32>,
        %abs3A_610 = math.absf %get3A_609 : vector<16xf32>
        %gt3A_611 = arith.cmpf ogt, %abs3A_610, %select_n3A_594 : vector<16xf32>
        %select_n3A_612 = arith.select %gt3A_611, %abs3A_610, %select_n3A_594 : vector<16xi1>, vector<16xf32>
        %select_n3A_613 = arith.select %gt3A_611, %get3A_609, %select_n3A_595 : vector<16xi1>, vector<16xf32>
        %jit3A_614 = arith.constant 5 : i32
        %broadcast_in_dim3A_615 = vector.broadcast %jit3A_614 : i32 to vector<16xi32>
        %select_n3A_616 = arith.select %gt3A_611, %broadcast_in_dim3A_615, %select_n3A_598 : vector<16xi1>, vector<16xi32>
        %get3A_617 = arith.constant 5 : i32
        %get3A_618 = arith.constant 6 : i32
        %get3A_619 = arith.constant 0 : i32
        %get3A_620 = arith.constant 0 : i32
        %get3A_621 = arith.constant 0 : i32
        %get3A_622 = tpu.memref_slice %arg6[%scan3A_251, %get3A_619, %get3A_620, %get3A_621] : memref<2x8x8x512xf32, #tpu.memory_space<vmem>> -> memref<1x8x8x512xf32, #tpu.memory_space<vmem>>
        %get3A_623 = tpu.memref_squeeze %get3A_622 : memref<1x8x8x512xf32, #tpu.memory_space<vmem>> -> memref<8x8x512xf32, #tpu.memory_space<vmem>>
        %get3A_624 = arith.index_cast %get3A_617 : i32 to index
        %get3A_625 = arith.index_cast %get3A_618 : i32 to index
        %get3A_626 = arith.index_cast %mul3A_516 : i32 to index
        %get3A_627 = tpu.vector_load %get3A_623[%get3A_624, %get3A_625, %get3A_626] {strides = array<i32>} : memref<8x8x512xf32, #tpu.memory_space<vmem>>, vector<16xf32>,
        %abs3A_628 = math.absf %get3A_627 : vector<16xf32>
        %gt3A_629 = arith.cmpf ogt, %abs3A_628, %select_n3A_612 : vector<16xf32>
        %select_n3A_630 = arith.select %gt3A_629, %abs3A_628, %select_n3A_612 : vector<16xi1>, vector<16xf32>
        %select_n3A_631 = arith.select %gt3A_629, %get3A_627, %select_n3A_613 : vector<16xi1>, vector<16xf32>
        %jit3A_632 = arith.constant 6 : i32
        %broadcast_in_dim3A_633 = vector.broadcast %jit3A_632 : i32 to vector<16xi32>
        %select_n3A_634 = arith.select %gt3A_629, %broadcast_in_dim3A_633, %select_n3A_616 : vector<16xi1>, vector<16xi32>
        %get3A_635 = arith.constant 5 : i32
        %get3A_636 = arith.constant 7 : i32
        %get3A_637 = arith.constant 0 : i32
        %get3A_638 = arith.constant 0 : i32
        %get3A_639 = arith.constant 0 : i32
        %get3A_640 = tpu.memref_slice %arg6[%scan3A_251, %get3A_637, %get3A_638, %get3A_639] : memref<2x8x8x512xf32, #tpu.memory_space<vmem>> -> memref<1x8x8x512xf32, #tpu.memory_space<vmem>>
        %get3A_641 = tpu.memref_squeeze %get3A_640 : memref<1x8x8x512xf32, #tpu.memory_space<vmem>> -> memref<8x8x512xf32, #tpu.memory_space<vmem>>
        %get3A_642 = arith.index_cast %get3A_635 : i32 to index
        %get3A_643 = arith.index_cast %get3A_636 : i32 to index
        %get3A_644 = arith.index_cast %mul3A_516 : i32 to index
        %get3A_645 = tpu.vector_load %get3A_641[%get3A_642, %get3A_643, %get3A_644] {strides = array<i32>} : memref<8x8x512xf32, #tpu.memory_space<vmem>>, vector<16xf32>,
        %abs3A_646 = math.absf %get3A_645 : vector<16xf32>
        %gt3A_647 = arith.cmpf ogt, %abs3A_646, %select_n3A_630 : vector<16xf32>
        %select_n3A_648 = arith.select %gt3A_647, %abs3A_646, %select_n3A_630 : vector<16xi1>, vector<16xf32>
        %select_n3A_649 = arith.select %gt3A_647, %get3A_645, %select_n3A_631 : vector<16xi1>, vector<16xf32>
        %jit3A_650 = arith.constant 7 : i32
        %broadcast_in_dim3A_651 = vector.broadcast %jit3A_650 : i32 to vector<16xi32>
        %select_n3A_652 = arith.select %gt3A_647, %broadcast_in_dim3A_651, %select_n3A_634 : vector<16xi1>, vector<16xi32>
        %neg3A = arith.constant 0.000000e+00 : f32
        %neg3A_653 = vector.broadcast %neg3A : f32 to vector<16xf32>
        %neg3A_654 = arith.subf %neg3A_653, %select_n3A_649 : vector<16xf32>
        %exp3A = math.exp %neg3A_654 : vector<16xf32>
        %add3A_655 = arith.constant 1.000000e+00 : f32
        %add3A_656 = vector.broadcast %add3A_655 : f32 to vector<16xf32>
        %add3A_657 = arith.addf %add3A_656, %exp3A : vector<16xf32>
        %div3A_658 = arith.constant 1.000000e+00 : f32
        %div3A_659 = vector.broadcast %div3A_658 : f32 to vector<16xf32>
        %div3A_660 = arith.divf %div3A_659, %add3A_657 : vector<16xf32>
        %get3A_661 = arith.constant 5 : i32
        %get3A_662 = arith.constant 0 : i32
        %get3A_663 = arith.constant 0 : i32
        %get3A_664 = tpu.memref_slice %arg7[%scan3A_252, %get3A_662, %get3A_663] : memref<2x8x512xf32, #tpu.memory_space<vmem>> -> memref<1x8x512xf32, #tpu.memory_space<vmem>>
        %get3A_665 = tpu.memref_squeeze %get3A_664 : memref<1x8x512xf32, #tpu.memory_space<vmem>> -> memref<8x512xf32, #tpu.memory_space<vmem>>
        %get3A_666 = arith.index_cast %get3A_661 : i32 to index
        %get3A_667 = arith.index_cast %mul3A_516 : i32 to index
        %get3A_668 = tpu.vector_load %get3A_665[%get3A_666, %get3A_667] {strides = array<i32>} : memref<8x512xf32, #tpu.memory_space<vmem>>, vector<16xf32>,
        %mul3A_669 = arith.mulf %get3A_668, %div3A_660 : vector<16xf32>
        %swap3A = arith.constant 5 : i32
        %swap3A_670 = arith.constant 0 : i32
        %swap3A_671 = arith.constant 0 : i32
        %swap3A_672 = tpu.memref_slice %arg8[%scan3A_253, %swap3A_670, %swap3A_671] : memref<2x8x512xf32, #tpu.memory_space<vmem>> -> memref<1x8x512xf32, #tpu.memory_space<vmem>>
        %swap3A_673 = tpu.memref_squeeze %swap3A_672 : memref<1x8x512xf32, #tpu.memory_space<vmem>> -> memref<8x512xf32, #tpu.memory_space<vmem>>
        %swap3A_674 = arith.index_cast %swap3A : i32 to index
        %swap3A_675 = arith.index_cast %mul3A_516 : i32 to index
        %swap3A_676 = tpu.vector_load %swap3A_673[%swap3A_674, %swap3A_675] {strides = array<i32>} : memref<8x512xf32, #tpu.memory_space<vmem>>, vector<16xf32>,
        tpu.vector_store %swap3A_673[%swap3A_674, %swap3A_675], %mul3A_669 {strides = array<i32>} : memref<8x512xf32, #tpu.memory_space<vmem>>, vector<16xf32>,
        %swap3A_677 = arith.constant 5 : i32
        %swap3A_678 = arith.constant 0 : i32
        %swap3A_679 = arith.constant 0 : i32
        %swap3A_680 = tpu.memref_slice %arg9[%scan3A_254, %swap3A_678, %swap3A_679] : memref<2x8x512xi32, #tpu.memory_space<vmem>> -> memref<1x8x512xi32, #tpu.memory_space<vmem>>
        %swap3A_681 = tpu.memref_squeeze %swap3A_680 : memref<1x8x512xi32, #tpu.memory_space<vmem>> -> memref<8x512xi32, #tpu.memory_space<vmem>>
        %swap3A_682 = arith.index_cast %swap3A_677 : i32 to index
        %swap3A_683 = arith.index_cast %mul3A_516 : i32 to index
        %swap3A_684 = tpu.vector_load %swap3A_681[%swap3A_682, %swap3A_683] {strides = array<i32>} : memref<8x512xi32, #tpu.memory_space<vmem>>, vector<16xi32>,
        tpu.vector_store %swap3A_681[%swap3A_682, %swap3A_683], %select_n3A_652 {strides = array<i32>} : memref<8x512xi32, #tpu.memory_space<vmem>>, vector<16xi32>,
        %scan3A_685 = arith.constant 0 : i32
        scf.yield %scan3A_685 : i32
      }
      %scan3A_261 = arith.constant 32 : i32
      %scan3A_262 = arith.constant 0 : i32
      %scan3A_263 = arith.constant 0 : i32
      %scan3A_264 = arith.constant 0 : i32
      %scan3A_265 = arith.constant 0 : i32
      %scan3A_266 = arith.constant 0 : i32
      %scan3A_267 = arith.constant 0 : i32
      %scan3A_268 = arith.constant 32 : i32
      %scan3A_269 = arith.addi %scan3A_267, %scan3A_268 : i32
      %scan3A_270 = arith.constant 1 : i32
      %scan3A_271 = scf.for %scan3A_513 = %scan3A_267 to %scan3A_269 step %scan3A_270 iter_args(%scan3A_514 = %scan3A_266) -> (i32)  : i32 {
        %mul3A_515 = arith.constant 16 : i32
        %mul3A_516 = arith.muli %scan3A_513, %mul3A_515 : i32
        %get3A = arith.constant 6 : i32
        %get3A_517 = arith.constant 0 : i32
        %get3A_518 = arith.constant 0 : i32
        %get3A_519 = arith.constant 0 : i32
        %get3A_520 = arith.constant 0 : i32
        %get3A_521 = tpu.memref_slice %arg6[%scan3A_262, %get3A_518, %get3A_519, %get3A_520] : memref<2x8x8x512xf32, #tpu.memory_space<vmem>> -> memref<1x8x8x512xf32, #tpu.memory_space<vmem>>
        %get3A_522 = tpu.memref_squeeze %get3A_521 : memref<1x8x8x512xf32, #tpu.memory_space<vmem>> -> memref<8x8x512xf32, #tpu.memory_space<vmem>>
        %get3A_523 = arith.index_cast %get3A : i32 to index
        %get3A_524 = arith.index_cast %get3A_517 : i32 to index
        %get3A_525 = arith.index_cast %mul3A_516 : i32 to index
        %get3A_526 = tpu.vector_load %get3A_522[%get3A_523, %get3A_524, %get3A_525] {strides = array<i32>} : memref<8x8x512xf32, #tpu.memory_space<vmem>>, vector<16xf32>,
        %abs3A = math.absf %get3A_526 : vector<16xf32>
        %broadcast_in_dim3A = arith.constant 0 : i32
        %broadcast_in_dim3A_527 = vector.broadcast %broadcast_in_dim3A : i32 to vector<16xi32>
        %get3A_528 = arith.constant 6 : i32
        %get3A_529 = arith.constant 1 : i32
        %get3A_530 = arith.constant 0 : i32
        %get3A_531 = arith.constant 0 : i32
        %get3A_532 = arith.constant 0 : i32
        %get3A_533 = tpu.memref_slice %arg6[%scan3A_262, %get3A_530, %get3A_531, %get3A_532] : memref<2x8x8x512xf32, #tpu.memory_space<vmem>> -> memref<1x8x8x512xf32, #tpu.memory_space<vmem>>
        %get3A_534 = tpu.memref_squeeze %get3A_533 : memref<1x8x8x512xf32, #tpu.memory_space<vmem>> -> memref<8x8x512xf32, #tpu.memory_space<vmem>>
        %get3A_535 = arith.index_cast %get3A_528 : i32 to index
        %get3A_536 = arith.index_cast %get3A_529 : i32 to index
        %get3A_537 = arith.index_cast %mul3A_516 : i32 to index
        %get3A_538 = tpu.vector_load %get3A_534[%get3A_535, %get3A_536, %get3A_537] {strides = array<i32>} : memref<8x8x512xf32, #tpu.memory_space<vmem>>, vector<16xf32>,
        %abs3A_539 = math.absf %get3A_538 : vector<16xf32>
        %gt3A = arith.cmpf ogt, %abs3A_539, %abs3A : vector<16xf32>
        %select_n3A_540 = arith.select %gt3A, %abs3A_539, %abs3A : vector<16xi1>, vector<16xf32>
        %select_n3A_541 = arith.select %gt3A, %get3A_538, %get3A_526 : vector<16xi1>, vector<16xf32>
        %jit3A_542 = arith.constant 1 : i32
        %broadcast_in_dim3A_543 = vector.broadcast %jit3A_542 : i32 to vector<16xi32>
        %select_n3A_544 = arith.select %gt3A, %broadcast_in_dim3A_543, %broadcast_in_dim3A_527 : vector<16xi1>, vector<16xi32>
        %get3A_545 = arith.constant 6 : i32
        %get3A_546 = arith.constant 2 : i32
        %get3A_547 = arith.constant 0 : i32
        %get3A_548 = arith.constant 0 : i32
        %get3A_549 = arith.constant 0 : i32
        %get3A_550 = tpu.memref_slice %arg6[%scan3A_262, %get3A_547, %get3A_548, %get3A_549] : memref<2x8x8x512xf32, #tpu.memory_space<vmem>> -> memref<1x8x8x512xf32, #tpu.memory_space<vmem>>
        %get3A_551 = tpu.memref_squeeze %get3A_550 : memref<1x8x8x512xf32, #tpu.memory_space<vmem>> -> memref<8x8x512xf32, #tpu.memory_space<vmem>>
        %get3A_552 = arith.index_cast %get3A_545 : i32 to index
        %get3A_553 = arith.index_cast %get3A_546 : i32 to index
        %get3A_554 = arith.index_cast %mul3A_516 : i32 to index
        %get3A_555 = tpu.vector_load %get3A_551[%get3A_552, %get3A_553, %get3A_554] {strides = array<i32>} : memref<8x8x512xf32, #tpu.memory_space<vmem>>, vector<16xf32>,
        %abs3A_556 = math.absf %get3A_555 : vector<16xf32>
        %gt3A_557 = arith.cmpf ogt, %abs3A_556, %select_n3A_540 : vector<16xf32>
        %select_n3A_558 = arith.select %gt3A_557, %abs3A_556, %select_n3A_540 : vector<16xi1>, vector<16xf32>
        %select_n3A_559 = arith.select %gt3A_557, %get3A_555, %select_n3A_541 : vector<16xi1>, vector<16xf32>
        %jit3A_560 = arith.constant 2 : i32
        %broadcast_in_dim3A_561 = vector.broadcast %jit3A_560 : i32 to vector<16xi32>
        %select_n3A_562 = arith.select %gt3A_557, %broadcast_in_dim3A_561, %select_n3A_544 : vector<16xi1>, vector<16xi32>
        %get3A_563 = arith.constant 6 : i32
        %get3A_564 = arith.constant 3 : i32
        %get3A_565 = arith.constant 0 : i32
        %get3A_566 = arith.constant 0 : i32
        %get3A_567 = arith.constant 0 : i32
        %get3A_568 = tpu.memref_slice %arg6[%scan3A_262, %get3A_565, %get3A_566, %get3A_567] : memref<2x8x8x512xf32, #tpu.memory_space<vmem>> -> memref<1x8x8x512xf32, #tpu.memory_space<vmem>>
        %get3A_569 = tpu.memref_squeeze %get3A_568 : memref<1x8x8x512xf32, #tpu.memory_space<vmem>> -> memref<8x8x512xf32, #tpu.memory_space<vmem>>
        %get3A_570 = arith.index_cast %get3A_563 : i32 to index
        %get3A_571 = arith.index_cast %get3A_564 : i32 to index
        %get3A_572 = arith.index_cast %mul3A_516 : i32 to index
        %get3A_573 = tpu.vector_load %get3A_569[%get3A_570, %get3A_571, %get3A_572] {strides = array<i32>} : memref<8x8x512xf32, #tpu.memory_space<vmem>>, vector<16xf32>,
        %abs3A_574 = math.absf %get3A_573 : vector<16xf32>
        %gt3A_575 = arith.cmpf ogt, %abs3A_574, %select_n3A_558 : vector<16xf32>
        %select_n3A_576 = arith.select %gt3A_575, %abs3A_574, %select_n3A_558 : vector<16xi1>, vector<16xf32>
        %select_n3A_577 = arith.select %gt3A_575, %get3A_573, %select_n3A_559 : vector<16xi1>, vector<16xf32>
        %jit3A_578 = arith.constant 3 : i32
        %broadcast_in_dim3A_579 = vector.broadcast %jit3A_578 : i32 to vector<16xi32>
        %select_n3A_580 = arith.select %gt3A_575, %broadcast_in_dim3A_579, %select_n3A_562 : vector<16xi1>, vector<16xi32>
        %get3A_581 = arith.constant 6 : i32
        %get3A_582 = arith.constant 4 : i32
        %get3A_583 = arith.constant 0 : i32
        %get3A_584 = arith.constant 0 : i32
        %get3A_585 = arith.constant 0 : i32
        %get3A_586 = tpu.memref_slice %arg6[%scan3A_262, %get3A_583, %get3A_584, %get3A_585] : memref<2x8x8x512xf32, #tpu.memory_space<vmem>> -> memref<1x8x8x512xf32, #tpu.memory_space<vmem>>
        %get3A_587 = tpu.memref_squeeze %get3A_586 : memref<1x8x8x512xf32, #tpu.memory_space<vmem>> -> memref<8x8x512xf32, #tpu.memory_space<vmem>>
        %get3A_588 = arith.index_cast %get3A_581 : i32 to index
        %get3A_589 = arith.index_cast %get3A_582 : i32 to index
        %get3A_590 = arith.index_cast %mul3A_516 : i32 to index
        %get3A_591 = tpu.vector_load %get3A_587[%get3A_588, %get3A_589, %get3A_590] {strides = array<i32>} : memref<8x8x512xf32, #tpu.memory_space<vmem>>, vector<16xf32>,
        %abs3A_592 = math.absf %get3A_591 : vector<16xf32>
        %gt3A_593 = arith.cmpf ogt, %abs3A_592, %select_n3A_576 : vector<16xf32>
        %select_n3A_594 = arith.select %gt3A_593, %abs3A_592, %select_n3A_576 : vector<16xi1>, vector<16xf32>
        %select_n3A_595 = arith.select %gt3A_593, %get3A_591, %select_n3A_577 : vector<16xi1>, vector<16xf32>
        %jit3A_596 = arith.constant 4 : i32
        %broadcast_in_dim3A_597 = vector.broadcast %jit3A_596 : i32 to vector<16xi32>
        %select_n3A_598 = arith.select %gt3A_593, %broadcast_in_dim3A_597, %select_n3A_580 : vector<16xi1>, vector<16xi32>
        %get3A_599 = arith.constant 6 : i32
        %get3A_600 = arith.constant 5 : i32
        %get3A_601 = arith.constant 0 : i32
        %get3A_602 = arith.constant 0 : i32
        %get3A_603 = arith.constant 0 : i32
        %get3A_604 = tpu.memref_slice %arg6[%scan3A_262, %get3A_601, %get3A_602, %get3A_603] : memref<2x8x8x512xf32, #tpu.memory_space<vmem>> -> memref<1x8x8x512xf32, #tpu.memory_space<vmem>>
        %get3A_605 = tpu.memref_squeeze %get3A_604 : memref<1x8x8x512xf32, #tpu.memory_space<vmem>> -> memref<8x8x512xf32, #tpu.memory_space<vmem>>
        %get3A_606 = arith.index_cast %get3A_599 : i32 to index
        %get3A_607 = arith.index_cast %get3A_600 : i32 to index
        %get3A_608 = arith.index_cast %mul3A_516 : i32 to index
        %get3A_609 = tpu.vector_load %get3A_605[%get3A_606, %get3A_607, %get3A_608] {strides = array<i32>} : memref<8x8x512xf32, #tpu.memory_space<vmem>>, vector<16xf32>,
        %abs3A_610 = math.absf %get3A_609 : vector<16xf32>
        %gt3A_611 = arith.cmpf ogt, %abs3A_610, %select_n3A_594 : vector<16xf32>
        %select_n3A_612 = arith.select %gt3A_611, %abs3A_610, %select_n3A_594 : vector<16xi1>, vector<16xf32>
        %select_n3A_613 = arith.select %gt3A_611, %get3A_609, %select_n3A_595 : vector<16xi1>, vector<16xf32>
        %jit3A_614 = arith.constant 5 : i32
        %broadcast_in_dim3A_615 = vector.broadcast %jit3A_614 : i32 to vector<16xi32>
        %select_n3A_616 = arith.select %gt3A_611, %broadcast_in_dim3A_615, %select_n3A_598 : vector<16xi1>, vector<16xi32>
        %get3A_617 = arith.constant 6 : i32
        %get3A_618 = arith.constant 6 : i32
        %get3A_619 = arith.constant 0 : i32
        %get3A_620 = arith.constant 0 : i32
        %get3A_621 = arith.constant 0 : i32
        %get3A_622 = tpu.memref_slice %arg6[%scan3A_262, %get3A_619, %get3A_620, %get3A_621] : memref<2x8x8x512xf32, #tpu.memory_space<vmem>> -> memref<1x8x8x512xf32, #tpu.memory_space<vmem>>
        %get3A_623 = tpu.memref_squeeze %get3A_622 : memref<1x8x8x512xf32, #tpu.memory_space<vmem>> -> memref<8x8x512xf32, #tpu.memory_space<vmem>>
        %get3A_624 = arith.index_cast %get3A_617 : i32 to index
        %get3A_625 = arith.index_cast %get3A_618 : i32 to index
        %get3A_626 = arith.index_cast %mul3A_516 : i32 to index
        %get3A_627 = tpu.vector_load %get3A_623[%get3A_624, %get3A_625, %get3A_626] {strides = array<i32>} : memref<8x8x512xf32, #tpu.memory_space<vmem>>, vector<16xf32>,
        %abs3A_628 = math.absf %get3A_627 : vector<16xf32>
        %gt3A_629 = arith.cmpf ogt, %abs3A_628, %select_n3A_612 : vector<16xf32>
        %select_n3A_630 = arith.select %gt3A_629, %abs3A_628, %select_n3A_612 : vector<16xi1>, vector<16xf32>
        %select_n3A_631 = arith.select %gt3A_629, %get3A_627, %select_n3A_613 : vector<16xi1>, vector<16xf32>
        %jit3A_632 = arith.constant 6 : i32
        %broadcast_in_dim3A_633 = vector.broadcast %jit3A_632 : i32 to vector<16xi32>
        %select_n3A_634 = arith.select %gt3A_629, %broadcast_in_dim3A_633, %select_n3A_616 : vector<16xi1>, vector<16xi32>
        %get3A_635 = arith.constant 6 : i32
        %get3A_636 = arith.constant 7 : i32
        %get3A_637 = arith.constant 0 : i32
        %get3A_638 = arith.constant 0 : i32
        %get3A_639 = arith.constant 0 : i32
        %get3A_640 = tpu.memref_slice %arg6[%scan3A_262, %get3A_637, %get3A_638, %get3A_639] : memref<2x8x8x512xf32, #tpu.memory_space<vmem>> -> memref<1x8x8x512xf32, #tpu.memory_space<vmem>>
        %get3A_641 = tpu.memref_squeeze %get3A_640 : memref<1x8x8x512xf32, #tpu.memory_space<vmem>> -> memref<8x8x512xf32, #tpu.memory_space<vmem>>
        %get3A_642 = arith.index_cast %get3A_635 : i32 to index
        %get3A_643 = arith.index_cast %get3A_636 : i32 to index
        %get3A_644 = arith.index_cast %mul3A_516 : i32 to index
        %get3A_645 = tpu.vector_load %get3A_641[%get3A_642, %get3A_643, %get3A_644] {strides = array<i32>} : memref<8x8x512xf32, #tpu.memory_space<vmem>>, vector<16xf32>,
        %abs3A_646 = math.absf %get3A_645 : vector<16xf32>
        %gt3A_647 = arith.cmpf ogt, %abs3A_646, %select_n3A_630 : vector<16xf32>
        %select_n3A_648 = arith.select %gt3A_647, %abs3A_646, %select_n3A_630 : vector<16xi1>, vector<16xf32>
        %select_n3A_649 = arith.select %gt3A_647, %get3A_645, %select_n3A_631 : vector<16xi1>, vector<16xf32>
        %jit3A_650 = arith.constant 7 : i32
        %broadcast_in_dim3A_651 = vector.broadcast %jit3A_650 : i32 to vector<16xi32>
        %select_n3A_652 = arith.select %gt3A_647, %broadcast_in_dim3A_651, %select_n3A_634 : vector<16xi1>, vector<16xi32>
        %neg3A = arith.constant 0.000000e+00 : f32
        %neg3A_653 = vector.broadcast %neg3A : f32 to vector<16xf32>
        %neg3A_654 = arith.subf %neg3A_653, %select_n3A_649 : vector<16xf32>
        %exp3A = math.exp %neg3A_654 : vector<16xf32>
        %add3A_655 = arith.constant 1.000000e+00 : f32
        %add3A_656 = vector.broadcast %add3A_655 : f32 to vector<16xf32>
        %add3A_657 = arith.addf %add3A_656, %exp3A : vector<16xf32>
        %div3A_658 = arith.constant 1.000000e+00 : f32
        %div3A_659 = vector.broadcast %div3A_658 : f32 to vector<16xf32>
        %div3A_660 = arith.divf %div3A_659, %add3A_657 : vector<16xf32>
        %get3A_661 = arith.constant 6 : i32
        %get3A_662 = arith.constant 0 : i32
        %get3A_663 = arith.constant 0 : i32
        %get3A_664 = tpu.memref_slice %arg7[%scan3A_263, %get3A_662, %get3A_663] : memref<2x8x512xf32, #tpu.memory_space<vmem>> -> memref<1x8x512xf32, #tpu.memory_space<vmem>>
        %get3A_665 = tpu.memref_squeeze %get3A_664 : memref<1x8x512xf32, #tpu.memory_space<vmem>> -> memref<8x512xf32, #tpu.memory_space<vmem>>
        %get3A_666 = arith.index_cast %get3A_661 : i32 to index
        %get3A_667 = arith.index_cast %mul3A_516 : i32 to index
        %get3A_668 = tpu.vector_load %get3A_665[%get3A_666, %get3A_667] {strides = array<i32>} : memref<8x512xf32, #tpu.memory_space<vmem>>, vector<16xf32>,
        %mul3A_669 = arith.mulf %get3A_668, %div3A_660 : vector<16xf32>
        %swap3A = arith.constant 6 : i32
        %swap3A_670 = arith.constant 0 : i32
        %swap3A_671 = arith.constant 0 : i32
        %swap3A_672 = tpu.memref_slice %arg8[%scan3A_264, %swap3A_670, %swap3A_671] : memref<2x8x512xf32, #tpu.memory_space<vmem>> -> memref<1x8x512xf32, #tpu.memory_space<vmem>>
        %swap3A_673 = tpu.memref_squeeze %swap3A_672 : memref<1x8x512xf32, #tpu.memory_space<vmem>> -> memref<8x512xf32, #tpu.memory_space<vmem>>
        %swap3A_674 = arith.index_cast %swap3A : i32 to index
        %swap3A_675 = arith.index_cast %mul3A_516 : i32 to index
        %swap3A_676 = tpu.vector_load %swap3A_673[%swap3A_674, %swap3A_675] {strides = array<i32>} : memref<8x512xf32, #tpu.memory_space<vmem>>, vector<16xf32>,
        tpu.vector_store %swap3A_673[%swap3A_674, %swap3A_675], %mul3A_669 {strides = array<i32>} : memref<8x512xf32, #tpu.memory_space<vmem>>, vector<16xf32>,
        %swap3A_677 = arith.constant 6 : i32
        %swap3A_678 = arith.constant 0 : i32
        %swap3A_679 = arith.constant 0 : i32
        %swap3A_680 = tpu.memref_slice %arg9[%scan3A_265, %swap3A_678, %swap3A_679] : memref<2x8x512xi32, #tpu.memory_space<vmem>> -> memref<1x8x512xi32, #tpu.memory_space<vmem>>
        %swap3A_681 = tpu.memref_squeeze %swap3A_680 : memref<1x8x512xi32, #tpu.memory_space<vmem>> -> memref<8x512xi32, #tpu.memory_space<vmem>>
        %swap3A_682 = arith.index_cast %swap3A_677 : i32 to index
        %swap3A_683 = arith.index_cast %mul3A_516 : i32 to index
        %swap3A_684 = tpu.vector_load %swap3A_681[%swap3A_682, %swap3A_683] {strides = array<i32>} : memref<8x512xi32, #tpu.memory_space<vmem>>, vector<16xi32>,
        tpu.vector_store %swap3A_681[%swap3A_682, %swap3A_683], %select_n3A_652 {strides = array<i32>} : memref<8x512xi32, #tpu.memory_space<vmem>>, vector<16xi32>,
        %scan3A_685 = arith.constant 0 : i32
        scf.yield %scan3A_685 : i32
      }
      %scan3A_272 = arith.constant 32 : i32
      %scan3A_273 = arith.constant 0 : i32
      %scan3A_274 = arith.constant 0 : i32
      %scan3A_275 = arith.constant 0 : i32
      %scan3A_276 = arith.constant 0 : i32
      %scan3A_277 = arith.constant 0 : i32
      %scan3A_278 = arith.constant 0 : i32
      %scan3A_279 = arith.constant 32 : i32
      %scan3A_280 = arith.addi %scan3A_278, %scan3A_279 : i32
      %scan3A_281 = arith.constant 1 : i32
      %scan3A_282 = scf.for %scan3A_513 = %scan3A_278 to %scan3A_280 step %scan3A_281 iter_args(%scan3A_514 = %scan3A_277) -> (i32)  : i32 {
        %mul3A_515 = arith.constant 16 : i32
        %mul3A_516 = arith.muli %scan3A_513, %mul3A_515 : i32
        %get3A = arith.constant 7 : i32
        %get3A_517 = arith.constant 0 : i32
        %get3A_518 = arith.constant 0 : i32
        %get3A_519 = arith.constant 0 : i32
        %get3A_520 = arith.constant 0 : i32
        %get3A_521 = tpu.memref_slice %arg6[%scan3A_273, %get3A_518, %get3A_519, %get3A_520] : memref<2x8x8x512xf32, #tpu.memory_space<vmem>> -> memref<1x8x8x512xf32, #tpu.memory_space<vmem>>
        %get3A_522 = tpu.memref_squeeze %get3A_521 : memref<1x8x8x512xf32, #tpu.memory_space<vmem>> -> memref<8x8x512xf32, #tpu.memory_space<vmem>>
        %get3A_523 = arith.index_cast %get3A : i32 to index
        %get3A_524 = arith.index_cast %get3A_517 : i32 to index
        %get3A_525 = arith.index_cast %mul3A_516 : i32 to index
        %get3A_526 = tpu.vector_load %get3A_522[%get3A_523, %get3A_524, %get3A_525] {strides = array<i32>} : memref<8x8x512xf32, #tpu.memory_space<vmem>>, vector<16xf32>,
        %abs3A = math.absf %get3A_526 : vector<16xf32>
        %broadcast_in_dim3A = arith.constant 0 : i32
        %broadcast_in_dim3A_527 = vector.broadcast %broadcast_in_dim3A : i32 to vector<16xi32>
        %get3A_528 = arith.constant 7 : i32
        %get3A_529 = arith.constant 1 : i32
        %get3A_530 = arith.constant 0 : i32
        %get3A_531 = arith.constant 0 : i32
        %get3A_532 = arith.constant 0 : i32
        %get3A_533 = tpu.memref_slice %arg6[%scan3A_273, %get3A_530, %get3A_531, %get3A_532] : memref<2x8x8x512xf32, #tpu.memory_space<vmem>> -> memref<1x8x8x512xf32, #tpu.memory_space<vmem>>
        %get3A_534 = tpu.memref_squeeze %get3A_533 : memref<1x8x8x512xf32, #tpu.memory_space<vmem>> -> memref<8x8x512xf32, #tpu.memory_space<vmem>>
        %get3A_535 = arith.index_cast %get3A_528 : i32 to index
        %get3A_536 = arith.index_cast %get3A_529 : i32 to index
        %get3A_537 = arith.index_cast %mul3A_516 : i32 to index
        %get3A_538 = tpu.vector_load %get3A_534[%get3A_535, %get3A_536, %get3A_537] {strides = array<i32>} : memref<8x8x512xf32, #tpu.memory_space<vmem>>, vector<16xf32>,
        %abs3A_539 = math.absf %get3A_538 : vector<16xf32>
        %gt3A = arith.cmpf ogt, %abs3A_539, %abs3A : vector<16xf32>
        %select_n3A_540 = arith.select %gt3A, %abs3A_539, %abs3A : vector<16xi1>, vector<16xf32>
        %select_n3A_541 = arith.select %gt3A, %get3A_538, %get3A_526 : vector<16xi1>, vector<16xf32>
        %jit3A_542 = arith.constant 1 : i32
        %broadcast_in_dim3A_543 = vector.broadcast %jit3A_542 : i32 to vector<16xi32>
        %select_n3A_544 = arith.select %gt3A, %broadcast_in_dim3A_543, %broadcast_in_dim3A_527 : vector<16xi1>, vector<16xi32>
        %get3A_545 = arith.constant 7 : i32
        %get3A_546 = arith.constant 2 : i32
        %get3A_547 = arith.constant 0 : i32
        %get3A_548 = arith.constant 0 : i32
        %get3A_549 = arith.constant 0 : i32
        %get3A_550 = tpu.memref_slice %arg6[%scan3A_273, %get3A_547, %get3A_548, %get3A_549] : memref<2x8x8x512xf32, #tpu.memory_space<vmem>> -> memref<1x8x8x512xf32, #tpu.memory_space<vmem>>
        %get3A_551 = tpu.memref_squeeze %get3A_550 : memref<1x8x8x512xf32, #tpu.memory_space<vmem>> -> memref<8x8x512xf32, #tpu.memory_space<vmem>>
        %get3A_552 = arith.index_cast %get3A_545 : i32 to index
        %get3A_553 = arith.index_cast %get3A_546 : i32 to index
        %get3A_554 = arith.index_cast %mul3A_516 : i32 to index
        %get3A_555 = tpu.vector_load %get3A_551[%get3A_552, %get3A_553, %get3A_554] {strides = array<i32>} : memref<8x8x512xf32, #tpu.memory_space<vmem>>, vector<16xf32>,
        %abs3A_556 = math.absf %get3A_555 : vector<16xf32>
        %gt3A_557 = arith.cmpf ogt, %abs3A_556, %select_n3A_540 : vector<16xf32>
        %select_n3A_558 = arith.select %gt3A_557, %abs3A_556, %select_n3A_540 : vector<16xi1>, vector<16xf32>
        %select_n3A_559 = arith.select %gt3A_557, %get3A_555, %select_n3A_541 : vector<16xi1>, vector<16xf32>
        %jit3A_560 = arith.constant 2 : i32
        %broadcast_in_dim3A_561 = vector.broadcast %jit3A_560 : i32 to vector<16xi32>
        %select_n3A_562 = arith.select %gt3A_557, %broadcast_in_dim3A_561, %select_n3A_544 : vector<16xi1>, vector<16xi32>
        %get3A_563 = arith.constant 7 : i32
        %get3A_564 = arith.constant 3 : i32
        %get3A_565 = arith.constant 0 : i32
        %get3A_566 = arith.constant 0 : i32
        %get3A_567 = arith.constant 0 : i32
        %get3A_568 = tpu.memref_slice %arg6[%scan3A_273, %get3A_565, %get3A_566, %get3A_567] : memref<2x8x8x512xf32, #tpu.memory_space<vmem>> -> memref<1x8x8x512xf32, #tpu.memory_space<vmem>>
        %get3A_569 = tpu.memref_squeeze %get3A_568 : memref<1x8x8x512xf32, #tpu.memory_space<vmem>> -> memref<8x8x512xf32, #tpu.memory_space<vmem>>
        %get3A_570 = arith.index_cast %get3A_563 : i32 to index
        %get3A_571 = arith.index_cast %get3A_564 : i32 to index
        %get3A_572 = arith.index_cast %mul3A_516 : i32 to index
        %get3A_573 = tpu.vector_load %get3A_569[%get3A_570, %get3A_571, %get3A_572] {strides = array<i32>} : memref<8x8x512xf32, #tpu.memory_space<vmem>>, vector<16xf32>,
        %abs3A_574 = math.absf %get3A_573 : vector<16xf32>
        %gt3A_575 = arith.cmpf ogt, %abs3A_574, %select_n3A_558 : vector<16xf32>
        %select_n3A_576 = arith.select %gt3A_575, %abs3A_574, %select_n3A_558 : vector<16xi1>, vector<16xf32>
        %select_n3A_577 = arith.select %gt3A_575, %get3A_573, %select_n3A_559 : vector<16xi1>, vector<16xf32>
        %jit3A_578 = arith.constant 3 : i32
        %broadcast_in_dim3A_579 = vector.broadcast %jit3A_578 : i32 to vector<16xi32>
        %select_n3A_580 = arith.select %gt3A_575, %broadcast_in_dim3A_579, %select_n3A_562 : vector<16xi1>, vector<16xi32>
        %get3A_581 = arith.constant 7 : i32
        %get3A_582 = arith.constant 4 : i32
        %get3A_583 = arith.constant 0 : i32
        %get3A_584 = arith.constant 0 : i32
        %get3A_585 = arith.constant 0 : i32
        %get3A_586 = tpu.memref_slice %arg6[%scan3A_273, %get3A_583, %get3A_584, %get3A_585] : memref<2x8x8x512xf32, #tpu.memory_space<vmem>> -> memref<1x8x8x512xf32, #tpu.memory_space<vmem>>
        %get3A_587 = tpu.memref_squeeze %get3A_586 : memref<1x8x8x512xf32, #tpu.memory_space<vmem>> -> memref<8x8x512xf32, #tpu.memory_space<vmem>>
        %get3A_588 = arith.index_cast %get3A_581 : i32 to index
        %get3A_589 = arith.index_cast %get3A_582 : i32 to index
        %get3A_590 = arith.index_cast %mul3A_516 : i32 to index
        %get3A_591 = tpu.vector_load %get3A_587[%get3A_588, %get3A_589, %get3A_590] {strides = array<i32>} : memref<8x8x512xf32, #tpu.memory_space<vmem>>, vector<16xf32>,
        %abs3A_592 = math.absf %get3A_591 : vector<16xf32>
        %gt3A_593 = arith.cmpf ogt, %abs3A_592, %select_n3A_576 : vector<16xf32>
        %select_n3A_594 = arith.select %gt3A_593, %abs3A_592, %select_n3A_576 : vector<16xi1>, vector<16xf32>
        %select_n3A_595 = arith.select %gt3A_593, %get3A_591, %select_n3A_577 : vector<16xi1>, vector<16xf32>
        %jit3A_596 = arith.constant 4 : i32
        %broadcast_in_dim3A_597 = vector.broadcast %jit3A_596 : i32 to vector<16xi32>
        %select_n3A_598 = arith.select %gt3A_593, %broadcast_in_dim3A_597, %select_n3A_580 : vector<16xi1>, vector<16xi32>
        %get3A_599 = arith.constant 7 : i32
        %get3A_600 = arith.constant 5 : i32
        %get3A_601 = arith.constant 0 : i32
        %get3A_602 = arith.constant 0 : i32
        %get3A_603 = arith.constant 0 : i32
        %get3A_604 = tpu.memref_slice %arg6[%scan3A_273, %get3A_601, %get3A_602, %get3A_603] : memref<2x8x8x512xf32, #tpu.memory_space<vmem>> -> memref<1x8x8x512xf32, #tpu.memory_space<vmem>>
        %get3A_605 = tpu.memref_squeeze %get3A_604 : memref<1x8x8x512xf32, #tpu.memory_space<vmem>> -> memref<8x8x512xf32, #tpu.memory_space<vmem>>
        %get3A_606 = arith.index_cast %get3A_599 : i32 to index
        %get3A_607 = arith.index_cast %get3A_600 : i32 to index
        %get3A_608 = arith.index_cast %mul3A_516 : i32 to index
        %get3A_609 = tpu.vector_load %get3A_605[%get3A_606, %get3A_607, %get3A_608] {strides = array<i32>} : memref<8x8x512xf32, #tpu.memory_space<vmem>>, vector<16xf32>,
        %abs3A_610 = math.absf %get3A_609 : vector<16xf32>
        %gt3A_611 = arith.cmpf ogt, %abs3A_610, %select_n3A_594 : vector<16xf32>
        %select_n3A_612 = arith.select %gt3A_611, %abs3A_610, %select_n3A_594 : vector<16xi1>, vector<16xf32>
        %select_n3A_613 = arith.select %gt3A_611, %get3A_609, %select_n3A_595 : vector<16xi1>, vector<16xf32>
        %jit3A_614 = arith.constant 5 : i32
        %broadcast_in_dim3A_615 = vector.broadcast %jit3A_614 : i32 to vector<16xi32>
        %select_n3A_616 = arith.select %gt3A_611, %broadcast_in_dim3A_615, %select_n3A_598 : vector<16xi1>, vector<16xi32>
        %get3A_617 = arith.constant 7 : i32
        %get3A_618 = arith.constant 6 : i32
        %get3A_619 = arith.constant 0 : i32
        %get3A_620 = arith.constant 0 : i32
        %get3A_621 = arith.constant 0 : i32
        %get3A_622 = tpu.memref_slice %arg6[%scan3A_273, %get3A_619, %get3A_620, %get3A_621] : memref<2x8x8x512xf32, #tpu.memory_space<vmem>> -> memref<1x8x8x512xf32, #tpu.memory_space<vmem>>
        %get3A_623 = tpu.memref_squeeze %get3A_622 : memref<1x8x8x512xf32, #tpu.memory_space<vmem>> -> memref<8x8x512xf32, #tpu.memory_space<vmem>>
        %get3A_624 = arith.index_cast %get3A_617 : i32 to index
        %get3A_625 = arith.index_cast %get3A_618 : i32 to index
        %get3A_626 = arith.index_cast %mul3A_516 : i32 to index
        %get3A_627 = tpu.vector_load %get3A_623[%get3A_624, %get3A_625, %get3A_626] {strides = array<i32>} : memref<8x8x512xf32, #tpu.memory_space<vmem>>, vector<16xf32>,
        %abs3A_628 = math.absf %get3A_627 : vector<16xf32>
        %gt3A_629 = arith.cmpf ogt, %abs3A_628, %select_n3A_612 : vector<16xf32>
        %select_n3A_630 = arith.select %gt3A_629, %abs3A_628, %select_n3A_612 : vector<16xi1>, vector<16xf32>
        %select_n3A_631 = arith.select %gt3A_629, %get3A_627, %select_n3A_613 : vector<16xi1>, vector<16xf32>
        %jit3A_632 = arith.constant 6 : i32
        %broadcast_in_dim3A_633 = vector.broadcast %jit3A_632 : i32 to vector<16xi32>
        %select_n3A_634 = arith.select %gt3A_629, %broadcast_in_dim3A_633, %select_n3A_616 : vector<16xi1>, vector<16xi32>
        %get3A_635 = arith.constant 7 : i32
        %get3A_636 = arith.constant 7 : i32
        %get3A_637 = arith.constant 0 : i32
        %get3A_638 = arith.constant 0 : i32
        %get3A_639 = arith.constant 0 : i32
        %get3A_640 = tpu.memref_slice %arg6[%scan3A_273, %get3A_637, %get3A_638, %get3A_639] : memref<2x8x8x512xf32, #tpu.memory_space<vmem>> -> memref<1x8x8x512xf32, #tpu.memory_space<vmem>>
        %get3A_641 = tpu.memref_squeeze %get3A_640 : memref<1x8x8x512xf32, #tpu.memory_space<vmem>> -> memref<8x8x512xf32, #tpu.memory_space<vmem>>
        %get3A_642 = arith.index_cast %get3A_635 : i32 to index
        %get3A_643 = arith.index_cast %get3A_636 : i32 to index
        %get3A_644 = arith.index_cast %mul3A_516 : i32 to index
        %get3A_645 = tpu.vector_load %get3A_641[%get3A_642, %get3A_643, %get3A_644] {strides = array<i32>} : memref<8x8x512xf32, #tpu.memory_space<vmem>>, vector<16xf32>,
        %abs3A_646 = math.absf %get3A_645 : vector<16xf32>
        %gt3A_647 = arith.cmpf ogt, %abs3A_646, %select_n3A_630 : vector<16xf32>
        %select_n3A_648 = arith.select %gt3A_647, %abs3A_646, %select_n3A_630 : vector<16xi1>, vector<16xf32>
        %select_n3A_649 = arith.select %gt3A_647, %get3A_645, %select_n3A_631 : vector<16xi1>, vector<16xf32>
        %jit3A_650 = arith.constant 7 : i32
        %broadcast_in_dim3A_651 = vector.broadcast %jit3A_650 : i32 to vector<16xi32>
        %select_n3A_652 = arith.select %gt3A_647, %broadcast_in_dim3A_651, %select_n3A_634 : vector<16xi1>, vector<16xi32>
        %neg3A = arith.constant 0.000000e+00 : f32
        %neg3A_653 = vector.broadcast %neg3A : f32 to vector<16xf32>
        %neg3A_654 = arith.subf %neg3A_653, %select_n3A_649 : vector<16xf32>
        %exp3A = math.exp %neg3A_654 : vector<16xf32>
        %add3A_655 = arith.constant 1.000000e+00 : f32
        %add3A_656 = vector.broadcast %add3A_655 : f32 to vector<16xf32>
        %add3A_657 = arith.addf %add3A_656, %exp3A : vector<16xf32>
        %div3A_658 = arith.constant 1.000000e+00 : f32
        %div3A_659 = vector.broadcast %div3A_658 : f32 to vector<16xf32>
        %div3A_660 = arith.divf %div3A_659, %add3A_657 : vector<16xf32>
        %get3A_661 = arith.constant 7 : i32
        %get3A_662 = arith.constant 0 : i32
        %get3A_663 = arith.constant 0 : i32
        %get3A_664 = tpu.memref_slice %arg7[%scan3A_274, %get3A_662, %get3A_663] : memref<2x8x512xf32, #tpu.memory_space<vmem>> -> memref<1x8x512xf32, #tpu.memory_space<vmem>>
        %get3A_665 = tpu.memref_squeeze %get3A_664 : memref<1x8x512xf32, #tpu.memory_space<vmem>> -> memref<8x512xf32, #tpu.memory_space<vmem>>
        %get3A_666 = arith.index_cast %get3A_661 : i32 to index
        %get3A_667 = arith.index_cast %mul3A_516 : i32 to index
        %get3A_668 = tpu.vector_load %get3A_665[%get3A_666, %get3A_667] {strides = array<i32>} : memref<8x512xf32, #tpu.memory_space<vmem>>, vector<16xf32>,
        %mul3A_669 = arith.mulf %get3A_668, %div3A_660 : vector<16xf32>
        %swap3A = arith.constant 7 : i32
        %swap3A_670 = arith.constant 0 : i32
        %swap3A_671 = arith.constant 0 : i32
        %swap3A_672 = tpu.memref_slice %arg8[%scan3A_275, %swap3A_670, %swap3A_671] : memref<2x8x512xf32, #tpu.memory_space<vmem>> -> memref<1x8x512xf32, #tpu.memory_space<vmem>>
        %swap3A_673 = tpu.memref_squeeze %swap3A_672 : memref<1x8x512xf32, #tpu.memory_space<vmem>> -> memref<8x512xf32, #tpu.memory_space<vmem>>
        %swap3A_674 = arith.index_cast %swap3A : i32 to index
        %swap3A_675 = arith.index_cast %mul3A_516 : i32 to index
        %swap3A_676 = tpu.vector_load %swap3A_673[%swap3A_674, %swap3A_675] {strides = array<i32>} : memref<8x512xf32, #tpu.memory_space<vmem>>, vector<16xf32>,
        tpu.vector_store %swap3A_673[%swap3A_674, %swap3A_675], %mul3A_669 {strides = array<i32>} : memref<8x512xf32, #tpu.memory_space<vmem>>, vector<16xf32>,
        %swap3A_677 = arith.constant 7 : i32
        %swap3A_678 = arith.constant 0 : i32
        %swap3A_679 = arith.constant 0 : i32
        %swap3A_680 = tpu.memref_slice %arg9[%scan3A_276, %swap3A_678, %swap3A_679] : memref<2x8x512xi32, #tpu.memory_space<vmem>> -> memref<1x8x512xi32, #tpu.memory_space<vmem>>
        %swap3A_681 = tpu.memref_squeeze %swap3A_680 : memref<1x8x512xi32, #tpu.memory_space<vmem>> -> memref<8x512xi32, #tpu.memory_space<vmem>>
        %swap3A_682 = arith.index_cast %swap3A_677 : i32 to index
        %swap3A_683 = arith.index_cast %mul3A_516 : i32 to index
        %swap3A_684 = tpu.vector_load %swap3A_681[%swap3A_682, %swap3A_683] {strides = array<i32>} : memref<8x512xi32, #tpu.memory_space<vmem>>, vector<16xi32>,
        tpu.vector_store %swap3A_681[%swap3A_682, %swap3A_683], %select_n3A_652 {strides = array<i32>} : memref<8x512xi32, #tpu.memory_space<vmem>>, vector<16xi32>,
        %scan3A_685 = arith.constant 0 : i32
        scf.yield %scan3A_685 : i32
      }
      %scan3A_283 = arith.constant 32 : i32
      %dma_start3A_284 = arith.constant 0 : i32
      %dma_start3A_285 = arith.constant 0 : i32
      %dma_start3A_286 = arith.constant 0 : i32
      %dma_start3A_287 = tpu.memref_slice %arg8[%dma_start3A_284, %dma_start3A_285, %dma_start3A_286] : memref<2x8x512xf32, #tpu.memory_space<vmem>> -> memref<1x8x512xf32, #tpu.memory_space<vmem>>
      %dma_start3A_288 = tpu.memref_squeeze %dma_start3A_287 : memref<1x8x512xf32, #tpu.memory_space<vmem>> -> memref<8x512xf32, #tpu.memory_space<vmem>>
      %dma_start3A_289 = tpu.memref_slice %arg4[%add3A_149, %mul3A_165] : memref<4096x2048xf32, #tpu.memory_space<hbm>> -> memref<8x512xf32, #tpu.memory_space<hbm>>
      %dma_start3A_290 = tpu.memref_slice %arg4[%add3A_149, %mul3A_165] : memref<4096x2048xf32, #tpu.memory_space<hbm>> -> memref<8x512xf32, #tpu.memory_space<hbm>>
      %dma_start3A_291 = arith.constant 0 : i32
      %dma_start3A_292 = arith.constant 0 : i32
      %dma_start3A_293 = tpu.memref_slice %arg8[%dma_start3A_284, %dma_start3A_291, %dma_start3A_292] : memref<2x8x512xf32, #tpu.memory_space<vmem>> -> memref<1x8x512xf32, #tpu.memory_space<vmem>>
      %dma_start3A_294 = tpu.memref_squeeze %dma_start3A_293 : memref<1x8x512xf32, #tpu.memory_space<vmem>> -> memref<8x512xf32, #tpu.memory_space<vmem>>
      tpu.enqueue_dma source(%dma_start3A_294 : memref<8x512xf32, #tpu.memory_space<vmem>>) target(%dma_start3A_290 : memref<8x512xf32, #tpu.memory_space<hbm>>) target_semaphore(%arg12 : memref<!tpu.dma_semaphore, #tpu.memory_space<semaphore_mem>>)
      %dma_start3A_295 = arith.constant 0 : i32
      %dma_start3A_296 = arith.constant 0 : i32
      %dma_start3A_297 = arith.constant 0 : i32
      %dma_start3A_298 = tpu.memref_slice %arg9[%dma_start3A_295, %dma_start3A_296, %dma_start3A_297] : memref<2x8x512xi32, #tpu.memory_space<vmem>> -> memref<1x8x512xi32, #tpu.memory_space<vmem>>
      %dma_start3A_299 = tpu.memref_squeeze %dma_start3A_298 : memref<1x8x512xi32, #tpu.memory_space<vmem>> -> memref<8x512xi32, #tpu.memory_space<vmem>>
      %dma_start3A_300 = tpu.memref_slice %arg5[%add3A_149, %mul3A_165] : memref<4096x2048xi32, #tpu.memory_space<hbm>> -> memref<8x512xi32, #tpu.memory_space<hbm>>
      %dma_start3A_301 = tpu.memref_slice %arg5[%add3A_149, %mul3A_165] : memref<4096x2048xi32, #tpu.memory_space<hbm>> -> memref<8x512xi32, #tpu.memory_space<hbm>>
      %dma_start3A_302 = arith.constant 0 : i32
      %dma_start3A_303 = arith.constant 0 : i32
      %dma_start3A_304 = tpu.memref_slice %arg9[%dma_start3A_295, %dma_start3A_302, %dma_start3A_303] : memref<2x8x512xi32, #tpu.memory_space<vmem>> -> memref<1x8x512xi32, #tpu.memory_space<vmem>>
      %dma_start3A_305 = tpu.memref_squeeze %dma_start3A_304 : memref<1x8x512xi32, #tpu.memory_space<vmem>> -> memref<8x512xi32, #tpu.memory_space<vmem>>
      tpu.enqueue_dma source(%dma_start3A_305 : memref<8x512xi32, #tpu.memory_space<vmem>>) target(%dma_start3A_301 : memref<8x512xi32, #tpu.memory_space<hbm>>) target_semaphore(%arg12 : memref<!tpu.dma_semaphore, #tpu.memory_space<semaphore_mem>>)
      %add3A_306 = arith.constant 2 : i32
      %add3A_307 = arith.addi %mul3A_130, %add3A_306 : i32
      %lt3A_308 = arith.constant 64 : i32
      %lt3A_309 = arith.cmpi slt, %add3A_307, %lt3A_308 : i32
      %convert_element_type3A_310 = arith.extui %lt3A_309 : i1 to i32
      %cond3A_311 = arith.constant 0 : i32
      %cond3A_312 = arith.cmpi ne, %convert_element_type3A_310, %cond3A_311 : i32
      scf.if %cond3A_312 {
        %add3A_513 = arith.constant 2 : i32
        %add3A_514 = arith.addi %mul3A_130, %add3A_513 : i32
        %jit3A_515 = arith.constant 4 : i32
        %div3A_516 = arith.divsi %add3A_514, %jit3A_515 : i32
        %sign3A_517 = arith.constant 0 : i32
        %sign3A_518 = arith.cmpi sgt, %add3A_514, %sign3A_517 : i32
        %sign3A_519 = arith.extui %sign3A_518 : i1 to i32
        %sign3A_520 = arith.constant 0 : i32
        %sign3A_521 = arith.cmpi slt, %add3A_514, %sign3A_520 : i32
        %sign3A_522 = arith.extui %sign3A_521 : i1 to i32
        %sign3A_523 = arith.subi %sign3A_519, %sign3A_522 : i32
        %sign3A_524 = arith.constant 0 : i32
        %sign3A_525 = arith.cmpi sgt, %jit3A_515, %sign3A_524 : i32
        %sign3A_526 = arith.extui %sign3A_525 : i1 to i32
        %sign3A_527 = arith.constant 0 : i32
        %sign3A_528 = arith.cmpi slt, %jit3A_515, %sign3A_527 : i32
        %sign3A_529 = arith.extui %sign3A_528 : i1 to i32
        %sign3A_530 = arith.subi %sign3A_526, %sign3A_529 : i32
        %ne3A_531 = arith.cmpi ne, %sign3A_523, %sign3A_530 : i32
        %rem3A_532 = arith.remsi %add3A_514, %jit3A_515 : i32
        %ne3A_533 = arith.constant 0 : i32
        %ne3A_534 = arith.cmpi ne, %rem3A_532, %ne3A_533 : i32
        %and3A_535 = arith.andi %ne3A_531, %ne3A_534 : i1
        %sub3A_536 = arith.constant 1 : i32
        %sub3A_537 = arith.subi %div3A_516, %sub3A_536 : i32
        %select_n3A_538 = arith.select %and3A_535, %sub3A_537, %div3A_516 : i32
        %mul3A_539 = arith.constant 8 : i32
        %mul3A_540 = arith.muli %select_n3A_538, %mul3A_539 : i32
        %add3A_541 = arith.addi %mul3A_2, %mul3A_540 : i32
        %jit3A_542 = arith.constant 4 : i32
        %eq3A_543 = arith.constant 0 : i32
        %eq3A_544 = arith.cmpi eq, %jit3A_542, %eq3A_543 : i32
        %jit3A_545 = arith.constant 1 : i32
        %select_n3A_546 = arith.select %eq3A_544, %jit3A_545, %jit3A_542 : i32
        %rem3A_547 = arith.remsi %add3A_514, %select_n3A_546 : i32
        %ne3A_548 = arith.constant 0 : i32
        %ne3A_549 = arith.cmpi ne, %rem3A_547, %ne3A_548 : i32
        %lt3A_550 = arith.constant 0 : i32
        %lt3A_551 = arith.cmpi slt, %rem3A_547, %lt3A_550 : i32
        %lt3A_552 = arith.constant 0 : i32
        %lt3A_553 = arith.cmpi slt, %select_n3A_546, %lt3A_552 : i32
        %ne3A_554 = arith.xori %lt3A_551, %lt3A_553 : i1
        %and3A_555 = arith.andi %ne3A_554, %ne3A_549 : i1
        %add3A_556 = arith.addi %rem3A_547, %select_n3A_546 : i32
        %select_n3A_557 = arith.select %and3A_555, %add3A_556, %rem3A_547 : i32
        %mul3A_558 = arith.constant 512 : i32
        %mul3A_559 = arith.muli %select_n3A_557, %mul3A_558 : i32
        %dma_start3A_560 = arith.constant 0 : i32
        %dma_start3A_561 = arith.constant 0 : i32
        %dma_start3A_562 = arith.constant 0 : i32
        %dma_start3A_563 = arith.constant 0 : i32
        %dma_start3A_564 = tpu.memref_slice %arg6[%dma_start3A_560, %dma_start3A_561, %dma_start3A_562, %dma_start3A_563] : memref<2x8x8x512xf32, #tpu.memory_space<vmem>> -> memref<1x8x8x512xf32, #tpu.memory_space<vmem>>
        %dma_start3A_565 = tpu.memref_squeeze %dma_start3A_564 : memref<1x8x8x512xf32, #tpu.memory_space<vmem>> -> memref<8x8x512xf32, #tpu.memory_space<vmem>>
        %dma_start3A_566 = arith.constant 0 : i32
        %dma_start3A_567 = tpu.memref_slice %arg2[%add3A_541, %dma_start3A_566, %mul3A_559] : memref<4096x8x2048xf32, #tpu.memory_space<hbm>> -> memref<8x8x512xf32, #tpu.memory_space<hbm>>
        %dma_start3A_568 = arith.constant 0 : i32
        %dma_start3A_569 = arith.constant 0 : i32
        %dma_start3A_570 = arith.constant 0 : i32
        %dma_start3A_571 = tpu.memref_slice %arg6[%dma_start3A_560, %dma_start3A_568, %dma_start3A_569, %dma_start3A_570] : memref<2x8x8x512xf32, #tpu.memory_space<vmem>> -> memref<1x8x8x512xf32, #tpu.memory_space<vmem>>
        %dma_start3A_572 = tpu.memref_squeeze %dma_start3A_571 : memref<1x8x8x512xf32, #tpu.memory_space<vmem>> -> memref<8x8x512xf32, #tpu.memory_space<vmem>>
        %dma_start3A_573 = arith.constant 0 : i32
        %dma_start3A_574 = tpu.memref_slice %arg2[%add3A_541, %dma_start3A_573, %mul3A_559] : memref<4096x8x2048xf32, #tpu.memory_space<hbm>> -> memref<8x8x512xf32, #tpu.memory_space<hbm>>
        tpu.enqueue_dma source(%dma_start3A_574 : memref<8x8x512xf32, #tpu.memory_space<hbm>>) target(%dma_start3A_572 : memref<8x8x512xf32, #tpu.memory_space<vmem>>) target_semaphore(%arg10 : memref<!tpu.dma_semaphore, #tpu.memory_space<semaphore_mem>>)
        %dma_start3A_575 = arith.constant 0 : i32
        %dma_start3A_576 = arith.constant 0 : i32
        %dma_start3A_577 = arith.constant 0 : i32
        %dma_start3A_578 = tpu.memref_slice %arg7[%dma_start3A_575, %dma_start3A_576, %dma_start3A_577] : memref<2x8x512xf32, #tpu.memory_space<vmem>> -> memref<1x8x512xf32, #tpu.memory_space<vmem>>
        %dma_start3A_579 = tpu.memref_squeeze %dma_start3A_578 : memref<1x8x512xf32, #tpu.memory_space<vmem>> -> memref<8x512xf32, #tpu.memory_space<vmem>>
        %dma_start3A_580 = tpu.memref_slice %arg3[%add3A_541, %mul3A_559] : memref<4096x2048xf32, #tpu.memory_space<hbm>> -> memref<8x512xf32, #tpu.memory_space<hbm>>
        %dma_start3A_581 = arith.constant 0 : i32
        %dma_start3A_582 = arith.constant 0 : i32
        %dma_start3A_583 = tpu.memref_slice %arg7[%dma_start3A_575, %dma_start3A_581, %dma_start3A_582] : memref<2x8x512xf32, #tpu.memory_space<vmem>> -> memref<1x8x512xf32, #tpu.memory_space<vmem>>
        %dma_start3A_584 = tpu.memref_squeeze %dma_start3A_583 : memref<1x8x512xf32, #tpu.memory_space<vmem>> -> memref<8x512xf32, #tpu.memory_space<vmem>>
        %dma_start3A_585 = tpu.memref_slice %arg3[%add3A_541, %mul3A_559] : memref<4096x2048xf32, #tpu.memory_space<hbm>> -> memref<8x512xf32, #tpu.memory_space<hbm>>
        tpu.enqueue_dma source(%dma_start3A_585 : memref<8x512xf32, #tpu.memory_space<hbm>>) target(%dma_start3A_584 : memref<8x512xf32, #tpu.memory_space<vmem>>) target_semaphore(%arg10 : memref<!tpu.dma_semaphore, #tpu.memory_space<semaphore_mem>>)
      } else {
      }
      %mul3A_313 = arith.constant 2 : i32
      %mul3A_314 = arith.muli %mul3A_313, %scan3A_127 : i32
      %add3A_315 = arith.constant 1 : i32
      %add3A_316 = arith.addi %mul3A_314, %add3A_315 : i32
      %jit3A_317 = arith.constant 4 : i32
      %div3A_318 = arith.divsi %add3A_316, %jit3A_317 : i32
      %sign3A_319 = arith.constant 0 : i32
      %sign3A_320 = arith.cmpi sgt, %add3A_316, %sign3A_319 : i32
      %sign3A_321 = arith.extui %sign3A_320 : i1 to i32
      %sign3A_322 = arith.constant 0 : i32
      %sign3A_323 = arith.cmpi slt, %add3A_316, %sign3A_322 : i32
      %sign3A_324 = arith.extui %sign3A_323 : i1 to i32
      %sign3A_325 = arith.subi %sign3A_321, %sign3A_324 : i32
      %sign3A_326 = arith.constant 0 : i32
      %sign3A_327 = arith.cmpi sgt, %jit3A_317, %sign3A_326 : i32
      %sign3A_328 = arith.extui %sign3A_327 : i1 to i32
      %sign3A_329 = arith.constant 0 : i32
      %sign3A_330 = arith.cmpi slt, %jit3A_317, %sign3A_329 : i32
      %sign3A_331 = arith.extui %sign3A_330 : i1 to i32
      %sign3A_332 = arith.subi %sign3A_328, %sign3A_331 : i32
      %ne3A_333 = arith.cmpi ne, %sign3A_325, %sign3A_332 : i32
      %rem3A_334 = arith.remsi %add3A_316, %jit3A_317 : i32
      %ne3A_335 = arith.constant 0 : i32
      %ne3A_336 = arith.cmpi ne, %rem3A_334, %ne3A_335 : i32
      %and3A_337 = arith.andi %ne3A_333, %ne3A_336 : i1
      %sub3A_338 = arith.constant 1 : i32
      %sub3A_339 = arith.subi %div3A_318, %sub3A_338 : i32
      %select_n3A_340 = arith.select %and3A_337, %sub3A_339, %div3A_318 : i32
      %mul3A_341 = arith.constant 8 : i32
      %mul3A_342 = arith.muli %select_n3A_340, %mul3A_341 : i32
      %add3A_343 = arith.addi %mul3A_2, %mul3A_342 : i32
      %jit3A_344 = arith.constant 4 : i32
      %eq3A_345 = arith.constant 0 : i32
      %eq3A_346 = arith.cmpi eq, %jit3A_344, %eq3A_345 : i32
      %jit3A_347 = arith.constant 1 : i32
      %select_n3A_348 = arith.select %eq3A_346, %jit3A_347, %jit3A_344 : i32
      %rem3A_349 = arith.remsi %add3A_316, %select_n3A_348 : i32
      %ne3A_350 = arith.constant 0 : i32
      %ne3A_351 = arith.cmpi ne, %rem3A_349, %ne3A_350 : i32
      %lt3A_352 = arith.constant 0 : i32
      %lt3A_353 = arith.cmpi slt, %rem3A_349, %lt3A_352 : i32
      %lt3A_354 = arith.constant 0 : i32
      %lt3A_355 = arith.cmpi slt, %select_n3A_348, %lt3A_354 : i32
      %ne3A_356 = arith.xori %lt3A_353, %lt3A_355 : i1
      %and3A_357 = arith.andi %ne3A_356, %ne3A_351 : i1
      %add3A_358 = arith.addi %rem3A_349, %select_n3A_348 : i32
      %select_n3A_359 = arith.select %and3A_357, %add3A_358, %rem3A_349 : i32
      %mul3A_360 = arith.constant 512 : i32
      %mul3A_361 = arith.muli %select_n3A_359, %mul3A_360 : i32
      %dma_wait3A_362 = arith.constant 1 : i32
      %dma_wait3A_363 = arith.constant 0 : i32
      %dma_wait3A_364 = arith.constant 0 : i32
      %dma_wait3A_365 = arith.constant 0 : i32
      %dma_wait3A_366 = tpu.memref_slice %arg6[%dma_wait3A_362, %dma_wait3A_363, %dma_wait3A_364, %dma_wait3A_365] : memref<2x8x8x512xf32, #tpu.memory_space<vmem>> -> memref<1x8x8x512xf32, #tpu.memory_space<vmem>>
      %dma_wait3A_367 = tpu.memref_squeeze %dma_wait3A_366 : memref<1x8x8x512xf32, #tpu.memory_space<vmem>> -> memref<8x8x512xf32, #tpu.memory_space<vmem>>
      %dma_wait3A_368 = arith.constant 0 : i32
      %dma_wait3A_369 = tpu.memref_slice %arg2[%add3A_343, %dma_wait3A_368, %mul3A_361] : memref<4096x8x2048xf32, #tpu.memory_space<hbm>> -> memref<8x8x512xf32, #tpu.memory_space<hbm>>
      %dma_wait3A_370 = arith.constant 0 : i32
      %dma_wait3A_371 = arith.constant 0 : i32
      %dma_wait3A_372 = arith.constant 0 : i32
      %dma_wait3A_373 = tpu.memref_slice %arg6[%dma_wait3A_362, %dma_wait3A_370, %dma_wait3A_371, %dma_wait3A_372] : memref<2x8x8x512xf32, #tpu.memory_space<vmem>> -> memref<1x8x8x512xf32, #tpu.memory_space<vmem>>
      %dma_wait3A_374 = tpu.memref_squeeze %dma_wait3A_373 : memref<1x8x8x512xf32, #tpu.memory_space<vmem>> -> memref<8x8x512xf32, #tpu.memory_space<vmem>>
      %dma_wait3A_375 = arith.constant 0 : i32
      %dma_wait3A_376 = tpu.memref_slice %arg2[%add3A_343, %dma_wait3A_375, %mul3A_361] : memref<4096x8x2048xf32, #tpu.memory_space<hbm>> -> memref<8x8x512xf32, #tpu.memory_space<hbm>>
      tpu.wait_dma2 semaphore(%arg11 : memref<!tpu.dma_semaphore, #tpu.memory_space<semaphore_mem>>) src(%dma_wait3A_376 : memref<8x8x512xf32, #tpu.memory_space<hbm>>) dst(%dma_wait3A_374 : memref<8x8x512xf32, #tpu.memory_space<vmem>>)
      %dma_wait3A_377 = arith.constant 1 : i32
      %dma_wait3A_378 = arith.constant 0 : i32
      %dma_wait3A_379 = arith.constant 0 : i32
      %dma_wait3A_380 = tpu.memref_slice %arg7[%dma_wait3A_377, %dma_wait3A_378, %dma_wait3A_379] : memref<2x8x512xf32, #tpu.memory_space<vmem>> -> memref<1x8x512xf32, #tpu.memory_space<vmem>>
      %dma_wait3A_381 = tpu.memref_squeeze %dma_wait3A_380 : memref<1x8x512xf32, #tpu.memory_space<vmem>> -> memref<8x512xf32, #tpu.memory_space<vmem>>
      %dma_wait3A_382 = tpu.memref_slice %arg3[%add3A_343, %mul3A_361] : memref<4096x2048xf32, #tpu.memory_space<hbm>> -> memref<8x512xf32, #tpu.memory_space<hbm>>
      %dma_wait3A_383 = arith.constant 0 : i32
      %dma_wait3A_384 = arith.constant 0 : i32
      %dma_wait3A_385 = tpu.memref_slice %arg7[%dma_wait3A_377, %dma_wait3A_383, %dma_wait3A_384] : memref<2x8x512xf32, #tpu.memory_space<vmem>> -> memref<1x8x512xf32, #tpu.memory_space<vmem>>
      %dma_wait3A_386 = tpu.memref_squeeze %dma_wait3A_385 : memref<1x8x512xf32, #tpu.memory_space<vmem>> -> memref<8x512xf32, #tpu.memory_space<vmem>>
      %dma_wait3A_387 = tpu.memref_slice %arg3[%add3A_343, %mul3A_361] : memref<4096x2048xf32, #tpu.memory_space<hbm>> -> memref<8x512xf32, #tpu.memory_space<hbm>>
      tpu.wait_dma2 semaphore(%arg11 : memref<!tpu.dma_semaphore, #tpu.memory_space<semaphore_mem>>) src(%dma_wait3A_387 : memref<8x512xf32, #tpu.memory_space<hbm>>) dst(%dma_wait3A_386 : memref<8x512xf32, #tpu.memory_space<vmem>>)
      %ge3A_388 = arith.constant 2 : i32
      %ge3A_389 = arith.cmpi sge, %add3A_316, %ge3A_388 : i32
      %convert_element_type3A_390 = arith.extui %ge3A_389 : i1 to i32
      %cond3A_391 = arith.constant 1 : i32
      %cond3A_392 = arith.constant 1 : i32
      %cond3A_393 = arith.constant 0 : i32
      %cond3A_394 = arith.cmpi ne, %convert_element_type3A_390, %cond3A_393 : i32
      scf.if %cond3A_394 {
        %sub3A_513 = arith.constant 2 : i32
        %sub3A_514 = arith.subi %add3A_316, %sub3A_513 : i32
        %jit3A_515 = arith.constant 4 : i32
        %div3A_516 = arith.divsi %sub3A_514, %jit3A_515 : i32
        %sign3A_517 = arith.constant 0 : i32
        %sign3A_518 = arith.cmpi sgt, %sub3A_514, %sign3A_517 : i32
        %sign3A_519 = arith.extui %sign3A_518 : i1 to i32
        %sign3A_520 = arith.constant 0 : i32
        %sign3A_521 = arith.cmpi slt, %sub3A_514, %sign3A_520 : i32
        %sign3A_522 = arith.extui %sign3A_521 : i1 to i32
        %sign3A_523 = arith.subi %sign3A_519, %sign3A_522 : i32
        %sign3A_524 = arith.constant 0 : i32
        %sign3A_525 = arith.cmpi sgt, %jit3A_515, %sign3A_524 : i32
        %sign3A_526 = arith.extui %sign3A_525 : i1 to i32
        %sign3A_527 = arith.constant 0 : i32
        %sign3A_528 = arith.cmpi slt, %jit3A_515, %sign3A_527 : i32
        %sign3A_529 = arith.extui %sign3A_528 : i1 to i32
        %sign3A_530 = arith.subi %sign3A_526, %sign3A_529 : i32
        %ne3A_531 = arith.cmpi ne, %sign3A_523, %sign3A_530 : i32
        %rem3A_532 = arith.remsi %sub3A_514, %jit3A_515 : i32
        %ne3A_533 = arith.constant 0 : i32
        %ne3A_534 = arith.cmpi ne, %rem3A_532, %ne3A_533 : i32
        %and3A_535 = arith.andi %ne3A_531, %ne3A_534 : i1
        %sub3A_536 = arith.constant 1 : i32
        %sub3A_537 = arith.subi %div3A_516, %sub3A_536 : i32
        %select_n3A_538 = arith.select %and3A_535, %sub3A_537, %div3A_516 : i32
        %mul3A_539 = arith.constant 8 : i32
        %mul3A_540 = arith.muli %select_n3A_538, %mul3A_539 : i32
        %add3A_541 = arith.addi %mul3A_2, %mul3A_540 : i32
        %jit3A_542 = arith.constant 4 : i32
        %eq3A_543 = arith.constant 0 : i32
        %eq3A_544 = arith.cmpi eq, %jit3A_542, %eq3A_543 : i32
        %jit3A_545 = arith.constant 1 : i32
        %select_n3A_546 = arith.select %eq3A_544, %jit3A_545, %jit3A_542 : i32
        %rem3A_547 = arith.remsi %sub3A_514, %select_n3A_546 : i32
        %ne3A_548 = arith.constant 0 : i32
        %ne3A_549 = arith.cmpi ne, %rem3A_547, %ne3A_548 : i32
        %lt3A_550 = arith.constant 0 : i32
        %lt3A_551 = arith.cmpi slt, %rem3A_547, %lt3A_550 : i32
        %lt3A_552 = arith.constant 0 : i32
        %lt3A_553 = arith.cmpi slt, %select_n3A_546, %lt3A_552 : i32
        %ne3A_554 = arith.xori %lt3A_551, %lt3A_553 : i1
        %and3A_555 = arith.andi %ne3A_554, %ne3A_549 : i1
        %add3A_556 = arith.addi %rem3A_547, %select_n3A_546 : i32
        %select_n3A_557 = arith.select %and3A_555, %add3A_556, %rem3A_547 : i32
        %mul3A_558 = arith.constant 512 : i32
        %mul3A_559 = arith.muli %select_n3A_557, %mul3A_558 : i32
        %dma_wait3A_560 = arith.constant 0 : i32
        %dma_wait3A_561 = arith.constant 0 : i32
        %dma_wait3A_562 = tpu.memref_slice %arg8[%cond3A_391, %dma_wait3A_560, %dma_wait3A_561] : memref<2x8x512xf32, #tpu.memory_space<vmem>> -> memref<1x8x512xf32, #tpu.memory_space<vmem>>
        %dma_wait3A_563 = tpu.memref_squeeze %dma_wait3A_562 : memref<1x8x512xf32, #tpu.memory_space<vmem>> -> memref<8x512xf32, #tpu.memory_space<vmem>>
        %dma_wait3A_564 = tpu.memref_slice %arg4[%add3A_541, %mul3A_559] : memref<4096x2048xf32, #tpu.memory_space<hbm>> -> memref<8x512xf32, #tpu.memory_space<hbm>>
        %dma_wait3A_565 = tpu.memref_slice %arg4[%add3A_541, %mul3A_559] : memref<4096x2048xf32, #tpu.memory_space<hbm>> -> memref<8x512xf32, #tpu.memory_space<hbm>>
        %dma_wait3A_566 = arith.constant 0 : i32
        %dma_wait3A_567 = arith.constant 0 : i32
        %dma_wait3A_568 = tpu.memref_slice %arg8[%cond3A_391, %dma_wait3A_566, %dma_wait3A_567] : memref<2x8x512xf32, #tpu.memory_space<vmem>> -> memref<1x8x512xf32, #tpu.memory_space<vmem>>
        %dma_wait3A_569 = tpu.memref_squeeze %dma_wait3A_568 : memref<1x8x512xf32, #tpu.memory_space<vmem>> -> memref<8x512xf32, #tpu.memory_space<vmem>>
        tpu.wait_dma2 semaphore(%arg13 : memref<!tpu.dma_semaphore, #tpu.memory_space<semaphore_mem>>) src(%dma_wait3A_569 : memref<8x512xf32, #tpu.memory_space<vmem>>) dst(%dma_wait3A_565 : memref<8x512xf32, #tpu.memory_space<hbm>>)
        %dma_wait3A_570 = arith.constant 0 : i32
        %dma_wait3A_571 = arith.constant 0 : i32
        %dma_wait3A_572 = tpu.memref_slice %arg9[%cond3A_392, %dma_wait3A_570, %dma_wait3A_571] : memref<2x8x512xi32, #tpu.memory_space<vmem>> -> memref<1x8x512xi32, #tpu.memory_space<vmem>>
        %dma_wait3A_573 = tpu.memref_squeeze %dma_wait3A_572 : memref<1x8x512xi32, #tpu.memory_space<vmem>> -> memref<8x512xi32, #tpu.memory_space<vmem>>
        %dma_wait3A_574 = tpu.memref_slice %arg5[%add3A_541, %mul3A_559] : memref<4096x2048xi32, #tpu.memory_space<hbm>> -> memref<8x512xi32, #tpu.memory_space<hbm>>
        %dma_wait3A_575 = tpu.memref_slice %arg5[%add3A_541, %mul3A_559] : memref<4096x2048xi32, #tpu.memory_space<hbm>> -> memref<8x512xi32, #tpu.memory_space<hbm>>
        %dma_wait3A_576 = arith.constant 0 : i32
        %dma_wait3A_577 = arith.constant 0 : i32
        %dma_wait3A_578 = tpu.memref_slice %arg9[%cond3A_392, %dma_wait3A_576, %dma_wait3A_577] : memref<2x8x512xi32, #tpu.memory_space<vmem>> -> memref<1x8x512xi32, #tpu.memory_space<vmem>>
        %dma_wait3A_579 = tpu.memref_squeeze %dma_wait3A_578 : memref<1x8x512xi32, #tpu.memory_space<vmem>> -> memref<8x512xi32, #tpu.memory_space<vmem>>
        tpu.wait_dma2 semaphore(%arg13 : memref<!tpu.dma_semaphore, #tpu.memory_space<semaphore_mem>>) src(%dma_wait3A_579 : memref<8x512xi32, #tpu.memory_space<vmem>>) dst(%dma_wait3A_575 : memref<8x512xi32, #tpu.memory_space<hbm>>)
      } else {
      }
      %scan3A_395 = arith.constant 1 : i32
      %scan3A_396 = arith.constant 1 : i32
      %scan3A_397 = arith.constant 1 : i32
      %scan3A_398 = arith.constant 1 : i32
      %scan3A_399 = arith.constant 0 : i32
      %scan3A_400 = arith.constant 0 : i32
      %scan3A_401 = arith.constant 32 : i32
      %scan3A_402 = arith.addi %scan3A_400, %scan3A_401 : i32
      %scan3A_403 = arith.constant 1 : i32
      %scan3A_404 = scf.for %scan3A_513 = %scan3A_400 to %scan3A_402 step %scan3A_403 iter_args(%scan3A_514 = %scan3A_399) -> (i32)  : i32 {
        %mul3A_515 = arith.constant 16 : i32
        %mul3A_516 = arith.muli %scan3A_513, %mul3A_515 : i32
        %get3A = arith.constant 0 : i32
        %get3A_517 = arith.constant 0 : i32
        %get3A_518 = arith.constant 0 : i32
        %get3A_519 = arith.constant 0 : i32
        %get3A_520 = arith.constant 0 : i32
        %get3A_521 = tpu.memref_slice %arg6[%scan3A_395, %get3A_518, %get3A_519, %get3A_520] : memref<2x8x8x512xf32, #tpu.memory_space<vmem>> -> memref<1x8x8x512xf32, #tpu.memory_space<vmem>>
        %get3A_522 = tpu.memref_squeeze %get3A_521 : memref<1x8x8x512xf32, #tpu.memory_space<vmem>> -> memref<8x8x512xf32, #tpu.memory_space<vmem>>
        %get3A_523 = arith.index_cast %get3A : i32 to index
        %get3A_524 = arith.index_cast %get3A_517 : i32 to index
        %get3A_525 = arith.index_cast %mul3A_516 : i32 to index
        %get3A_526 = tpu.vector_load %get3A_522[%get3A_523, %get3A_524, %get3A_525] {strides = array<i32>} : memref<8x8x512xf32, #tpu.memory_space<vmem>>, vector<16xf32>,
        %abs3A = math.absf %get3A_526 : vector<16xf32>
        %broadcast_in_dim3A = arith.constant 0 : i32
        %broadcast_in_dim3A_527 = vector.broadcast %broadcast_in_dim3A : i32 to vector<16xi32>
        %get3A_528 = arith.constant 0 : i32
        %get3A_529 = arith.constant 1 : i32
        %get3A_530 = arith.constant 0 : i32
        %get3A_531 = arith.constant 0 : i32
        %get3A_532 = arith.constant 0 : i32
        %get3A_533 = tpu.memref_slice %arg6[%scan3A_395, %get3A_530, %get3A_531, %get3A_532] : memref<2x8x8x512xf32, #tpu.memory_space<vmem>> -> memref<1x8x8x512xf32, #tpu.memory_space<vmem>>
        %get3A_534 = tpu.memref_squeeze %get3A_533 : memref<1x8x8x512xf32, #tpu.memory_space<vmem>> -> memref<8x8x512xf32, #tpu.memory_space<vmem>>
        %get3A_535 = arith.index_cast %get3A_528 : i32 to index
        %get3A_536 = arith.index_cast %get3A_529 : i32 to index
        %get3A_537 = arith.index_cast %mul3A_516 : i32 to index
        %get3A_538 = tpu.vector_load %get3A_534[%get3A_535, %get3A_536, %get3A_537] {strides = array<i32>} : memref<8x8x512xf32, #tpu.memory_space<vmem>>, vector<16xf32>,
        %abs3A_539 = math.absf %get3A_538 : vector<16xf32>
        %gt3A = arith.cmpf ogt, %abs3A_539, %abs3A : vector<16xf32>
        %select_n3A_540 = arith.select %gt3A, %abs3A_539, %abs3A : vector<16xi1>, vector<16xf32>
        %select_n3A_541 = arith.select %gt3A, %get3A_538, %get3A_526 : vector<16xi1>, vector<16xf32>
        %jit3A_542 = arith.constant 1 : i32
        %broadcast_in_dim3A_543 = vector.broadcast %jit3A_542 : i32 to vector<16xi32>
        %select_n3A_544 = arith.select %gt3A, %broadcast_in_dim3A_543, %broadcast_in_dim3A_527 : vector<16xi1>, vector<16xi32>
        %get3A_545 = arith.constant 0 : i32
        %get3A_546 = arith.constant 2 : i32
        %get3A_547 = arith.constant 0 : i32
        %get3A_548 = arith.constant 0 : i32
        %get3A_549 = arith.constant 0 : i32
        %get3A_550 = tpu.memref_slice %arg6[%scan3A_395, %get3A_547, %get3A_548, %get3A_549] : memref<2x8x8x512xf32, #tpu.memory_space<vmem>> -> memref<1x8x8x512xf32, #tpu.memory_space<vmem>>
        %get3A_551 = tpu.memref_squeeze %get3A_550 : memref<1x8x8x512xf32, #tpu.memory_space<vmem>> -> memref<8x8x512xf32, #tpu.memory_space<vmem>>
        %get3A_552 = arith.index_cast %get3A_545 : i32 to index
        %get3A_553 = arith.index_cast %get3A_546 : i32 to index
        %get3A_554 = arith.index_cast %mul3A_516 : i32 to index
        %get3A_555 = tpu.vector_load %get3A_551[%get3A_552, %get3A_553, %get3A_554] {strides = array<i32>} : memref<8x8x512xf32, #tpu.memory_space<vmem>>, vector<16xf32>,
        %abs3A_556 = math.absf %get3A_555 : vector<16xf32>
        %gt3A_557 = arith.cmpf ogt, %abs3A_556, %select_n3A_540 : vector<16xf32>
        %select_n3A_558 = arith.select %gt3A_557, %abs3A_556, %select_n3A_540 : vector<16xi1>, vector<16xf32>
        %select_n3A_559 = arith.select %gt3A_557, %get3A_555, %select_n3A_541 : vector<16xi1>, vector<16xf32>
        %jit3A_560 = arith.constant 2 : i32
        %broadcast_in_dim3A_561 = vector.broadcast %jit3A_560 : i32 to vector<16xi32>
        %select_n3A_562 = arith.select %gt3A_557, %broadcast_in_dim3A_561, %select_n3A_544 : vector<16xi1>, vector<16xi32>
        %get3A_563 = arith.constant 0 : i32
        %get3A_564 = arith.constant 3 : i32
        %get3A_565 = arith.constant 0 : i32
        %get3A_566 = arith.constant 0 : i32
        %get3A_567 = arith.constant 0 : i32
        %get3A_568 = tpu.memref_slice %arg6[%scan3A_395, %get3A_565, %get3A_566, %get3A_567] : memref<2x8x8x512xf32, #tpu.memory_space<vmem>> -> memref<1x8x8x512xf32, #tpu.memory_space<vmem>>
        %get3A_569 = tpu.memref_squeeze %get3A_568 : memref<1x8x8x512xf32, #tpu.memory_space<vmem>> -> memref<8x8x512xf32, #tpu.memory_space<vmem>>
        %get3A_570 = arith.index_cast %get3A_563 : i32 to index
        %get3A_571 = arith.index_cast %get3A_564 : i32 to index
        %get3A_572 = arith.index_cast %mul3A_516 : i32 to index
        %get3A_573 = tpu.vector_load %get3A_569[%get3A_570, %get3A_571, %get3A_572] {strides = array<i32>} : memref<8x8x512xf32, #tpu.memory_space<vmem>>, vector<16xf32>,
        %abs3A_574 = math.absf %get3A_573 : vector<16xf32>
        %gt3A_575 = arith.cmpf ogt, %abs3A_574, %select_n3A_558 : vector<16xf32>
        %select_n3A_576 = arith.select %gt3A_575, %abs3A_574, %select_n3A_558 : vector<16xi1>, vector<16xf32>
        %select_n3A_577 = arith.select %gt3A_575, %get3A_573, %select_n3A_559 : vector<16xi1>, vector<16xf32>
        %jit3A_578 = arith.constant 3 : i32
        %broadcast_in_dim3A_579 = vector.broadcast %jit3A_578 : i32 to vector<16xi32>
        %select_n3A_580 = arith.select %gt3A_575, %broadcast_in_dim3A_579, %select_n3A_562 : vector<16xi1>, vector<16xi32>
        %get3A_581 = arith.constant 0 : i32
        %get3A_582 = arith.constant 4 : i32
        %get3A_583 = arith.constant 0 : i32
        %get3A_584 = arith.constant 0 : i32
        %get3A_585 = arith.constant 0 : i32
        %get3A_586 = tpu.memref_slice %arg6[%scan3A_395, %get3A_583, %get3A_584, %get3A_585] : memref<2x8x8x512xf32, #tpu.memory_space<vmem>> -> memref<1x8x8x512xf32, #tpu.memory_space<vmem>>
        %get3A_587 = tpu.memref_squeeze %get3A_586 : memref<1x8x8x512xf32, #tpu.memory_space<vmem>> -> memref<8x8x512xf32, #tpu.memory_space<vmem>>
        %get3A_588 = arith.index_cast %get3A_581 : i32 to index
        %get3A_589 = arith.index_cast %get3A_582 : i32 to index
        %get3A_590 = arith.index_cast %mul3A_516 : i32 to index
        %get3A_591 = tpu.vector_load %get3A_587[%get3A_588, %get3A_589, %get3A_590] {strides = array<i32>} : memref<8x8x512xf32, #tpu.memory_space<vmem>>, vector<16xf32>,
        %abs3A_592 = math.absf %get3A_591 : vector<16xf32>
        %gt3A_593 = arith.cmpf ogt, %abs3A_592, %select_n3A_576 : vector<16xf32>
        %select_n3A_594 = arith.select %gt3A_593, %abs3A_592, %select_n3A_576 : vector<16xi1>, vector<16xf32>
        %select_n3A_595 = arith.select %gt3A_593, %get3A_591, %select_n3A_577 : vector<16xi1>, vector<16xf32>
        %jit3A_596 = arith.constant 4 : i32
        %broadcast_in_dim3A_597 = vector.broadcast %jit3A_596 : i32 to vector<16xi32>
        %select_n3A_598 = arith.select %gt3A_593, %broadcast_in_dim3A_597, %select_n3A_580 : vector<16xi1>, vector<16xi32>
        %get3A_599 = arith.constant 0 : i32
        %get3A_600 = arith.constant 5 : i32
        %get3A_601 = arith.constant 0 : i32
        %get3A_602 = arith.constant 0 : i32
        %get3A_603 = arith.constant 0 : i32
        %get3A_604 = tpu.memref_slice %arg6[%scan3A_395, %get3A_601, %get3A_602, %get3A_603] : memref<2x8x8x512xf32, #tpu.memory_space<vmem>> -> memref<1x8x8x512xf32, #tpu.memory_space<vmem>>
        %get3A_605 = tpu.memref_squeeze %get3A_604 : memref<1x8x8x512xf32, #tpu.memory_space<vmem>> -> memref<8x8x512xf32, #tpu.memory_space<vmem>>
        %get3A_606 = arith.index_cast %get3A_599 : i32 to index
        %get3A_607 = arith.index_cast %get3A_600 : i32 to index
        %get3A_608 = arith.index_cast %mul3A_516 : i32 to index
        %get3A_609 = tpu.vector_load %get3A_605[%get3A_606, %get3A_607, %get3A_608] {strides = array<i32>} : memref<8x8x512xf32, #tpu.memory_space<vmem>>, vector<16xf32>,
        %abs3A_610 = math.absf %get3A_609 : vector<16xf32>
        %gt3A_611 = arith.cmpf ogt, %abs3A_610, %select_n3A_594 : vector<16xf32>
        %select_n3A_612 = arith.select %gt3A_611, %abs3A_610, %select_n3A_594 : vector<16xi1>, vector<16xf32>
        %select_n3A_613 = arith.select %gt3A_611, %get3A_609, %select_n3A_595 : vector<16xi1>, vector<16xf32>
        %jit3A_614 = arith.constant 5 : i32
        %broadcast_in_dim3A_615 = vector.broadcast %jit3A_614 : i32 to vector<16xi32>
        %select_n3A_616 = arith.select %gt3A_611, %broadcast_in_dim3A_615, %select_n3A_598 : vector<16xi1>, vector<16xi32>
        %get3A_617 = arith.constant 0 : i32
        %get3A_618 = arith.constant 6 : i32
        %get3A_619 = arith.constant 0 : i32
        %get3A_620 = arith.constant 0 : i32
        %get3A_621 = arith.constant 0 : i32
        %get3A_622 = tpu.memref_slice %arg6[%scan3A_395, %get3A_619, %get3A_620, %get3A_621] : memref<2x8x8x512xf32, #tpu.memory_space<vmem>> -> memref<1x8x8x512xf32, #tpu.memory_space<vmem>>
        %get3A_623 = tpu.memref_squeeze %get3A_622 : memref<1x8x8x512xf32, #tpu.memory_space<vmem>> -> memref<8x8x512xf32, #tpu.memory_space<vmem>>
        %get3A_624 = arith.index_cast %get3A_617 : i32 to index
        %get3A_625 = arith.index_cast %get3A_618 : i32 to index
        %get3A_626 = arith.index_cast %mul3A_516 : i32 to index
        %get3A_627 = tpu.vector_load %get3A_623[%get3A_624, %get3A_625, %get3A_626] {strides = array<i32>} : memref<8x8x512xf32, #tpu.memory_space<vmem>>, vector<16xf32>,
        %abs3A_628 = math.absf %get3A_627 : vector<16xf32>
        %gt3A_629 = arith.cmpf ogt, %abs3A_628, %select_n3A_612 : vector<16xf32>
        %select_n3A_630 = arith.select %gt3A_629, %abs3A_628, %select_n3A_612 : vector<16xi1>, vector<16xf32>
        %select_n3A_631 = arith.select %gt3A_629, %get3A_627, %select_n3A_613 : vector<16xi1>, vector<16xf32>
        %jit3A_632 = arith.constant 6 : i32
        %broadcast_in_dim3A_633 = vector.broadcast %jit3A_632 : i32 to vector<16xi32>
        %select_n3A_634 = arith.select %gt3A_629, %broadcast_in_dim3A_633, %select_n3A_616 : vector<16xi1>, vector<16xi32>
        %get3A_635 = arith.constant 0 : i32
        %get3A_636 = arith.constant 7 : i32
        %get3A_637 = arith.constant 0 : i32
        %get3A_638 = arith.constant 0 : i32
        %get3A_639 = arith.constant 0 : i32
        %get3A_640 = tpu.memref_slice %arg6[%scan3A_395, %get3A_637, %get3A_638, %get3A_639] : memref<2x8x8x512xf32, #tpu.memory_space<vmem>> -> memref<1x8x8x512xf32, #tpu.memory_space<vmem>>
        %get3A_641 = tpu.memref_squeeze %get3A_640 : memref<1x8x8x512xf32, #tpu.memory_space<vmem>> -> memref<8x8x512xf32, #tpu.memory_space<vmem>>
        %get3A_642 = arith.index_cast %get3A_635 : i32 to index
        %get3A_643 = arith.index_cast %get3A_636 : i32 to index
        %get3A_644 = arith.index_cast %mul3A_516 : i32 to index
        %get3A_645 = tpu.vector_load %get3A_641[%get3A_642, %get3A_643, %get3A_644] {strides = array<i32>} : memref<8x8x512xf32, #tpu.memory_space<vmem>>, vector<16xf32>,
        %abs3A_646 = math.absf %get3A_645 : vector<16xf32>
        %gt3A_647 = arith.cmpf ogt, %abs3A_646, %select_n3A_630 : vector<16xf32>
        %select_n3A_648 = arith.select %gt3A_647, %abs3A_646, %select_n3A_630 : vector<16xi1>, vector<16xf32>
        %select_n3A_649 = arith.select %gt3A_647, %get3A_645, %select_n3A_631 : vector<16xi1>, vector<16xf32>
        %jit3A_650 = arith.constant 7 : i32
        %broadcast_in_dim3A_651 = vector.broadcast %jit3A_650 : i32 to vector<16xi32>
        %select_n3A_652 = arith.select %gt3A_647, %broadcast_in_dim3A_651, %select_n3A_634 : vector<16xi1>, vector<16xi32>
        %neg3A = arith.constant 0.000000e+00 : f32
        %neg3A_653 = vector.broadcast %neg3A : f32 to vector<16xf32>
        %neg3A_654 = arith.subf %neg3A_653, %select_n3A_649 : vector<16xf32>
        %exp3A = math.exp %neg3A_654 : vector<16xf32>
        %add3A_655 = arith.constant 1.000000e+00 : f32
        %add3A_656 = vector.broadcast %add3A_655 : f32 to vector<16xf32>
        %add3A_657 = arith.addf %add3A_656, %exp3A : vector<16xf32>
        %div3A_658 = arith.constant 1.000000e+00 : f32
        %div3A_659 = vector.broadcast %div3A_658 : f32 to vector<16xf32>
        %div3A_660 = arith.divf %div3A_659, %add3A_657 : vector<16xf32>
        %get3A_661 = arith.constant 0 : i32
        %get3A_662 = arith.constant 0 : i32
        %get3A_663 = arith.constant 0 : i32
        %get3A_664 = tpu.memref_slice %arg7[%scan3A_396, %get3A_662, %get3A_663] : memref<2x8x512xf32, #tpu.memory_space<vmem>> -> memref<1x8x512xf32, #tpu.memory_space<vmem>>
        %get3A_665 = tpu.memref_squeeze %get3A_664 : memref<1x8x512xf32, #tpu.memory_space<vmem>> -> memref<8x512xf32, #tpu.memory_space<vmem>>
        %get3A_666 = arith.index_cast %get3A_661 : i32 to index
        %get3A_667 = arith.index_cast %mul3A_516 : i32 to index
        %get3A_668 = tpu.vector_load %get3A_665[%get3A_666, %get3A_667] {strides = array<i32>} : memref<8x512xf32, #tpu.memory_space<vmem>>, vector<16xf32>,
        %mul3A_669 = arith.mulf %get3A_668, %div3A_660 : vector<16xf32>
        %swap3A = arith.constant 0 : i32
        %swap3A_670 = arith.constant 0 : i32
        %swap3A_671 = arith.constant 0 : i32
        %swap3A_672 = tpu.memref_slice %arg8[%scan3A_397, %swap3A_670, %swap3A_671] : memref<2x8x512xf32, #tpu.memory_space<vmem>> -> memref<1x8x512xf32, #tpu.memory_space<vmem>>
        %swap3A_673 = tpu.memref_squeeze %swap3A_672 : memref<1x8x512xf32, #tpu.memory_space<vmem>> -> memref<8x512xf32, #tpu.memory_space<vmem>>
        %swap3A_674 = arith.index_cast %swap3A : i32 to index
        %swap3A_675 = arith.index_cast %mul3A_516 : i32 to index
        %swap3A_676 = tpu.vector_load %swap3A_673[%swap3A_674, %swap3A_675] {strides = array<i32>} : memref<8x512xf32, #tpu.memory_space<vmem>>, vector<16xf32>,
        tpu.vector_store %swap3A_673[%swap3A_674, %swap3A_675], %mul3A_669 {strides = array<i32>} : memref<8x512xf32, #tpu.memory_space<vmem>>, vector<16xf32>,
        %swap3A_677 = arith.constant 0 : i32
        %swap3A_678 = arith.constant 0 : i32
        %swap3A_679 = arith.constant 0 : i32
        %swap3A_680 = tpu.memref_slice %arg9[%scan3A_398, %swap3A_678, %swap3A_679] : memref<2x8x512xi32, #tpu.memory_space<vmem>> -> memref<1x8x512xi32, #tpu.memory_space<vmem>>
        %swap3A_681 = tpu.memref_squeeze %swap3A_680 : memref<1x8x512xi32, #tpu.memory_space<vmem>> -> memref<8x512xi32, #tpu.memory_space<vmem>>
        %swap3A_682 = arith.index_cast %swap3A_677 : i32 to index
        %swap3A_683 = arith.index_cast %mul3A_516 : i32 to index
        %swap3A_684 = tpu.vector_load %swap3A_681[%swap3A_682, %swap3A_683] {strides = array<i32>} : memref<8x512xi32, #tpu.memory_space<vmem>>, vector<16xi32>,
        tpu.vector_store %swap3A_681[%swap3A_682, %swap3A_683], %select_n3A_652 {strides = array<i32>} : memref<8x512xi32, #tpu.memory_space<vmem>>, vector<16xi32>,
        %scan3A_685 = arith.constant 0 : i32
        scf.yield %scan3A_685 : i32
      }
      %scan3A_405 = arith.constant 32 : i32
      %scan3A_406 = arith.constant 1 : i32
      %scan3A_407 = arith.constant 1 : i32
      %scan3A_408 = arith.constant 1 : i32
      %scan3A_409 = arith.constant 1 : i32
      %scan3A_410 = arith.constant 0 : i32
      %scan3A_411 = arith.constant 0 : i32
      %scan3A_412 = arith.constant 32 : i32
      %scan3A_413 = arith.addi %scan3A_411, %scan3A_412 : i32
      %scan3A_414 = arith.constant 1 : i32
      %scan3A_415 = scf.for %scan3A_513 = %scan3A_411 to %scan3A_413 step %scan3A_414 iter_args(%scan3A_514 = %scan3A_410) -> (i32)  : i32 {
        %mul3A_515 = arith.constant 16 : i32
        %mul3A_516 = arith.muli %scan3A_513, %mul3A_515 : i32
        %get3A = arith.constant 1 : i32
        %get3A_517 = arith.constant 0 : i32
        %get3A_518 = arith.constant 0 : i32
        %get3A_519 = arith.constant 0 : i32
        %get3A_520 = arith.constant 0 : i32
        %get3A_521 = tpu.memref_slice %arg6[%scan3A_406, %get3A_518, %get3A_519, %get3A_520] : memref<2x8x8x512xf32, #tpu.memory_space<vmem>> -> memref<1x8x8x512xf32, #tpu.memory_space<vmem>>
        %get3A_522 = tpu.memref_squeeze %get3A_521 : memref<1x8x8x512xf32, #tpu.memory_space<vmem>> -> memref<8x8x512xf32, #tpu.memory_space<vmem>>
        %get3A_523 = arith.index_cast %get3A : i32 to index
        %get3A_524 = arith.index_cast %get3A_517 : i32 to index
        %get3A_525 = arith.index_cast %mul3A_516 : i32 to index
        %get3A_526 = tpu.vector_load %get3A_522[%get3A_523, %get3A_524, %get3A_525] {strides = array<i32>} : memref<8x8x512xf32, #tpu.memory_space<vmem>>, vector<16xf32>,
        %abs3A = math.absf %get3A_526 : vector<16xf32>
        %broadcast_in_dim3A = arith.constant 0 : i32
        %broadcast_in_dim3A_527 = vector.broadcast %broadcast_in_dim3A : i32 to vector<16xi32>
        %get3A_528 = arith.constant 1 : i32
        %get3A_529 = arith.constant 1 : i32
        %get3A_530 = arith.constant 0 : i32
        %get3A_531 = arith.constant 0 : i32
        %get3A_532 = arith.constant 0 : i32
        %get3A_533 = tpu.memref_slice %arg6[%scan3A_406, %get3A_530, %get3A_531, %get3A_532] : memref<2x8x8x512xf32, #tpu.memory_space<vmem>> -> memref<1x8x8x512xf32, #tpu.memory_space<vmem>>
        %get3A_534 = tpu.memref_squeeze %get3A_533 : memref<1x8x8x512xf32, #tpu.memory_space<vmem>> -> memref<8x8x512xf32, #tpu.memory_space<vmem>>
        %get3A_535 = arith.index_cast %get3A_528 : i32 to index
        %get3A_536 = arith.index_cast %get3A_529 : i32 to index
        %get3A_537 = arith.index_cast %mul3A_516 : i32 to index
        %get3A_538 = tpu.vector_load %get3A_534[%get3A_535, %get3A_536, %get3A_537] {strides = array<i32>} : memref<8x8x512xf32, #tpu.memory_space<vmem>>, vector<16xf32>,
        %abs3A_539 = math.absf %get3A_538 : vector<16xf32>
        %gt3A = arith.cmpf ogt, %abs3A_539, %abs3A : vector<16xf32>
        %select_n3A_540 = arith.select %gt3A, %abs3A_539, %abs3A : vector<16xi1>, vector<16xf32>
        %select_n3A_541 = arith.select %gt3A, %get3A_538, %get3A_526 : vector<16xi1>, vector<16xf32>
        %jit3A_542 = arith.constant 1 : i32
        %broadcast_in_dim3A_543 = vector.broadcast %jit3A_542 : i32 to vector<16xi32>
        %select_n3A_544 = arith.select %gt3A, %broadcast_in_dim3A_543, %broadcast_in_dim3A_527 : vector<16xi1>, vector<16xi32>
        %get3A_545 = arith.constant 1 : i32
        %get3A_546 = arith.constant 2 : i32
        %get3A_547 = arith.constant 0 : i32
        %get3A_548 = arith.constant 0 : i32
        %get3A_549 = arith.constant 0 : i32
        %get3A_550 = tpu.memref_slice %arg6[%scan3A_406, %get3A_547, %get3A_548, %get3A_549] : memref<2x8x8x512xf32, #tpu.memory_space<vmem>> -> memref<1x8x8x512xf32, #tpu.memory_space<vmem>>
        %get3A_551 = tpu.memref_squeeze %get3A_550 : memref<1x8x8x512xf32, #tpu.memory_space<vmem>> -> memref<8x8x512xf32, #tpu.memory_space<vmem>>
        %get3A_552 = arith.index_cast %get3A_545 : i32 to index
        %get3A_553 = arith.index_cast %get3A_546 : i32 to index
        %get3A_554 = arith.index_cast %mul3A_516 : i32 to index
        %get3A_555 = tpu.vector_load %get3A_551[%get3A_552, %get3A_553, %get3A_554] {strides = array<i32>} : memref<8x8x512xf32, #tpu.memory_space<vmem>>, vector<16xf32>,
        %abs3A_556 = math.absf %get3A_555 : vector<16xf32>
        %gt3A_557 = arith.cmpf ogt, %abs3A_556, %select_n3A_540 : vector<16xf32>
        %select_n3A_558 = arith.select %gt3A_557, %abs3A_556, %select_n3A_540 : vector<16xi1>, vector<16xf32>
        %select_n3A_559 = arith.select %gt3A_557, %get3A_555, %select_n3A_541 : vector<16xi1>, vector<16xf32>
        %jit3A_560 = arith.constant 2 : i32
        %broadcast_in_dim3A_561 = vector.broadcast %jit3A_560 : i32 to vector<16xi32>
        %select_n3A_562 = arith.select %gt3A_557, %broadcast_in_dim3A_561, %select_n3A_544 : vector<16xi1>, vector<16xi32>
        %get3A_563 = arith.constant 1 : i32
        %get3A_564 = arith.constant 3 : i32
        %get3A_565 = arith.constant 0 : i32
        %get3A_566 = arith.constant 0 : i32
        %get3A_567 = arith.constant 0 : i32
        %get3A_568 = tpu.memref_slice %arg6[%scan3A_406, %get3A_565, %get3A_566, %get3A_567] : memref<2x8x8x512xf32, #tpu.memory_space<vmem>> -> memref<1x8x8x512xf32, #tpu.memory_space<vmem>>
        %get3A_569 = tpu.memref_squeeze %get3A_568 : memref<1x8x8x512xf32, #tpu.memory_space<vmem>> -> memref<8x8x512xf32, #tpu.memory_space<vmem>>
        %get3A_570 = arith.index_cast %get3A_563 : i32 to index
        %get3A_571 = arith.index_cast %get3A_564 : i32 to index
        %get3A_572 = arith.index_cast %mul3A_516 : i32 to index
        %get3A_573 = tpu.vector_load %get3A_569[%get3A_570, %get3A_571, %get3A_572] {strides = array<i32>} : memref<8x8x512xf32, #tpu.memory_space<vmem>>, vector<16xf32>,
        %abs3A_574 = math.absf %get3A_573 : vector<16xf32>
        %gt3A_575 = arith.cmpf ogt, %abs3A_574, %select_n3A_558 : vector<16xf32>
        %select_n3A_576 = arith.select %gt3A_575, %abs3A_574, %select_n3A_558 : vector<16xi1>, vector<16xf32>
        %select_n3A_577 = arith.select %gt3A_575, %get3A_573, %select_n3A_559 : vector<16xi1>, vector<16xf32>
        %jit3A_578 = arith.constant 3 : i32
        %broadcast_in_dim3A_579 = vector.broadcast %jit3A_578 : i32 to vector<16xi32>
        %select_n3A_580 = arith.select %gt3A_575, %broadcast_in_dim3A_579, %select_n3A_562 : vector<16xi1>, vector<16xi32>
        %get3A_581 = arith.constant 1 : i32
        %get3A_582 = arith.constant 4 : i32
        %get3A_583 = arith.constant 0 : i32
        %get3A_584 = arith.constant 0 : i32
        %get3A_585 = arith.constant 0 : i32
        %get3A_586 = tpu.memref_slice %arg6[%scan3A_406, %get3A_583, %get3A_584, %get3A_585] : memref<2x8x8x512xf32, #tpu.memory_space<vmem>> -> memref<1x8x8x512xf32, #tpu.memory_space<vmem>>
        %get3A_587 = tpu.memref_squeeze %get3A_586 : memref<1x8x8x512xf32, #tpu.memory_space<vmem>> -> memref<8x8x512xf32, #tpu.memory_space<vmem>>
        %get3A_588 = arith.index_cast %get3A_581 : i32 to index
        %get3A_589 = arith.index_cast %get3A_582 : i32 to index
        %get3A_590 = arith.index_cast %mul3A_516 : i32 to index
        %get3A_591 = tpu.vector_load %get3A_587[%get3A_588, %get3A_589, %get3A_590] {strides = array<i32>} : memref<8x8x512xf32, #tpu.memory_space<vmem>>, vector<16xf32>,
        %abs3A_592 = math.absf %get3A_591 : vector<16xf32>
        %gt3A_593 = arith.cmpf ogt, %abs3A_592, %select_n3A_576 : vector<16xf32>
        %select_n3A_594 = arith.select %gt3A_593, %abs3A_592, %select_n3A_576 : vector<16xi1>, vector<16xf32>
        %select_n3A_595 = arith.select %gt3A_593, %get3A_591, %select_n3A_577 : vector<16xi1>, vector<16xf32>
        %jit3A_596 = arith.constant 4 : i32
        %broadcast_in_dim3A_597 = vector.broadcast %jit3A_596 : i32 to vector<16xi32>
        %select_n3A_598 = arith.select %gt3A_593, %broadcast_in_dim3A_597, %select_n3A_580 : vector<16xi1>, vector<16xi32>
        %get3A_599 = arith.constant 1 : i32
        %get3A_600 = arith.constant 5 : i32
        %get3A_601 = arith.constant 0 : i32
        %get3A_602 = arith.constant 0 : i32
        %get3A_603 = arith.constant 0 : i32
        %get3A_604 = tpu.memref_slice %arg6[%scan3A_406, %get3A_601, %get3A_602, %get3A_603] : memref<2x8x8x512xf32, #tpu.memory_space<vmem>> -> memref<1x8x8x512xf32, #tpu.memory_space<vmem>>
        %get3A_605 = tpu.memref_squeeze %get3A_604 : memref<1x8x8x512xf32, #tpu.memory_space<vmem>> -> memref<8x8x512xf32, #tpu.memory_space<vmem>>
        %get3A_606 = arith.index_cast %get3A_599 : i32 to index
        %get3A_607 = arith.index_cast %get3A_600 : i32 to index
        %get3A_608 = arith.index_cast %mul3A_516 : i32 to index
        %get3A_609 = tpu.vector_load %get3A_605[%get3A_606, %get3A_607, %get3A_608] {strides = array<i32>} : memref<8x8x512xf32, #tpu.memory_space<vmem>>, vector<16xf32>,
        %abs3A_610 = math.absf %get3A_609 : vector<16xf32>
        %gt3A_611 = arith.cmpf ogt, %abs3A_610, %select_n3A_594 : vector<16xf32>
        %select_n3A_612 = arith.select %gt3A_611, %abs3A_610, %select_n3A_594 : vector<16xi1>, vector<16xf32>
        %select_n3A_613 = arith.select %gt3A_611, %get3A_609, %select_n3A_595 : vector<16xi1>, vector<16xf32>
        %jit3A_614 = arith.constant 5 : i32
        %broadcast_in_dim3A_615 = vector.broadcast %jit3A_614 : i32 to vector<16xi32>
        %select_n3A_616 = arith.select %gt3A_611, %broadcast_in_dim3A_615, %select_n3A_598 : vector<16xi1>, vector<16xi32>
        %get3A_617 = arith.constant 1 : i32
        %get3A_618 = arith.constant 6 : i32
        %get3A_619 = arith.constant 0 : i32
        %get3A_620 = arith.constant 0 : i32
        %get3A_621 = arith.constant 0 : i32
        %get3A_622 = tpu.memref_slice %arg6[%scan3A_406, %get3A_619, %get3A_620, %get3A_621] : memref<2x8x8x512xf32, #tpu.memory_space<vmem>> -> memref<1x8x8x512xf32, #tpu.memory_space<vmem>>
        %get3A_623 = tpu.memref_squeeze %get3A_622 : memref<1x8x8x512xf32, #tpu.memory_space<vmem>> -> memref<8x8x512xf32, #tpu.memory_space<vmem>>
        %get3A_624 = arith.index_cast %get3A_617 : i32 to index
        %get3A_625 = arith.index_cast %get3A_618 : i32 to index
        %get3A_626 = arith.index_cast %mul3A_516 : i32 to index
        %get3A_627 = tpu.vector_load %get3A_623[%get3A_624, %get3A_625, %get3A_626] {strides = array<i32>} : memref<8x8x512xf32, #tpu.memory_space<vmem>>, vector<16xf32>,
        %abs3A_628 = math.absf %get3A_627 : vector<16xf32>
        %gt3A_629 = arith.cmpf ogt, %abs3A_628, %select_n3A_612 : vector<16xf32>
        %select_n3A_630 = arith.select %gt3A_629, %abs3A_628, %select_n3A_612 : vector<16xi1>, vector<16xf32>
        %select_n3A_631 = arith.select %gt3A_629, %get3A_627, %select_n3A_613 : vector<16xi1>, vector<16xf32>
        %jit3A_632 = arith.constant 6 : i32
        %broadcast_in_dim3A_633 = vector.broadcast %jit3A_632 : i32 to vector<16xi32>
        %select_n3A_634 = arith.select %gt3A_629, %broadcast_in_dim3A_633, %select_n3A_616 : vector<16xi1>, vector<16xi32>
        %get3A_635 = arith.constant 1 : i32
        %get3A_636 = arith.constant 7 : i32
        %get3A_637 = arith.constant 0 : i32
        %get3A_638 = arith.constant 0 : i32
        %get3A_639 = arith.constant 0 : i32
        %get3A_640 = tpu.memref_slice %arg6[%scan3A_406, %get3A_637, %get3A_638, %get3A_639] : memref<2x8x8x512xf32, #tpu.memory_space<vmem>> -> memref<1x8x8x512xf32, #tpu.memory_space<vmem>>
        %get3A_641 = tpu.memref_squeeze %get3A_640 : memref<1x8x8x512xf32, #tpu.memory_space<vmem>> -> memref<8x8x512xf32, #tpu.memory_space<vmem>>
        %get3A_642 = arith.index_cast %get3A_635 : i32 to index
        %get3A_643 = arith.index_cast %get3A_636 : i32 to index
        %get3A_644 = arith.index_cast %mul3A_516 : i32 to index
        %get3A_645 = tpu.vector_load %get3A_641[%get3A_642, %get3A_643, %get3A_644] {strides = array<i32>} : memref<8x8x512xf32, #tpu.memory_space<vmem>>, vector<16xf32>,
        %abs3A_646 = math.absf %get3A_645 : vector<16xf32>
        %gt3A_647 = arith.cmpf ogt, %abs3A_646, %select_n3A_630 : vector<16xf32>
        %select_n3A_648 = arith.select %gt3A_647, %abs3A_646, %select_n3A_630 : vector<16xi1>, vector<16xf32>
        %select_n3A_649 = arith.select %gt3A_647, %get3A_645, %select_n3A_631 : vector<16xi1>, vector<16xf32>
        %jit3A_650 = arith.constant 7 : i32
        %broadcast_in_dim3A_651 = vector.broadcast %jit3A_650 : i32 to vector<16xi32>
        %select_n3A_652 = arith.select %gt3A_647, %broadcast_in_dim3A_651, %select_n3A_634 : vector<16xi1>, vector<16xi32>
        %neg3A = arith.constant 0.000000e+00 : f32
        %neg3A_653 = vector.broadcast %neg3A : f32 to vector<16xf32>
        %neg3A_654 = arith.subf %neg3A_653, %select_n3A_649 : vector<16xf32>
        %exp3A = math.exp %neg3A_654 : vector<16xf32>
        %add3A_655 = arith.constant 1.000000e+00 : f32
        %add3A_656 = vector.broadcast %add3A_655 : f32 to vector<16xf32>
        %add3A_657 = arith.addf %add3A_656, %exp3A : vector<16xf32>
        %div3A_658 = arith.constant 1.000000e+00 : f32
        %div3A_659 = vector.broadcast %div3A_658 : f32 to vector<16xf32>
        %div3A_660 = arith.divf %div3A_659, %add3A_657 : vector<16xf32>
        %get3A_661 = arith.constant 1 : i32
        %get3A_662 = arith.constant 0 : i32
        %get3A_663 = arith.constant 0 : i32
        %get3A_664 = tpu.memref_slice %arg7[%scan3A_407, %get3A_662, %get3A_663] : memref<2x8x512xf32, #tpu.memory_space<vmem>> -> memref<1x8x512xf32, #tpu.memory_space<vmem>>
        %get3A_665 = tpu.memref_squeeze %get3A_664 : memref<1x8x512xf32, #tpu.memory_space<vmem>> -> memref<8x512xf32, #tpu.memory_space<vmem>>
        %get3A_666 = arith.index_cast %get3A_661 : i32 to index
        %get3A_667 = arith.index_cast %mul3A_516 : i32 to index
        %get3A_668 = tpu.vector_load %get3A_665[%get3A_666, %get3A_667] {strides = array<i32>} : memref<8x512xf32, #tpu.memory_space<vmem>>, vector<16xf32>,
        %mul3A_669 = arith.mulf %get3A_668, %div3A_660 : vector<16xf32>
        %swap3A = arith.constant 1 : i32
        %swap3A_670 = arith.constant 0 : i32
        %swap3A_671 = arith.constant 0 : i32
        %swap3A_672 = tpu.memref_slice %arg8[%scan3A_408, %swap3A_670, %swap3A_671] : memref<2x8x512xf32, #tpu.memory_space<vmem>> -> memref<1x8x512xf32, #tpu.memory_space<vmem>>
        %swap3A_673 = tpu.memref_squeeze %swap3A_672 : memref<1x8x512xf32, #tpu.memory_space<vmem>> -> memref<8x512xf32, #tpu.memory_space<vmem>>
        %swap3A_674 = arith.index_cast %swap3A : i32 to index
        %swap3A_675 = arith.index_cast %mul3A_516 : i32 to index
        %swap3A_676 = tpu.vector_load %swap3A_673[%swap3A_674, %swap3A_675] {strides = array<i32>} : memref<8x512xf32, #tpu.memory_space<vmem>>, vector<16xf32>,
        tpu.vector_store %swap3A_673[%swap3A_674, %swap3A_675], %mul3A_669 {strides = array<i32>} : memref<8x512xf32, #tpu.memory_space<vmem>>, vector<16xf32>,
        %swap3A_677 = arith.constant 1 : i32
        %swap3A_678 = arith.constant 0 : i32
        %swap3A_679 = arith.constant 0 : i32
        %swap3A_680 = tpu.memref_slice %arg9[%scan3A_409, %swap3A_678, %swap3A_679] : memref<2x8x512xi32, #tpu.memory_space<vmem>> -> memref<1x8x512xi32, #tpu.memory_space<vmem>>
        %swap3A_681 = tpu.memref_squeeze %swap3A_680 : memref<1x8x512xi32, #tpu.memory_space<vmem>> -> memref<8x512xi32, #tpu.memory_space<vmem>>
        %swap3A_682 = arith.index_cast %swap3A_677 : i32 to index
        %swap3A_683 = arith.index_cast %mul3A_516 : i32 to index
        %swap3A_684 = tpu.vector_load %swap3A_681[%swap3A_682, %swap3A_683] {strides = array<i32>} : memref<8x512xi32, #tpu.memory_space<vmem>>, vector<16xi32>,
        tpu.vector_store %swap3A_681[%swap3A_682, %swap3A_683], %select_n3A_652 {strides = array<i32>} : memref<8x512xi32, #tpu.memory_space<vmem>>, vector<16xi32>,
        %scan3A_685 = arith.constant 0 : i32
        scf.yield %scan3A_685 : i32
      }
      %scan3A_416 = arith.constant 32 : i32
      %scan3A_417 = arith.constant 1 : i32
      %scan3A_418 = arith.constant 1 : i32
      %scan3A_419 = arith.constant 1 : i32
      %scan3A_420 = arith.constant 1 : i32
      %scan3A_421 = arith.constant 0 : i32
      %scan3A_422 = arith.constant 0 : i32
      %scan3A_423 = arith.constant 32 : i32
      %scan3A_424 = arith.addi %scan3A_422, %scan3A_423 : i32
      %scan3A_425 = arith.constant 1 : i32
      %scan3A_426 = scf.for %scan3A_513 = %scan3A_422 to %scan3A_424 step %scan3A_425 iter_args(%scan3A_514 = %scan3A_421) -> (i32)  : i32 {
        %mul3A_515 = arith.constant 16 : i32
        %mul3A_516 = arith.muli %scan3A_513, %mul3A_515 : i32
        %get3A = arith.constant 2 : i32
        %get3A_517 = arith.constant 0 : i32
        %get3A_518 = arith.constant 0 : i32
        %get3A_519 = arith.constant 0 : i32
        %get3A_520 = arith.constant 0 : i32
        %get3A_521 = tpu.memref_slice %arg6[%scan3A_417, %get3A_518, %get3A_519, %get3A_520] : memref<2x8x8x512xf32, #tpu.memory_space<vmem>> -> memref<1x8x8x512xf32, #tpu.memory_space<vmem>>
        %get3A_522 = tpu.memref_squeeze %get3A_521 : memref<1x8x8x512xf32, #tpu.memory_space<vmem>> -> memref<8x8x512xf32, #tpu.memory_space<vmem>>
        %get3A_523 = arith.index_cast %get3A : i32 to index
        %get3A_524 = arith.index_cast %get3A_517 : i32 to index
        %get3A_525 = arith.index_cast %mul3A_516 : i32 to index
        %get3A_526 = tpu.vector_load %get3A_522[%get3A_523, %get3A_524, %get3A_525] {strides = array<i32>} : memref<8x8x512xf32, #tpu.memory_space<vmem>>, vector<16xf32>,
        %abs3A = math.absf %get3A_526 : vector<16xf32>
        %broadcast_in_dim3A = arith.constant 0 : i32
        %broadcast_in_dim3A_527 = vector.broadcast %broadcast_in_dim3A : i32 to vector<16xi32>
        %get3A_528 = arith.constant 2 : i32
        %get3A_529 = arith.constant 1 : i32
        %get3A_530 = arith.constant 0 : i32
        %get3A_531 = arith.constant 0 : i32
        %get3A_532 = arith.constant 0 : i32
        %get3A_533 = tpu.memref_slice %arg6[%scan3A_417, %get3A_530, %get3A_531, %get3A_532] : memref<2x8x8x512xf32, #tpu.memory_space<vmem>> -> memref<1x8x8x512xf32, #tpu.memory_space<vmem>>
        %get3A_534 = tpu.memref_squeeze %get3A_533 : memref<1x8x8x512xf32, #tpu.memory_space<vmem>> -> memref<8x8x512xf32, #tpu.memory_space<vmem>>
        %get3A_535 = arith.index_cast %get3A_528 : i32 to index
        %get3A_536 = arith.index_cast %get3A_529 : i32 to index
        %get3A_537 = arith.index_cast %mul3A_516 : i32 to index
        %get3A_538 = tpu.vector_load %get3A_534[%get3A_535, %get3A_536, %get3A_537] {strides = array<i32>} : memref<8x8x512xf32, #tpu.memory_space<vmem>>, vector<16xf32>,
        %abs3A_539 = math.absf %get3A_538 : vector<16xf32>
        %gt3A = arith.cmpf ogt, %abs3A_539, %abs3A : vector<16xf32>
        %select_n3A_540 = arith.select %gt3A, %abs3A_539, %abs3A : vector<16xi1>, vector<16xf32>
        %select_n3A_541 = arith.select %gt3A, %get3A_538, %get3A_526 : vector<16xi1>, vector<16xf32>
        %jit3A_542 = arith.constant 1 : i32
        %broadcast_in_dim3A_543 = vector.broadcast %jit3A_542 : i32 to vector<16xi32>
        %select_n3A_544 = arith.select %gt3A, %broadcast_in_dim3A_543, %broadcast_in_dim3A_527 : vector<16xi1>, vector<16xi32>
        %get3A_545 = arith.constant 2 : i32
        %get3A_546 = arith.constant 2 : i32
        %get3A_547 = arith.constant 0 : i32
        %get3A_548 = arith.constant 0 : i32
        %get3A_549 = arith.constant 0 : i32
        %get3A_550 = tpu.memref_slice %arg6[%scan3A_417, %get3A_547, %get3A_548, %get3A_549] : memref<2x8x8x512xf32, #tpu.memory_space<vmem>> -> memref<1x8x8x512xf32, #tpu.memory_space<vmem>>
        %get3A_551 = tpu.memref_squeeze %get3A_550 : memref<1x8x8x512xf32, #tpu.memory_space<vmem>> -> memref<8x8x512xf32, #tpu.memory_space<vmem>>
        %get3A_552 = arith.index_cast %get3A_545 : i32 to index
        %get3A_553 = arith.index_cast %get3A_546 : i32 to index
        %get3A_554 = arith.index_cast %mul3A_516 : i32 to index
        %get3A_555 = tpu.vector_load %get3A_551[%get3A_552, %get3A_553, %get3A_554] {strides = array<i32>} : memref<8x8x512xf32, #tpu.memory_space<vmem>>, vector<16xf32>,
        %abs3A_556 = math.absf %get3A_555 : vector<16xf32>
        %gt3A_557 = arith.cmpf ogt, %abs3A_556, %select_n3A_540 : vector<16xf32>
        %select_n3A_558 = arith.select %gt3A_557, %abs3A_556, %select_n3A_540 : vector<16xi1>, vector<16xf32>
        %select_n3A_559 = arith.select %gt3A_557, %get3A_555, %select_n3A_541 : vector<16xi1>, vector<16xf32>
        %jit3A_560 = arith.constant 2 : i32
        %broadcast_in_dim3A_561 = vector.broadcast %jit3A_560 : i32 to vector<16xi32>
        %select_n3A_562 = arith.select %gt3A_557, %broadcast_in_dim3A_561, %select_n3A_544 : vector<16xi1>, vector<16xi32>
        %get3A_563 = arith.constant 2 : i32
        %get3A_564 = arith.constant 3 : i32
        %get3A_565 = arith.constant 0 : i32
        %get3A_566 = arith.constant 0 : i32
        %get3A_567 = arith.constant 0 : i32
        %get3A_568 = tpu.memref_slice %arg6[%scan3A_417, %get3A_565, %get3A_566, %get3A_567] : memref<2x8x8x512xf32, #tpu.memory_space<vmem>> -> memref<1x8x8x512xf32, #tpu.memory_space<vmem>>
        %get3A_569 = tpu.memref_squeeze %get3A_568 : memref<1x8x8x512xf32, #tpu.memory_space<vmem>> -> memref<8x8x512xf32, #tpu.memory_space<vmem>>
        %get3A_570 = arith.index_cast %get3A_563 : i32 to index
        %get3A_571 = arith.index_cast %get3A_564 : i32 to index
        %get3A_572 = arith.index_cast %mul3A_516 : i32 to index
        %get3A_573 = tpu.vector_load %get3A_569[%get3A_570, %get3A_571, %get3A_572] {strides = array<i32>} : memref<8x8x512xf32, #tpu.memory_space<vmem>>, vector<16xf32>,
        %abs3A_574 = math.absf %get3A_573 : vector<16xf32>
        %gt3A_575 = arith.cmpf ogt, %abs3A_574, %select_n3A_558 : vector<16xf32>
        %select_n3A_576 = arith.select %gt3A_575, %abs3A_574, %select_n3A_558 : vector<16xi1>, vector<16xf32>
        %select_n3A_577 = arith.select %gt3A_575, %get3A_573, %select_n3A_559 : vector<16xi1>, vector<16xf32>
        %jit3A_578 = arith.constant 3 : i32
        %broadcast_in_dim3A_579 = vector.broadcast %jit3A_578 : i32 to vector<16xi32>
        %select_n3A_580 = arith.select %gt3A_575, %broadcast_in_dim3A_579, %select_n3A_562 : vector<16xi1>, vector<16xi32>
        %get3A_581 = arith.constant 2 : i32
        %get3A_582 = arith.constant 4 : i32
        %get3A_583 = arith.constant 0 : i32
        %get3A_584 = arith.constant 0 : i32
        %get3A_585 = arith.constant 0 : i32
        %get3A_586 = tpu.memref_slice %arg6[%scan3A_417, %get3A_583, %get3A_584, %get3A_585] : memref<2x8x8x512xf32, #tpu.memory_space<vmem>> -> memref<1x8x8x512xf32, #tpu.memory_space<vmem>>
        %get3A_587 = tpu.memref_squeeze %get3A_586 : memref<1x8x8x512xf32, #tpu.memory_space<vmem>> -> memref<8x8x512xf32, #tpu.memory_space<vmem>>
        %get3A_588 = arith.index_cast %get3A_581 : i32 to index
        %get3A_589 = arith.index_cast %get3A_582 : i32 to index
        %get3A_590 = arith.index_cast %mul3A_516 : i32 to index
        %get3A_591 = tpu.vector_load %get3A_587[%get3A_588, %get3A_589, %get3A_590] {strides = array<i32>} : memref<8x8x512xf32, #tpu.memory_space<vmem>>, vector<16xf32>,
        %abs3A_592 = math.absf %get3A_591 : vector<16xf32>
        %gt3A_593 = arith.cmpf ogt, %abs3A_592, %select_n3A_576 : vector<16xf32>
        %select_n3A_594 = arith.select %gt3A_593, %abs3A_592, %select_n3A_576 : vector<16xi1>, vector<16xf32>
        %select_n3A_595 = arith.select %gt3A_593, %get3A_591, %select_n3A_577 : vector<16xi1>, vector<16xf32>
        %jit3A_596 = arith.constant 4 : i32
        %broadcast_in_dim3A_597 = vector.broadcast %jit3A_596 : i32 to vector<16xi32>
        %select_n3A_598 = arith.select %gt3A_593, %broadcast_in_dim3A_597, %select_n3A_580 : vector<16xi1>, vector<16xi32>
        %get3A_599 = arith.constant 2 : i32
        %get3A_600 = arith.constant 5 : i32
        %get3A_601 = arith.constant 0 : i32
        %get3A_602 = arith.constant 0 : i32
        %get3A_603 = arith.constant 0 : i32
        %get3A_604 = tpu.memref_slice %arg6[%scan3A_417, %get3A_601, %get3A_602, %get3A_603] : memref<2x8x8x512xf32, #tpu.memory_space<vmem>> -> memref<1x8x8x512xf32, #tpu.memory_space<vmem>>
        %get3A_605 = tpu.memref_squeeze %get3A_604 : memref<1x8x8x512xf32, #tpu.memory_space<vmem>> -> memref<8x8x512xf32, #tpu.memory_space<vmem>>
        %get3A_606 = arith.index_cast %get3A_599 : i32 to index
        %get3A_607 = arith.index_cast %get3A_600 : i32 to index
        %get3A_608 = arith.index_cast %mul3A_516 : i32 to index
        %get3A_609 = tpu.vector_load %get3A_605[%get3A_606, %get3A_607, %get3A_608] {strides = array<i32>} : memref<8x8x512xf32, #tpu.memory_space<vmem>>, vector<16xf32>,
        %abs3A_610 = math.absf %get3A_609 : vector<16xf32>
        %gt3A_611 = arith.cmpf ogt, %abs3A_610, %select_n3A_594 : vector<16xf32>
        %select_n3A_612 = arith.select %gt3A_611, %abs3A_610, %select_n3A_594 : vector<16xi1>, vector<16xf32>
        %select_n3A_613 = arith.select %gt3A_611, %get3A_609, %select_n3A_595 : vector<16xi1>, vector<16xf32>
        %jit3A_614 = arith.constant 5 : i32
        %broadcast_in_dim3A_615 = vector.broadcast %jit3A_614 : i32 to vector<16xi32>
        %select_n3A_616 = arith.select %gt3A_611, %broadcast_in_dim3A_615, %select_n3A_598 : vector<16xi1>, vector<16xi32>
        %get3A_617 = arith.constant 2 : i32
        %get3A_618 = arith.constant 6 : i32
        %get3A_619 = arith.constant 0 : i32
        %get3A_620 = arith.constant 0 : i32
        %get3A_621 = arith.constant 0 : i32
        %get3A_622 = tpu.memref_slice %arg6[%scan3A_417, %get3A_619, %get3A_620, %get3A_621] : memref<2x8x8x512xf32, #tpu.memory_space<vmem>> -> memref<1x8x8x512xf32, #tpu.memory_space<vmem>>
        %get3A_623 = tpu.memref_squeeze %get3A_622 : memref<1x8x8x512xf32, #tpu.memory_space<vmem>> -> memref<8x8x512xf32, #tpu.memory_space<vmem>>
        %get3A_624 = arith.index_cast %get3A_617 : i32 to index
        %get3A_625 = arith.index_cast %get3A_618 : i32 to index
        %get3A_626 = arith.index_cast %mul3A_516 : i32 to index
        %get3A_627 = tpu.vector_load %get3A_623[%get3A_624, %get3A_625, %get3A_626] {strides = array<i32>} : memref<8x8x512xf32, #tpu.memory_space<vmem>>, vector<16xf32>,
        %abs3A_628 = math.absf %get3A_627 : vector<16xf32>
        %gt3A_629 = arith.cmpf ogt, %abs3A_628, %select_n3A_612 : vector<16xf32>
        %select_n3A_630 = arith.select %gt3A_629, %abs3A_628, %select_n3A_612 : vector<16xi1>, vector<16xf32>
        %select_n3A_631 = arith.select %gt3A_629, %get3A_627, %select_n3A_613 : vector<16xi1>, vector<16xf32>
        %jit3A_632 = arith.constant 6 : i32
        %broadcast_in_dim3A_633 = vector.broadcast %jit3A_632 : i32 to vector<16xi32>
        %select_n3A_634 = arith.select %gt3A_629, %broadcast_in_dim3A_633, %select_n3A_616 : vector<16xi1>, vector<16xi32>
        %get3A_635 = arith.constant 2 : i32
        %get3A_636 = arith.constant 7 : i32
        %get3A_637 = arith.constant 0 : i32
        %get3A_638 = arith.constant 0 : i32
        %get3A_639 = arith.constant 0 : i32
        %get3A_640 = tpu.memref_slice %arg6[%scan3A_417, %get3A_637, %get3A_638, %get3A_639] : memref<2x8x8x512xf32, #tpu.memory_space<vmem>> -> memref<1x8x8x512xf32, #tpu.memory_space<vmem>>
        %get3A_641 = tpu.memref_squeeze %get3A_640 : memref<1x8x8x512xf32, #tpu.memory_space<vmem>> -> memref<8x8x512xf32, #tpu.memory_space<vmem>>
        %get3A_642 = arith.index_cast %get3A_635 : i32 to index
        %get3A_643 = arith.index_cast %get3A_636 : i32 to index
        %get3A_644 = arith.index_cast %mul3A_516 : i32 to index
        %get3A_645 = tpu.vector_load %get3A_641[%get3A_642, %get3A_643, %get3A_644] {strides = array<i32>} : memref<8x8x512xf32, #tpu.memory_space<vmem>>, vector<16xf32>,
        %abs3A_646 = math.absf %get3A_645 : vector<16xf32>
        %gt3A_647 = arith.cmpf ogt, %abs3A_646, %select_n3A_630 : vector<16xf32>
        %select_n3A_648 = arith.select %gt3A_647, %abs3A_646, %select_n3A_630 : vector<16xi1>, vector<16xf32>
        %select_n3A_649 = arith.select %gt3A_647, %get3A_645, %select_n3A_631 : vector<16xi1>, vector<16xf32>
        %jit3A_650 = arith.constant 7 : i32
        %broadcast_in_dim3A_651 = vector.broadcast %jit3A_650 : i32 to vector<16xi32>
        %select_n3A_652 = arith.select %gt3A_647, %broadcast_in_dim3A_651, %select_n3A_634 : vector<16xi1>, vector<16xi32>
        %neg3A = arith.constant 0.000000e+00 : f32
        %neg3A_653 = vector.broadcast %neg3A : f32 to vector<16xf32>
        %neg3A_654 = arith.subf %neg3A_653, %select_n3A_649 : vector<16xf32>
        %exp3A = math.exp %neg3A_654 : vector<16xf32>
        %add3A_655 = arith.constant 1.000000e+00 : f32
        %add3A_656 = vector.broadcast %add3A_655 : f32 to vector<16xf32>
        %add3A_657 = arith.addf %add3A_656, %exp3A : vector<16xf32>
        %div3A_658 = arith.constant 1.000000e+00 : f32
        %div3A_659 = vector.broadcast %div3A_658 : f32 to vector<16xf32>
        %div3A_660 = arith.divf %div3A_659, %add3A_657 : vector<16xf32>
        %get3A_661 = arith.constant 2 : i32
        %get3A_662 = arith.constant 0 : i32
        %get3A_663 = arith.constant 0 : i32
        %get3A_664 = tpu.memref_slice %arg7[%scan3A_418, %get3A_662, %get3A_663] : memref<2x8x512xf32, #tpu.memory_space<vmem>> -> memref<1x8x512xf32, #tpu.memory_space<vmem>>
        %get3A_665 = tpu.memref_squeeze %get3A_664 : memref<1x8x512xf32, #tpu.memory_space<vmem>> -> memref<8x512xf32, #tpu.memory_space<vmem>>
        %get3A_666 = arith.index_cast %get3A_661 : i32 to index
        %get3A_667 = arith.index_cast %mul3A_516 : i32 to index
        %get3A_668 = tpu.vector_load %get3A_665[%get3A_666, %get3A_667] {strides = array<i32>} : memref<8x512xf32, #tpu.memory_space<vmem>>, vector<16xf32>,
        %mul3A_669 = arith.mulf %get3A_668, %div3A_660 : vector<16xf32>
        %swap3A = arith.constant 2 : i32
        %swap3A_670 = arith.constant 0 : i32
        %swap3A_671 = arith.constant 0 : i32
        %swap3A_672 = tpu.memref_slice %arg8[%scan3A_419, %swap3A_670, %swap3A_671] : memref<2x8x512xf32, #tpu.memory_space<vmem>> -> memref<1x8x512xf32, #tpu.memory_space<vmem>>
        %swap3A_673 = tpu.memref_squeeze %swap3A_672 : memref<1x8x512xf32, #tpu.memory_space<vmem>> -> memref<8x512xf32, #tpu.memory_space<vmem>>
        %swap3A_674 = arith.index_cast %swap3A : i32 to index
        %swap3A_675 = arith.index_cast %mul3A_516 : i32 to index
        %swap3A_676 = tpu.vector_load %swap3A_673[%swap3A_674, %swap3A_675] {strides = array<i32>} : memref<8x512xf32, #tpu.memory_space<vmem>>, vector<16xf32>,
        tpu.vector_store %swap3A_673[%swap3A_674, %swap3A_675], %mul3A_669 {strides = array<i32>} : memref<8x512xf32, #tpu.memory_space<vmem>>, vector<16xf32>,
        %swap3A_677 = arith.constant 2 : i32
        %swap3A_678 = arith.constant 0 : i32
        %swap3A_679 = arith.constant 0 : i32
        %swap3A_680 = tpu.memref_slice %arg9[%scan3A_420, %swap3A_678, %swap3A_679] : memref<2x8x512xi32, #tpu.memory_space<vmem>> -> memref<1x8x512xi32, #tpu.memory_space<vmem>>
        %swap3A_681 = tpu.memref_squeeze %swap3A_680 : memref<1x8x512xi32, #tpu.memory_space<vmem>> -> memref<8x512xi32, #tpu.memory_space<vmem>>
        %swap3A_682 = arith.index_cast %swap3A_677 : i32 to index
        %swap3A_683 = arith.index_cast %mul3A_516 : i32 to index
        %swap3A_684 = tpu.vector_load %swap3A_681[%swap3A_682, %swap3A_683] {strides = array<i32>} : memref<8x512xi32, #tpu.memory_space<vmem>>, vector<16xi32>,
        tpu.vector_store %swap3A_681[%swap3A_682, %swap3A_683], %select_n3A_652 {strides = array<i32>} : memref<8x512xi32, #tpu.memory_space<vmem>>, vector<16xi32>,
        %scan3A_685 = arith.constant 0 : i32
        scf.yield %scan3A_685 : i32
      }
      %scan3A_427 = arith.constant 32 : i32
      %scan3A_428 = arith.constant 1 : i32
      %scan3A_429 = arith.constant 1 : i32
      %scan3A_430 = arith.constant 1 : i32
      %scan3A_431 = arith.constant 1 : i32
      %scan3A_432 = arith.constant 0 : i32
      %scan3A_433 = arith.constant 0 : i32
      %scan3A_434 = arith.constant 32 : i32
      %scan3A_435 = arith.addi %scan3A_433, %scan3A_434 : i32
      %scan3A_436 = arith.constant 1 : i32
      %scan3A_437 = scf.for %scan3A_513 = %scan3A_433 to %scan3A_435 step %scan3A_436 iter_args(%scan3A_514 = %scan3A_432) -> (i32)  : i32 {
        %mul3A_515 = arith.constant 16 : i32
        %mul3A_516 = arith.muli %scan3A_513, %mul3A_515 : i32
        %get3A = arith.constant 3 : i32
        %get3A_517 = arith.constant 0 : i32
        %get3A_518 = arith.constant 0 : i32
        %get3A_519 = arith.constant 0 : i32
        %get3A_520 = arith.constant 0 : i32
        %get3A_521 = tpu.memref_slice %arg6[%scan3A_428, %get3A_518, %get3A_519, %get3A_520] : memref<2x8x8x512xf32, #tpu.memory_space<vmem>> -> memref<1x8x8x512xf32, #tpu.memory_space<vmem>>
        %get3A_522 = tpu.memref_squeeze %get3A_521 : memref<1x8x8x512xf32, #tpu.memory_space<vmem>> -> memref<8x8x512xf32, #tpu.memory_space<vmem>>
        %get3A_523 = arith.index_cast %get3A : i32 to index
        %get3A_524 = arith.index_cast %get3A_517 : i32 to index
        %get3A_525 = arith.index_cast %mul3A_516 : i32 to index
        %get3A_526 = tpu.vector_load %get3A_522[%get3A_523, %get3A_524, %get3A_525] {strides = array<i32>} : memref<8x8x512xf32, #tpu.memory_space<vmem>>, vector<16xf32>,
        %abs3A = math.absf %get3A_526 : vector<16xf32>
        %broadcast_in_dim3A = arith.constant 0 : i32
        %broadcast_in_dim3A_527 = vector.broadcast %broadcast_in_dim3A : i32 to vector<16xi32>
        %get3A_528 = arith.constant 3 : i32
        %get3A_529 = arith.constant 1 : i32
        %get3A_530 = arith.constant 0 : i32
        %get3A_531 = arith.constant 0 : i32
        %get3A_532 = arith.constant 0 : i32
        %get3A_533 = tpu.memref_slice %arg6[%scan3A_428, %get3A_530, %get3A_531, %get3A_532] : memref<2x8x8x512xf32, #tpu.memory_space<vmem>> -> memref<1x8x8x512xf32, #tpu.memory_space<vmem>>
        %get3A_534 = tpu.memref_squeeze %get3A_533 : memref<1x8x8x512xf32, #tpu.memory_space<vmem>> -> memref<8x8x512xf32, #tpu.memory_space<vmem>>
        %get3A_535 = arith.index_cast %get3A_528 : i32 to index
        %get3A_536 = arith.index_cast %get3A_529 : i32 to index
        %get3A_537 = arith.index_cast %mul3A_516 : i32 to index
        %get3A_538 = tpu.vector_load %get3A_534[%get3A_535, %get3A_536, %get3A_537] {strides = array<i32>} : memref<8x8x512xf32, #tpu.memory_space<vmem>>, vector<16xf32>,
        %abs3A_539 = math.absf %get3A_538 : vector<16xf32>
        %gt3A = arith.cmpf ogt, %abs3A_539, %abs3A : vector<16xf32>
        %select_n3A_540 = arith.select %gt3A, %abs3A_539, %abs3A : vector<16xi1>, vector<16xf32>
        %select_n3A_541 = arith.select %gt3A, %get3A_538, %get3A_526 : vector<16xi1>, vector<16xf32>
        %jit3A_542 = arith.constant 1 : i32
        %broadcast_in_dim3A_543 = vector.broadcast %jit3A_542 : i32 to vector<16xi32>
        %select_n3A_544 = arith.select %gt3A, %broadcast_in_dim3A_543, %broadcast_in_dim3A_527 : vector<16xi1>, vector<16xi32>
        %get3A_545 = arith.constant 3 : i32
        %get3A_546 = arith.constant 2 : i32
        %get3A_547 = arith.constant 0 : i32
        %get3A_548 = arith.constant 0 : i32
        %get3A_549 = arith.constant 0 : i32
        %get3A_550 = tpu.memref_slice %arg6[%scan3A_428, %get3A_547, %get3A_548, %get3A_549] : memref<2x8x8x512xf32, #tpu.memory_space<vmem>> -> memref<1x8x8x512xf32, #tpu.memory_space<vmem>>
        %get3A_551 = tpu.memref_squeeze %get3A_550 : memref<1x8x8x512xf32, #tpu.memory_space<vmem>> -> memref<8x8x512xf32, #tpu.memory_space<vmem>>
        %get3A_552 = arith.index_cast %get3A_545 : i32 to index
        %get3A_553 = arith.index_cast %get3A_546 : i32 to index
        %get3A_554 = arith.index_cast %mul3A_516 : i32 to index
        %get3A_555 = tpu.vector_load %get3A_551[%get3A_552, %get3A_553, %get3A_554] {strides = array<i32>} : memref<8x8x512xf32, #tpu.memory_space<vmem>>, vector<16xf32>,
        %abs3A_556 = math.absf %get3A_555 : vector<16xf32>
        %gt3A_557 = arith.cmpf ogt, %abs3A_556, %select_n3A_540 : vector<16xf32>
        %select_n3A_558 = arith.select %gt3A_557, %abs3A_556, %select_n3A_540 : vector<16xi1>, vector<16xf32>
        %select_n3A_559 = arith.select %gt3A_557, %get3A_555, %select_n3A_541 : vector<16xi1>, vector<16xf32>
        %jit3A_560 = arith.constant 2 : i32
        %broadcast_in_dim3A_561 = vector.broadcast %jit3A_560 : i32 to vector<16xi32>
        %select_n3A_562 = arith.select %gt3A_557, %broadcast_in_dim3A_561, %select_n3A_544 : vector<16xi1>, vector<16xi32>
        %get3A_563 = arith.constant 3 : i32
        %get3A_564 = arith.constant 3 : i32
        %get3A_565 = arith.constant 0 : i32
        %get3A_566 = arith.constant 0 : i32
        %get3A_567 = arith.constant 0 : i32
        %get3A_568 = tpu.memref_slice %arg6[%scan3A_428, %get3A_565, %get3A_566, %get3A_567] : memref<2x8x8x512xf32, #tpu.memory_space<vmem>> -> memref<1x8x8x512xf32, #tpu.memory_space<vmem>>
        %get3A_569 = tpu.memref_squeeze %get3A_568 : memref<1x8x8x512xf32, #tpu.memory_space<vmem>> -> memref<8x8x512xf32, #tpu.memory_space<vmem>>
        %get3A_570 = arith.index_cast %get3A_563 : i32 to index
        %get3A_571 = arith.index_cast %get3A_564 : i32 to index
        %get3A_572 = arith.index_cast %mul3A_516 : i32 to index
        %get3A_573 = tpu.vector_load %get3A_569[%get3A_570, %get3A_571, %get3A_572] {strides = array<i32>} : memref<8x8x512xf32, #tpu.memory_space<vmem>>, vector<16xf32>,
        %abs3A_574 = math.absf %get3A_573 : vector<16xf32>
        %gt3A_575 = arith.cmpf ogt, %abs3A_574, %select_n3A_558 : vector<16xf32>
        %select_n3A_576 = arith.select %gt3A_575, %abs3A_574, %select_n3A_558 : vector<16xi1>, vector<16xf32>
        %select_n3A_577 = arith.select %gt3A_575, %get3A_573, %select_n3A_559 : vector<16xi1>, vector<16xf32>
        %jit3A_578 = arith.constant 3 : i32
        %broadcast_in_dim3A_579 = vector.broadcast %jit3A_578 : i32 to vector<16xi32>
        %select_n3A_580 = arith.select %gt3A_575, %broadcast_in_dim3A_579, %select_n3A_562 : vector<16xi1>, vector<16xi32>
        %get3A_581 = arith.constant 3 : i32
        %get3A_582 = arith.constant 4 : i32
        %get3A_583 = arith.constant 0 : i32
        %get3A_584 = arith.constant 0 : i32
        %get3A_585 = arith.constant 0 : i32
        %get3A_586 = tpu.memref_slice %arg6[%scan3A_428, %get3A_583, %get3A_584, %get3A_585] : memref<2x8x8x512xf32, #tpu.memory_space<vmem>> -> memref<1x8x8x512xf32, #tpu.memory_space<vmem>>
        %get3A_587 = tpu.memref_squeeze %get3A_586 : memref<1x8x8x512xf32, #tpu.memory_space<vmem>> -> memref<8x8x512xf32, #tpu.memory_space<vmem>>
        %get3A_588 = arith.index_cast %get3A_581 : i32 to index
        %get3A_589 = arith.index_cast %get3A_582 : i32 to index
        %get3A_590 = arith.index_cast %mul3A_516 : i32 to index
        %get3A_591 = tpu.vector_load %get3A_587[%get3A_588, %get3A_589, %get3A_590] {strides = array<i32>} : memref<8x8x512xf32, #tpu.memory_space<vmem>>, vector<16xf32>,
        %abs3A_592 = math.absf %get3A_591 : vector<16xf32>
        %gt3A_593 = arith.cmpf ogt, %abs3A_592, %select_n3A_576 : vector<16xf32>
        %select_n3A_594 = arith.select %gt3A_593, %abs3A_592, %select_n3A_576 : vector<16xi1>, vector<16xf32>
        %select_n3A_595 = arith.select %gt3A_593, %get3A_591, %select_n3A_577 : vector<16xi1>, vector<16xf32>
        %jit3A_596 = arith.constant 4 : i32
        %broadcast_in_dim3A_597 = vector.broadcast %jit3A_596 : i32 to vector<16xi32>
        %select_n3A_598 = arith.select %gt3A_593, %broadcast_in_dim3A_597, %select_n3A_580 : vector<16xi1>, vector<16xi32>
        %get3A_599 = arith.constant 3 : i32
        %get3A_600 = arith.constant 5 : i32
        %get3A_601 = arith.constant 0 : i32
        %get3A_602 = arith.constant 0 : i32
        %get3A_603 = arith.constant 0 : i32
        %get3A_604 = tpu.memref_slice %arg6[%scan3A_428, %get3A_601, %get3A_602, %get3A_603] : memref<2x8x8x512xf32, #tpu.memory_space<vmem>> -> memref<1x8x8x512xf32, #tpu.memory_space<vmem>>
        %get3A_605 = tpu.memref_squeeze %get3A_604 : memref<1x8x8x512xf32, #tpu.memory_space<vmem>> -> memref<8x8x512xf32, #tpu.memory_space<vmem>>
        %get3A_606 = arith.index_cast %get3A_599 : i32 to index
        %get3A_607 = arith.index_cast %get3A_600 : i32 to index
        %get3A_608 = arith.index_cast %mul3A_516 : i32 to index
        %get3A_609 = tpu.vector_load %get3A_605[%get3A_606, %get3A_607, %get3A_608] {strides = array<i32>} : memref<8x8x512xf32, #tpu.memory_space<vmem>>, vector<16xf32>,
        %abs3A_610 = math.absf %get3A_609 : vector<16xf32>
        %gt3A_611 = arith.cmpf ogt, %abs3A_610, %select_n3A_594 : vector<16xf32>
        %select_n3A_612 = arith.select %gt3A_611, %abs3A_610, %select_n3A_594 : vector<16xi1>, vector<16xf32>
        %select_n3A_613 = arith.select %gt3A_611, %get3A_609, %select_n3A_595 : vector<16xi1>, vector<16xf32>
        %jit3A_614 = arith.constant 5 : i32
        %broadcast_in_dim3A_615 = vector.broadcast %jit3A_614 : i32 to vector<16xi32>
        %select_n3A_616 = arith.select %gt3A_611, %broadcast_in_dim3A_615, %select_n3A_598 : vector<16xi1>, vector<16xi32>
        %get3A_617 = arith.constant 3 : i32
        %get3A_618 = arith.constant 6 : i32
        %get3A_619 = arith.constant 0 : i32
        %get3A_620 = arith.constant 0 : i32
        %get3A_621 = arith.constant 0 : i32
        %get3A_622 = tpu.memref_slice %arg6[%scan3A_428, %get3A_619, %get3A_620, %get3A_621] : memref<2x8x8x512xf32, #tpu.memory_space<vmem>> -> memref<1x8x8x512xf32, #tpu.memory_space<vmem>>
        %get3A_623 = tpu.memref_squeeze %get3A_622 : memref<1x8x8x512xf32, #tpu.memory_space<vmem>> -> memref<8x8x512xf32, #tpu.memory_space<vmem>>
        %get3A_624 = arith.index_cast %get3A_617 : i32 to index
        %get3A_625 = arith.index_cast %get3A_618 : i32 to index
        %get3A_626 = arith.index_cast %mul3A_516 : i32 to index
        %get3A_627 = tpu.vector_load %get3A_623[%get3A_624, %get3A_625, %get3A_626] {strides = array<i32>} : memref<8x8x512xf32, #tpu.memory_space<vmem>>, vector<16xf32>,
        %abs3A_628 = math.absf %get3A_627 : vector<16xf32>
        %gt3A_629 = arith.cmpf ogt, %abs3A_628, %select_n3A_612 : vector<16xf32>
        %select_n3A_630 = arith.select %gt3A_629, %abs3A_628, %select_n3A_612 : vector<16xi1>, vector<16xf32>
        %select_n3A_631 = arith.select %gt3A_629, %get3A_627, %select_n3A_613 : vector<16xi1>, vector<16xf32>
        %jit3A_632 = arith.constant 6 : i32
        %broadcast_in_dim3A_633 = vector.broadcast %jit3A_632 : i32 to vector<16xi32>
        %select_n3A_634 = arith.select %gt3A_629, %broadcast_in_dim3A_633, %select_n3A_616 : vector<16xi1>, vector<16xi32>
        %get3A_635 = arith.constant 3 : i32
        %get3A_636 = arith.constant 7 : i32
        %get3A_637 = arith.constant 0 : i32
        %get3A_638 = arith.constant 0 : i32
        %get3A_639 = arith.constant 0 : i32
        %get3A_640 = tpu.memref_slice %arg6[%scan3A_428, %get3A_637, %get3A_638, %get3A_639] : memref<2x8x8x512xf32, #tpu.memory_space<vmem>> -> memref<1x8x8x512xf32, #tpu.memory_space<vmem>>
        %get3A_641 = tpu.memref_squeeze %get3A_640 : memref<1x8x8x512xf32, #tpu.memory_space<vmem>> -> memref<8x8x512xf32, #tpu.memory_space<vmem>>
        %get3A_642 = arith.index_cast %get3A_635 : i32 to index
        %get3A_643 = arith.index_cast %get3A_636 : i32 to index
        %get3A_644 = arith.index_cast %mul3A_516 : i32 to index
        %get3A_645 = tpu.vector_load %get3A_641[%get3A_642, %get3A_643, %get3A_644] {strides = array<i32>} : memref<8x8x512xf32, #tpu.memory_space<vmem>>, vector<16xf32>,
        %abs3A_646 = math.absf %get3A_645 : vector<16xf32>
        %gt3A_647 = arith.cmpf ogt, %abs3A_646, %select_n3A_630 : vector<16xf32>
        %select_n3A_648 = arith.select %gt3A_647, %abs3A_646, %select_n3A_630 : vector<16xi1>, vector<16xf32>
        %select_n3A_649 = arith.select %gt3A_647, %get3A_645, %select_n3A_631 : vector<16xi1>, vector<16xf32>
        %jit3A_650 = arith.constant 7 : i32
        %broadcast_in_dim3A_651 = vector.broadcast %jit3A_650 : i32 to vector<16xi32>
        %select_n3A_652 = arith.select %gt3A_647, %broadcast_in_dim3A_651, %select_n3A_634 : vector<16xi1>, vector<16xi32>
        %neg3A = arith.constant 0.000000e+00 : f32
        %neg3A_653 = vector.broadcast %neg3A : f32 to vector<16xf32>
        %neg3A_654 = arith.subf %neg3A_653, %select_n3A_649 : vector<16xf32>
        %exp3A = math.exp %neg3A_654 : vector<16xf32>
        %add3A_655 = arith.constant 1.000000e+00 : f32
        %add3A_656 = vector.broadcast %add3A_655 : f32 to vector<16xf32>
        %add3A_657 = arith.addf %add3A_656, %exp3A : vector<16xf32>
        %div3A_658 = arith.constant 1.000000e+00 : f32
        %div3A_659 = vector.broadcast %div3A_658 : f32 to vector<16xf32>
        %div3A_660 = arith.divf %div3A_659, %add3A_657 : vector<16xf32>
        %get3A_661 = arith.constant 3 : i32
        %get3A_662 = arith.constant 0 : i32
        %get3A_663 = arith.constant 0 : i32
        %get3A_664 = tpu.memref_slice %arg7[%scan3A_429, %get3A_662, %get3A_663] : memref<2x8x512xf32, #tpu.memory_space<vmem>> -> memref<1x8x512xf32, #tpu.memory_space<vmem>>
        %get3A_665 = tpu.memref_squeeze %get3A_664 : memref<1x8x512xf32, #tpu.memory_space<vmem>> -> memref<8x512xf32, #tpu.memory_space<vmem>>
        %get3A_666 = arith.index_cast %get3A_661 : i32 to index
        %get3A_667 = arith.index_cast %mul3A_516 : i32 to index
        %get3A_668 = tpu.vector_load %get3A_665[%get3A_666, %get3A_667] {strides = array<i32>} : memref<8x512xf32, #tpu.memory_space<vmem>>, vector<16xf32>,
        %mul3A_669 = arith.mulf %get3A_668, %div3A_660 : vector<16xf32>
        %swap3A = arith.constant 3 : i32
        %swap3A_670 = arith.constant 0 : i32
        %swap3A_671 = arith.constant 0 : i32
        %swap3A_672 = tpu.memref_slice %arg8[%scan3A_430, %swap3A_670, %swap3A_671] : memref<2x8x512xf32, #tpu.memory_space<vmem>> -> memref<1x8x512xf32, #tpu.memory_space<vmem>>
        %swap3A_673 = tpu.memref_squeeze %swap3A_672 : memref<1x8x512xf32, #tpu.memory_space<vmem>> -> memref<8x512xf32, #tpu.memory_space<vmem>>
        %swap3A_674 = arith.index_cast %swap3A : i32 to index
        %swap3A_675 = arith.index_cast %mul3A_516 : i32 to index
        %swap3A_676 = tpu.vector_load %swap3A_673[%swap3A_674, %swap3A_675] {strides = array<i32>} : memref<8x512xf32, #tpu.memory_space<vmem>>, vector<16xf32>,
        tpu.vector_store %swap3A_673[%swap3A_674, %swap3A_675], %mul3A_669 {strides = array<i32>} : memref<8x512xf32, #tpu.memory_space<vmem>>, vector<16xf32>,
        %swap3A_677 = arith.constant 3 : i32
        %swap3A_678 = arith.constant 0 : i32
        %swap3A_679 = arith.constant 0 : i32
        %swap3A_680 = tpu.memref_slice %arg9[%scan3A_431, %swap3A_678, %swap3A_679] : memref<2x8x512xi32, #tpu.memory_space<vmem>> -> memref<1x8x512xi32, #tpu.memory_space<vmem>>
        %swap3A_681 = tpu.memref_squeeze %swap3A_680 : memref<1x8x512xi32, #tpu.memory_space<vmem>> -> memref<8x512xi32, #tpu.memory_space<vmem>>
        %swap3A_682 = arith.index_cast %swap3A_677 : i32 to index
        %swap3A_683 = arith.index_cast %mul3A_516 : i32 to index
        %swap3A_684 = tpu.vector_load %swap3A_681[%swap3A_682, %swap3A_683] {strides = array<i32>} : memref<8x512xi32, #tpu.memory_space<vmem>>, vector<16xi32>,
        tpu.vector_store %swap3A_681[%swap3A_682, %swap3A_683], %select_n3A_652 {strides = array<i32>} : memref<8x512xi32, #tpu.memory_space<vmem>>, vector<16xi32>,
        %scan3A_685 = arith.constant 0 : i32
        scf.yield %scan3A_685 : i32
      }
      %scan3A_438 = arith.constant 32 : i32
      %scan3A_439 = arith.constant 1 : i32
      %scan3A_440 = arith.constant 1 : i32
      %scan3A_441 = arith.constant 1 : i32
      %scan3A_442 = arith.constant 1 : i32
      %scan3A_443 = arith.constant 0 : i32
      %scan3A_444 = arith.constant 0 : i32
      %scan3A_445 = arith.constant 32 : i32
      %scan3A_446 = arith.addi %scan3A_444, %scan3A_445 : i32
      %scan3A_447 = arith.constant 1 : i32
      %scan3A_448 = scf.for %scan3A_513 = %scan3A_444 to %scan3A_446 step %scan3A_447 iter_args(%scan3A_514 = %scan3A_443) -> (i32)  : i32 {
        %mul3A_515 = arith.constant 16 : i32
        %mul3A_516 = arith.muli %scan3A_513, %mul3A_515 : i32
        %get3A = arith.constant 4 : i32
        %get3A_517 = arith.constant 0 : i32
        %get3A_518 = arith.constant 0 : i32
        %get3A_519 = arith.constant 0 : i32
        %get3A_520 = arith.constant 0 : i32
        %get3A_521 = tpu.memref_slice %arg6[%scan3A_439, %get3A_518, %get3A_519, %get3A_520] : memref<2x8x8x512xf32, #tpu.memory_space<vmem>> -> memref<1x8x8x512xf32, #tpu.memory_space<vmem>>
        %get3A_522 = tpu.memref_squeeze %get3A_521 : memref<1x8x8x512xf32, #tpu.memory_space<vmem>> -> memref<8x8x512xf32, #tpu.memory_space<vmem>>
        %get3A_523 = arith.index_cast %get3A : i32 to index
        %get3A_524 = arith.index_cast %get3A_517 : i32 to index
        %get3A_525 = arith.index_cast %mul3A_516 : i32 to index
        %get3A_526 = tpu.vector_load %get3A_522[%get3A_523, %get3A_524, %get3A_525] {strides = array<i32>} : memref<8x8x512xf32, #tpu.memory_space<vmem>>, vector<16xf32>,
        %abs3A = math.absf %get3A_526 : vector<16xf32>
        %broadcast_in_dim3A = arith.constant 0 : i32
        %broadcast_in_dim3A_527 = vector.broadcast %broadcast_in_dim3A : i32 to vector<16xi32>
        %get3A_528 = arith.constant 4 : i32
        %get3A_529 = arith.constant 1 : i32
        %get3A_530 = arith.constant 0 : i32
        %get3A_531 = arith.constant 0 : i32
        %get3A_532 = arith.constant 0 : i32
        %get3A_533 = tpu.memref_slice %arg6[%scan3A_439, %get3A_530, %get3A_531, %get3A_532] : memref<2x8x8x512xf32, #tpu.memory_space<vmem>> -> memref<1x8x8x512xf32, #tpu.memory_space<vmem>>
        %get3A_534 = tpu.memref_squeeze %get3A_533 : memref<1x8x8x512xf32, #tpu.memory_space<vmem>> -> memref<8x8x512xf32, #tpu.memory_space<vmem>>
        %get3A_535 = arith.index_cast %get3A_528 : i32 to index
        %get3A_536 = arith.index_cast %get3A_529 : i32 to index
        %get3A_537 = arith.index_cast %mul3A_516 : i32 to index
        %get3A_538 = tpu.vector_load %get3A_534[%get3A_535, %get3A_536, %get3A_537] {strides = array<i32>} : memref<8x8x512xf32, #tpu.memory_space<vmem>>, vector<16xf32>,
        %abs3A_539 = math.absf %get3A_538 : vector<16xf32>
        %gt3A = arith.cmpf ogt, %abs3A_539, %abs3A : vector<16xf32>
        %select_n3A_540 = arith.select %gt3A, %abs3A_539, %abs3A : vector<16xi1>, vector<16xf32>
        %select_n3A_541 = arith.select %gt3A, %get3A_538, %get3A_526 : vector<16xi1>, vector<16xf32>
        %jit3A_542 = arith.constant 1 : i32
        %broadcast_in_dim3A_543 = vector.broadcast %jit3A_542 : i32 to vector<16xi32>
        %select_n3A_544 = arith.select %gt3A, %broadcast_in_dim3A_543, %broadcast_in_dim3A_527 : vector<16xi1>, vector<16xi32>
        %get3A_545 = arith.constant 4 : i32
        %get3A_546 = arith.constant 2 : i32
        %get3A_547 = arith.constant 0 : i32
        %get3A_548 = arith.constant 0 : i32
        %get3A_549 = arith.constant 0 : i32
        %get3A_550 = tpu.memref_slice %arg6[%scan3A_439, %get3A_547, %get3A_548, %get3A_549] : memref<2x8x8x512xf32, #tpu.memory_space<vmem>> -> memref<1x8x8x512xf32, #tpu.memory_space<vmem>>
        %get3A_551 = tpu.memref_squeeze %get3A_550 : memref<1x8x8x512xf32, #tpu.memory_space<vmem>> -> memref<8x8x512xf32, #tpu.memory_space<vmem>>
        %get3A_552 = arith.index_cast %get3A_545 : i32 to index
        %get3A_553 = arith.index_cast %get3A_546 : i32 to index
        %get3A_554 = arith.index_cast %mul3A_516 : i32 to index
        %get3A_555 = tpu.vector_load %get3A_551[%get3A_552, %get3A_553, %get3A_554] {strides = array<i32>} : memref<8x8x512xf32, #tpu.memory_space<vmem>>, vector<16xf32>,
        %abs3A_556 = math.absf %get3A_555 : vector<16xf32>
        %gt3A_557 = arith.cmpf ogt, %abs3A_556, %select_n3A_540 : vector<16xf32>
        %select_n3A_558 = arith.select %gt3A_557, %abs3A_556, %select_n3A_540 : vector<16xi1>, vector<16xf32>
        %select_n3A_559 = arith.select %gt3A_557, %get3A_555, %select_n3A_541 : vector<16xi1>, vector<16xf32>
        %jit3A_560 = arith.constant 2 : i32
        %broadcast_in_dim3A_561 = vector.broadcast %jit3A_560 : i32 to vector<16xi32>
        %select_n3A_562 = arith.select %gt3A_557, %broadcast_in_dim3A_561, %select_n3A_544 : vector<16xi1>, vector<16xi32>
        %get3A_563 = arith.constant 4 : i32
        %get3A_564 = arith.constant 3 : i32
        %get3A_565 = arith.constant 0 : i32
        %get3A_566 = arith.constant 0 : i32
        %get3A_567 = arith.constant 0 : i32
        %get3A_568 = tpu.memref_slice %arg6[%scan3A_439, %get3A_565, %get3A_566, %get3A_567] : memref<2x8x8x512xf32, #tpu.memory_space<vmem>> -> memref<1x8x8x512xf32, #tpu.memory_space<vmem>>
        %get3A_569 = tpu.memref_squeeze %get3A_568 : memref<1x8x8x512xf32, #tpu.memory_space<vmem>> -> memref<8x8x512xf32, #tpu.memory_space<vmem>>
        %get3A_570 = arith.index_cast %get3A_563 : i32 to index
        %get3A_571 = arith.index_cast %get3A_564 : i32 to index
        %get3A_572 = arith.index_cast %mul3A_516 : i32 to index
        %get3A_573 = tpu.vector_load %get3A_569[%get3A_570, %get3A_571, %get3A_572] {strides = array<i32>} : memref<8x8x512xf32, #tpu.memory_space<vmem>>, vector<16xf32>,
        %abs3A_574 = math.absf %get3A_573 : vector<16xf32>
        %gt3A_575 = arith.cmpf ogt, %abs3A_574, %select_n3A_558 : vector<16xf32>
        %select_n3A_576 = arith.select %gt3A_575, %abs3A_574, %select_n3A_558 : vector<16xi1>, vector<16xf32>
        %select_n3A_577 = arith.select %gt3A_575, %get3A_573, %select_n3A_559 : vector<16xi1>, vector<16xf32>
        %jit3A_578 = arith.constant 3 : i32
        %broadcast_in_dim3A_579 = vector.broadcast %jit3A_578 : i32 to vector<16xi32>
        %select_n3A_580 = arith.select %gt3A_575, %broadcast_in_dim3A_579, %select_n3A_562 : vector<16xi1>, vector<16xi32>
        %get3A_581 = arith.constant 4 : i32
        %get3A_582 = arith.constant 4 : i32
        %get3A_583 = arith.constant 0 : i32
        %get3A_584 = arith.constant 0 : i32
        %get3A_585 = arith.constant 0 : i32
        %get3A_586 = tpu.memref_slice %arg6[%scan3A_439, %get3A_583, %get3A_584, %get3A_585] : memref<2x8x8x512xf32, #tpu.memory_space<vmem>> -> memref<1x8x8x512xf32, #tpu.memory_space<vmem>>
        %get3A_587 = tpu.memref_squeeze %get3A_586 : memref<1x8x8x512xf32, #tpu.memory_space<vmem>> -> memref<8x8x512xf32, #tpu.memory_space<vmem>>
        %get3A_588 = arith.index_cast %get3A_581 : i32 to index
        %get3A_589 = arith.index_cast %get3A_582 : i32 to index
        %get3A_590 = arith.index_cast %mul3A_516 : i32 to index
        %get3A_591 = tpu.vector_load %get3A_587[%get3A_588, %get3A_589, %get3A_590] {strides = array<i32>} : memref<8x8x512xf32, #tpu.memory_space<vmem>>, vector<16xf32>,
        %abs3A_592 = math.absf %get3A_591 : vector<16xf32>
        %gt3A_593 = arith.cmpf ogt, %abs3A_592, %select_n3A_576 : vector<16xf32>
        %select_n3A_594 = arith.select %gt3A_593, %abs3A_592, %select_n3A_576 : vector<16xi1>, vector<16xf32>
        %select_n3A_595 = arith.select %gt3A_593, %get3A_591, %select_n3A_577 : vector<16xi1>, vector<16xf32>
        %jit3A_596 = arith.constant 4 : i32
        %broadcast_in_dim3A_597 = vector.broadcast %jit3A_596 : i32 to vector<16xi32>
        %select_n3A_598 = arith.select %gt3A_593, %broadcast_in_dim3A_597, %select_n3A_580 : vector<16xi1>, vector<16xi32>
        %get3A_599 = arith.constant 4 : i32
        %get3A_600 = arith.constant 5 : i32
        %get3A_601 = arith.constant 0 : i32
        %get3A_602 = arith.constant 0 : i32
        %get3A_603 = arith.constant 0 : i32
        %get3A_604 = tpu.memref_slice %arg6[%scan3A_439, %get3A_601, %get3A_602, %get3A_603] : memref<2x8x8x512xf32, #tpu.memory_space<vmem>> -> memref<1x8x8x512xf32, #tpu.memory_space<vmem>>
        %get3A_605 = tpu.memref_squeeze %get3A_604 : memref<1x8x8x512xf32, #tpu.memory_space<vmem>> -> memref<8x8x512xf32, #tpu.memory_space<vmem>>
        %get3A_606 = arith.index_cast %get3A_599 : i32 to index
        %get3A_607 = arith.index_cast %get3A_600 : i32 to index
        %get3A_608 = arith.index_cast %mul3A_516 : i32 to index
        %get3A_609 = tpu.vector_load %get3A_605[%get3A_606, %get3A_607, %get3A_608] {strides = array<i32>} : memref<8x8x512xf32, #tpu.memory_space<vmem>>, vector<16xf32>,
        %abs3A_610 = math.absf %get3A_609 : vector<16xf32>
        %gt3A_611 = arith.cmpf ogt, %abs3A_610, %select_n3A_594 : vector<16xf32>
        %select_n3A_612 = arith.select %gt3A_611, %abs3A_610, %select_n3A_594 : vector<16xi1>, vector<16xf32>
        %select_n3A_613 = arith.select %gt3A_611, %get3A_609, %select_n3A_595 : vector<16xi1>, vector<16xf32>
        %jit3A_614 = arith.constant 5 : i32
        %broadcast_in_dim3A_615 = vector.broadcast %jit3A_614 : i32 to vector<16xi32>
        %select_n3A_616 = arith.select %gt3A_611, %broadcast_in_dim3A_615, %select_n3A_598 : vector<16xi1>, vector<16xi32>
        %get3A_617 = arith.constant 4 : i32
        %get3A_618 = arith.constant 6 : i32
        %get3A_619 = arith.constant 0 : i32
        %get3A_620 = arith.constant 0 : i32
        %get3A_621 = arith.constant 0 : i32
        %get3A_622 = tpu.memref_slice %arg6[%scan3A_439, %get3A_619, %get3A_620, %get3A_621] : memref<2x8x8x512xf32, #tpu.memory_space<vmem>> -> memref<1x8x8x512xf32, #tpu.memory_space<vmem>>
        %get3A_623 = tpu.memref_squeeze %get3A_622 : memref<1x8x8x512xf32, #tpu.memory_space<vmem>> -> memref<8x8x512xf32, #tpu.memory_space<vmem>>
        %get3A_624 = arith.index_cast %get3A_617 : i32 to index
        %get3A_625 = arith.index_cast %get3A_618 : i32 to index
        %get3A_626 = arith.index_cast %mul3A_516 : i32 to index
        %get3A_627 = tpu.vector_load %get3A_623[%get3A_624, %get3A_625, %get3A_626] {strides = array<i32>} : memref<8x8x512xf32, #tpu.memory_space<vmem>>, vector<16xf32>,
        %abs3A_628 = math.absf %get3A_627 : vector<16xf32>
        %gt3A_629 = arith.cmpf ogt, %abs3A_628, %select_n3A_612 : vector<16xf32>
        %select_n3A_630 = arith.select %gt3A_629, %abs3A_628, %select_n3A_612 : vector<16xi1>, vector<16xf32>
        %select_n3A_631 = arith.select %gt3A_629, %get3A_627, %select_n3A_613 : vector<16xi1>, vector<16xf32>
        %jit3A_632 = arith.constant 6 : i32
        %broadcast_in_dim3A_633 = vector.broadcast %jit3A_632 : i32 to vector<16xi32>
        %select_n3A_634 = arith.select %gt3A_629, %broadcast_in_dim3A_633, %select_n3A_616 : vector<16xi1>, vector<16xi32>
        %get3A_635 = arith.constant 4 : i32
        %get3A_636 = arith.constant 7 : i32
        %get3A_637 = arith.constant 0 : i32
        %get3A_638 = arith.constant 0 : i32
        %get3A_639 = arith.constant 0 : i32
        %get3A_640 = tpu.memref_slice %arg6[%scan3A_439, %get3A_637, %get3A_638, %get3A_639] : memref<2x8x8x512xf32, #tpu.memory_space<vmem>> -> memref<1x8x8x512xf32, #tpu.memory_space<vmem>>
        %get3A_641 = tpu.memref_squeeze %get3A_640 : memref<1x8x8x512xf32, #tpu.memory_space<vmem>> -> memref<8x8x512xf32, #tpu.memory_space<vmem>>
        %get3A_642 = arith.index_cast %get3A_635 : i32 to index
        %get3A_643 = arith.index_cast %get3A_636 : i32 to index
        %get3A_644 = arith.index_cast %mul3A_516 : i32 to index
        %get3A_645 = tpu.vector_load %get3A_641[%get3A_642, %get3A_643, %get3A_644] {strides = array<i32>} : memref<8x8x512xf32, #tpu.memory_space<vmem>>, vector<16xf32>,
        %abs3A_646 = math.absf %get3A_645 : vector<16xf32>
        %gt3A_647 = arith.cmpf ogt, %abs3A_646, %select_n3A_630 : vector<16xf32>
        %select_n3A_648 = arith.select %gt3A_647, %abs3A_646, %select_n3A_630 : vector<16xi1>, vector<16xf32>
        %select_n3A_649 = arith.select %gt3A_647, %get3A_645, %select_n3A_631 : vector<16xi1>, vector<16xf32>
        %jit3A_650 = arith.constant 7 : i32
        %broadcast_in_dim3A_651 = vector.broadcast %jit3A_650 : i32 to vector<16xi32>
        %select_n3A_652 = arith.select %gt3A_647, %broadcast_in_dim3A_651, %select_n3A_634 : vector<16xi1>, vector<16xi32>
        %neg3A = arith.constant 0.000000e+00 : f32
        %neg3A_653 = vector.broadcast %neg3A : f32 to vector<16xf32>
        %neg3A_654 = arith.subf %neg3A_653, %select_n3A_649 : vector<16xf32>
        %exp3A = math.exp %neg3A_654 : vector<16xf32>
        %add3A_655 = arith.constant 1.000000e+00 : f32
        %add3A_656 = vector.broadcast %add3A_655 : f32 to vector<16xf32>
        %add3A_657 = arith.addf %add3A_656, %exp3A : vector<16xf32>
        %div3A_658 = arith.constant 1.000000e+00 : f32
        %div3A_659 = vector.broadcast %div3A_658 : f32 to vector<16xf32>
        %div3A_660 = arith.divf %div3A_659, %add3A_657 : vector<16xf32>
        %get3A_661 = arith.constant 4 : i32
        %get3A_662 = arith.constant 0 : i32
        %get3A_663 = arith.constant 0 : i32
        %get3A_664 = tpu.memref_slice %arg7[%scan3A_440, %get3A_662, %get3A_663] : memref<2x8x512xf32, #tpu.memory_space<vmem>> -> memref<1x8x512xf32, #tpu.memory_space<vmem>>
        %get3A_665 = tpu.memref_squeeze %get3A_664 : memref<1x8x512xf32, #tpu.memory_space<vmem>> -> memref<8x512xf32, #tpu.memory_space<vmem>>
        %get3A_666 = arith.index_cast %get3A_661 : i32 to index
        %get3A_667 = arith.index_cast %mul3A_516 : i32 to index
        %get3A_668 = tpu.vector_load %get3A_665[%get3A_666, %get3A_667] {strides = array<i32>} : memref<8x512xf32, #tpu.memory_space<vmem>>, vector<16xf32>,
        %mul3A_669 = arith.mulf %get3A_668, %div3A_660 : vector<16xf32>
        %swap3A = arith.constant 4 : i32
        %swap3A_670 = arith.constant 0 : i32
        %swap3A_671 = arith.constant 0 : i32
        %swap3A_672 = tpu.memref_slice %arg8[%scan3A_441, %swap3A_670, %swap3A_671] : memref<2x8x512xf32, #tpu.memory_space<vmem>> -> memref<1x8x512xf32, #tpu.memory_space<vmem>>
        %swap3A_673 = tpu.memref_squeeze %swap3A_672 : memref<1x8x512xf32, #tpu.memory_space<vmem>> -> memref<8x512xf32, #tpu.memory_space<vmem>>
        %swap3A_674 = arith.index_cast %swap3A : i32 to index
        %swap3A_675 = arith.index_cast %mul3A_516 : i32 to index
        %swap3A_676 = tpu.vector_load %swap3A_673[%swap3A_674, %swap3A_675] {strides = array<i32>} : memref<8x512xf32, #tpu.memory_space<vmem>>, vector<16xf32>,
        tpu.vector_store %swap3A_673[%swap3A_674, %swap3A_675], %mul3A_669 {strides = array<i32>} : memref<8x512xf32, #tpu.memory_space<vmem>>, vector<16xf32>,
        %swap3A_677 = arith.constant 4 : i32
        %swap3A_678 = arith.constant 0 : i32
        %swap3A_679 = arith.constant 0 : i32
        %swap3A_680 = tpu.memref_slice %arg9[%scan3A_442, %swap3A_678, %swap3A_679] : memref<2x8x512xi32, #tpu.memory_space<vmem>> -> memref<1x8x512xi32, #tpu.memory_space<vmem>>
        %swap3A_681 = tpu.memref_squeeze %swap3A_680 : memref<1x8x512xi32, #tpu.memory_space<vmem>> -> memref<8x512xi32, #tpu.memory_space<vmem>>
        %swap3A_682 = arith.index_cast %swap3A_677 : i32 to index
        %swap3A_683 = arith.index_cast %mul3A_516 : i32 to index
        %swap3A_684 = tpu.vector_load %swap3A_681[%swap3A_682, %swap3A_683] {strides = array<i32>} : memref<8x512xi32, #tpu.memory_space<vmem>>, vector<16xi32>,
        tpu.vector_store %swap3A_681[%swap3A_682, %swap3A_683], %select_n3A_652 {strides = array<i32>} : memref<8x512xi32, #tpu.memory_space<vmem>>, vector<16xi32>,
        %scan3A_685 = arith.constant 0 : i32
        scf.yield %scan3A_685 : i32
      }
      %scan3A_449 = arith.constant 32 : i32
      %scan3A_450 = arith.constant 1 : i32
      %scan3A_451 = arith.constant 1 : i32
      %scan3A_452 = arith.constant 1 : i32
      %scan3A_453 = arith.constant 1 : i32
      %scan3A_454 = arith.constant 0 : i32
      %scan3A_455 = arith.constant 0 : i32
      %scan3A_456 = arith.constant 32 : i32
      %scan3A_457 = arith.addi %scan3A_455, %scan3A_456 : i32
      %scan3A_458 = arith.constant 1 : i32
      %scan3A_459 = scf.for %scan3A_513 = %scan3A_455 to %scan3A_457 step %scan3A_458 iter_args(%scan3A_514 = %scan3A_454) -> (i32)  : i32 {
        %mul3A_515 = arith.constant 16 : i32
        %mul3A_516 = arith.muli %scan3A_513, %mul3A_515 : i32
        %get3A = arith.constant 5 : i32
        %get3A_517 = arith.constant 0 : i32
        %get3A_518 = arith.constant 0 : i32
        %get3A_519 = arith.constant 0 : i32
        %get3A_520 = arith.constant 0 : i32
        %get3A_521 = tpu.memref_slice %arg6[%scan3A_450, %get3A_518, %get3A_519, %get3A_520] : memref<2x8x8x512xf32, #tpu.memory_space<vmem>> -> memref<1x8x8x512xf32, #tpu.memory_space<vmem>>
        %get3A_522 = tpu.memref_squeeze %get3A_521 : memref<1x8x8x512xf32, #tpu.memory_space<vmem>> -> memref<8x8x512xf32, #tpu.memory_space<vmem>>
        %get3A_523 = arith.index_cast %get3A : i32 to index
        %get3A_524 = arith.index_cast %get3A_517 : i32 to index
        %get3A_525 = arith.index_cast %mul3A_516 : i32 to index
        %get3A_526 = tpu.vector_load %get3A_522[%get3A_523, %get3A_524, %get3A_525] {strides = array<i32>} : memref<8x8x512xf32, #tpu.memory_space<vmem>>, vector<16xf32>,
        %abs3A = math.absf %get3A_526 : vector<16xf32>
        %broadcast_in_dim3A = arith.constant 0 : i32
        %broadcast_in_dim3A_527 = vector.broadcast %broadcast_in_dim3A : i32 to vector<16xi32>
        %get3A_528 = arith.constant 5 : i32
        %get3A_529 = arith.constant 1 : i32
        %get3A_530 = arith.constant 0 : i32
        %get3A_531 = arith.constant 0 : i32
        %get3A_532 = arith.constant 0 : i32
        %get3A_533 = tpu.memref_slice %arg6[%scan3A_450, %get3A_530, %get3A_531, %get3A_532] : memref<2x8x8x512xf32, #tpu.memory_space<vmem>> -> memref<1x8x8x512xf32, #tpu.memory_space<vmem>>
        %get3A_534 = tpu.memref_squeeze %get3A_533 : memref<1x8x8x512xf32, #tpu.memory_space<vmem>> -> memref<8x8x512xf32, #tpu.memory_space<vmem>>
        %get3A_535 = arith.index_cast %get3A_528 : i32 to index
        %get3A_536 = arith.index_cast %get3A_529 : i32 to index
        %get3A_537 = arith.index_cast %mul3A_516 : i32 to index
        %get3A_538 = tpu.vector_load %get3A_534[%get3A_535, %get3A_536, %get3A_537] {strides = array<i32>} : memref<8x8x512xf32, #tpu.memory_space<vmem>>, vector<16xf32>,
        %abs3A_539 = math.absf %get3A_538 : vector<16xf32>
        %gt3A = arith.cmpf ogt, %abs3A_539, %abs3A : vector<16xf32>
        %select_n3A_540 = arith.select %gt3A, %abs3A_539, %abs3A : vector<16xi1>, vector<16xf32>
        %select_n3A_541 = arith.select %gt3A, %get3A_538, %get3A_526 : vector<16xi1>, vector<16xf32>
        %jit3A_542 = arith.constant 1 : i32
        %broadcast_in_dim3A_543 = vector.broadcast %jit3A_542 : i32 to vector<16xi32>
        %select_n3A_544 = arith.select %gt3A, %broadcast_in_dim3A_543, %broadcast_in_dim3A_527 : vector<16xi1>, vector<16xi32>
        %get3A_545 = arith.constant 5 : i32
        %get3A_546 = arith.constant 2 : i32
        %get3A_547 = arith.constant 0 : i32
        %get3A_548 = arith.constant 0 : i32
        %get3A_549 = arith.constant 0 : i32
        %get3A_550 = tpu.memref_slice %arg6[%scan3A_450, %get3A_547, %get3A_548, %get3A_549] : memref<2x8x8x512xf32, #tpu.memory_space<vmem>> -> memref<1x8x8x512xf32, #tpu.memory_space<vmem>>
        %get3A_551 = tpu.memref_squeeze %get3A_550 : memref<1x8x8x512xf32, #tpu.memory_space<vmem>> -> memref<8x8x512xf32, #tpu.memory_space<vmem>>
        %get3A_552 = arith.index_cast %get3A_545 : i32 to index
        %get3A_553 = arith.index_cast %get3A_546 : i32 to index
        %get3A_554 = arith.index_cast %mul3A_516 : i32 to index
        %get3A_555 = tpu.vector_load %get3A_551[%get3A_552, %get3A_553, %get3A_554] {strides = array<i32>} : memref<8x8x512xf32, #tpu.memory_space<vmem>>, vector<16xf32>,
        %abs3A_556 = math.absf %get3A_555 : vector<16xf32>
        %gt3A_557 = arith.cmpf ogt, %abs3A_556, %select_n3A_540 : vector<16xf32>
        %select_n3A_558 = arith.select %gt3A_557, %abs3A_556, %select_n3A_540 : vector<16xi1>, vector<16xf32>
        %select_n3A_559 = arith.select %gt3A_557, %get3A_555, %select_n3A_541 : vector<16xi1>, vector<16xf32>
        %jit3A_560 = arith.constant 2 : i32
        %broadcast_in_dim3A_561 = vector.broadcast %jit3A_560 : i32 to vector<16xi32>
        %select_n3A_562 = arith.select %gt3A_557, %broadcast_in_dim3A_561, %select_n3A_544 : vector<16xi1>, vector<16xi32>
        %get3A_563 = arith.constant 5 : i32
        %get3A_564 = arith.constant 3 : i32
        %get3A_565 = arith.constant 0 : i32
        %get3A_566 = arith.constant 0 : i32
        %get3A_567 = arith.constant 0 : i32
        %get3A_568 = tpu.memref_slice %arg6[%scan3A_450, %get3A_565, %get3A_566, %get3A_567] : memref<2x8x8x512xf32, #tpu.memory_space<vmem>> -> memref<1x8x8x512xf32, #tpu.memory_space<vmem>>
        %get3A_569 = tpu.memref_squeeze %get3A_568 : memref<1x8x8x512xf32, #tpu.memory_space<vmem>> -> memref<8x8x512xf32, #tpu.memory_space<vmem>>
        %get3A_570 = arith.index_cast %get3A_563 : i32 to index
        %get3A_571 = arith.index_cast %get3A_564 : i32 to index
        %get3A_572 = arith.index_cast %mul3A_516 : i32 to index
        %get3A_573 = tpu.vector_load %get3A_569[%get3A_570, %get3A_571, %get3A_572] {strides = array<i32>} : memref<8x8x512xf32, #tpu.memory_space<vmem>>, vector<16xf32>,
        %abs3A_574 = math.absf %get3A_573 : vector<16xf32>
        %gt3A_575 = arith.cmpf ogt, %abs3A_574, %select_n3A_558 : vector<16xf32>
        %select_n3A_576 = arith.select %gt3A_575, %abs3A_574, %select_n3A_558 : vector<16xi1>, vector<16xf32>
        %select_n3A_577 = arith.select %gt3A_575, %get3A_573, %select_n3A_559 : vector<16xi1>, vector<16xf32>
        %jit3A_578 = arith.constant 3 : i32
        %broadcast_in_dim3A_579 = vector.broadcast %jit3A_578 : i32 to vector<16xi32>
        %select_n3A_580 = arith.select %gt3A_575, %broadcast_in_dim3A_579, %select_n3A_562 : vector<16xi1>, vector<16xi32>
        %get3A_581 = arith.constant 5 : i32
        %get3A_582 = arith.constant 4 : i32
        %get3A_583 = arith.constant 0 : i32
        %get3A_584 = arith.constant 0 : i32
        %get3A_585 = arith.constant 0 : i32
        %get3A_586 = tpu.memref_slice %arg6[%scan3A_450, %get3A_583, %get3A_584, %get3A_585] : memref<2x8x8x512xf32, #tpu.memory_space<vmem>> -> memref<1x8x8x512xf32, #tpu.memory_space<vmem>>
        %get3A_587 = tpu.memref_squeeze %get3A_586 : memref<1x8x8x512xf32, #tpu.memory_space<vmem>> -> memref<8x8x512xf32, #tpu.memory_space<vmem>>
        %get3A_588 = arith.index_cast %get3A_581 : i32 to index
        %get3A_589 = arith.index_cast %get3A_582 : i32 to index
        %get3A_590 = arith.index_cast %mul3A_516 : i32 to index
        %get3A_591 = tpu.vector_load %get3A_587[%get3A_588, %get3A_589, %get3A_590] {strides = array<i32>} : memref<8x8x512xf32, #tpu.memory_space<vmem>>, vector<16xf32>,
        %abs3A_592 = math.absf %get3A_591 : vector<16xf32>
        %gt3A_593 = arith.cmpf ogt, %abs3A_592, %select_n3A_576 : vector<16xf32>
        %select_n3A_594 = arith.select %gt3A_593, %abs3A_592, %select_n3A_576 : vector<16xi1>, vector<16xf32>
        %select_n3A_595 = arith.select %gt3A_593, %get3A_591, %select_n3A_577 : vector<16xi1>, vector<16xf32>
        %jit3A_596 = arith.constant 4 : i32
        %broadcast_in_dim3A_597 = vector.broadcast %jit3A_596 : i32 to vector<16xi32>
        %select_n3A_598 = arith.select %gt3A_593, %broadcast_in_dim3A_597, %select_n3A_580 : vector<16xi1>, vector<16xi32>
        %get3A_599 = arith.constant 5 : i32
        %get3A_600 = arith.constant 5 : i32
        %get3A_601 = arith.constant 0 : i32
        %get3A_602 = arith.constant 0 : i32
        %get3A_603 = arith.constant 0 : i32
        %get3A_604 = tpu.memref_slice %arg6[%scan3A_450, %get3A_601, %get3A_602, %get3A_603] : memref<2x8x8x512xf32, #tpu.memory_space<vmem>> -> memref<1x8x8x512xf32, #tpu.memory_space<vmem>>
        %get3A_605 = tpu.memref_squeeze %get3A_604 : memref<1x8x8x512xf32, #tpu.memory_space<vmem>> -> memref<8x8x512xf32, #tpu.memory_space<vmem>>
        %get3A_606 = arith.index_cast %get3A_599 : i32 to index
        %get3A_607 = arith.index_cast %get3A_600 : i32 to index
        %get3A_608 = arith.index_cast %mul3A_516 : i32 to index
        %get3A_609 = tpu.vector_load %get3A_605[%get3A_606, %get3A_607, %get3A_608] {strides = array<i32>} : memref<8x8x512xf32, #tpu.memory_space<vmem>>, vector<16xf32>,
        %abs3A_610 = math.absf %get3A_609 : vector<16xf32>
        %gt3A_611 = arith.cmpf ogt, %abs3A_610, %select_n3A_594 : vector<16xf32>
        %select_n3A_612 = arith.select %gt3A_611, %abs3A_610, %select_n3A_594 : vector<16xi1>, vector<16xf32>
        %select_n3A_613 = arith.select %gt3A_611, %get3A_609, %select_n3A_595 : vector<16xi1>, vector<16xf32>
        %jit3A_614 = arith.constant 5 : i32
        %broadcast_in_dim3A_615 = vector.broadcast %jit3A_614 : i32 to vector<16xi32>
        %select_n3A_616 = arith.select %gt3A_611, %broadcast_in_dim3A_615, %select_n3A_598 : vector<16xi1>, vector<16xi32>
        %get3A_617 = arith.constant 5 : i32
        %get3A_618 = arith.constant 6 : i32
        %get3A_619 = arith.constant 0 : i32
        %get3A_620 = arith.constant 0 : i32
        %get3A_621 = arith.constant 0 : i32
        %get3A_622 = tpu.memref_slice %arg6[%scan3A_450, %get3A_619, %get3A_620, %get3A_621] : memref<2x8x8x512xf32, #tpu.memory_space<vmem>> -> memref<1x8x8x512xf32, #tpu.memory_space<vmem>>
        %get3A_623 = tpu.memref_squeeze %get3A_622 : memref<1x8x8x512xf32, #tpu.memory_space<vmem>> -> memref<8x8x512xf32, #tpu.memory_space<vmem>>
        %get3A_624 = arith.index_cast %get3A_617 : i32 to index
        %get3A_625 = arith.index_cast %get3A_618 : i32 to index
        %get3A_626 = arith.index_cast %mul3A_516 : i32 to index
        %get3A_627 = tpu.vector_load %get3A_623[%get3A_624, %get3A_625, %get3A_626] {strides = array<i32>} : memref<8x8x512xf32, #tpu.memory_space<vmem>>, vector<16xf32>,
        %abs3A_628 = math.absf %get3A_627 : vector<16xf32>
        %gt3A_629 = arith.cmpf ogt, %abs3A_628, %select_n3A_612 : vector<16xf32>
        %select_n3A_630 = arith.select %gt3A_629, %abs3A_628, %select_n3A_612 : vector<16xi1>, vector<16xf32>
        %select_n3A_631 = arith.select %gt3A_629, %get3A_627, %select_n3A_613 : vector<16xi1>, vector<16xf32>
        %jit3A_632 = arith.constant 6 : i32
        %broadcast_in_dim3A_633 = vector.broadcast %jit3A_632 : i32 to vector<16xi32>
        %select_n3A_634 = arith.select %gt3A_629, %broadcast_in_dim3A_633, %select_n3A_616 : vector<16xi1>, vector<16xi32>
        %get3A_635 = arith.constant 5 : i32
        %get3A_636 = arith.constant 7 : i32
        %get3A_637 = arith.constant 0 : i32
        %get3A_638 = arith.constant 0 : i32
        %get3A_639 = arith.constant 0 : i32
        %get3A_640 = tpu.memref_slice %arg6[%scan3A_450, %get3A_637, %get3A_638, %get3A_639] : memref<2x8x8x512xf32, #tpu.memory_space<vmem>> -> memref<1x8x8x512xf32, #tpu.memory_space<vmem>>
        %get3A_641 = tpu.memref_squeeze %get3A_640 : memref<1x8x8x512xf32, #tpu.memory_space<vmem>> -> memref<8x8x512xf32, #tpu.memory_space<vmem>>
        %get3A_642 = arith.index_cast %get3A_635 : i32 to index
        %get3A_643 = arith.index_cast %get3A_636 : i32 to index
        %get3A_644 = arith.index_cast %mul3A_516 : i32 to index
        %get3A_645 = tpu.vector_load %get3A_641[%get3A_642, %get3A_643, %get3A_644] {strides = array<i32>} : memref<8x8x512xf32, #tpu.memory_space<vmem>>, vector<16xf32>,
        %abs3A_646 = math.absf %get3A_645 : vector<16xf32>
        %gt3A_647 = arith.cmpf ogt, %abs3A_646, %select_n3A_630 : vector<16xf32>
        %select_n3A_648 = arith.select %gt3A_647, %abs3A_646, %select_n3A_630 : vector<16xi1>, vector<16xf32>
        %select_n3A_649 = arith.select %gt3A_647, %get3A_645, %select_n3A_631 : vector<16xi1>, vector<16xf32>
        %jit3A_650 = arith.constant 7 : i32
        %broadcast_in_dim3A_651 = vector.broadcast %jit3A_650 : i32 to vector<16xi32>
        %select_n3A_652 = arith.select %gt3A_647, %broadcast_in_dim3A_651, %select_n3A_634 : vector<16xi1>, vector<16xi32>
        %neg3A = arith.constant 0.000000e+00 : f32
        %neg3A_653 = vector.broadcast %neg3A : f32 to vector<16xf32>
        %neg3A_654 = arith.subf %neg3A_653, %select_n3A_649 : vector<16xf32>
        %exp3A = math.exp %neg3A_654 : vector<16xf32>
        %add3A_655 = arith.constant 1.000000e+00 : f32
        %add3A_656 = vector.broadcast %add3A_655 : f32 to vector<16xf32>
        %add3A_657 = arith.addf %add3A_656, %exp3A : vector<16xf32>
        %div3A_658 = arith.constant 1.000000e+00 : f32
        %div3A_659 = vector.broadcast %div3A_658 : f32 to vector<16xf32>
        %div3A_660 = arith.divf %div3A_659, %add3A_657 : vector<16xf32>
        %get3A_661 = arith.constant 5 : i32
        %get3A_662 = arith.constant 0 : i32
        %get3A_663 = arith.constant 0 : i32
        %get3A_664 = tpu.memref_slice %arg7[%scan3A_451, %get3A_662, %get3A_663] : memref<2x8x512xf32, #tpu.memory_space<vmem>> -> memref<1x8x512xf32, #tpu.memory_space<vmem>>
        %get3A_665 = tpu.memref_squeeze %get3A_664 : memref<1x8x512xf32, #tpu.memory_space<vmem>> -> memref<8x512xf32, #tpu.memory_space<vmem>>
        %get3A_666 = arith.index_cast %get3A_661 : i32 to index
        %get3A_667 = arith.index_cast %mul3A_516 : i32 to index
        %get3A_668 = tpu.vector_load %get3A_665[%get3A_666, %get3A_667] {strides = array<i32>} : memref<8x512xf32, #tpu.memory_space<vmem>>, vector<16xf32>,
        %mul3A_669 = arith.mulf %get3A_668, %div3A_660 : vector<16xf32>
        %swap3A = arith.constant 5 : i32
        %swap3A_670 = arith.constant 0 : i32
        %swap3A_671 = arith.constant 0 : i32
        %swap3A_672 = tpu.memref_slice %arg8[%scan3A_452, %swap3A_670, %swap3A_671] : memref<2x8x512xf32, #tpu.memory_space<vmem>> -> memref<1x8x512xf32, #tpu.memory_space<vmem>>
        %swap3A_673 = tpu.memref_squeeze %swap3A_672 : memref<1x8x512xf32, #tpu.memory_space<vmem>> -> memref<8x512xf32, #tpu.memory_space<vmem>>
        %swap3A_674 = arith.index_cast %swap3A : i32 to index
        %swap3A_675 = arith.index_cast %mul3A_516 : i32 to index
        %swap3A_676 = tpu.vector_load %swap3A_673[%swap3A_674, %swap3A_675] {strides = array<i32>} : memref<8x512xf32, #tpu.memory_space<vmem>>, vector<16xf32>,
        tpu.vector_store %swap3A_673[%swap3A_674, %swap3A_675], %mul3A_669 {strides = array<i32>} : memref<8x512xf32, #tpu.memory_space<vmem>>, vector<16xf32>,
        %swap3A_677 = arith.constant 5 : i32
        %swap3A_678 = arith.constant 0 : i32
        %swap3A_679 = arith.constant 0 : i32
        %swap3A_680 = tpu.memref_slice %arg9[%scan3A_453, %swap3A_678, %swap3A_679] : memref<2x8x512xi32, #tpu.memory_space<vmem>> -> memref<1x8x512xi32, #tpu.memory_space<vmem>>
        %swap3A_681 = tpu.memref_squeeze %swap3A_680 : memref<1x8x512xi32, #tpu.memory_space<vmem>> -> memref<8x512xi32, #tpu.memory_space<vmem>>
        %swap3A_682 = arith.index_cast %swap3A_677 : i32 to index
        %swap3A_683 = arith.index_cast %mul3A_516 : i32 to index
        %swap3A_684 = tpu.vector_load %swap3A_681[%swap3A_682, %swap3A_683] {strides = array<i32>} : memref<8x512xi32, #tpu.memory_space<vmem>>, vector<16xi32>,
        tpu.vector_store %swap3A_681[%swap3A_682, %swap3A_683], %select_n3A_652 {strides = array<i32>} : memref<8x512xi32, #tpu.memory_space<vmem>>, vector<16xi32>,
        %scan3A_685 = arith.constant 0 : i32
        scf.yield %scan3A_685 : i32
      }
      %scan3A_460 = arith.constant 32 : i32
      %scan3A_461 = arith.constant 1 : i32
      %scan3A_462 = arith.constant 1 : i32
      %scan3A_463 = arith.constant 1 : i32
      %scan3A_464 = arith.constant 1 : i32
      %scan3A_465 = arith.constant 0 : i32
      %scan3A_466 = arith.constant 0 : i32
      %scan3A_467 = arith.constant 32 : i32
      %scan3A_468 = arith.addi %scan3A_466, %scan3A_467 : i32
      %scan3A_469 = arith.constant 1 : i32
      %scan3A_470 = scf.for %scan3A_513 = %scan3A_466 to %scan3A_468 step %scan3A_469 iter_args(%scan3A_514 = %scan3A_465) -> (i32)  : i32 {
        %mul3A_515 = arith.constant 16 : i32
        %mul3A_516 = arith.muli %scan3A_513, %mul3A_515 : i32
        %get3A = arith.constant 6 : i32
        %get3A_517 = arith.constant 0 : i32
        %get3A_518 = arith.constant 0 : i32
        %get3A_519 = arith.constant 0 : i32
        %get3A_520 = arith.constant 0 : i32
        %get3A_521 = tpu.memref_slice %arg6[%scan3A_461, %get3A_518, %get3A_519, %get3A_520] : memref<2x8x8x512xf32, #tpu.memory_space<vmem>> -> memref<1x8x8x512xf32, #tpu.memory_space<vmem>>
        %get3A_522 = tpu.memref_squeeze %get3A_521 : memref<1x8x8x512xf32, #tpu.memory_space<vmem>> -> memref<8x8x512xf32, #tpu.memory_space<vmem>>
        %get3A_523 = arith.index_cast %get3A : i32 to index
        %get3A_524 = arith.index_cast %get3A_517 : i32 to index
        %get3A_525 = arith.index_cast %mul3A_516 : i32 to index
        %get3A_526 = tpu.vector_load %get3A_522[%get3A_523, %get3A_524, %get3A_525] {strides = array<i32>} : memref<8x8x512xf32, #tpu.memory_space<vmem>>, vector<16xf32>,
        %abs3A = math.absf %get3A_526 : vector<16xf32>
        %broadcast_in_dim3A = arith.constant 0 : i32
        %broadcast_in_dim3A_527 = vector.broadcast %broadcast_in_dim3A : i32 to vector<16xi32>
        %get3A_528 = arith.constant 6 : i32
        %get3A_529 = arith.constant 1 : i32
        %get3A_530 = arith.constant 0 : i32
        %get3A_531 = arith.constant 0 : i32
        %get3A_532 = arith.constant 0 : i32
        %get3A_533 = tpu.memref_slice %arg6[%scan3A_461, %get3A_530, %get3A_531, %get3A_532] : memref<2x8x8x512xf32, #tpu.memory_space<vmem>> -> memref<1x8x8x512xf32, #tpu.memory_space<vmem>>
        %get3A_534 = tpu.memref_squeeze %get3A_533 : memref<1x8x8x512xf32, #tpu.memory_space<vmem>> -> memref<8x8x512xf32, #tpu.memory_space<vmem>>
        %get3A_535 = arith.index_cast %get3A_528 : i32 to index
        %get3A_536 = arith.index_cast %get3A_529 : i32 to index
        %get3A_537 = arith.index_cast %mul3A_516 : i32 to index
        %get3A_538 = tpu.vector_load %get3A_534[%get3A_535, %get3A_536, %get3A_537] {strides = array<i32>} : memref<8x8x512xf32, #tpu.memory_space<vmem>>, vector<16xf32>,
        %abs3A_539 = math.absf %get3A_538 : vector<16xf32>
        %gt3A = arith.cmpf ogt, %abs3A_539, %abs3A : vector<16xf32>
        %select_n3A_540 = arith.select %gt3A, %abs3A_539, %abs3A : vector<16xi1>, vector<16xf32>
        %select_n3A_541 = arith.select %gt3A, %get3A_538, %get3A_526 : vector<16xi1>, vector<16xf32>
        %jit3A_542 = arith.constant 1 : i32
        %broadcast_in_dim3A_543 = vector.broadcast %jit3A_542 : i32 to vector<16xi32>
        %select_n3A_544 = arith.select %gt3A, %broadcast_in_dim3A_543, %broadcast_in_dim3A_527 : vector<16xi1>, vector<16xi32>
        %get3A_545 = arith.constant 6 : i32
        %get3A_546 = arith.constant 2 : i32
        %get3A_547 = arith.constant 0 : i32
        %get3A_548 = arith.constant 0 : i32
        %get3A_549 = arith.constant 0 : i32
        %get3A_550 = tpu.memref_slice %arg6[%scan3A_461, %get3A_547, %get3A_548, %get3A_549] : memref<2x8x8x512xf32, #tpu.memory_space<vmem>> -> memref<1x8x8x512xf32, #tpu.memory_space<vmem>>
        %get3A_551 = tpu.memref_squeeze %get3A_550 : memref<1x8x8x512xf32, #tpu.memory_space<vmem>> -> memref<8x8x512xf32, #tpu.memory_space<vmem>>
        %get3A_552 = arith.index_cast %get3A_545 : i32 to index
        %get3A_553 = arith.index_cast %get3A_546 : i32 to index
        %get3A_554 = arith.index_cast %mul3A_516 : i32 to index
        %get3A_555 = tpu.vector_load %get3A_551[%get3A_552, %get3A_553, %get3A_554] {strides = array<i32>} : memref<8x8x512xf32, #tpu.memory_space<vmem>>, vector<16xf32>,
        %abs3A_556 = math.absf %get3A_555 : vector<16xf32>
        %gt3A_557 = arith.cmpf ogt, %abs3A_556, %select_n3A_540 : vector<16xf32>
        %select_n3A_558 = arith.select %gt3A_557, %abs3A_556, %select_n3A_540 : vector<16xi1>, vector<16xf32>
        %select_n3A_559 = arith.select %gt3A_557, %get3A_555, %select_n3A_541 : vector<16xi1>, vector<16xf32>
        %jit3A_560 = arith.constant 2 : i32
        %broadcast_in_dim3A_561 = vector.broadcast %jit3A_560 : i32 to vector<16xi32>
        %select_n3A_562 = arith.select %gt3A_557, %broadcast_in_dim3A_561, %select_n3A_544 : vector<16xi1>, vector<16xi32>
        %get3A_563 = arith.constant 6 : i32
        %get3A_564 = arith.constant 3 : i32
        %get3A_565 = arith.constant 0 : i32
        %get3A_566 = arith.constant 0 : i32
        %get3A_567 = arith.constant 0 : i32
        %get3A_568 = tpu.memref_slice %arg6[%scan3A_461, %get3A_565, %get3A_566, %get3A_567] : memref<2x8x8x512xf32, #tpu.memory_space<vmem>> -> memref<1x8x8x512xf32, #tpu.memory_space<vmem>>
        %get3A_569 = tpu.memref_squeeze %get3A_568 : memref<1x8x8x512xf32, #tpu.memory_space<vmem>> -> memref<8x8x512xf32, #tpu.memory_space<vmem>>
        %get3A_570 = arith.index_cast %get3A_563 : i32 to index
        %get3A_571 = arith.index_cast %get3A_564 : i32 to index
        %get3A_572 = arith.index_cast %mul3A_516 : i32 to index
        %get3A_573 = tpu.vector_load %get3A_569[%get3A_570, %get3A_571, %get3A_572] {strides = array<i32>} : memref<8x8x512xf32, #tpu.memory_space<vmem>>, vector<16xf32>,
        %abs3A_574 = math.absf %get3A_573 : vector<16xf32>
        %gt3A_575 = arith.cmpf ogt, %abs3A_574, %select_n3A_558 : vector<16xf32>
        %select_n3A_576 = arith.select %gt3A_575, %abs3A_574, %select_n3A_558 : vector<16xi1>, vector<16xf32>
        %select_n3A_577 = arith.select %gt3A_575, %get3A_573, %select_n3A_559 : vector<16xi1>, vector<16xf32>
        %jit3A_578 = arith.constant 3 : i32
        %broadcast_in_dim3A_579 = vector.broadcast %jit3A_578 : i32 to vector<16xi32>
        %select_n3A_580 = arith.select %gt3A_575, %broadcast_in_dim3A_579, %select_n3A_562 : vector<16xi1>, vector<16xi32>
        %get3A_581 = arith.constant 6 : i32
        %get3A_582 = arith.constant 4 : i32
        %get3A_583 = arith.constant 0 : i32
        %get3A_584 = arith.constant 0 : i32
        %get3A_585 = arith.constant 0 : i32
        %get3A_586 = tpu.memref_slice %arg6[%scan3A_461, %get3A_583, %get3A_584, %get3A_585] : memref<2x8x8x512xf32, #tpu.memory_space<vmem>> -> memref<1x8x8x512xf32, #tpu.memory_space<vmem>>
        %get3A_587 = tpu.memref_squeeze %get3A_586 : memref<1x8x8x512xf32, #tpu.memory_space<vmem>> -> memref<8x8x512xf32, #tpu.memory_space<vmem>>
        %get3A_588 = arith.index_cast %get3A_581 : i32 to index
        %get3A_589 = arith.index_cast %get3A_582 : i32 to index
        %get3A_590 = arith.index_cast %mul3A_516 : i32 to index
        %get3A_591 = tpu.vector_load %get3A_587[%get3A_588, %get3A_589, %get3A_590] {strides = array<i32>} : memref<8x8x512xf32, #tpu.memory_space<vmem>>, vector<16xf32>,
        %abs3A_592 = math.absf %get3A_591 : vector<16xf32>
        %gt3A_593 = arith.cmpf ogt, %abs3A_592, %select_n3A_576 : vector<16xf32>
        %select_n3A_594 = arith.select %gt3A_593, %abs3A_592, %select_n3A_576 : vector<16xi1>, vector<16xf32>
        %select_n3A_595 = arith.select %gt3A_593, %get3A_591, %select_n3A_577 : vector<16xi1>, vector<16xf32>
        %jit3A_596 = arith.constant 4 : i32
        %broadcast_in_dim3A_597 = vector.broadcast %jit3A_596 : i32 to vector<16xi32>
        %select_n3A_598 = arith.select %gt3A_593, %broadcast_in_dim3A_597, %select_n3A_580 : vector<16xi1>, vector<16xi32>
        %get3A_599 = arith.constant 6 : i32
        %get3A_600 = arith.constant 5 : i32
        %get3A_601 = arith.constant 0 : i32
        %get3A_602 = arith.constant 0 : i32
        %get3A_603 = arith.constant 0 : i32
        %get3A_604 = tpu.memref_slice %arg6[%scan3A_461, %get3A_601, %get3A_602, %get3A_603] : memref<2x8x8x512xf32, #tpu.memory_space<vmem>> -> memref<1x8x8x512xf32, #tpu.memory_space<vmem>>
        %get3A_605 = tpu.memref_squeeze %get3A_604 : memref<1x8x8x512xf32, #tpu.memory_space<vmem>> -> memref<8x8x512xf32, #tpu.memory_space<vmem>>
        %get3A_606 = arith.index_cast %get3A_599 : i32 to index
        %get3A_607 = arith.index_cast %get3A_600 : i32 to index
        %get3A_608 = arith.index_cast %mul3A_516 : i32 to index
        %get3A_609 = tpu.vector_load %get3A_605[%get3A_606, %get3A_607, %get3A_608] {strides = array<i32>} : memref<8x8x512xf32, #tpu.memory_space<vmem>>, vector<16xf32>,
        %abs3A_610 = math.absf %get3A_609 : vector<16xf32>
        %gt3A_611 = arith.cmpf ogt, %abs3A_610, %select_n3A_594 : vector<16xf32>
        %select_n3A_612 = arith.select %gt3A_611, %abs3A_610, %select_n3A_594 : vector<16xi1>, vector<16xf32>
        %select_n3A_613 = arith.select %gt3A_611, %get3A_609, %select_n3A_595 : vector<16xi1>, vector<16xf32>
        %jit3A_614 = arith.constant 5 : i32
        %broadcast_in_dim3A_615 = vector.broadcast %jit3A_614 : i32 to vector<16xi32>
        %select_n3A_616 = arith.select %gt3A_611, %broadcast_in_dim3A_615, %select_n3A_598 : vector<16xi1>, vector<16xi32>
        %get3A_617 = arith.constant 6 : i32
        %get3A_618 = arith.constant 6 : i32
        %get3A_619 = arith.constant 0 : i32
        %get3A_620 = arith.constant 0 : i32
        %get3A_621 = arith.constant 0 : i32
        %get3A_622 = tpu.memref_slice %arg6[%scan3A_461, %get3A_619, %get3A_620, %get3A_621] : memref<2x8x8x512xf32, #tpu.memory_space<vmem>> -> memref<1x8x8x512xf32, #tpu.memory_space<vmem>>
        %get3A_623 = tpu.memref_squeeze %get3A_622 : memref<1x8x8x512xf32, #tpu.memory_space<vmem>> -> memref<8x8x512xf32, #tpu.memory_space<vmem>>
        %get3A_624 = arith.index_cast %get3A_617 : i32 to index
        %get3A_625 = arith.index_cast %get3A_618 : i32 to index
        %get3A_626 = arith.index_cast %mul3A_516 : i32 to index
        %get3A_627 = tpu.vector_load %get3A_623[%get3A_624, %get3A_625, %get3A_626] {strides = array<i32>} : memref<8x8x512xf32, #tpu.memory_space<vmem>>, vector<16xf32>,
        %abs3A_628 = math.absf %get3A_627 : vector<16xf32>
        %gt3A_629 = arith.cmpf ogt, %abs3A_628, %select_n3A_612 : vector<16xf32>
        %select_n3A_630 = arith.select %gt3A_629, %abs3A_628, %select_n3A_612 : vector<16xi1>, vector<16xf32>
        %select_n3A_631 = arith.select %gt3A_629, %get3A_627, %select_n3A_613 : vector<16xi1>, vector<16xf32>
        %jit3A_632 = arith.constant 6 : i32
        %broadcast_in_dim3A_633 = vector.broadcast %jit3A_632 : i32 to vector<16xi32>
        %select_n3A_634 = arith.select %gt3A_629, %broadcast_in_dim3A_633, %select_n3A_616 : vector<16xi1>, vector<16xi32>
        %get3A_635 = arith.constant 6 : i32
        %get3A_636 = arith.constant 7 : i32
        %get3A_637 = arith.constant 0 : i32
        %get3A_638 = arith.constant 0 : i32
        %get3A_639 = arith.constant 0 : i32
        %get3A_640 = tpu.memref_slice %arg6[%scan3A_461, %get3A_637, %get3A_638, %get3A_639] : memref<2x8x8x512xf32, #tpu.memory_space<vmem>> -> memref<1x8x8x512xf32, #tpu.memory_space<vmem>>
        %get3A_641 = tpu.memref_squeeze %get3A_640 : memref<1x8x8x512xf32, #tpu.memory_space<vmem>> -> memref<8x8x512xf32, #tpu.memory_space<vmem>>
        %get3A_642 = arith.index_cast %get3A_635 : i32 to index
        %get3A_643 = arith.index_cast %get3A_636 : i32 to index
        %get3A_644 = arith.index_cast %mul3A_516 : i32 to index
        %get3A_645 = tpu.vector_load %get3A_641[%get3A_642, %get3A_643, %get3A_644] {strides = array<i32>} : memref<8x8x512xf32, #tpu.memory_space<vmem>>, vector<16xf32>,
        %abs3A_646 = math.absf %get3A_645 : vector<16xf32>
        %gt3A_647 = arith.cmpf ogt, %abs3A_646, %select_n3A_630 : vector<16xf32>
        %select_n3A_648 = arith.select %gt3A_647, %abs3A_646, %select_n3A_630 : vector<16xi1>, vector<16xf32>
        %select_n3A_649 = arith.select %gt3A_647, %get3A_645, %select_n3A_631 : vector<16xi1>, vector<16xf32>
        %jit3A_650 = arith.constant 7 : i32
        %broadcast_in_dim3A_651 = vector.broadcast %jit3A_650 : i32 to vector<16xi32>
        %select_n3A_652 = arith.select %gt3A_647, %broadcast_in_dim3A_651, %select_n3A_634 : vector<16xi1>, vector<16xi32>
        %neg3A = arith.constant 0.000000e+00 : f32
        %neg3A_653 = vector.broadcast %neg3A : f32 to vector<16xf32>
        %neg3A_654 = arith.subf %neg3A_653, %select_n3A_649 : vector<16xf32>
        %exp3A = math.exp %neg3A_654 : vector<16xf32>
        %add3A_655 = arith.constant 1.000000e+00 : f32
        %add3A_656 = vector.broadcast %add3A_655 : f32 to vector<16xf32>
        %add3A_657 = arith.addf %add3A_656, %exp3A : vector<16xf32>
        %div3A_658 = arith.constant 1.000000e+00 : f32
        %div3A_659 = vector.broadcast %div3A_658 : f32 to vector<16xf32>
        %div3A_660 = arith.divf %div3A_659, %add3A_657 : vector<16xf32>
        %get3A_661 = arith.constant 6 : i32
        %get3A_662 = arith.constant 0 : i32
        %get3A_663 = arith.constant 0 : i32
        %get3A_664 = tpu.memref_slice %arg7[%scan3A_462, %get3A_662, %get3A_663] : memref<2x8x512xf32, #tpu.memory_space<vmem>> -> memref<1x8x512xf32, #tpu.memory_space<vmem>>
        %get3A_665 = tpu.memref_squeeze %get3A_664 : memref<1x8x512xf32, #tpu.memory_space<vmem>> -> memref<8x512xf32, #tpu.memory_space<vmem>>
        %get3A_666 = arith.index_cast %get3A_661 : i32 to index
        %get3A_667 = arith.index_cast %mul3A_516 : i32 to index
        %get3A_668 = tpu.vector_load %get3A_665[%get3A_666, %get3A_667] {strides = array<i32>} : memref<8x512xf32, #tpu.memory_space<vmem>>, vector<16xf32>,
        %mul3A_669 = arith.mulf %get3A_668, %div3A_660 : vector<16xf32>
        %swap3A = arith.constant 6 : i32
        %swap3A_670 = arith.constant 0 : i32
        %swap3A_671 = arith.constant 0 : i32
        %swap3A_672 = tpu.memref_slice %arg8[%scan3A_463, %swap3A_670, %swap3A_671] : memref<2x8x512xf32, #tpu.memory_space<vmem>> -> memref<1x8x512xf32, #tpu.memory_space<vmem>>
        %swap3A_673 = tpu.memref_squeeze %swap3A_672 : memref<1x8x512xf32, #tpu.memory_space<vmem>> -> memref<8x512xf32, #tpu.memory_space<vmem>>
        %swap3A_674 = arith.index_cast %swap3A : i32 to index
        %swap3A_675 = arith.index_cast %mul3A_516 : i32 to index
        %swap3A_676 = tpu.vector_load %swap3A_673[%swap3A_674, %swap3A_675] {strides = array<i32>} : memref<8x512xf32, #tpu.memory_space<vmem>>, vector<16xf32>,
        tpu.vector_store %swap3A_673[%swap3A_674, %swap3A_675], %mul3A_669 {strides = array<i32>} : memref<8x512xf32, #tpu.memory_space<vmem>>, vector<16xf32>,
        %swap3A_677 = arith.constant 6 : i32
        %swap3A_678 = arith.constant 0 : i32
        %swap3A_679 = arith.constant 0 : i32
        %swap3A_680 = tpu.memref_slice %arg9[%scan3A_464, %swap3A_678, %swap3A_679] : memref<2x8x512xi32, #tpu.memory_space<vmem>> -> memref<1x8x512xi32, #tpu.memory_space<vmem>>
        %swap3A_681 = tpu.memref_squeeze %swap3A_680 : memref<1x8x512xi32, #tpu.memory_space<vmem>> -> memref<8x512xi32, #tpu.memory_space<vmem>>
        %swap3A_682 = arith.index_cast %swap3A_677 : i32 to index
        %swap3A_683 = arith.index_cast %mul3A_516 : i32 to index
        %swap3A_684 = tpu.vector_load %swap3A_681[%swap3A_682, %swap3A_683] {strides = array<i32>} : memref<8x512xi32, #tpu.memory_space<vmem>>, vector<16xi32>,
        tpu.vector_store %swap3A_681[%swap3A_682, %swap3A_683], %select_n3A_652 {strides = array<i32>} : memref<8x512xi32, #tpu.memory_space<vmem>>, vector<16xi32>,
        %scan3A_685 = arith.constant 0 : i32
        scf.yield %scan3A_685 : i32
      }
      %scan3A_471 = arith.constant 32 : i32
      %scan3A_472 = arith.constant 1 : i32
      %scan3A_473 = arith.constant 1 : i32
      %scan3A_474 = arith.constant 1 : i32
      %scan3A_475 = arith.constant 1 : i32
      %scan3A_476 = arith.constant 0 : i32
      %scan3A_477 = arith.constant 0 : i32
      %scan3A_478 = arith.constant 32 : i32
      %scan3A_479 = arith.addi %scan3A_477, %scan3A_478 : i32
      %scan3A_480 = arith.constant 1 : i32
      %scan3A_481 = scf.for %scan3A_513 = %scan3A_477 to %scan3A_479 step %scan3A_480 iter_args(%scan3A_514 = %scan3A_476) -> (i32)  : i32 {
        %mul3A_515 = arith.constant 16 : i32
        %mul3A_516 = arith.muli %scan3A_513, %mul3A_515 : i32
        %get3A = arith.constant 7 : i32
        %get3A_517 = arith.constant 0 : i32
        %get3A_518 = arith.constant 0 : i32
        %get3A_519 = arith.constant 0 : i32
        %get3A_520 = arith.constant 0 : i32
        %get3A_521 = tpu.memref_slice %arg6[%scan3A_472, %get3A_518, %get3A_519, %get3A_520] : memref<2x8x8x512xf32, #tpu.memory_space<vmem>> -> memref<1x8x8x512xf32, #tpu.memory_space<vmem>>
        %get3A_522 = tpu.memref_squeeze %get3A_521 : memref<1x8x8x512xf32, #tpu.memory_space<vmem>> -> memref<8x8x512xf32, #tpu.memory_space<vmem>>
        %get3A_523 = arith.index_cast %get3A : i32 to index
        %get3A_524 = arith.index_cast %get3A_517 : i32 to index
        %get3A_525 = arith.index_cast %mul3A_516 : i32 to index
        %get3A_526 = tpu.vector_load %get3A_522[%get3A_523, %get3A_524, %get3A_525] {strides = array<i32>} : memref<8x8x512xf32, #tpu.memory_space<vmem>>, vector<16xf32>,
        %abs3A = math.absf %get3A_526 : vector<16xf32>
        %broadcast_in_dim3A = arith.constant 0 : i32
        %broadcast_in_dim3A_527 = vector.broadcast %broadcast_in_dim3A : i32 to vector<16xi32>
        %get3A_528 = arith.constant 7 : i32
        %get3A_529 = arith.constant 1 : i32
        %get3A_530 = arith.constant 0 : i32
        %get3A_531 = arith.constant 0 : i32
        %get3A_532 = arith.constant 0 : i32
        %get3A_533 = tpu.memref_slice %arg6[%scan3A_472, %get3A_530, %get3A_531, %get3A_532] : memref<2x8x8x512xf32, #tpu.memory_space<vmem>> -> memref<1x8x8x512xf32, #tpu.memory_space<vmem>>
        %get3A_534 = tpu.memref_squeeze %get3A_533 : memref<1x8x8x512xf32, #tpu.memory_space<vmem>> -> memref<8x8x512xf32, #tpu.memory_space<vmem>>
        %get3A_535 = arith.index_cast %get3A_528 : i32 to index
        %get3A_536 = arith.index_cast %get3A_529 : i32 to index
        %get3A_537 = arith.index_cast %mul3A_516 : i32 to index
        %get3A_538 = tpu.vector_load %get3A_534[%get3A_535, %get3A_536, %get3A_537] {strides = array<i32>} : memref<8x8x512xf32, #tpu.memory_space<vmem>>, vector<16xf32>,
        %abs3A_539 = math.absf %get3A_538 : vector<16xf32>
        %gt3A = arith.cmpf ogt, %abs3A_539, %abs3A : vector<16xf32>
        %select_n3A_540 = arith.select %gt3A, %abs3A_539, %abs3A : vector<16xi1>, vector<16xf32>
        %select_n3A_541 = arith.select %gt3A, %get3A_538, %get3A_526 : vector<16xi1>, vector<16xf32>
        %jit3A_542 = arith.constant 1 : i32
        %broadcast_in_dim3A_543 = vector.broadcast %jit3A_542 : i32 to vector<16xi32>
        %select_n3A_544 = arith.select %gt3A, %broadcast_in_dim3A_543, %broadcast_in_dim3A_527 : vector<16xi1>, vector<16xi32>
        %get3A_545 = arith.constant 7 : i32
        %get3A_546 = arith.constant 2 : i32
        %get3A_547 = arith.constant 0 : i32
        %get3A_548 = arith.constant 0 : i32
        %get3A_549 = arith.constant 0 : i32
        %get3A_550 = tpu.memref_slice %arg6[%scan3A_472, %get3A_547, %get3A_548, %get3A_549] : memref<2x8x8x512xf32, #tpu.memory_space<vmem>> -> memref<1x8x8x512xf32, #tpu.memory_space<vmem>>
        %get3A_551 = tpu.memref_squeeze %get3A_550 : memref<1x8x8x512xf32, #tpu.memory_space<vmem>> -> memref<8x8x512xf32, #tpu.memory_space<vmem>>
        %get3A_552 = arith.index_cast %get3A_545 : i32 to index
        %get3A_553 = arith.index_cast %get3A_546 : i32 to index
        %get3A_554 = arith.index_cast %mul3A_516 : i32 to index
        %get3A_555 = tpu.vector_load %get3A_551[%get3A_552, %get3A_553, %get3A_554] {strides = array<i32>} : memref<8x8x512xf32, #tpu.memory_space<vmem>>, vector<16xf32>,
        %abs3A_556 = math.absf %get3A_555 : vector<16xf32>
        %gt3A_557 = arith.cmpf ogt, %abs3A_556, %select_n3A_540 : vector<16xf32>
        %select_n3A_558 = arith.select %gt3A_557, %abs3A_556, %select_n3A_540 : vector<16xi1>, vector<16xf32>
        %select_n3A_559 = arith.select %gt3A_557, %get3A_555, %select_n3A_541 : vector<16xi1>, vector<16xf32>
        %jit3A_560 = arith.constant 2 : i32
        %broadcast_in_dim3A_561 = vector.broadcast %jit3A_560 : i32 to vector<16xi32>
        %select_n3A_562 = arith.select %gt3A_557, %broadcast_in_dim3A_561, %select_n3A_544 : vector<16xi1>, vector<16xi32>
        %get3A_563 = arith.constant 7 : i32
        %get3A_564 = arith.constant 3 : i32
        %get3A_565 = arith.constant 0 : i32
        %get3A_566 = arith.constant 0 : i32
        %get3A_567 = arith.constant 0 : i32
        %get3A_568 = tpu.memref_slice %arg6[%scan3A_472, %get3A_565, %get3A_566, %get3A_567] : memref<2x8x8x512xf32, #tpu.memory_space<vmem>> -> memref<1x8x8x512xf32, #tpu.memory_space<vmem>>
        %get3A_569 = tpu.memref_squeeze %get3A_568 : memref<1x8x8x512xf32, #tpu.memory_space<vmem>> -> memref<8x8x512xf32, #tpu.memory_space<vmem>>
        %get3A_570 = arith.index_cast %get3A_563 : i32 to index
        %get3A_571 = arith.index_cast %get3A_564 : i32 to index
        %get3A_572 = arith.index_cast %mul3A_516 : i32 to index
        %get3A_573 = tpu.vector_load %get3A_569[%get3A_570, %get3A_571, %get3A_572] {strides = array<i32>} : memref<8x8x512xf32, #tpu.memory_space<vmem>>, vector<16xf32>,
        %abs3A_574 = math.absf %get3A_573 : vector<16xf32>
        %gt3A_575 = arith.cmpf ogt, %abs3A_574, %select_n3A_558 : vector<16xf32>
        %select_n3A_576 = arith.select %gt3A_575, %abs3A_574, %select_n3A_558 : vector<16xi1>, vector<16xf32>
        %select_n3A_577 = arith.select %gt3A_575, %get3A_573, %select_n3A_559 : vector<16xi1>, vector<16xf32>
        %jit3A_578 = arith.constant 3 : i32
        %broadcast_in_dim3A_579 = vector.broadcast %jit3A_578 : i32 to vector<16xi32>
        %select_n3A_580 = arith.select %gt3A_575, %broadcast_in_dim3A_579, %select_n3A_562 : vector<16xi1>, vector<16xi32>
        %get3A_581 = arith.constant 7 : i32
        %get3A_582 = arith.constant 4 : i32
        %get3A_583 = arith.constant 0 : i32
        %get3A_584 = arith.constant 0 : i32
        %get3A_585 = arith.constant 0 : i32
        %get3A_586 = tpu.memref_slice %arg6[%scan3A_472, %get3A_583, %get3A_584, %get3A_585] : memref<2x8x8x512xf32, #tpu.memory_space<vmem>> -> memref<1x8x8x512xf32, #tpu.memory_space<vmem>>
        %get3A_587 = tpu.memref_squeeze %get3A_586 : memref<1x8x8x512xf32, #tpu.memory_space<vmem>> -> memref<8x8x512xf32, #tpu.memory_space<vmem>>
        %get3A_588 = arith.index_cast %get3A_581 : i32 to index
        %get3A_589 = arith.index_cast %get3A_582 : i32 to index
        %get3A_590 = arith.index_cast %mul3A_516 : i32 to index
        %get3A_591 = tpu.vector_load %get3A_587[%get3A_588, %get3A_589, %get3A_590] {strides = array<i32>} : memref<8x8x512xf32, #tpu.memory_space<vmem>>, vector<16xf32>,
        %abs3A_592 = math.absf %get3A_591 : vector<16xf32>
        %gt3A_593 = arith.cmpf ogt, %abs3A_592, %select_n3A_576 : vector<16xf32>
        %select_n3A_594 = arith.select %gt3A_593, %abs3A_592, %select_n3A_576 : vector<16xi1>, vector<16xf32>
        %select_n3A_595 = arith.select %gt3A_593, %get3A_591, %select_n3A_577 : vector<16xi1>, vector<16xf32>
        %jit3A_596 = arith.constant 4 : i32
        %broadcast_in_dim3A_597 = vector.broadcast %jit3A_596 : i32 to vector<16xi32>
        %select_n3A_598 = arith.select %gt3A_593, %broadcast_in_dim3A_597, %select_n3A_580 : vector<16xi1>, vector<16xi32>
        %get3A_599 = arith.constant 7 : i32
        %get3A_600 = arith.constant 5 : i32
        %get3A_601 = arith.constant 0 : i32
        %get3A_602 = arith.constant 0 : i32
        %get3A_603 = arith.constant 0 : i32
        %get3A_604 = tpu.memref_slice %arg6[%scan3A_472, %get3A_601, %get3A_602, %get3A_603] : memref<2x8x8x512xf32, #tpu.memory_space<vmem>> -> memref<1x8x8x512xf32, #tpu.memory_space<vmem>>
        %get3A_605 = tpu.memref_squeeze %get3A_604 : memref<1x8x8x512xf32, #tpu.memory_space<vmem>> -> memref<8x8x512xf32, #tpu.memory_space<vmem>>
        %get3A_606 = arith.index_cast %get3A_599 : i32 to index
        %get3A_607 = arith.index_cast %get3A_600 : i32 to index
        %get3A_608 = arith.index_cast %mul3A_516 : i32 to index
        %get3A_609 = tpu.vector_load %get3A_605[%get3A_606, %get3A_607, %get3A_608] {strides = array<i32>} : memref<8x8x512xf32, #tpu.memory_space<vmem>>, vector<16xf32>,
        %abs3A_610 = math.absf %get3A_609 : vector<16xf32>
        %gt3A_611 = arith.cmpf ogt, %abs3A_610, %select_n3A_594 : vector<16xf32>
        %select_n3A_612 = arith.select %gt3A_611, %abs3A_610, %select_n3A_594 : vector<16xi1>, vector<16xf32>
        %select_n3A_613 = arith.select %gt3A_611, %get3A_609, %select_n3A_595 : vector<16xi1>, vector<16xf32>
        %jit3A_614 = arith.constant 5 : i32
        %broadcast_in_dim3A_615 = vector.broadcast %jit3A_614 : i32 to vector<16xi32>
        %select_n3A_616 = arith.select %gt3A_611, %broadcast_in_dim3A_615, %select_n3A_598 : vector<16xi1>, vector<16xi32>
        %get3A_617 = arith.constant 7 : i32
        %get3A_618 = arith.constant 6 : i32
        %get3A_619 = arith.constant 0 : i32
        %get3A_620 = arith.constant 0 : i32
        %get3A_621 = arith.constant 0 : i32
        %get3A_622 = tpu.memref_slice %arg6[%scan3A_472, %get3A_619, %get3A_620, %get3A_621] : memref<2x8x8x512xf32, #tpu.memory_space<vmem>> -> memref<1x8x8x512xf32, #tpu.memory_space<vmem>>
        %get3A_623 = tpu.memref_squeeze %get3A_622 : memref<1x8x8x512xf32, #tpu.memory_space<vmem>> -> memref<8x8x512xf32, #tpu.memory_space<vmem>>
        %get3A_624 = arith.index_cast %get3A_617 : i32 to index
        %get3A_625 = arith.index_cast %get3A_618 : i32 to index
        %get3A_626 = arith.index_cast %mul3A_516 : i32 to index
        %get3A_627 = tpu.vector_load %get3A_623[%get3A_624, %get3A_625, %get3A_626] {strides = array<i32>} : memref<8x8x512xf32, #tpu.memory_space<vmem>>, vector<16xf32>,
        %abs3A_628 = math.absf %get3A_627 : vector<16xf32>
        %gt3A_629 = arith.cmpf ogt, %abs3A_628, %select_n3A_612 : vector<16xf32>
        %select_n3A_630 = arith.select %gt3A_629, %abs3A_628, %select_n3A_612 : vector<16xi1>, vector<16xf32>
        %select_n3A_631 = arith.select %gt3A_629, %get3A_627, %select_n3A_613 : vector<16xi1>, vector<16xf32>
        %jit3A_632 = arith.constant 6 : i32
        %broadcast_in_dim3A_633 = vector.broadcast %jit3A_632 : i32 to vector<16xi32>
        %select_n3A_634 = arith.select %gt3A_629, %broadcast_in_dim3A_633, %select_n3A_616 : vector<16xi1>, vector<16xi32>
        %get3A_635 = arith.constant 7 : i32
        %get3A_636 = arith.constant 7 : i32
        %get3A_637 = arith.constant 0 : i32
        %get3A_638 = arith.constant 0 : i32
        %get3A_639 = arith.constant 0 : i32
        %get3A_640 = tpu.memref_slice %arg6[%scan3A_472, %get3A_637, %get3A_638, %get3A_639] : memref<2x8x8x512xf32, #tpu.memory_space<vmem>> -> memref<1x8x8x512xf32, #tpu.memory_space<vmem>>
        %get3A_641 = tpu.memref_squeeze %get3A_640 : memref<1x8x8x512xf32, #tpu.memory_space<vmem>> -> memref<8x8x512xf32, #tpu.memory_space<vmem>>
        %get3A_642 = arith.index_cast %get3A_635 : i32 to index
        %get3A_643 = arith.index_cast %get3A_636 : i32 to index
        %get3A_644 = arith.index_cast %mul3A_516 : i32 to index
        %get3A_645 = tpu.vector_load %get3A_641[%get3A_642, %get3A_643, %get3A_644] {strides = array<i32>} : memref<8x8x512xf32, #tpu.memory_space<vmem>>, vector<16xf32>,
        %abs3A_646 = math.absf %get3A_645 : vector<16xf32>
        %gt3A_647 = arith.cmpf ogt, %abs3A_646, %select_n3A_630 : vector<16xf32>
        %select_n3A_648 = arith.select %gt3A_647, %abs3A_646, %select_n3A_630 : vector<16xi1>, vector<16xf32>
        %select_n3A_649 = arith.select %gt3A_647, %get3A_645, %select_n3A_631 : vector<16xi1>, vector<16xf32>
        %jit3A_650 = arith.constant 7 : i32
        %broadcast_in_dim3A_651 = vector.broadcast %jit3A_650 : i32 to vector<16xi32>
        %select_n3A_652 = arith.select %gt3A_647, %broadcast_in_dim3A_651, %select_n3A_634 : vector<16xi1>, vector<16xi32>
        %neg3A = arith.constant 0.000000e+00 : f32
        %neg3A_653 = vector.broadcast %neg3A : f32 to vector<16xf32>
        %neg3A_654 = arith.subf %neg3A_653, %select_n3A_649 : vector<16xf32>
        %exp3A = math.exp %neg3A_654 : vector<16xf32>
        %add3A_655 = arith.constant 1.000000e+00 : f32
        %add3A_656 = vector.broadcast %add3A_655 : f32 to vector<16xf32>
        %add3A_657 = arith.addf %add3A_656, %exp3A : vector<16xf32>
        %div3A_658 = arith.constant 1.000000e+00 : f32
        %div3A_659 = vector.broadcast %div3A_658 : f32 to vector<16xf32>
        %div3A_660 = arith.divf %div3A_659, %add3A_657 : vector<16xf32>
        %get3A_661 = arith.constant 7 : i32
        %get3A_662 = arith.constant 0 : i32
        %get3A_663 = arith.constant 0 : i32
        %get3A_664 = tpu.memref_slice %arg7[%scan3A_473, %get3A_662, %get3A_663] : memref<2x8x512xf32, #tpu.memory_space<vmem>> -> memref<1x8x512xf32, #tpu.memory_space<vmem>>
        %get3A_665 = tpu.memref_squeeze %get3A_664 : memref<1x8x512xf32, #tpu.memory_space<vmem>> -> memref<8x512xf32, #tpu.memory_space<vmem>>
        %get3A_666 = arith.index_cast %get3A_661 : i32 to index
        %get3A_667 = arith.index_cast %mul3A_516 : i32 to index
        %get3A_668 = tpu.vector_load %get3A_665[%get3A_666, %get3A_667] {strides = array<i32>} : memref<8x512xf32, #tpu.memory_space<vmem>>, vector<16xf32>,
        %mul3A_669 = arith.mulf %get3A_668, %div3A_660 : vector<16xf32>
        %swap3A = arith.constant 7 : i32
        %swap3A_670 = arith.constant 0 : i32
        %swap3A_671 = arith.constant 0 : i32
        %swap3A_672 = tpu.memref_slice %arg8[%scan3A_474, %swap3A_670, %swap3A_671] : memref<2x8x512xf32, #tpu.memory_space<vmem>> -> memref<1x8x512xf32, #tpu.memory_space<vmem>>
        %swap3A_673 = tpu.memref_squeeze %swap3A_672 : memref<1x8x512xf32, #tpu.memory_space<vmem>> -> memref<8x512xf32, #tpu.memory_space<vmem>>
        %swap3A_674 = arith.index_cast %swap3A : i32 to index
        %swap3A_675 = arith.index_cast %mul3A_516 : i32 to index
        %swap3A_676 = tpu.vector_load %swap3A_673[%swap3A_674, %swap3A_675] {strides = array<i32>} : memref<8x512xf32, #tpu.memory_space<vmem>>, vector<16xf32>,
        tpu.vector_store %swap3A_673[%swap3A_674, %swap3A_675], %mul3A_669 {strides = array<i32>} : memref<8x512xf32, #tpu.memory_space<vmem>>, vector<16xf32>,
        %swap3A_677 = arith.constant 7 : i32
        %swap3A_678 = arith.constant 0 : i32
        %swap3A_679 = arith.constant 0 : i32
        %swap3A_680 = tpu.memref_slice %arg9[%scan3A_475, %swap3A_678, %swap3A_679] : memref<2x8x512xi32, #tpu.memory_space<vmem>> -> memref<1x8x512xi32, #tpu.memory_space<vmem>>
        %swap3A_681 = tpu.memref_squeeze %swap3A_680 : memref<1x8x512xi32, #tpu.memory_space<vmem>> -> memref<8x512xi32, #tpu.memory_space<vmem>>
        %swap3A_682 = arith.index_cast %swap3A_677 : i32 to index
        %swap3A_683 = arith.index_cast %mul3A_516 : i32 to index
        %swap3A_684 = tpu.vector_load %swap3A_681[%swap3A_682, %swap3A_683] {strides = array<i32>} : memref<8x512xi32, #tpu.memory_space<vmem>>, vector<16xi32>,
        tpu.vector_store %swap3A_681[%swap3A_682, %swap3A_683], %select_n3A_652 {strides = array<i32>} : memref<8x512xi32, #tpu.memory_space<vmem>>, vector<16xi32>,
        %scan3A_685 = arith.constant 0 : i32
        scf.yield %scan3A_685 : i32
      }
      %scan3A_482 = arith.constant 32 : i32
      %dma_start3A_483 = arith.constant 1 : i32
      %dma_start3A_484 = arith.constant 0 : i32
      %dma_start3A_485 = arith.constant 0 : i32
      %dma_start3A_486 = tpu.memref_slice %arg8[%dma_start3A_483, %dma_start3A_484, %dma_start3A_485] : memref<2x8x512xf32, #tpu.memory_space<vmem>> -> memref<1x8x512xf32, #tpu.memory_space<vmem>>
      %dma_start3A_487 = tpu.memref_squeeze %dma_start3A_486 : memref<1x8x512xf32, #tpu.memory_space<vmem>> -> memref<8x512xf32, #tpu.memory_space<vmem>>
      %dma_start3A_488 = tpu.memref_slice %arg4[%add3A_343, %mul3A_361] : memref<4096x2048xf32, #tpu.memory_space<hbm>> -> memref<8x512xf32, #tpu.memory_space<hbm>>
      %dma_start3A_489 = tpu.memref_slice %arg4[%add3A_343, %mul3A_361] : memref<4096x2048xf32, #tpu.memory_space<hbm>> -> memref<8x512xf32, #tpu.memory_space<hbm>>
      %dma_start3A_490 = arith.constant 0 : i32
      %dma_start3A_491 = arith.constant 0 : i32
      %dma_start3A_492 = tpu.memref_slice %arg8[%dma_start3A_483, %dma_start3A_490, %dma_start3A_491] : memref<2x8x512xf32, #tpu.memory_space<vmem>> -> memref<1x8x512xf32, #tpu.memory_space<vmem>>
      %dma_start3A_493 = tpu.memref_squeeze %dma_start3A_492 : memref<1x8x512xf32, #tpu.memory_space<vmem>> -> memref<8x512xf32, #tpu.memory_space<vmem>>
      tpu.enqueue_dma source(%dma_start3A_493 : memref<8x512xf32, #tpu.memory_space<vmem>>) target(%dma_start3A_489 : memref<8x512xf32, #tpu.memory_space<hbm>>) target_semaphore(%arg13 : memref<!tpu.dma_semaphore, #tpu.memory_space<semaphore_mem>>)
      %dma_start3A_494 = arith.constant 1 : i32
      %dma_start3A_495 = arith.constant 0 : i32
      %dma_start3A_496 = arith.constant 0 : i32
      %dma_start3A_497 = tpu.memref_slice %arg9[%dma_start3A_494, %dma_start3A_495, %dma_start3A_496] : memref<2x8x512xi32, #tpu.memory_space<vmem>> -> memref<1x8x512xi32, #tpu.memory_space<vmem>>
      %dma_start3A_498 = tpu.memref_squeeze %dma_start3A_497 : memref<1x8x512xi32, #tpu.memory_space<vmem>> -> memref<8x512xi32, #tpu.memory_space<vmem>>
      %dma_start3A_499 = tpu.memref_slice %arg5[%add3A_343, %mul3A_361] : memref<4096x2048xi32, #tpu.memory_space<hbm>> -> memref<8x512xi32, #tpu.memory_space<hbm>>
      %dma_start3A_500 = tpu.memref_slice %arg5[%add3A_343, %mul3A_361] : memref<4096x2048xi32, #tpu.memory_space<hbm>> -> memref<8x512xi32, #tpu.memory_space<hbm>>
      %dma_start3A_501 = arith.constant 0 : i32
      %dma_start3A_502 = arith.constant 0 : i32
      %dma_start3A_503 = tpu.memref_slice %arg9[%dma_start3A_494, %dma_start3A_501, %dma_start3A_502] : memref<2x8x512xi32, #tpu.memory_space<vmem>> -> memref<1x8x512xi32, #tpu.memory_space<vmem>>
      %dma_start3A_504 = tpu.memref_squeeze %dma_start3A_503 : memref<1x8x512xi32, #tpu.memory_space<vmem>> -> memref<8x512xi32, #tpu.memory_space<vmem>>
      tpu.enqueue_dma source(%dma_start3A_504 : memref<8x512xi32, #tpu.memory_space<vmem>>) target(%dma_start3A_500 : memref<8x512xi32, #tpu.memory_space<hbm>>) target_semaphore(%arg13 : memref<!tpu.dma_semaphore, #tpu.memory_space<semaphore_mem>>)
      %add3A_505 = arith.constant 2 : i32
      %add3A_506 = arith.addi %add3A_316, %add3A_505 : i32
      %lt3A_507 = arith.constant 64 : i32
      %lt3A_508 = arith.cmpi slt, %add3A_506, %lt3A_507 : i32
      %convert_element_type3A_509 = arith.extui %lt3A_508 : i1 to i32
      %cond3A_510 = arith.constant 0 : i32
      %cond3A_511 = arith.cmpi ne, %convert_element_type3A_509, %cond3A_510 : i32
      scf.if %cond3A_511 {
        %add3A_513 = arith.constant 2 : i32
        %add3A_514 = arith.addi %add3A_316, %add3A_513 : i32
        %jit3A_515 = arith.constant 4 : i32
        %div3A_516 = arith.divsi %add3A_514, %jit3A_515 : i32
        %sign3A_517 = arith.constant 0 : i32
        %sign3A_518 = arith.cmpi sgt, %add3A_514, %sign3A_517 : i32
        %sign3A_519 = arith.extui %sign3A_518 : i1 to i32
        %sign3A_520 = arith.constant 0 : i32
        %sign3A_521 = arith.cmpi slt, %add3A_514, %sign3A_520 : i32
        %sign3A_522 = arith.extui %sign3A_521 : i1 to i32
        %sign3A_523 = arith.subi %sign3A_519, %sign3A_522 : i32
        %sign3A_524 = arith.constant 0 : i32
        %sign3A_525 = arith.cmpi sgt, %jit3A_515, %sign3A_524 : i32
        %sign3A_526 = arith.extui %sign3A_525 : i1 to i32
        %sign3A_527 = arith.constant 0 : i32
        %sign3A_528 = arith.cmpi slt, %jit3A_515, %sign3A_527 : i32
        %sign3A_529 = arith.extui %sign3A_528 : i1 to i32
        %sign3A_530 = arith.subi %sign3A_526, %sign3A_529 : i32
        %ne3A_531 = arith.cmpi ne, %sign3A_523, %sign3A_530 : i32
        %rem3A_532 = arith.remsi %add3A_514, %jit3A_515 : i32
        %ne3A_533 = arith.constant 0 : i32
        %ne3A_534 = arith.cmpi ne, %rem3A_532, %ne3A_533 : i32
        %and3A_535 = arith.andi %ne3A_531, %ne3A_534 : i1
        %sub3A_536 = arith.constant 1 : i32
        %sub3A_537 = arith.subi %div3A_516, %sub3A_536 : i32
        %select_n3A_538 = arith.select %and3A_535, %sub3A_537, %div3A_516 : i32
        %mul3A_539 = arith.constant 8 : i32
        %mul3A_540 = arith.muli %select_n3A_538, %mul3A_539 : i32
        %add3A_541 = arith.addi %mul3A_2, %mul3A_540 : i32
        %jit3A_542 = arith.constant 4 : i32
        %eq3A_543 = arith.constant 0 : i32
        %eq3A_544 = arith.cmpi eq, %jit3A_542, %eq3A_543 : i32
        %jit3A_545 = arith.constant 1 : i32
        %select_n3A_546 = arith.select %eq3A_544, %jit3A_545, %jit3A_542 : i32
        %rem3A_547 = arith.remsi %add3A_514, %select_n3A_546 : i32
        %ne3A_548 = arith.constant 0 : i32
        %ne3A_549 = arith.cmpi ne, %rem3A_547, %ne3A_548 : i32
        %lt3A_550 = arith.constant 0 : i32
        %lt3A_551 = arith.cmpi slt, %rem3A_547, %lt3A_550 : i32
        %lt3A_552 = arith.constant 0 : i32
        %lt3A_553 = arith.cmpi slt, %select_n3A_546, %lt3A_552 : i32
        %ne3A_554 = arith.xori %lt3A_551, %lt3A_553 : i1
        %and3A_555 = arith.andi %ne3A_554, %ne3A_549 : i1
        %add3A_556 = arith.addi %rem3A_547, %select_n3A_546 : i32
        %select_n3A_557 = arith.select %and3A_555, %add3A_556, %rem3A_547 : i32
        %mul3A_558 = arith.constant 512 : i32
        %mul3A_559 = arith.muli %select_n3A_557, %mul3A_558 : i32
        %dma_start3A_560 = arith.constant 1 : i32
        %dma_start3A_561 = arith.constant 0 : i32
        %dma_start3A_562 = arith.constant 0 : i32
        %dma_start3A_563 = arith.constant 0 : i32
        %dma_start3A_564 = tpu.memref_slice %arg6[%dma_start3A_560, %dma_start3A_561, %dma_start3A_562, %dma_start3A_563] : memref<2x8x8x512xf32, #tpu.memory_space<vmem>> -> memref<1x8x8x512xf32, #tpu.memory_space<vmem>>
        %dma_start3A_565 = tpu.memref_squeeze %dma_start3A_564 : memref<1x8x8x512xf32, #tpu.memory_space<vmem>> -> memref<8x8x512xf32, #tpu.memory_space<vmem>>
        %dma_start3A_566 = arith.constant 0 : i32
        %dma_start3A_567 = tpu.memref_slice %arg2[%add3A_541, %dma_start3A_566, %mul3A_559] : memref<4096x8x2048xf32, #tpu.memory_space<hbm>> -> memref<8x8x512xf32, #tpu.memory_space<hbm>>
        %dma_start3A_568 = arith.constant 0 : i32
        %dma_start3A_569 = arith.constant 0 : i32
        %dma_start3A_570 = arith.constant 0 : i32
        %dma_start3A_571 = tpu.memref_slice %arg6[%dma_start3A_560, %dma_start3A_568, %dma_start3A_569, %dma_start3A_570] : memref<2x8x8x512xf32, #tpu.memory_space<vmem>> -> memref<1x8x8x512xf32, #tpu.memory_space<vmem>>
        %dma_start3A_572 = tpu.memref_squeeze %dma_start3A_571 : memref<1x8x8x512xf32, #tpu.memory_space<vmem>> -> memref<8x8x512xf32, #tpu.memory_space<vmem>>
        %dma_start3A_573 = arith.constant 0 : i32
        %dma_start3A_574 = tpu.memref_slice %arg2[%add3A_541, %dma_start3A_573, %mul3A_559] : memref<4096x8x2048xf32, #tpu.memory_space<hbm>> -> memref<8x8x512xf32, #tpu.memory_space<hbm>>
        tpu.enqueue_dma source(%dma_start3A_574 : memref<8x8x512xf32, #tpu.memory_space<hbm>>) target(%dma_start3A_572 : memref<8x8x512xf32, #tpu.memory_space<vmem>>) target_semaphore(%arg11 : memref<!tpu.dma_semaphore, #tpu.memory_space<semaphore_mem>>)
        %dma_start3A_575 = arith.constant 1 : i32
        %dma_start3A_576 = arith.constant 0 : i32
        %dma_start3A_577 = arith.constant 0 : i32
        %dma_start3A_578 = tpu.memref_slice %arg7[%dma_start3A_575, %dma_start3A_576, %dma_start3A_577] : memref<2x8x512xf32, #tpu.memory_space<vmem>> -> memref<1x8x512xf32, #tpu.memory_space<vmem>>
        %dma_start3A_579 = tpu.memref_squeeze %dma_start3A_578 : memref<1x8x512xf32, #tpu.memory_space<vmem>> -> memref<8x512xf32, #tpu.memory_space<vmem>>
        %dma_start3A_580 = tpu.memref_slice %arg3[%add3A_541, %mul3A_559] : memref<4096x2048xf32, #tpu.memory_space<hbm>> -> memref<8x512xf32, #tpu.memory_space<hbm>>
        %dma_start3A_581 = arith.constant 0 : i32
        %dma_start3A_582 = arith.constant 0 : i32
        %dma_start3A_583 = tpu.memref_slice %arg7[%dma_start3A_575, %dma_start3A_581, %dma_start3A_582] : memref<2x8x512xf32, #tpu.memory_space<vmem>> -> memref<1x8x512xf32, #tpu.memory_space<vmem>>
        %dma_start3A_584 = tpu.memref_squeeze %dma_start3A_583 : memref<1x8x512xf32, #tpu.memory_space<vmem>> -> memref<8x512xf32, #tpu.memory_space<vmem>>
        %dma_start3A_585 = tpu.memref_slice %arg3[%add3A_541, %mul3A_559] : memref<4096x2048xf32, #tpu.memory_space<hbm>> -> memref<8x512xf32, #tpu.memory_space<hbm>>
        tpu.enqueue_dma source(%dma_start3A_585 : memref<8x512xf32, #tpu.memory_space<hbm>>) target(%dma_start3A_584 : memref<8x512xf32, #tpu.memory_space<vmem>>) target_semaphore(%arg11 : memref<!tpu.dma_semaphore, #tpu.memory_space<semaphore_mem>>)
      } else {
      }
      %scan3A_512 = arith.constant 0 : i32
      scf.yield %scan3A_512 : i32
    }
    %scan3A_71 = arith.constant 32 : i32
    %add3A_72 = arith.constant 120 : i32
    %add3A_73 = arith.addi %mul3A_2, %add3A_72 : i32
    %dma_wait3A = arith.constant 0 : i32
    %dma_wait3A_74 = arith.constant 0 : i32
    %dma_wait3A_75 = arith.constant 0 : i32
    %dma_wait3A_76 = tpu.memref_slice %arg8[%dma_wait3A, %dma_wait3A_74, %dma_wait3A_75] : memref<2x8x512xf32, #tpu.memory_space<vmem>> -> memref<1x8x512xf32, #tpu.memory_space<vmem>>
    %dma_wait3A_77 = tpu.memref_squeeze %dma_wait3A_76 : memref<1x8x512xf32, #tpu.memory_space<vmem>> -> memref<8x512xf32, #tpu.memory_space<vmem>>
    %dma_wait3A_78 = arith.constant 1024 : i32
    %dma_wait3A_79 = tpu.memref_slice %arg4[%add3A_73, %dma_wait3A_78] : memref<4096x2048xf32, #tpu.memory_space<hbm>> -> memref<8x512xf32, #tpu.memory_space<hbm>>
    %dma_wait3A_80 = arith.constant 1024 : i32
    %dma_wait3A_81 = tpu.memref_slice %arg4[%add3A_73, %dma_wait3A_80] : memref<4096x2048xf32, #tpu.memory_space<hbm>> -> memref<8x512xf32, #tpu.memory_space<hbm>>
    %dma_wait3A_82 = arith.constant 0 : i32
    %dma_wait3A_83 = arith.constant 0 : i32
    %dma_wait3A_84 = tpu.memref_slice %arg8[%dma_wait3A, %dma_wait3A_82, %dma_wait3A_83] : memref<2x8x512xf32, #tpu.memory_space<vmem>> -> memref<1x8x512xf32, #tpu.memory_space<vmem>>
    %dma_wait3A_85 = tpu.memref_squeeze %dma_wait3A_84 : memref<1x8x512xf32, #tpu.memory_space<vmem>> -> memref<8x512xf32, #tpu.memory_space<vmem>>
    tpu.wait_dma2 semaphore(%arg12 : memref<!tpu.dma_semaphore, #tpu.memory_space<semaphore_mem>>) src(%dma_wait3A_85 : memref<8x512xf32, #tpu.memory_space<vmem>>) dst(%dma_wait3A_81 : memref<8x512xf32, #tpu.memory_space<hbm>>)
    %dma_wait3A_86 = arith.constant 0 : i32
    %dma_wait3A_87 = arith.constant 0 : i32
    %dma_wait3A_88 = arith.constant 0 : i32
    %dma_wait3A_89 = tpu.memref_slice %arg9[%dma_wait3A_86, %dma_wait3A_87, %dma_wait3A_88] : memref<2x8x512xi32, #tpu.memory_space<vmem>> -> memref<1x8x512xi32, #tpu.memory_space<vmem>>
    %dma_wait3A_90 = tpu.memref_squeeze %dma_wait3A_89 : memref<1x8x512xi32, #tpu.memory_space<vmem>> -> memref<8x512xi32, #tpu.memory_space<vmem>>
    %dma_wait3A_91 = arith.constant 1024 : i32
    %dma_wait3A_92 = tpu.memref_slice %arg5[%add3A_73, %dma_wait3A_91] : memref<4096x2048xi32, #tpu.memory_space<hbm>> -> memref<8x512xi32, #tpu.memory_space<hbm>>
    %dma_wait3A_93 = arith.constant 1024 : i32
    %dma_wait3A_94 = tpu.memref_slice %arg5[%add3A_73, %dma_wait3A_93] : memref<4096x2048xi32, #tpu.memory_space<hbm>> -> memref<8x512xi32, #tpu.memory_space<hbm>>
    %dma_wait3A_95 = arith.constant 0 : i32
    %dma_wait3A_96 = arith.constant 0 : i32
    %dma_wait3A_97 = tpu.memref_slice %arg9[%dma_wait3A_86, %dma_wait3A_95, %dma_wait3A_96] : memref<2x8x512xi32, #tpu.memory_space<vmem>> -> memref<1x8x512xi32, #tpu.memory_space<vmem>>
    %dma_wait3A_98 = tpu.memref_squeeze %dma_wait3A_97 : memref<1x8x512xi32, #tpu.memory_space<vmem>> -> memref<8x512xi32, #tpu.memory_space<vmem>>
    tpu.wait_dma2 semaphore(%arg12 : memref<!tpu.dma_semaphore, #tpu.memory_space<semaphore_mem>>) src(%dma_wait3A_98 : memref<8x512xi32, #tpu.memory_space<vmem>>) dst(%dma_wait3A_94 : memref<8x512xi32, #tpu.memory_space<hbm>>)
    %add3A_99 = arith.constant 120 : i32
    %add3A_100 = arith.addi %mul3A_2, %add3A_99 : i32
    %dma_wait3A_101 = arith.constant 1 : i32
    %dma_wait3A_102 = arith.constant 0 : i32
    %dma_wait3A_103 = arith.constant 0 : i32
    %dma_wait3A_104 = tpu.memref_slice %arg8[%dma_wait3A_101, %dma_wait3A_102, %dma_wait3A_103] : memref<2x8x512xf32, #tpu.memory_space<vmem>> -> memref<1x8x512xf32, #tpu.memory_space<vmem>>
    %dma_wait3A_105 = tpu.memref_squeeze %dma_wait3A_104 : memref<1x8x512xf32, #tpu.memory_space<vmem>> -> memref<8x512xf32, #tpu.memory_space<vmem>>
    %dma_wait3A_106 = arith.constant 1536 : i32
    %dma_wait3A_107 = tpu.memref_slice %arg4[%add3A_100, %dma_wait3A_106] : memref<4096x2048xf32, #tpu.memory_space<hbm>> -> memref<8x512xf32, #tpu.memory_space<hbm>>
    %dma_wait3A_108 = arith.constant 1536 : i32
    %dma_wait3A_109 = tpu.memref_slice %arg4[%add3A_100, %dma_wait3A_108] : memref<4096x2048xf32, #tpu.memory_space<hbm>> -> memref<8x512xf32, #tpu.memory_space<hbm>>
    %dma_wait3A_110 = arith.constant 0 : i32
    %dma_wait3A_111 = arith.constant 0 : i32
    %dma_wait3A_112 = tpu.memref_slice %arg8[%dma_wait3A_101, %dma_wait3A_110, %dma_wait3A_111] : memref<2x8x512xf32, #tpu.memory_space<vmem>> -> memref<1x8x512xf32, #tpu.memory_space<vmem>>
    %dma_wait3A_113 = tpu.memref_squeeze %dma_wait3A_112 : memref<1x8x512xf32, #tpu.memory_space<vmem>> -> memref<8x512xf32, #tpu.memory_space<vmem>>
    tpu.wait_dma2 semaphore(%arg13 : memref<!tpu.dma_semaphore, #tpu.memory_space<semaphore_mem>>) src(%dma_wait3A_113 : memref<8x512xf32, #tpu.memory_space<vmem>>) dst(%dma_wait3A_109 : memref<8x512xf32, #tpu.memory_space<hbm>>)
    %dma_wait3A_114 = arith.constant 1 : i32
    %dma_wait3A_115 = arith.constant 0 : i32
    %dma_wait3A_116 = arith.constant 0 : i32
    %dma_wait3A_117 = tpu.memref_slice %arg9[%dma_wait3A_114, %dma_wait3A_115, %dma_wait3A_116] : memref<2x8x512xi32, #tpu.memory_space<vmem>> -> memref<1x8x512xi32, #tpu.memory_space<vmem>>
    %dma_wait3A_118 = tpu.memref_squeeze %dma_wait3A_117 : memref<1x8x512xi32, #tpu.memory_space<vmem>> -> memref<8x512xi32, #tpu.memory_space<vmem>>
    %dma_wait3A_119 = arith.constant 1536 : i32
    %dma_wait3A_120 = tpu.memref_slice %arg5[%add3A_100, %dma_wait3A_119] : memref<4096x2048xi32, #tpu.memory_space<hbm>> -> memref<8x512xi32, #tpu.memory_space<hbm>>
    %dma_wait3A_121 = arith.constant 1536 : i32
    %dma_wait3A_122 = tpu.memref_slice %arg5[%add3A_100, %dma_wait3A_121] : memref<4096x2048xi32, #tpu.memory_space<hbm>> -> memref<8x512xi32, #tpu.memory_space<hbm>>
    %dma_wait3A_123 = arith.constant 0 : i32
    %dma_wait3A_124 = arith.constant 0 : i32
    %dma_wait3A_125 = tpu.memref_slice %arg9[%dma_wait3A_114, %dma_wait3A_123, %dma_wait3A_124] : memref<2x8x512xi32, #tpu.memory_space<vmem>> -> memref<1x8x512xi32, #tpu.memory_space<vmem>>
    %dma_wait3A_126 = tpu.memref_squeeze %dma_wait3A_125 : memref<1x8x512xi32, #tpu.memory_space<vmem>> -> memref<8x512xi32, #tpu.memory_space<vmem>>
    tpu.wait_dma2 semaphore(%arg13 : memref<!tpu.dma_semaphore, #tpu.memory_space<semaphore_mem>>) src(%dma_wait3A_126 : memref<8x512xi32, #tpu.memory_space<vmem>>) dst(%dma_wait3A_122 : memref<8x512xi32, #tpu.memory_space<hbm>>)
    return
  }
}

</mosaic_0001>

<sc_bundles>
// kernel: kernel.3.cloned.1.call-start
scs
__scs_entry_jumppad:
0x0: {  	(pc) =	sbr.rel $0x88, $3  }
0x1: {  	(tag) =	ssettag $0x0;
	lr =	simm.s32 $0x1  }
0x2: {  	[smem:$0x3F9F] =	sst lr;
	_ =	strace $0xD0000000  }
0x3: {  	_ = 	snop  }
0x4: {  	_ = 	snop  }
0x5: {  	_ = 	snop  }
0x6: {  	_ = 	snop  }
0x7: {  	_ = 	snop  }
__scs_overlays_trampoline_lowered:
0x8: {  	[smem:$0x3FAE] =	sst s0  }
0x9: {  	[smem:$0x3FAF] =	sst s1  }
0xa: {  	[smem:$0x3FB0] =	sst s2  }
0xb: {  	[smem:$0x3FB1] =	sst s3  }
0xc: {  	[smem:$0x3FB2] =	sst s4  }
0xd: {  	[smem:$0x3FB3] =	sst s5  }
0xe: {  	[smem:$0x3FB4] =	sst s6  }
0xf: {  	[smem:$0x3FB5] =	sst s7  }
0x10: {  	[smem:$0x3FB6] =	sst s8  }
0x11: {  	[smem:$0x3FB7] =	sst s9;
	s0 =	simm.s32 @!p0 $0x0  }
0x12: {  	s1 =	sld [smem:$0x3F9D];
	s0 =	simm.s32 @p0 $0x1  }
0x13: {  	[smem:$0x3FB8] =	sst s0;
	s0 =	simm.s32 @!p1 $0x0  }
0x14: {  	s2 =	sld [smem:$0x3F9C];
	s0 =	simm.s32 @p1 $0x1  }
0x15: {  	[smem:$0x3FB9] =	sst s0;
	s0 =	simm.s32 @!p2 $0x0  }
0x16: {  	s3 =	sld [smem:$0x3FDB];
	s0 =	simm.s32 @p2 $0x1  }
0x17: {  	s4 =	simm.s32 $0x1BF5;
	[smem:$0x3FBB] =	sst s0  }
0x18: {  	s0 =	sld [smem:$0x3F9E];
	_ =	swait.ge [sflag:s4], $0x0  }
0x19: {  	s7 =	sld [smem:$0x3F9F]  }
0x1a: {  	s8 =	sadd.s32 $0xFFFFE003, lr  }
0x1b: {  	s9 =	sadd.s32 $0xFFFFFEF7, lr;
	s5 =	simm.s32 $0xFFFFFFFF;
	p2 =	slt.u32 s8, $0xFFFFF086  }
0x1c: {  	p1 =	slt.u32 s9, $0xF7A;
	s5 =	simm.s32 @!p2 $0x0  }
0x1d: {  	s5 =	simm.s32 @p1 $0x1;
	p0 =	seq.s32 s7, s2  }
0x1e: {  	s7 =	smul.u32 @!p0 $0xF7A, s2;
	p2 =	seq.s32 @!p0 s5, $0x0  }
0x1f: {  	s9 =	smul.u32 $0xF7A, s1;
	s8 =	simm.s32 @!p0 $0x1BF5;
	p2 =	por !p2, p0  }
0x20: {  	[sflag:s8] =	ssyncset.s32 @!p0 $0xFFFFF086;
	s6 =	sadd.s32 @!p0 s3, s7;
	s7 =	simm.s32 @!p0 $0x108  }
0x21: {  	s3 =	sadd.s32 s3, s9;
	s6 =	sadd.s32 @!p0 $0x88, s6;
	s7 =	simm.s32 @p2 $0x1082  }
0x22: {  	[simem:s7], [sflag:s8] =	dma.local @!p0 [hbm:s6], $0xF7A  }
0x23: {  	s9 =	sor.u32 $0xD0000000, s2;
	s6 =	simm.s32 $0x108;
	_ =	swait.ge @!p0 [sflag:s8], $0x0  }
0x24: {  	s3 =	sadd.s32 $0x88, s3;
	s6 =	simm.s32 @!p1 $0x1082;
	[sflag:s4] =	ssyncset.s32 $0xFFFFF086  }
0x25: {  	[simem:s6], [sflag:s4] =	dma.local [hbm:s3], $0xF7A  }
0x26: {  	[smem:$0x3F9F] =	sst s1;
	(tag) =	ssettag s2;
	_ =	strace s9  }
0x27: {  	s1 =	sld [smem:$0x3FAF]  }
0x28: {  	s2 =	sld [smem:$0x3FB0]  }
0x29: {  	s4 =	sld [smem:$0x3FB2]  }
0x2a: {  	p0 =	seq.s32 s5, $0x0;
	s5 =	sld [smem:$0x3FB3]  }
0x2b: {  	s6 =	sld [smem:$0x3FB4]  }
0x2c: {  	s7 =	sld [smem:$0x3FB5]  }
0x2d: {  	s3 =	simm.s32 $0x108;
	s8 =	sld [smem:$0x3FB6]  }
0x2e: {  	s3 =	simm.s32 @!p0 $0x1082;
	s9 =	sld [smem:$0x3FB7]  }
0x2f: {  	lr =	sadd.s32 s0, s3;
	s0 =	sld [smem:$0x3FAE]  }
0x30: {  	s3 =	sld [smem:$0x3FB1]  }
0x31: {  	[smem:$0x3FBA] =	sst s10  }
0x32: {  	s10 =	sld [smem:$0x3FB8];
	_ =	sdelay $0x3  }
0x33: {  	p0 =	seq.s32 s10, $0x1;
	s10 =	sld [smem:$0x3FBA];
	_ =	sdelay $0x3  }
0x34: {  	[smem:$0x3FBA] =	sst s10  }
0x35: {  	s10 =	sld [smem:$0x3FB9];
	_ =	sdelay $0x3  }
0x36: {  	p1 =	seq.s32 s10, $0x1;
	s10 =	sld [smem:$0x3FBA];
	_ =	sdelay $0x3  }
0x37: {  	[smem:$0x3FBA] =	sst s10  }
0x38: {  	s10 =	sld [smem:$0x3FBB]  }
0x39: {  	_ = 	snop;
	(pc) =	sbr.ind lr, $3  }
0x3a: {  	_ = 	snop  }
0x3b: {  	_ = 	snop  }
0x3c: {  	p2 =	seq.s32 s10, $0x1;
	s10 =	sld [smem:$0x3FBA]  }
0x3d: {  	_ =	shalt  }
0x3e: {  	_ =	shalt  }
0x3f: {  	_ =	shalt  }
0x40: {  	_ =	shalt  }
0x41: {  	_ =	shalt  }
0x42: {  	_ =	shalt  }
0x43: {  	_ =	shalt  }
0x44: {  	_ =	shalt  }
0x45: {  	_ =	shalt  }
0x46: {  	_ =	shalt  }
0x47: {  	_ =	shalt  }
0x48: {  	_ =	shalt  }
0x49: {  	_ =	shalt  }
0x4a: {  	_ =	shalt  }
0x4b: {  	_ =	shalt  }
0x4c: {  	_ =	shalt  }
0x4d: {  	_ =	shalt  }
0x4e: {  	_ =	shalt  }
0x4f: {  	_ =	shalt  }
0x50: {  	_ =	shalt  }
0x51: {  	_ =	shalt  }
0x52: {  	_ =	shalt  }
0x53: {  	_ =	shalt  }
0x54: {  	_ =	shalt  }
0x55: {  	_ =	shalt  }
0x56: {  	_ =	shalt  }
0x57: {  	_ =	shalt  }
0x58: {  	_ =	shalt  }
0x59: {  	_ =	shalt  }
0x5a: {  	_ =	shalt  }
0x5b: {  	_ =	shalt  }
0x5c: {  	_ =	shalt  }
0x5d: {  	_ =	shalt  }
0x5e: {  	_ =	shalt  }
0x5f: {  	_ =	shalt  }
0x60: {  	_ =	shalt  }
0x61: {  	_ =	shalt  }
0x62: {  	_ =	shalt  }
0x63: {  	_ =	shalt  }
0x64: {  	_ =	shalt  }
0x65: {  	_ =	shalt  }
0x66: {  	_ =	shalt  }
0x67: {  	_ =	shalt  }
0x68: {  	_ =	shalt  }
0x69: {  	_ =	shalt  }
0x6a: {  	_ =	shalt  }
0x6b: {  	_ =	shalt  }
0x6c: {  	_ =	shalt  }
0x6d: {  	_ =	shalt  }
0x6e: {  	_ =	shalt  }
0x6f: {  	_ =	shalt  }
0x70: {  	_ =	shalt  }
0x71: {  	_ =	shalt  }
0x72: {  	_ =	shalt  }
0x73: {  	_ =	shalt  }
0x74: {  	_ =	shalt  }
0x75: {  	_ =	shalt  }
0x76: {  	_ =	shalt  }
0x77: {  	_ =	shalt  }
0x78: {  	_ =	shalt  }
0x79: {  	_ =	shalt  }
0x7a: {  	_ =	shalt  }
0x7b: {  	_ =	shalt  }
0x7c: {  	_ =	shalt  }
0x7d: {  	_ =	shalt  }
0x7e: {  	_ =	shalt  }
0x7f: {  	_ =	shalt  }
0x80: {  	_ =	shalt  }
0x81: {  	_ =	shalt  }
0x82: {  	_ =	shalt  }
0x83: {  	_ =	shalt  }
0x84: {  	_ =	shalt  }
0x85: {  	_ =	shalt  }
0x86: {  	_ =	shalt  }
0x87: {  	_ =	shalt  }
.Lfunc_end0:
.L_simem_size_0:
called_computation_lowered:
.L_overlay_start_0:
0x88: {  	s2 =	sld [smem:$0x3FD9]  }
0x89: {  	s3 =	sld [smem:$0x3FFE];
	_ =	sdelay $0x1  }
0x8a: {  	s1 =	srdreg.scid  }
0x8b: {  	s0 =	sand.u32 $0x1, s1  }
0x8c: {  	s15 =	sshll.u32 s0, $0xA;
	s2 =	sadd.s32 s3, s2  }
0x8d: {  	s2 =	sadd.s32 s2, s15  }
0x8e: {  	[smem:$0x3FC6] =	sst s2  }
0x8f: {  	_ = 	snop  }
0x90: {  	s2 =	sld [smem:$0x3FD0];
	_ =	sdelay $0x1  }
0x91: {  	s16 =	sld [smem:$0x3FC9]  }
0x92: {  	s5 =	simm.s32 $0xA;
	s6 =	simm.s32 $0x10;
	s4 =	sld [smem:$0x3FC8]  }
0x93: {  	[smem:s6], [sflag:s5] =	dma.local [hbm:s2], $0x1  }
0x94: {  	_ =	swait.eq [sflag:s5], $0x1  }
0x95: {  	[sflag:s5] =	ssyncset.done $0x0  }
0x96: {  	s17 =	sld [smem:$0x10];
	[sflag:s5] =	ssyncadd.s32 $0xFFFFFFFF  }
0x97: {  	s18 =	sld [smem:$0x11];
	(tm) =	ssettm $0x1  }
0x98: {  	s19 =	sld [smem:$0x3FFB];
	_ =	sdelay $0x3  }
0x99: {  	_ =	strace s19  }
0x9a: {  	s6 =	sld [smem:$0x3FFC];
	_ =	sdelay $0x3  }
0x9b: {  	_ =	strace s6  }
0x9c: {  	s6 =	sld [smem:$0x3FFD];
	_ =	sdelay $0x3  }
0x9d: {  	_ =	strace s6  }
0x9e: {  	_ =	strace $0x8FFFFFFF  }
0x9f: {  	s20 =	sld [smem:$0x3FDB];
	_ =	sdelay $0x1  }
0xa0: {  	s7 =	simm.s32 $_scs_section_size  }
0xa1: {  	s8 =	simm.s32 $_size__tile_overlayer_lowered;
	s9 =	simm.s32 $_tile_overlayer_lowered  }
0xa2: {  	s23 =	simm.s32 $0x1BFF;
	s22 =	sshll.u32 s9, $0x1;
	s6 =	sadd.s32 s7, s20  }
0xa3: {  	s10 =	simm.s32 $0x0;
	s21 =	sshll.u32 s8, $0x1;
	s8 =	sadd.s32 s22, s6  }
0xa4: {  	[timem:s10], [sflag:s23] =	dma.local [hbm:s8], s21  }
0xa5: {  	_ =	swait.ge [sflag:s23], s21  }
0xa6: {  	s7 =	ssub.s32 $0x0, s21;
	[sflag:s23] =	ssyncset.done $0x0  }
0xa7: {  	[sflag:s23] =	ssyncadd.s32 s7;
	_ =	sdelay $0x1  }
0xa8: {  	s24 =	simm.s32 $0x1B8B  }
0xa9: {  	_ =	swait.ge [sflag:s24], $0x1  }
0xaa: {  	[sflag:s24] =	ssyncset.done $0x0  }
0xab: {  	s25 =	simm.s32 $0x1B8E;
	[sflag:s24] =	ssyncadd.s32 $0xFFFFFFFF  }
0xac: {  	s26 =	simm.s32 $execute0_lowered;
	[smem:$0x3FD2] =	sst s25  }
0xad: {  	s7 =	sshll.u32 s26, $0x1;
	_ =	strace $0x80000046;
	[dreg:$0x1] =	wrdreg $0xFFFFFFFF  }
0xae: {  	s28 =	simm.s32 $_size_execute0_lowered;
	s6 =	sadd.s32 s6, s7;
	[dreg:$0x0] =	wrdreg $0x0  }
0xaf: {  	s7 =	sshll.u32 s28, $0x1;
	[dreg:$0x2] =	wrdreg s6  }
0xb0: {  	[dreg:$0x3] =	wrdreg s7  }
0xb1: {  	[dreg:$0x4] =	wrdreg $0xC0  }
0xb2: {  	_ =	task [dreg:s10], $0x5FFFF  }
0xb3: {  	[dreg:$0x1] =	wrdreg $0xFFFFFFFF  }
0xb4: {  	[dreg:$0x0] =	wrdreg $0x60  }
0xb5: {  	[dreg:$0x2] =	wrdreg s4  }
0xb6: {  	[dreg:$0x3] =	wrdreg s16  }
0xb7: {  	[dreg:$0x4] =	wrdreg s17  }
0xb8: {  	[dreg:$0x5] =	wrdreg s18  }
0xb9: {  	[dreg:$0x6] =	wrdreg $0x9  }
0xba: {  	_ =	task.clear_ibuf [dreg:s10], $0x7FFFF;
	_ =	strace $0x90000046  }
0xbb: {  	s29 =	simm.s32 $0x9;
	_ =	strace $0x80000048  }
0xbc: {  	_ =	swait.ge [sflag:s29], $0x1  }
0xbd: {  	[sflag:s29] =	ssyncadd.s32 $0xFFFFFFFF  }
0xbe: {  	_ =	strace $0x90000048  }
0xbf: {  	_ =	sfence  }
0xc0: {  	s30 =	sld [smem:$0x0];
	_ =	sdelay $0x2  }
0xc1: {  	s31 =	sshll.u32 s1, $0xD;
	s1 =	sshrl.u32 s1, $0x2  }
0xc2: {  	s3 =	sand.u32 $0x4000, s31;
	s1 =	sadd.s32 s1, s30  }
0xc3: {  	s0 =	sor.u32 s3, s0;
	s1 =	sshll.u32 s1, $0x11  }
0xc4: {  	s0 =	sor.u32 s1, s0  }
0xc5: {  	s0 =	sadd.s32 $0x8F2B, s0  }
0xc6: {  	[sflag:s0] =	ssyncadd.remote.s32 $0x1  }
0xc7: {  	_ =	sfence.sel $0xFFFF  }
0xc8: {  	[dreg:$0x0] =	wrdreg $0xFFFFFFFF;
	(pc) =	sbr.abs _section_cstart, $3  }
0xc9: {  	[dreg:$0x1] =	wrdreg $0xFFFFFFFF  }
0xca: {  	_ =	task.clear_ibuf [dreg:s10], $0x2FFFF;
	_ =	strace $0x9FFFFFFF  }
0xcb: {  	(tm) =	ssettm $0x7FFFFFFF  }
tec
execute0_lowered:
.L_overlay_start_1:
0x0: {  	(tag) =	ssettag $0x1  }
0x1: {  	s1 =	rddreg [dreg:$0x0]  }
0x2: {  	s2 =	rddreg [dreg:$0x1]  }
0x3: {  	s3 =	rddreg [dreg:$0x2]  }
0x4: {  	s5 =	rddreg [dreg:$0x3];
	s0 =	srdreg.scid  }
0x5: {  	s6 =	simm.s32 $0x0;
	s4 =	stileid.u32;
	s14 =	simm.s32 $0x1000  }
0x6: {  	s15 =	simm.s32 $0x4000;
	s19 =	simm.s32 $0x1;
	s0 =	sand.u32 $0x1, s0  }
0x7: {  	s21 =	simm.s32 $0x14000;
	s4 =	sshll.u32 s4, $0x8;
	s7 =	sshll.u32 s0, $0x7  }
0x8: {  	[smem:$0x7FF] =	sst s6;
	s0 =	ssub.s32 $0x2, s0;
	s7 =	sor.u32 s7, s4  }
0x9: {  	_ =	strace $0x80000047;
	s28 =	sshrl.u32 s0, $0x1;
	s8 =	sshll.u32 s7, $0xB  }
0xa: {  	s9 =	sshll.u32 s7, $0x8;
	s0 =	ssub.s32 s0, s28;
	s29 =	sadd.s32 s1, s8  }
.Ltmp0:
0xb: {  	s30 =	sadd.s32 s2, s9;
	[dreg:$0x5] =	wrdreg s29;
	(pc) =	sbr.rel .LBB2_1-.Ltmp0, $4  }
0xc: {  	s22 =	simm.s32 $0x2;
	s0 =	smax.u32 s0, $0x1;
	[dreg:$0x6] =	wrdreg s30  }
0xd: {  	s23 =	simm.s32 $0x13000;
	s4 =	sadd.s32 $0x200, s29;
	[dreg:$0x9] =	wrdreg s0  }
0xe: {  	s24 =	simm.s32 $0x15000;
	s31 =	sadd.s32 $0x200, s30;
	[dreg:$0x7] =	wrdreg s4  }
0xf: {  	v0 =	vimm.s32 $0x0;
	s12 =	sshrl.u32 s7, $0x3;
	s8 =	simm.s32 $0x0;
	[dreg:$0x8] =	wrdreg s31  }
.LBB2_68:
0x10: {  	s0 =	simm.s32 $0x3  }
0x11: {  	_ =	swait.ge [sflag:s0], $0x1000  }
0x12: {  	[sflag:s0] =	ssyncset.done $0x0  }
0x13: {  	[sflag:s0] =	ssyncadd.s32 $0xFFFFF000  }
0x14: {  	_ =	swait.ge [sflag:s0], $0x1000  }
0x15: {  	[sflag:s0] =	ssyncset.done $0x0  }
0x16: {  	s4 =	simm.s32 $0x4;
	[sflag:s0] =	ssyncadd.s32 $0xFFFFF000  }
0x17: {  	_ =	swait.ge [sflag:s4], $0x1000  }
0x18: {  	[sflag:s4] =	ssyncset.done $0x0  }
0x19: {  	[sflag:s4] =	ssyncadd.s32 $0xFFFFF000  }
0x1a: {  	_ =	swait.ge [sflag:s4], $0x1000  }
0x1b: {  	s8 =	rddreg [dreg:$0xa]  }
0x1c: {  	s31 =	rddreg [dreg:$0x9];
	s8 =	sadd.s32 $0x1, s8  }
0x1d: {  	p0 =	sne.s32 s8, s31  }
.Ltmp1:
0x1e: {  	_ = 	snop;
	(pc) =	sbr.rel @!p0 .LBB2_69-.Ltmp1, $3  }
0x1f: {  	_ =	sdelay $0x1  }
0x20: {  	[sflag:s4] =	ssyncset.done $0x0  }
0x21: {  	[sflag:s4] =	ssyncadd.s32 $0xFFFFF000  }
.LBB2_1:
0x22: {  	[dreg:$0xa] =	wrdreg s8  }
0x23: {  	s0 =	rddreg [dreg:$0x5]  }
0x24: {  	[tilespmem:s6], [sflag:$0x1] =	stream.strided.gather [hbm4b:s0+s14], $0x8000, s15, s14, $0x38;
	[tilespmem:$0x16000] =	vst v63  }
0x25: {  	s25 =	rddreg [dreg:$0x6];
	s4 =	simm.s32 $0x10000  }
0x26: {  	[tilespmem:s4], [sflag:$0x1] =	stream.linear.gather [hbm4b:s25+s6], $0x1000, $0x38;
	[tilespmem:$0x16000] =	vst v63  }
0x27: {  	s26 =	rddreg [dreg:$0x7];
	s28 =	simm.s32 $0x8000  }
0x28: {  	[tilespmem:s28], [sflag:$0x2] =	stream.strided.gather [hbm4b:s26+s14], $0x8000, s15, s14, $0x38;
	[tilespmem:$0x16000] =	vst v63  }
0x29: {  	s30 =	rddreg [dreg:$0x8];
	s31 =	simm.s32 $0x11000;
	s29 =	simm.s32 $0x0  }
0x2a: {  	[tilespmem:s31], [sflag:$0x2] =	stream.linear.gather [hbm4b:s30+s6], $0x1000, $0x38;
	[tilespmem:$0x16000] =	vst v63  }
.LBB2_2:
0x2b: {  	_ =	swait.ge [sflag:s19], $0x8000  }
0x2c: {  	[sflag:s19] =	ssyncset.done $0x0  }
0x2d: {  	[sflag:s19] =	ssyncadd.s32 $0xFFFF8000  }
0x2e: {  	_ =	swait.ge [sflag:s19], $0x1000  }
0x2f: {  	p0 =	seq.s32 s29, $0x0;
	[sflag:s19] =	ssyncset.done $0x0  }
0x30: {  	s0 =	simm.s32 @!p0 $0x3;
	[sflag:s19] =	ssyncadd.s32 $0xFFFFF000  }
0x31: {  	_ =	swait.ge @!p0 [sflag:s0], $0x1000  }
0x32: {  	[sflag:s0] =	ssyncset.done @!p0 $0x0  }
0x33: {  	[sflag:s0] =	ssyncadd.s32 @!p0 $0xFFFFF000  }
0x34: {  	s4 =	simm.s32 $0x0;
	_ =	swait.ge @!p0 [sflag:s0], $0x1000  }
0x35: {  	s8 =	sand.u32 $0x70, s4;
	s9 =	sand.u32 $0xC00, s4;
	[sflag:s0] =	ssyncset.done @!p0 $0x0  }
0x36: {  	[sflag:s0] =	ssyncadd.s32 @!p0 $0xFFFFF000;
	s0 =	sor.u32 s8, s9  }
0x37: {  	v1 =	vld [tilespmem:s0+$0x0]  }
0x38: {  	v2 =	vld [tilespmem:s0+$0x80];
	_ =	sdelay $0x1  }
0x39: {  	v3 =	vld [tilespmem:s0+$0x100];
	_ =	sdelay $0x1  }
0x3a: {  	v4 =	vld [tilespmem:s0+$0x180]  }
0x3b: {  	v5 =	vand.u32 $0x7FFFFFFF, v1;
	v6 =	vand.u32 $0x7FFFFFFF, v2  }
0x3c: {  	v7 =	vld [tilespmem:s0+$0x200];
	vm0 =	vgt.f32 v6, v5  }
0x3d: {  	v61 =	vand.u32 $0x7FFFFFFF, v3;
	v5 =	vsel vm0, v6, v5  }
0x3e: {  	v8 =	vld [tilespmem:s0+$0x280];
	vm1 =	vgt.f32 v61, v5  }
0x3f: {  	v62 =	vand.u32 $0x7FFFFFFF, v4;
	v5 =	vsel vm1, v61, v5  }
0x40: {  	s4 =	sor.u32 s4, s4;
	v9 =	vld [tilespmem:s0+$0x300];
	vm2 =	vgt.f32 v62, v5  }
0x41: {  	s4 =	sor.u32 $0x380, s4;
	v63 =	vand.u32 $0x7FFFFFFF, v7;
	v5 =	vsel vm2, v62, v5  }
0x42: {  	v10 =	vld [tilespmem:s4+$0x0];
	vm3 =	vgt.f32 v63, v5  }
0x43: {  	v11 =	vand.u32 $0x7FFFFFFF, v8;
	v1 =	vsel vm0, v2, v1;
	v2 =	vsel vm3, v63, v5  }
0x44: {  	v1 =	vsel vm1, v3, v1;
	vm4 =	vgt.f32 v11, v2  }
0x45: {  	v3 =	vand.u32 $0x7FFFFFFF, v9;
	v1 =	vsel vm2, v4, v1;
	v2 =	vsel vm4, v11, v2  }
0x46: {  	v1 =	vsel vm3, v7, v1;
	vm5 =	vgt.f32 v3, v2  }
0x47: {  	v1 =	vsel vm4, v8, v1;
	v2 =	vsel vm5, v3, v2;
	v3 =	vand.u32 $0x7FFFFFFF, v10  }
0x48: {  	v1 =	vsel vm5, v9, v1;
	vm6 =	vgt.f32 v3, v2  }
0x49: {  	v1 =	vsel vm6, v10, v1  }
0x4a: {  	v1 =	vsub.f32 $0.0e+00, v1;
	_ =	sdelay $0x1  }
0x4b: {  	v1 =	vmul.f32 $1.442695020e+00, v1;
	_ =	sdelay $0x1  }
0x4c: {  	(erf) = vpow2.f32 v1;
	_ =	sdelay $0x2  }
0x4d: {  	v1 =	vsel vm0, $0x1, v0  }
0x4e: {  	v1 =	vsel vm1, $0x2, v1  }
0x4f: {  	v1 =	vsel vm2, $0x3, v1  }
0x50: {  	v1 =	vsel vm3, $0x4, v1  }
0x51: {  	v1 =	vsel vm4, $0x5, v1  }
0x52: {  	v1 =	vsel vm5, $0x6, v1  }
0x53: {  	s30 =	sshll.u32 s29, $0x1;
	s8 =	simm.s32 $0x10;
	s9 =	simm.s32 $0x80;
	v1 =	vsel vm6, $0x7, v1;
	v2 =	vpop (erf)  }
0x54: {  	s31 =	sshrl.u32 s29, $0x1;
	s4 =	sand.u32 $0x70, s8;
	s10 =	sand.u32 $0xC00, s9;
	[tilespmem:s0+$0x14000] =	vst v1;
	v1 =	vadd.f32 $1.000000000e+00, v2  }
0x55: {  	s13 =	simm.s32 $0x20;
	s11 =	sor.u32 s4, s10;
	s10 =	smov.u32 s0  }
.LBB2_3:
0x56: {  	p1 =	sne.s32 s13, $0x1F0;
	v2 =	vld [tilespmem:s11+$0x0];
	(erf) = vrcp.f32 v1  }
0x57: {  	v1 =	vld [tilespmem:s11+$0x80];
	_ =	sdelay $0x1  }
0x58: {  	v3 =	vld [tilespmem:s11+$0x100]  }
0x59: {  	v4 =	vld [tilespmem:s10+$0x10000]  }
0x5a: {  	v5 =	vld [tilespmem:s11+$0x180]  }
0x5b: {  	v6 =	vand.u32 $0x7FFFFFFF, v2;
	v7 =	vand.u32 $0x7FFFFFFF, v1;
	v8 =	vld [tilespmem:s11+$0x300]  }
0x5c: {  	vm0 =	vgt.f32 v7, v6;
	v9 =	vld [tilespmem:s11+$0x200]  }
0x5d: {  	v6 =	vsel vm0, v7, v6;
	v7 =	vand.u32 $0x7FFFFFFF, v3;
	v10 =	vld [tilespmem:s11+$0x280]  }
0x5e: {  	vm1 =	vgt.f32 v7, v6;
	v11 =	vpop (erf)  }
0x5f: {  	v6 =	vsel vm1, v7, v6;
	v7 =	vand.u32 $0x7FFFFFFF, v5;
	v4 =	vmul.f32 v11, v4  }
0x60: {  	s16 =	sor.u32 s9, s8;
	s8 =	smov.u32 s13;
	vm2 =	vgt.f32 v7, v6  }
0x61: {  	s16 =	sor.u32 $0x380, s16;
	v11 =	vand.u32 $0x7FFFFFFF, v8;
	v6 =	vsel vm2, v7, v6;
	v7 =	vand.u32 $0x7FFFFFFF, v9;
	[tilespmem:s10+$0x12000] =	vst v4;
	s10 =	smov.u32 s11  }
0x62: {  	v4 =	vsel vm0, $0x1, v0;
	vm3 =	vgt.f32 v7, v6;
	v12 =	vand.u32 $0x7FFFFFFF, v10;
	v13 =	vld [tilespmem:s16+$0x0]  }
0x63: {  	v1 =	vsel vm0, v1, v2;
	v2 =	vsel vm1, $0x2, v4;
	v4 =	vsel vm3, v7, v6  }
0x64: {  	v1 =	vsel vm1, v3, v1;
	v2 =	vsel vm2, $0x3, v2;
	vm0 =	vgt.f32 v12, v4  }
0x65: {  	v1 =	vsel vm2, v5, v1;
	v2 =	vsel vm3, $0x4, v2;
	v3 =	vsel vm0, v12, v4  }
0x66: {  	v1 =	vsel vm3, v9, v1;
	v2 =	vsel vm0, $0x5, v2;
	vm1 =	vgt.f32 v11, v3  }
0x67: {  	v1 =	vsel vm0, v10, v1;
	v3 =	vsel vm1, v11, v3;
	v4 =	vand.u32 $0x7FFFFFFF, v13  }
0x68: {  	v1 =	vsel vm1, v8, v1;
	v2 =	vsel vm1, $0x6, v2;
	vm0 =	vgt.f32 v4, v3  }
0x69: {  	v1 =	vsel vm0, v13, v1;
	v2 =	vsel vm0, $0x7, v2  }
0x6a: {  	v1 =	vsub.f32 $0.0e+00, v1;
	[tilespmem:s10+$0x14000] =	vst v2;
	_ =	sdelay $0x1  }
0x6b: {  	v1 =	vmul.f32 $1.442695020e+00, v1;
	_ =	sdelay $0x1  }
0x6c: {  	(erf) = vpow2.f32 v1;
	_ =	sdelay $0x6  }
.Ltmp2:
0x6d: {  	(pc) =	sbr.rel @p1 .LBB2_3-.Ltmp2, $4  }
0x6e: {  	_ = 	snop  }
0x6f: {  	s9 =	sadd.s32 $0x80, s9;
	v1 =	vpop (erf)  }
0x70: {  	s11 =	sand.u32 $0x70, s13;
	s16 =	sand.u32 $0xC00, s9;
	v1 =	vadd.f32 $1.000000000e+00, v1  }
0x71: {  	s13 =	sadd.s32 $0x10, s13;
	s11 =	sor.u32 s11, s16  }
0x72: {  	v2 =	vld [tilespmem:s11+$0x0];
	(erf) = vrcp.f32 v1  }
0x73: {  	v1 =	vld [tilespmem:s11+$0x80];
	_ =	sdelay $0x1  }
0x74: {  	v3 =	vld [tilespmem:s11+$0x100]  }
0x75: {  	v4 =	vld [tilespmem:s10+$0x10000]  }
0x76: {  	v5 =	vld [tilespmem:s11+$0x180]  }
0x77: {  	v6 =	vand.u32 $0x7FFFFFFF, v2;
	v7 =	vand.u32 $0x7FFFFFFF, v1  }
0x78: {  	v8 =	vld [tilespmem:s11+$0x200];
	vm0 =	vgt.f32 v7, v6  }
0x79: {  	v6 =	vsel vm0, v7, v6;
	v7 =	vand.u32 $0x7FFFFFFF, v3  }
0x7a: {  	v9 =	vld [tilespmem:s11+$0x280];
	vm1 =	vgt.f32 v7, v6;
	v10 =	vpop (erf)  }
0x7b: {  	v6 =	vsel vm1, v7, v6;
	v7 =	vand.u32 $0x7FFFFFFF, v5;
	v4 =	vmul.f32 v10, v4  }
0x7c: {  	s8 =	sor.u32 s9, s8;
	v10 =	vld [tilespmem:s11+$0x300];
	vm2 =	vgt.f32 v7, v6  }
0x7d: {  	s8 =	sor.u32 $0x380, s8;
	v6 =	vsel vm2, v7, v6;
	v7 =	vand.u32 $0x7FFFFFFF, v8;
	[tilespmem:s10+$0x12000] =	vst v4  }
0x7e: {  	vm3 =	vgt.f32 v7, v6;
	v4 =	vld [tilespmem:s8+$0x0]  }
0x7f: {  	v11 =	vand.u32 $0x7FFFFFFF, v9;
	v1 =	vsel vm0, v1, v2;
	v2 =	vsel vm3, v7, v6  }
0x80: {  	v1 =	vsel vm1, v3, v1;
	vm4 =	vgt.f32 v11, v2  }
0x81: {  	v1 =	vsel vm2, v5, v1;
	v3 =	vand.u32 $0x7FFFFFFF, v10;
	v2 =	vsel vm4, v11, v2  }
0x82: {  	v1 =	vsel vm3, v8, v1;
	vm5 =	vgt.f32 v3, v2  }
0x83: {  	v1 =	vsel vm4, v9, v1;
	v2 =	vsel vm5, v3, v2;
	v3 =	vand.u32 $0x7FFFFFFF, v4  }
0x84: {  	v1 =	vsel vm5, v10, v1;
	vm6 =	vgt.f32 v3, v2  }
0x85: {  	v1 =	vsel vm6, v4, v1  }
0x86: {  	v1 =	vsub.f32 $0.0e+00, v1;
	_ =	sdelay $0x1  }
0x87: {  	v1 =	vmul.f32 $1.442695020e+00, v1;
	_ =	sdelay $0x1  }
0x88: {  	(erf) = vpow2.f32 v1;
	_ =	sdelay $0x8  }
0x89: {  	v2 =	vpop (erf)  }
0x8a: {  	v1 =	vsel vm0, $0x1, v0;
	v2 =	vadd.f32 $1.000000000e+00, v2  }
0x8b: {  	v1 =	vsel vm1, $0x2, v1  }
0x8c: {  	v1 =	vsel vm2, $0x3, v1;
	(erf) = vrcp.f32 v2  }
0x8d: {  	v1 =	vsel vm3, $0x4, v1  }
0x8e: {  	v1 =	vsel vm4, $0x5, v1  }
0x8f: {  	v1 =	vsel vm5, $0x6, v1  }
0x90: {  	v1 =	vsel vm6, $0x7, v1  }
0x91: {  	[tilespmem:s11+$0x14000] =	vst v1;
	v1 =	vld [tilespmem:s11+$0x10000];
	_ =	sdelay $0x3  }
0x92: {  	v2 =	vpop (erf)  }
0x93: {  	v1 =	vmul.f32 v2, v1;
	_ =	sdelay $0x1  }
0x94: {  	[tilespmem:s11+$0x12000] =	vst v1  }
0x95: {  	v1 =	vld [tilespmem:s0+$0x1000]  }
0x96: {  	v2 =	vld [tilespmem:s0+$0x1080];
	_ =	sdelay $0x1  }
0x97: {  	v3 =	vld [tilespmem:s0+$0x1100];
	_ =	sdelay $0x1  }
0x98: {  	v4 =	vld [tilespmem:s0+$0x1180]  }
0x99: {  	v5 =	vand.u32 $0x7FFFFFFF, v1;
	v6 =	vand.u32 $0x7FFFFFFF, v2  }
0x9a: {  	v7 =	vld [tilespmem:s0+$0x1200];
	vm0 =	vgt.f32 v6, v5  }
0x9b: {  	v5 =	vsel vm0, v6, v5;
	v6 =	vand.u32 $0x7FFFFFFF, v3  }
0x9c: {  	v8 =	vld [tilespmem:s0+$0x1280];
	vm1 =	vgt.f32 v6, v5  }
0x9d: {  	v5 =	vsel vm1, v6, v5;
	v6 =	vand.u32 $0x7FFFFFFF, v4  }
0x9e: {  	s18 =	simm.s32 $0x80;
	v9 =	vld [tilespmem:s0+$0x1300];
	vm2 =	vgt.f32 v6, v5  }
0x9f: {  	s8 =	sand.u32 $0xC00, s18;
	v5 =	vsel vm2, v6, v5;
	v6 =	vand.u32 $0x7FFFFFFF, v7  }
0xa0: {  	s4 =	sor.u32 s4, s8;
	v10 =	vld [tilespmem:s0+$0x1380];
	vm3 =	vgt.f32 v6, v5  }
0xa1: {  	v12 =	vld [tilespmem:s4+$0x1000];
	v1 =	vsel vm0, v2, v1;
	v2 =	vsel vm3, v6, v5;
	v5 =	vand.u32 $0x7FFFFFFF, v8  }
0xa2: {  	v11 =	vsel vm0, $0x1, v0;
	v1 =	vsel vm1, v3, v1;
	v6 =	vld [tilespmem:s4+$0x1080];
	vm0 =	vgt.f32 v5, v2  }
0xa3: {  	v1 =	vsel vm2, v4, v1;
	v4 =	vand.u32 $0x7FFFFFFF, v9;
	v2 =	vsel vm0, v5, v2  }
0xa4: {  	v3 =	vsel vm1, $0x2, v11;
	v1 =	vsel vm3, v7, v1;
	v5 =	vld [tilespmem:s4+$0x1100];
	vm1 =	vgt.f32 v4, v2  }
0xa5: {  	v1 =	vsel vm0, v8, v1;
	v2 =	vsel vm1, v4, v2;
	v4 =	vand.u32 $0x7FFFFFFF, v10  }
0xa6: {  	v3 =	vsel vm2, $0x3, v3;
	v7 =	vld [tilespmem:s4+$0x1180];
	v1 =	vsel vm1, v9, v1;
	vm2 =	vgt.f32 v4, v2  }
0xa7: {  	v2 =	vand.u32 $0x7FFFFFFF, v12;
	v4 =	vand.u32 $0x7FFFFFFF, v6;
	v1 =	vsel vm2, v10, v1  }
0xa8: {  	v3 =	vsel vm3, $0x4, v3;
	v8 =	vld [tilespmem:s4+$0x1200];
	vm3 =	vgt.f32 v4, v2;
	v1 =	vsub.f32 $0.0e+00, v1  }
0xa9: {  	v2 =	vsel vm3, v4, v2;
	v4 =	vand.u32 $0x7FFFFFFF, v5  }
0xaa: {  	v3 =	vsel vm0, $0x5, v3;
	v9 =	vld [tilespmem:s4+$0x1280];
	vm0 =	vgt.f32 v4, v2;
	v1 =	vmul.f32 $1.442695020e+00, v1  }
0xab: {  	v2 =	vsel vm0, v4, v2;
	v4 =	vand.u32 $0x7FFFFFFF, v7  }
0xac: {  	s20 =	simm.s32 $0x20;
	s25 =	simm.s32 $0x100;
	v3 =	vsel vm1, $0x6, v3;
	v10 =	vld [tilespmem:s4+$0x1300];
	vm4 =	vgt.f32 v4, v2;
	(erf) = vpow2.f32 v1  }
0xad: {  	s9 =	sand.u32 $0xC00, s25;
	s8 =	sand.u32 $0x70, s20;
	v3 =	vsel vm2, $0x7, v3;
	v2 =	vsel vm4, v4, v2;
	v4 =	vand.u32 $0x7FFFFFFF, v8  }
0xae: {  	s8 =	sor.u32 s8, s9;
	v11 =	vld [tilespmem:s4+$0x1380];
	v13 =	vsel vm3, $0x1, v0;
	v6 =	vsel vm3, v6, v12;
	vm1 =	vgt.f32 v4, v2  }
0xaf: {  	v12 =	vand.u32 $0x7FFFFFFF, v9;
	v5 =	vsel vm0, v5, v6;
	v1 =	vld [tilespmem:s8+$0x1000];
	[tilespmem:s0+$0x14080] =	vst v3;
	v4 =	vsel vm1, v4, v2  }
0xb0: {  	v3 =	vsel vm0, $0x2, v13;
	v5 =	vsel vm4, v7, v5;
	v2 =	vld [tilespmem:s8+$0x1080];
	vm0 =	vgt.f32 v12, v4  }
0xb1: {  	v6 =	vand.u32 $0x7FFFFFFF, v10;
	v7 =	vsel vm4, $0x3, v3;
	v4 =	vsel vm0, v12, v4  }
0xb2: {  	v3 =	vld [tilespmem:s8+$0x1100];
	v5 =	vsel vm1, v8, v5;
	v7 =	vsel vm1, $0x4, v7;
	vm5 =	vgt.f32 v6, v4  }
0xb3: {  	v8 =	vand.u32 $0x7FFFFFFF, v11;
	v5 =	vsel vm0, v9, v5;
	v6 =	vsel vm5, v6, v4  }
0xb4: {  	v4 =	vld [tilespmem:s8+$0x1180];
	v5 =	vsel vm5, v10, v5;
	v10 =	vsel vm0, $0x5, v7;
	vm4 =	vgt.f32 v8, v6  }
0xb5: {  	v6 =	vand.u32 $0x7FFFFFFF, v1;
	v8 =	vand.u32 $0x7FFFFFFF, v2;
	v9 =	vsel vm4, v11, v5;
	v7 =	vpop (erf)  }
0xb6: {  	vm1 =	vgt.f32 v8, v6;
	v5 =	vld [tilespmem:s8+$0x1200];
	v9 =	vsub.f32 $0.0e+00, v9;
	v11 =	vadd.f32 $1.000000000e+00, v7  }
0xb7: {  	v6 =	vsel vm1, v8, v6;
	v8 =	vand.u32 $0x7FFFFFFF, v3  }
0xb8: {  	vm2 =	vgt.f32 v8, v6;
	v7 =	vld [tilespmem:s8+$0x1280];
	v9 =	vmul.f32 $1.442695020e+00, v9;
	(erf) = vrcp.f32 v11  }
0xb9: {  	v14 =	vsel vm5, $0x6, v10;
	v6 =	vsel vm2, v8, v6;
	v11 =	vand.u32 $0x7FFFFFFF, v4  }
0xba: {  	s26 =	simm.s32 $0x30;
	s10 =	simm.s32 $0x180;
	v12 =	vsel vm1, $0x1, v0;
	v8 =	vld [tilespmem:s8+$0x1300];
	vm3 =	vgt.f32 v11, v6;
	(erf) = vpow2.f32 v9  }
0xbb: {  	s28 =	sand.u32 $0xC00, s10;
	s9 =	sand.u32 $0x70, s26;
	v10 =	vld [tilespmem:s8+$0x1380];
	v13 =	vsel vm2, $0x2, v12;
	v12 =	vand.u32 $0x7FFFFFFF, v5;
	v11 =	vsel vm3, v11, v6  }
0xbc: {  	s9 =	sor.u32 s9, s28;
	s11 =	simm.s32 $0x40;
	v9 =	vld [tilespmem:s0+$0x10080];
	v6 =	vsel vm3, $0x3, v13;
	v13 =	vsel vm4, $0x7, v14;
	vm0 =	vgt.f32 v12, v11  }
.LBB2_5:
0xbd: {  	p1 =	sne.s32 s11, $0x1F0;
	v14 =	vsel vm1, v2, v1;
	v1 =	vld [tilespmem:s9+$0x1000];
	v11 =	vsel vm0, v12, v11;
	v12 =	vand.u32 $0x7FFFFFFF, v7;
	[tilespmem:s4+$0x14080] =	vst v13  }
0xbe: {  	v6 =	vsel vm0, $0x4, v6;
	v2 =	vld [tilespmem:s9+$0x1080];
	v3 =	vsel vm2, v3, v14;
	vm1 =	vgt.f32 v12, v11  }
0xbf: {  	v4 =	vsel vm3, v4, v3;
	v11 =	vsel vm1, v12, v11;
	v13 =	vand.u32 $0x7FFFFFFF, v8  }
0xc0: {  	v6 =	vsel vm1, $0x5, v6;
	v3 =	vld [tilespmem:s9+$0x1100];
	v4 =	vsel vm0, v5, v4;
	vm0 =	vgt.f32 v13, v11  }
0xc1: {  	v5 =	vsel vm1, v7, v4;
	v7 =	vsel vm0, v13, v11;
	v13 =	vand.u32 $0x7FFFFFFF, v10;
	v12 =	vpop (erf)  }
0xc2: {  	v4 =	vld [tilespmem:s9+$0x1180];
	v5 =	vsel vm0, v8, v5;
	vm4 =	vgt.f32 v13, v7;
	v7 =	vmul.f32 v12, v9  }
0xc3: {  	v8 =	vand.u32 $0x7FFFFFFF, v1;
	v9 =	vand.u32 $0x7FFFFFFF, v2;
	v10 =	vsel vm4, v10, v5;
	v11 =	vpop (erf)  }
0xc4: {  	vm1 =	vgt.f32 v9, v8;
	v5 =	vld [tilespmem:s9+$0x1200];
	v10 =	vsub.f32 $0.0e+00, v10;
	v11 =	vadd.f32 $1.000000000e+00, v11;
	[tilespmem:s0+$0x12080] =	vst v7;
	s0 =	smov.u32 s4;
	s4 =	smov.u32 s8  }
0xc5: {  	s8 =	smov.u32 s9;
	v8 =	vsel vm1, v9, v8;
	v9 =	vsel vm1, $0x1, v0;
	v12 =	vand.u32 $0x7FFFFFFF, v3  }
.Ltmp3:
0xc6: {  	vm2 =	vgt.f32 v12, v8;
	v7 =	vld [tilespmem:s8+$0x1280];
	v10 =	vmul.f32 $1.442695020e+00, v10;
	(erf) = vrcp.f32 v11;
	(pc) =	sbr.rel @p1 .LBB2_5-.Ltmp3, $4  }
0xc7: {  	v11 =	vsel vm2, v12, v8;
	v9 =	vsel vm2, $0x2, v9;
	v12 =	vand.u32 $0x7FFFFFFF, v4  }
0xc8: {  	s10 =	sadd.s32 $0x80, s10;
	v13 =	vsel vm0, $0x6, v6;
	vm3 =	vgt.f32 v12, v11;
	v8 =	vld [tilespmem:s8+$0x1300];
	(erf) = vpow2.f32 v10  }
0xc9: {  	s13 =	sand.u32 $0xC00, s10;
	s9 =	sand.u32 $0x70, s11;
	v11 =	vsel vm3, v12, v11;
	v6 =	vsel vm3, $0x3, v9;
	v12 =	vand.u32 $0x7FFFFFFF, v5;
	v9 =	vld [tilespmem:s0+$0x10080]  }
0xca: {  	v13 =	vsel vm4, $0x7, v13;
	s11 =	sadd.s32 $0x10, s11;
	s9 =	sor.u32 s9, s13;
	vm0 =	vgt.f32 v12, v11;
	v10 =	vld [tilespmem:s8+$0x1380]  }
0xcb: {  	v14 =	vld [tilespmem:s9+$0x1000];
	v1 =	vsel vm1, v2, v1;
	v2 =	vsel vm0, v12, v11;
	v11 =	vand.u32 $0x7FFFFFFF, v7;
	[tilespmem:s4+$0x14080] =	vst v13  }
0xcc: {  	v12 =	vld [tilespmem:s9+$0x1080];
	v1 =	vsel vm2, v3, v1;
	vm1 =	vgt.f32 v11, v2  }
0xcd: {  	v1 =	vsel vm3, v4, v1;
	v2 =	vsel vm1, v11, v2;
	v3 =	vand.u32 $0x7FFFFFFF, v8  }
0xce: {  	v4 =	vld [tilespmem:s9+$0x1100];
	v1 =	vsel vm0, v5, v1;
	vm2 =	vgt.f32 v3, v2  }
0xcf: {  	v1 =	vsel vm1, v7, v1;
	v2 =	vsel vm2, v3, v2;
	v3 =	vand.u32 $0x7FFFFFFF, v10  }
0xd0: {  	v5 =	vpop (erf);
	v7 =	vld [tilespmem:s9+$0x1180];
	v1 =	vsel vm2, v8, v1;
	vm3 =	vgt.f32 v3, v2  }
0xd1: {  	v2 =	vmul.f32 v5, v9;
	v3 =	vand.u32 $0x7FFFFFFF, v14;
	v5 =	vand.u32 $0x7FFFFFFF, v12  }
0xd2: {  	v8 =	vld [tilespmem:s9+$0x1200];
	v1 =	vsel vm3, v10, v1;
	vm4 =	vgt.f32 v5, v3  }
0xd3: {  	v9 =	vpop (erf);
	v1 =	vsub.f32 $0.0e+00, v1;
	[tilespmem:s0+$0x12080] =	vst v2;
	v2 =	vsel vm4, v5, v3;
	v3 =	vand.u32 $0x7FFFFFFF, v4  }
0xd4: {  	v5 =	vadd.f32 $1.000000000e+00, v9;
	v9 =	vld [tilespmem:s9+$0x1280];
	vm5 =	vgt.f32 v3, v2  }
0xd5: {  	v1 =	vmul.f32 $1.442695020e+00, v1;
	v2 =	vsel vm5, v3, v2;
	v3 =	vand.u32 $0x7FFFFFFF, v7  }
0xd6: {  	(erf) = vrcp.f32 v5;
	v5 =	vld [tilespmem:s9+$0x1300];
	vm6 =	vgt.f32 v3, v2  }
0xd7: {  	(erf) = vpow2.f32 v1;
	v1 =	vsel vm6, v3, v2;
	v2 =	vand.u32 $0x7FFFFFFF, v8  }
0xd8: {  	vm7 =	vgt.f32 v2, v1  }
0xd9: {  	v3 =	vld [tilespmem:s9+$0x1380];
	v1 =	vsel vm7, v2, v1;
	v2 =	vand.u32 $0x7FFFFFFF, v9  }
0xda: {  	v10 =	vsel vm4, v12, v14;
	vm8 =	vgt.f32 v2, v1  }
0xdb: {  	v4 =	vsel vm5, v4, v10;
	v1 =	vsel vm8, v2, v1;
	v2 =	vand.u32 $0x7FFFFFFF, v5  }
0xdc: {  	v4 =	vsel vm6, v7, v4;
	vm9 =	vgt.f32 v2, v1  }
0xdd: {  	v4 =	vsel vm7, v8, v4;
	v1 =	vsel vm9, v2, v1  }
0xde: {  	v4 =	vsel vm8, v9, v4;
	v2 =	vand.u32 $0x7FFFFFFF, v3  }
0xdf: {  	v4 =	vsel vm9, v5, v4;
	vm10 =	vgt.f32 v2, v1  }
0xe0: {  	v2 =	vsel vm10, v3, v4;
	v1 =	vpop (erf)  }
0xe1: {  	v2 =	vsub.f32 $0.0e+00, v2;
	v3 =	vpop (erf)  }
0xe2: {  	v3 =	vadd.f32 $1.000000000e+00, v3  }
0xe3: {  	v2 =	vmul.f32 $1.442695020e+00, v2  }
0xe4: {  	(erf) = vrcp.f32 v3  }
0xe5: {  	(erf) = vpow2.f32 v2;
	v2 =	vld [tilespmem:s4+$0x10080];
	_ =	sdelay $0x3  }
0xe6: {  	v3 =	vsel vm0, $0x4, v6  }
0xe7: {  	v3 =	vsel vm1, $0x5, v3;
	v1 =	vmul.f32 v1, v2  }
0xe8: {  	v3 =	vsel vm2, $0x6, v3  }
0xe9: {  	v3 =	vsel vm3, $0x7, v3  }
0xea: {  	[tilespmem:s8+$0x14080] =	vst v3  }
0xeb: {  	v2 =	vsel vm4, $0x1, v0;
	[tilespmem:s4+$0x12080] =	vst v1;
	v1 =	vpop (erf)  }
0xec: {  	v2 =	vsel vm5, $0x2, v2;
	v3 =	vld [tilespmem:s8+$0x10080];
	v4 =	vpop (erf)  }
0xed: {  	v2 =	vsel vm6, $0x3, v2;
	v4 =	vadd.f32 $1.000000000e+00, v4  }
0xee: {  	v2 =	vsel vm7, $0x4, v2  }
0xef: {  	v2 =	vsel vm8, $0x5, v2;
	(erf) = vrcp.f32 v4  }
0xf0: {  	v2 =	vsel vm9, $0x6, v2  }
0xf1: {  	v2 =	vsel vm10, $0x7, v2;
	v1 =	vmul.f32 v1, v3  }
0xf2: {  	[tilespmem:s9+$0x14080] =	vst v2  }
0xf3: {  	[tilespmem:s8+$0x12080] =	vst v1  }
0xf4: {  	v1 =	vld [tilespmem:s9+$0x10080];
	_ =	sdelay $0x3  }
0xf5: {  	v2 =	vpop (erf)  }
0xf6: {  	s10 =	simm.s32 $0x0;
	v1 =	vmul.f32 v2, v1  }
0xf7: {  	s11 =	sand.u32 $0xC00, s10;
	s8 =	sand.u32 $0x70, s10  }
0xf8: {  	s25 =	sor.u32 s8, s11;
	[tilespmem:s9+$0x12080] =	vst v1  }
0xf9: {  	v1 =	vld [tilespmem:s25+$0x2000]  }
0xfa: {  	v2 =	vld [tilespmem:s25+$0x2080];
	_ =	sdelay $0x1  }
0xfb: {  	v3 =	vld [tilespmem:s25+$0x2100];
	_ =	sdelay $0x1  }
0xfc: {  	v4 =	vld [tilespmem:s25+$0x2180]  }
0xfd: {  	v5 =	vand.u32 $0x7FFFFFFF, v1;
	v6 =	vand.u32 $0x7FFFFFFF, v2  }
0xfe: {  	v7 =	vld [tilespmem:s25+$0x2200];
	vm0 =	vgt.f32 v6, v5  }
0xff: {  	v5 =	vsel vm0, v6, v5;
	v6 =	vand.u32 $0x7FFFFFFF, v3  }
0x100: {  	v8 =	vld [tilespmem:s25+$0x2280];
	vm1 =	vgt.f32 v6, v5  }
0x101: {  	v5 =	vsel vm1, v6, v5;
	v6 =	vand.u32 $0x7FFFFFFF, v4  }
0x102: {  	s0 =	simm.s32 $0x10;
	s4 =	simm.s32 $0x80;
	v9 =	vld [tilespmem:s25+$0x2300];
	vm2 =	vgt.f32 v6, v5  }
0x103: {  	s16 =	sand.u32 $0x70, s0;
	s18 =	sand.u32 $0xC00, s4;
	v5 =	vsel vm2, v6, v5;
	v6 =	vand.u32 $0x7FFFFFFF, v7  }
0x104: {  	s9 =	sor.u32 s16, s18;
	v10 =	vld [tilespmem:s25+$0x2380];
	vm3 =	vgt.f32 v6, v5  }
0x105: {  	v12 =	vld [tilespmem:s9+$0x2000];
	v1 =	vsel vm0, v2, v1;
	v2 =	vsel vm3, v6, v5;
	v5 =	vand.u32 $0x7FFFFFFF, v8  }
0x106: {  	v11 =	vsel vm0, $0x1, v0;
	v1 =	vsel vm1, v3, v1;
	v6 =	vld [tilespmem:s9+$0x2080];
	vm0 =	vgt.f32 v5, v2  }
0x107: {  	v1 =	vsel vm2, v4, v1;
	v4 =	vand.u32 $0x7FFFFFFF, v9;
	v2 =	vsel vm0, v5, v2  }
0x108: {  	v3 =	vsel vm1, $0x2, v11;
	v1 =	vsel vm3, v7, v1;
	v5 =	vld [tilespmem:s9+$0x2100];
	vm1 =	vgt.f32 v4, v2  }
0x109: {  	v1 =	vsel vm0, v8, v1;
	v2 =	vsel vm1, v4, v2;
	v4 =	vand.u32 $0x7FFFFFFF, v10  }
0x10a: {  	v3 =	vsel vm2, $0x3, v3;
	v7 =	vld [tilespmem:s9+$0x2180];
	v1 =	vsel vm1, v9, v1;
	vm2 =	vgt.f32 v4, v2  }
0x10b: {  	v2 =	vand.u32 $0x7FFFFFFF, v12;
	v4 =	vand.u32 $0x7FFFFFFF, v6;
	v1 =	vsel vm2, v10, v1  }
0x10c: {  	v3 =	vsel vm3, $0x4, v3;
	v8 =	vld [tilespmem:s9+$0x2200];
	vm3 =	vgt.f32 v4, v2;
	v1 =	vsub.f32 $0.0e+00, v1  }
0x10d: {  	v2 =	vsel vm3, v4, v2;
	v4 =	vand.u32 $0x7FFFFFFF, v5  }
0x10e: {  	v3 =	vsel vm0, $0x5, v3;
	v9 =	vld [tilespmem:s9+$0x2280];
	vm0 =	vgt.f32 v4, v2;
	v1 =	vmul.f32 $1.442695020e+00, v1  }
0x10f: {  	v2 =	vsel vm0, v4, v2;
	v4 =	vand.u32 $0x7FFFFFFF, v7  }
0x110: {  	s13 =	simm.s32 $0x20;
	s17 =	simm.s32 $0x100;
	v3 =	vsel vm1, $0x6, v3;
	v10 =	vld [tilespmem:s9+$0x2300];
	vm4 =	vgt.f32 v4, v2;
	(erf) = vpow2.f32 v1  }
0x111: {  	s17 =	sand.u32 $0xC00, s17;
	s18 =	sand.u32 $0x70, s13;
	v3 =	vsel vm2, $0x7, v3;
	v2 =	vsel vm4, v4, v2;
	v4 =	vand.u32 $0x7FFFFFFF, v8  }
0x112: {  	s26 =	sor.u32 s18, s17;
	v11 =	vld [tilespmem:s9+$0x2380];
	v13 =	vsel vm3, $0x1, v0;
	v6 =	vsel vm3, v6, v12;
	vm1 =	vgt.f32 v4, v2  }
0x113: {  	v12 =	vand.u32 $0x7FFFFFFF, v9;
	v5 =	vsel vm0, v5, v6;
	v1 =	vld [tilespmem:s26+$0x2000];
	[tilespmem:s25+$0x14100] =	vst v3;
	v4 =	vsel vm1, v4, v2  }
0x114: {  	v3 =	vsel vm0, $0x2, v13;
	v5 =	vsel vm4, v7, v5;
	v2 =	vld [tilespmem:s26+$0x2080];
	vm0 =	vgt.f32 v12, v4  }
0x115: {  	v6 =	vand.u32 $0x7FFFFFFF, v10;
	v7 =	vsel vm4, $0x3, v3;
	v4 =	vsel vm0, v12, v4  }
0x116: {  	v3 =	vld [tilespmem:s26+$0x2100];
	v5 =	vsel vm1, v8, v5;
	v7 =	vsel vm1, $0x4, v7;
	vm5 =	vgt.f32 v6, v4  }
0x117: {  	v8 =	vand.u32 $0x7FFFFFFF, v11;
	v5 =	vsel vm0, v9, v5;
	v6 =	vsel vm5, v6, v4  }
0x118: {  	v4 =	vld [tilespmem:s26+$0x2180];
	v5 =	vsel vm5, v10, v5;
	v10 =	vsel vm0, $0x5, v7;
	vm4 =	vgt.f32 v8, v6  }
0x119: {  	v6 =	vand.u32 $0x7FFFFFFF, v1;
	v8 =	vand.u32 $0x7FFFFFFF, v2;
	v9 =	vsel vm4, v11, v5;
	v7 =	vpop (erf)  }
0x11a: {  	vm1 =	vgt.f32 v8, v6;
	v5 =	vld [tilespmem:s26+$0x2200];
	v9 =	vsub.f32 $0.0e+00, v9;
	v11 =	vadd.f32 $1.000000000e+00, v7  }
0x11b: {  	v6 =	vsel vm1, v8, v6;
	v8 =	vand.u32 $0x7FFFFFFF, v3  }
0x11c: {  	vm2 =	vgt.f32 v8, v6;
	v7 =	vld [tilespmem:s26+$0x2280];
	v9 =	vmul.f32 $1.442695020e+00, v9;
	(erf) = vrcp.f32 v11  }
0x11d: {  	v14 =	vsel vm5, $0x6, v10;
	v6 =	vsel vm2, v8, v6;
	v11 =	vand.u32 $0x7FFFFFFF, v4  }
0x11e: {  	s20 =	simm.s32 $0x30;
	s17 =	simm.s32 $0x180;
	v12 =	vsel vm1, $0x1, v0;
	v8 =	vld [tilespmem:s26+$0x2300];
	vm3 =	vgt.f32 v11, v6;
	(erf) = vpow2.f32 v9  }
0x11f: {  	s18 =	sand.u32 $0x70, s20;
	s28 =	sand.u32 $0xC00, s17;
	v10 =	vld [tilespmem:s26+$0x2380];
	v13 =	vsel vm2, $0x2, v12;
	v12 =	vand.u32 $0x7FFFFFFF, v5;
	v11 =	vsel vm3, v11, v6  }
0x120: {  	s28 =	sor.u32 s18, s28;
	s18 =	simm.s32 $0x40;
	v9 =	vld [tilespmem:s25+$0x10100];
	v6 =	vsel vm3, $0x3, v13;
	v13 =	vsel vm4, $0x7, v14;
	vm0 =	vgt.f32 v12, v11  }
.LBB2_7:
0x121: {  	p1 =	sne.s32 s18, $0x1F0;
	v14 =	vsel vm1, v2, v1;
	v1 =	vld [tilespmem:s28+$0x2000];
	v11 =	vsel vm0, v12, v11;
	v12 =	vand.u32 $0x7FFFFFFF, v7;
	[tilespmem:s9+$0x14100] =	vst v13  }
0x122: {  	v6 =	vsel vm0, $0x4, v6;
	v2 =	vld [tilespmem:s28+$0x2080];
	v3 =	vsel vm2, v3, v14;
	vm1 =	vgt.f32 v12, v11  }
0x123: {  	v4 =	vsel vm3, v4, v3;
	v11 =	vsel vm1, v12, v11;
	v13 =	vand.u32 $0x7FFFFFFF, v8  }
0x124: {  	v6 =	vsel vm1, $0x5, v6;
	v3 =	vld [tilespmem:s28+$0x2100];
	v4 =	vsel vm0, v5, v4;
	vm0 =	vgt.f32 v13, v11  }
0x125: {  	v5 =	vsel vm1, v7, v4;
	v7 =	vsel vm0, v13, v11;
	v13 =	vand.u32 $0x7FFFFFFF, v10;
	v12 =	vpop (erf)  }
0x126: {  	v4 =	vld [tilespmem:s28+$0x2180];
	v5 =	vsel vm0, v8, v5;
	vm4 =	vgt.f32 v13, v7;
	v7 =	vmul.f32 v12, v9  }
0x127: {  	v8 =	vand.u32 $0x7FFFFFFF, v1;
	v9 =	vand.u32 $0x7FFFFFFF, v2;
	v10 =	vsel vm4, v10, v5;
	v11 =	vpop (erf)  }
0x128: {  	vm1 =	vgt.f32 v9, v8;
	v5 =	vld [tilespmem:s28+$0x2200];
	v10 =	vsub.f32 $0.0e+00, v10;
	v11 =	vadd.f32 $1.000000000e+00, v11;
	[tilespmem:s25+$0x12100] =	vst v7;
	s25 =	smov.u32 s9;
	s9 =	smov.u32 s26;
	s26 =	smov.u32 s28  }
0x129: {  	v8 =	vsel vm1, v9, v8;
	v9 =	vsel vm1, $0x1, v0;
	v12 =	vand.u32 $0x7FFFFFFF, v3  }
.Ltmp4:
0x12a: {  	vm2 =	vgt.f32 v12, v8;
	v7 =	vld [tilespmem:s26+$0x2280];
	v10 =	vmul.f32 $1.442695020e+00, v10;
	(erf) = vrcp.f32 v11;
	(pc) =	sbr.rel @p1 .LBB2_7-.Ltmp4, $4  }
0x12b: {  	v11 =	vsel vm2, v12, v8;
	v9 =	vsel vm2, $0x2, v9;
	v12 =	vand.u32 $0x7FFFFFFF, v4  }
0x12c: {  	s17 =	sadd.s32 $0x80, s17;
	v13 =	vsel vm0, $0x6, v6;
	vm3 =	vgt.f32 v12, v11;
	v8 =	vld [tilespmem:s26+$0x2300];
	(erf) = vpow2.f32 v10  }
0x12d: {  	s20 =	sand.u32 $0xC00, s17;
	s28 =	sand.u32 $0x70, s18;
	v11 =	vsel vm3, v12, v11;
	v6 =	vsel vm3, $0x3, v9;
	v12 =	vand.u32 $0x7FFFFFFF, v5;
	v9 =	vld [tilespmem:s25+$0x10100]  }
0x12e: {  	v13 =	vsel vm4, $0x7, v13;
	s18 =	sadd.s32 $0x10, s18;
	s28 =	sor.u32 s28, s20;
	vm0 =	vgt.f32 v12, v11;
	v10 =	vld [tilespmem:s26+$0x2380]  }
0x12f: {  	v14 =	vld [tilespmem:s28+$0x2000];
	v1 =	vsel vm1, v2, v1;
	v2 =	vsel vm0, v12, v11;
	v40 =	vand.u32 $0x7FFFFFFF, v7;
	[tilespmem:s9+$0x14100] =	vst v13  }
0x130: {  	v41 =	vld [tilespmem:s28+$0x2080];
	v1 =	vsel vm2, v3, v1;
	vm13 =	vgt.f32 v40, v2  }
0x131: {  	v1 =	vsel vm3, v4, v1;
	v2 =	vsel vm13, v40, v2;
	v3 =	vand.u32 $0x7FFFFFFF, v8  }
0x132: {  	v42 =	vld [tilespmem:s28+$0x2100];
	v1 =	vsel vm0, v5, v1;
	vm14 =	vgt.f32 v3, v2  }
0x133: {  	v1 =	vsel vm13, v7, v1;
	v2 =	vsel vm14, v3, v2;
	v3 =	vand.u32 $0x7FFFFFFF, v10  }
0x134: {  	v44 =	vld [tilespmem:s28+$0x2180];
	v43 =	vpop (erf);
	v1 =	vsel vm14, v8, v1;
	vm15 =	vgt.f32 v3, v2  }
0x135: {  	v2 =	vmul.f32 v43, v9;
	v3 =	vand.u32 $0x7FFFFFFF, v14;
	v45 =	vand.u32 $0x7FFFFFFF, v41  }
0x136: {  	v46 =	vld [tilespmem:s28+$0x2200];
	v1 =	vsel vm15, v10, v1;
	vm4 =	vgt.f32 v45, v3  }
0x137: {  	v47 =	vpop (erf);
	v1 =	vsub.f32 $0.0e+00, v1;
	[tilespmem:s25+$0x12100] =	vst v2;
	v2 =	vsel vm4, v45, v3;
	v3 =	vand.u32 $0x7FFFFFFF, v42  }
0x138: {  	v48 =	vadd.f32 $1.000000000e+00, v47;
	v49 =	vld [tilespmem:s28+$0x2280];
	vm5 =	vgt.f32 v3, v2  }
0x139: {  	v1 =	vmul.f32 $1.442695020e+00, v1;
	v2 =	vsel vm5, v3, v2;
	v3 =	vand.u32 $0x7FFFFFFF, v44  }
0x13a: {  	v50 =	vld [tilespmem:s28+$0x2300];
	(erf) = vrcp.f32 v48;
	vm6 =	vgt.f32 v3, v2  }
0x13b: {  	(erf) = vpow2.f32 v1;
	v1 =	vsel vm6, v3, v2;
	v2 =	vand.u32 $0x7FFFFFFF, v46  }
0x13c: {  	vm7 =	vgt.f32 v2, v1  }
0x13d: {  	v3 =	vld [tilespmem:s28+$0x2380];
	v1 =	vsel vm7, v2, v1;
	v2 =	vand.u32 $0x7FFFFFFF, v49  }
0x13e: {  	v51 =	vsel vm4, v41, v14;
	vm8 =	vgt.f32 v2, v1  }
0x13f: {  	v4 =	vsel vm5, v42, v51;
	v1 =	vsel vm8, v2, v1;
	v2 =	vand.u32 $0x7FFFFFFF, v50  }
0x140: {  	v4 =	vsel vm6, v44, v4;
	vm9 =	vgt.f32 v2, v1  }
0x141: {  	v4 =	vsel vm7, v46, v4;
	v1 =	vsel vm9, v2, v1  }
0x142: {  	v4 =	vsel vm8, v49, v4;
	v2 =	vand.u32 $0x7FFFFFFF, v3  }
0x143: {  	v4 =	vsel vm9, v50, v4;
	vm10 =	vgt.f32 v2, v1  }
0x144: {  	v2 =	vsel vm10, v3, v4;
	v1 =	vpop (erf)  }
0x145: {  	v2 =	vsub.f32 $0.0e+00, v2;
	v3 =	vpop (erf)  }
0x146: {  	v3 =	vadd.f32 $1.000000000e+00, v3  }
0x147: {  	v2 =	vmul.f32 $1.442695020e+00, v2  }
0x148: {  	(erf) = vrcp.f32 v3  }
0x149: {  	(erf) = vpow2.f32 v2;
	v2 =	vld [tilespmem:s9+$0x10100];
	_ =	sdelay $0x3  }
0x14a: {  	v3 =	vsel vm0, $0x4, v6  }
0x14b: {  	v3 =	vsel vm13, $0x5, v3;
	v1 =	vmul.f32 v1, v2  }
0x14c: {  	v3 =	vsel vm14, $0x6, v3  }
0x14d: {  	v3 =	vsel vm15, $0x7, v3  }
0x14e: {  	[tilespmem:s26+$0x14100] =	vst v3  }
0x14f: {  	v2 =	vsel vm4, $0x1, v0;
	[tilespmem:s9+$0x12100] =	vst v1;
	v1 =	vpop (erf)  }
0x150: {  	v2 =	vsel vm5, $0x2, v2;
	v3 =	vld [tilespmem:s26+$0x10100];
	v52 =	vpop (erf)  }
0x151: {  	v2 =	vsel vm6, $0x3, v2;
	v4 =	vadd.f32 $1.000000000e+00, v52  }
0x152: {  	v2 =	vsel vm7, $0x4, v2  }
0x153: {  	v2 =	vsel vm8, $0x5, v2;
	(erf) = vrcp.f32 v4  }
0x154: {  	v2 =	vsel vm9, $0x6, v2  }
0x155: {  	v2 =	vsel vm10, $0x7, v2;
	v1 =	vmul.f32 v1, v3  }
0x156: {  	[tilespmem:s28+$0x14100] =	vst v2  }
0x157: {  	[tilespmem:s26+$0x12100] =	vst v1  }
0x158: {  	v1 =	vld [tilespmem:s28+$0x10100];
	_ =	sdelay $0x3  }
0x159: {  	v2 =	vpop (erf)  }
0x15a: {  	v1 =	vmul.f32 v2, v1;
	_ =	sdelay $0x1  }
0x15b: {  	s8 =	sor.u32 s8, s11;
	[tilespmem:s28+$0x12100] =	vst v1  }
0x15c: {  	v1 =	vld [tilespmem:s8+$0x3080]  }
0x15d: {  	v2 =	vld [tilespmem:s8+$0x3000];
	_ =	sdelay $0x1  }
0x15e: {  	v3 =	vld [tilespmem:s8+$0x3100];
	_ =	sdelay $0x1  }
0x15f: {  	v53 =	vld [tilespmem:s8+$0x3180]  }
0x160: {  	v54 =	vand.u32 $0x7FFFFFFF, v1;
	v55 =	vand.u32 $0x7FFFFFFF, v2  }
0x161: {  	v56 =	vld [tilespmem:s8+$0x3200];
	vm9 =	vgt.f32 v54, v55  }
0x162: {  	v57 =	vand.u32 $0x7FFFFFFF, v3;
	v5 =	vsel vm9, v54, v55  }
0x163: {  	v58 =	vld [tilespmem:s8+$0x3280];
	vm10 =	vgt.f32 v57, v5  }
0x164: {  	v59 =	vand.u32 $0x7FFFFFFF, v53;
	v5 =	vsel vm10, v57, v5  }
0x165: {  	v60 =	vld [tilespmem:s8+$0x3300];
	vm11 =	vgt.f32 v59, v5  }
0x166: {  	v61 =	vand.u32 $0x7FFFFFFF, v56;
	v5 =	vsel vm11, v59, v5  }
0x167: {  	v62 =	vld [tilespmem:s8+$0x3380];
	vm12 =	vgt.f32 v61, v5  }
0x168: {  	v1 =	vsel vm9, v1, v2;
	v2 =	vand.u32 $0x7FFFFFFF, v58;
	v5 =	vsel vm12, v61, v5  }
0x169: {  	v1 =	vsel vm10, v3, v1;
	vm13 =	vgt.f32 v2, v5  }
0x16a: {  	v3 =	vand.u32 $0x7FFFFFFF, v60;
	v1 =	vsel vm11, v53, v1;
	v2 =	vsel vm13, v2, v5  }
0x16b: {  	v1 =	vsel vm12, v56, v1;
	vm14 =	vgt.f32 v3, v2  }
0x16c: {  	v63 =	vand.u32 $0x7FFFFFFF, v62;
	v1 =	vsel vm13, v58, v1;
	v2 =	vsel vm14, v3, v2  }
0x16d: {  	v1 =	vsel vm14, v60, v1;
	vm15 =	vgt.f32 v63, v2  }
0x16e: {  	v1 =	vsel vm15, v62, v1  }
0x16f: {  	v1 =	vsub.f32 $0.0e+00, v1;
	_ =	sdelay $0x1  }
0x170: {  	v1 =	vmul.f32 $1.442695020e+00, v1;
	_ =	sdelay $0x1  }
0x171: {  	(erf) = vpow2.f32 v1;
	_ =	sdelay $0x8  }
0x172: {  	v2 =	vpop (erf)  }
0x173: {  	v1 =	vsel vm9, $0x1, v0;
	v2 =	vadd.f32 $1.000000000e+00, v2  }
0x174: {  	v1 =	vsel vm10, $0x2, v1  }
0x175: {  	v1 =	vsel vm11, $0x3, v1;
	(erf) = vrcp.f32 v2  }
0x176: {  	v1 =	vsel vm12, $0x4, v1  }
0x177: {  	v1 =	vsel vm13, $0x5, v1  }
0x178: {  	s28 =	sor.u32 s11, s10;
	v1 =	vsel vm14, $0x6, v1  }
0x179: {  	s10 =	sor.u32 $0x180, s28;
	v1 =	vsel vm15, $0x7, v1  }
0x17a: {  	[tilespmem:s10+$0x14000] =	vst v1;
	v1 =	vld [tilespmem:s10+$0x10000];
	_ =	sdelay $0x3  }
0x17b: {  	v2 =	vpop (erf)  }
0x17c: {  	v1 =	vmul.f32 v2, v1  }
.LBB2_9:
0x17d: {  	s11 =	sand.u32 $0x70, s13  }
0x17e: {  	s9 =	sand.u32 $0xC00, s4;
	s17 =	smov.u32 s13;
	s8 =	sadd.s32 $0x10, s13  }
0x17f: {  	p1 =	sne.s32 s13, $0x1F0;
	s13 =	sor.u32 s16, s9;
	s9 =	sor.u32 s9, s0;
	[tilespmem:s10+$0x12000] =	vst v1  }
0x180: {  	s16 =	smov.u32 s11;
	s0 =	smov.u32 s17;
	v1 =	vld [tilespmem:s13+$0x3080]  }
0x181: {  	v2 =	vld [tilespmem:s13+$0x3000]  }
0x182: {  	v3 =	vld [tilespmem:s13+$0x3100];
	_ =	sdelay $0x1  }
0x183: {  	v4 =	vld [tilespmem:s13+$0x3180]  }
0x184: {  	v5 =	vand.u32 $0x7FFFFFFF, v1  }
0x185: {  	v6 =	vand.u32 $0x7FFFFFFF, v2;
	v7 =	vld [tilespmem:s13+$0x3200]  }
0x186: {  	vm0 =	vgt.f32 v5, v6;
	v8 =	vand.u32 $0x7FFFFFFF, v3  }
0x187: {  	v5 =	vsel vm0, v5, v6;
	v1 =	vsel vm0, v1, v2;
	v2 =	vld [tilespmem:s13+$0x3280]  }
0x188: {  	vm1 =	vgt.f32 v8, v5;
	v6 =	vand.u32 $0x7FFFFFFF, v4  }
0x189: {  	v9 =	vsel vm0, $0x1, v0;
	v5 =	vsel vm1, v8, v5;
	v1 =	vsel vm1, v3, v1;
	v3 =	vld [tilespmem:s13+$0x3300]  }
0x18a: {  	v8 =	vsel vm1, $0x2, v9;
	vm0 =	vgt.f32 v6, v5;
	v9 =	vand.u32 $0x7FFFFFFF, v7  }
0x18b: {  	v5 =	vsel vm0, v6, v5;
	v6 =	vsel vm0, $0x3, v8;
	v8 =	vld [tilespmem:s13+$0x3380]  }
0x18c: {  	v1 =	vsel vm0, v4, v1;
	vm0 =	vgt.f32 v9, v5;
	v4 =	vand.u32 $0x7FFFFFFF, v2  }
0x18d: {  	v5 =	vsel vm0, v9, v5;
	v1 =	vsel vm0, v7, v1;
	v6 =	vsel vm0, $0x4, v6  }
0x18e: {  	vm0 =	vgt.f32 v4, v5;
	v7 =	vand.u32 $0x7FFFFFFF, v3  }
0x18f: {  	v4 =	vsel vm0, v4, v5;
	v1 =	vsel vm0, v2, v1;
	v2 =	vsel vm0, $0x5, v6  }
0x190: {  	vm0 =	vgt.f32 v7, v4;
	v5 =	vand.u32 $0x7FFFFFFF, v8  }
0x191: {  	v4 =	vsel vm0, v7, v4;
	v1 =	vsel vm0, v3, v1  }
0x192: {  	v2 =	vsel vm0, $0x6, v2;
	vm0 =	vgt.f32 v5, v4  }
0x193: {  	s10 =	sor.u32 $0x180, s9;
	v1 =	vsel vm0, v8, v1;
	v2 =	vsel vm0, $0x7, v2  }
0x194: {  	v1 =	vsub.f32 $0.0e+00, v1;
	[tilespmem:s10+$0x14000] =	vst v2;
	_ =	sdelay $0x1  }
0x195: {  	v1 =	vmul.f32 $1.442695020e+00, v1;
	_ =	sdelay $0x1  }
0x196: {  	(erf) = vpow2.f32 v1;
	_ =	sdelay $0x8  }
0x197: {  	v1 =	vpop (erf)  }
0x198: {  	v1 =	vadd.f32 $1.000000000e+00, v1;
	_ =	sdelay $0x1  }
0x199: {  	(erf) = vrcp.f32 v1;
	_ =	sdelay $0x3  }
0x19a: {  	v1 =	vld [tilespmem:s10+$0x10000];
	_ =	sdelay $0x1  }
.Ltmp5:
0x19b: {  	(pc) =	sbr.rel @p1 .LBB2_9-.Ltmp5, $3  }
0x19c: {  	_ =	sdelay $0x1  }
0x19d: {  	v2 =	vpop (erf)  }
0x19e: {  	s4 =	sadd.s32 $0x80, s4;
	s13 =	smov.u32 s8;
	v1 =	vmul.f32 v2, v1  }
0x19f: {  	s4 =	sand.u32 $0xC00, s4  }
0x1a0: {  	s8 =	sor.u32 s16, s4;
	[tilespmem:s10+$0x12000] =	vst v1  }
0x1a1: {  	v1 =	vld [tilespmem:s8+$0x3080]  }
0x1a2: {  	v2 =	vld [tilespmem:s8+$0x3000];
	_ =	sdelay $0x1  }
0x1a3: {  	v3 =	vld [tilespmem:s8+$0x3100];
	_ =	sdelay $0x1  }
0x1a4: {  	v4 =	vld [tilespmem:s8+$0x3180]  }
0x1a5: {  	v5 =	vand.u32 $0x7FFFFFFF, v1;
	v6 =	vand.u32 $0x7FFFFFFF, v2  }
0x1a6: {  	v7 =	vld [tilespmem:s8+$0x3200];
	vm0 =	vgt.f32 v5, v6  }
0x1a7: {  	v8 =	vand.u32 $0x7FFFFFFF, v3;
	v5 =	vsel vm0, v5, v6  }
0x1a8: {  	v60 =	vld [tilespmem:s8+$0x3280];
	vm1 =	vgt.f32 v8, v5  }
0x1a9: {  	v9 =	vand.u32 $0x7FFFFFFF, v4;
	v5 =	vsel vm1, v8, v5  }
0x1aa: {  	v61 =	vld [tilespmem:s8+$0x3300];
	vm2 =	vgt.f32 v9, v5  }
0x1ab: {  	v10 =	vand.u32 $0x7FFFFFFF, v7;
	v5 =	vsel vm2, v9, v5  }
0x1ac: {  	v62 =	vld [tilespmem:s8+$0x3380];
	vm3 =	vgt.f32 v10, v5  }
0x1ad: {  	v63 =	vand.u32 $0x7FFFFFFF, v60;
	v1 =	vsel vm0, v1, v2;
	v2 =	vsel vm3, v10, v5  }
0x1ae: {  	v1 =	vsel vm1, v3, v1;
	vm4 =	vgt.f32 v63, v2  }
0x1af: {  	v3 =	vand.u32 $0x7FFFFFFF, v61;
	v1 =	vsel vm2, v4, v1;
	v2 =	vsel vm4, v63, v2  }
0x1b0: {  	v1 =	vsel vm3, v7, v1;
	vm5 =	vgt.f32 v3, v2  }
0x1b1: {  	v1 =	vsel vm4, v60, v1;
	v2 =	vsel vm5, v3, v2;
	v3 =	vand.u32 $0x7FFFFFFF, v62  }
0x1b2: {  	v1 =	vsel vm5, v61, v1;
	vm6 =	vgt.f32 v3, v2  }
0x1b3: {  	v1 =	vsel vm6, v62, v1  }
0x1b4: {  	v1 =	vsub.f32 $0.0e+00, v1;
	_ =	sdelay $0x1  }
0x1b5: {  	v1 =	vmul.f32 $1.442695020e+00, v1;
	_ =	sdelay $0x1  }
0x1b6: {  	(erf) = vpow2.f32 v1;
	_ =	sdelay $0x8  }
0x1b7: {  	v1 =	vpop (erf)  }
0x1b8: {  	v1 =	vadd.f32 $1.000000000e+00, v1;
	_ =	sdelay $0x1  }
0x1b9: {  	(erf) = vrcp.f32 v1;
	_ =	sdelay $0x2  }
0x1ba: {  	s0 =	sor.u32 s4, s0  }
0x1bb: {  	s25 =	sor.u32 $0x180, s0;
	v1 =	vsel vm0, $0x1, v0  }
0x1bc: {  	v2 =	vld [tilespmem:s25+$0x10000];
	v1 =	vsel vm1, $0x2, v1  }
0x1bd: {  	v1 =	vsel vm2, $0x3, v1  }
0x1be: {  	p2 =	por $0x1, $0x1;
	v1 =	vsel vm3, $0x4, v1  }
.Ltmp6:
0x1bf: {  	v1 =	vsel vm4, $0x5, v1;
	(pc) =	sbr.rel @!p2 .LBB2_11-.Ltmp6, $4  }
0x1c0: {  	v1 =	vsel vm5, $0x6, v1;
	v3 =	vpop (erf)  }
0x1c1: {  	s26 =	simm.s32 $0x0;
	p3 =	por $0x0, $0x0;
	v1 =	vsel vm6, $0x7, v1;
	v2 =	vmul.f32 v3, v2  }
0x1c2: {  	p4 =	por $0x0, $0x0;
	s28 =	sand.u32 $0x70, s26;
	s0 =	sand.u32 $0xC00, s26;
	[tilespmem:s25+$0x14000] =	vst v1  }
0x1c3: {  	p1 =	por $0x0, $0x0;
	s4 =	simm.s32 $0x10;
	s0 =	sor.u32 s28, s0;
	[tilespmem:s25+$0x12000] =	vst v2  }
0x1c4: {  	v6 =	vld [tilespmem:s0+$0x4000]  }
0x1c5: {  	v1 =	vld [tilespmem:s0+$0x4080];
	_ =	sdelay $0x1  }
0x1c6: {  	v2 =	vld [tilespmem:s0+$0x4100];
	_ =	sdelay $0x1  }
0x1c7: {  	v4 =	vld [tilespmem:s0+$0x4180]  }
0x1c8: {  	v3 =	vand.u32 $0x7FFFFFFF, v6;
	v7 =	vand.u32 $0x7FFFFFFF, v1  }
0x1c9: {  	v5 =	vld [tilespmem:s0+$0x4200];
	vm1 =	vgt.f32 v7, v3  }
0x1ca: {  	p5 =	por $0x1, $0x1;
	v3 =	vsel vm1, v7, v3;
	v7 =	vand.u32 $0x7FFFFFFF, v2  }
.Ltmp7:
0x1cb: {  	vm2 =	vgt.f32 v7, v3;
	(pc) =	sbr.rel @!p5 .LBB2_13-.Ltmp7, $4  }
0x1cc: {  	v8 =	vand.u32 $0x7FFFFFFF, v4;
	v3 =	vsel vm2, v7, v3  }
0x1cd: {  	s8 =	simm.s32 $0x80;
	v9 =	vsel vm1, $0x1, v0;
	v7 =	vld [tilespmem:s0+$0x4280];
	vm3 =	vgt.f32 v8, v3  }
0x1ce: {  	s9 =	sand.u32 $0x70, s4;
	s8 =	sand.u32 $0xC00, s8;
	v12 =	vand.u32 $0x7FFFFFFF, v5;
	v10 =	vsel vm2, $0x2, v9;
	v9 =	vld [tilespmem:s0+$0x4300];
	v11 =	vsel vm3, v8, v3  }
0x1cf: {  	p3 =	por $0x1, $0x1;
	s8 =	sor.u32 s9, s8;
	s9 =	simm.s32 $0x20;
	v8 =	vsel vm3, $0x3, v10;
	v10 =	vld [tilespmem:s0+$0x4380];
	vm0 =	vgt.f32 v12, v11  }
0x1d0: {  	_ = 	snop  }
0x1d1: {  	v3 =	vsel vm1, v1, v6;
	v1 =	vld [tilespmem:s8+$0x4080]  }
0x1d2: {  	v13 =	vld [tilespmem:s8+$0x4000];
	v6 =	vsel vm0, v12, v11;
	v2 =	vsel vm2, v2, v3;
	v11 =	vand.u32 $0x7FFFFFFF, v7  }
0x1d3: {  	v3 =	vsel vm3, v4, v2;
	vm2 =	vgt.f32 v11, v6  }
0x1d4: {  	v2 =	vld [tilespmem:s8+$0x4100];
	v3 =	vsel vm0, v5, v3;
	v4 =	vsel vm2, v11, v6;
	v6 =	vand.u32 $0x7FFFFFFF, v9  }
0x1d5: {  	v3 =	vsel vm2, v7, v3;
	vm5 =	vgt.f32 v6, v4  }
0x1d6: {  	v7 =	vand.u32 $0x7FFFFFFF, v1;
	v5 =	vsel vm5, v6, v4;
	v6 =	vand.u32 $0x7FFFFFFF, v10;
	v4 =	vld [tilespmem:s8+$0x4180]  }
0x1d7: {  	v3 =	vsel vm5, v9, v3;
	vm4 =	vgt.f32 v6, v5;
	v6 =	vand.u32 $0x7FFFFFFF, v13  }
0x1d8: {  	v8 =	vsel vm0, $0x4, v8;
	v5 =	vld [tilespmem:s8+$0x4200];
	v3 =	vsel vm4, v10, v3;
	vm1 =	vgt.f32 v7, v6  }
0x1d9: {  	p5 =	por $0x1, $0x1;
	v3 =	vsub.f32 $0.0e+00, v3;
	v6 =	vsel vm1, v7, v6;
	v7 =	vand.u32 $0x7FFFFFFF, v2  }
.Ltmp8:
0x1da: {  	v8 =	vsel vm2, $0x5, v8;
	v9 =	vsel vm1, $0x1, v0;
	vm2 =	vgt.f32 v7, v6;
	(pc) =	sbr.rel @!p5 .LBB2_15-.Ltmp8, $4  }
0x1db: {  	v3 =	vmul.f32 $1.442695020e+00, v3;
	v6 =	vsel vm2, v7, v6;
	v10 =	vand.u32 $0x7FFFFFFF, v4  }
0x1dc: {  	s10 =	simm.s32 $0x100;
	v15 =	vsel vm5, $0x6, v8;
	v7 =	vld [tilespmem:s8+$0x4280];
	v14 =	vsel vm2, $0x2, v9;
	vm3 =	vgt.f32 v10, v6  }
0x1dd: {  	s9 =	sand.u32 $0x70, s9;
	s10 =	sand.u32 $0xC00, s10;
	v9 =	vld [tilespmem:s8+$0x4300];
	v12 =	vand.u32 $0x7FFFFFFF, v5;
	(erf) = vpow2.f32 v3;
	v11 =	vsel vm3, v10, v6  }
0x1de: {  	p4 =	por $0x1, $0x1;
	s10 =	sor.u32 s9, s10;
	s9 =	simm.s32 $0x30;
	v8 =	vsel vm3, $0x3, v14;
	v10 =	vld [tilespmem:s8+$0x4380];
	v3 =	vsel vm4, $0x7, v15;
	vm0 =	vgt.f32 v12, v11  }
0x1df: {  	_ =	sdelay $0x1  }
0x1e0: {  	v13 =	vsel vm1, v1, v13;
	v11 =	vsel vm0, v12, v11;
	v12 =	vand.u32 $0x7FFFFFFF, v7  }
0x1e1: {  	v6 =	vld [tilespmem:s10+$0x4000];
	[tilespmem:s0+$0x14200] =	vst v3;
	v2 =	vsel vm2, v2, v13;
	vm1 =	vgt.f32 v12, v11  }
0x1e2: {  	v1 =	vld [tilespmem:s10+$0x4080];
	v4 =	vsel vm3, v4, v2;
	v11 =	vsel vm1, v12, v11;
	v12 =	vand.u32 $0x7FFFFFFF, v9  }
0x1e3: {  	v4 =	vsel vm0, v5, v4;
	vm5 =	vgt.f32 v12, v11  }
0x1e4: {  	v2 =	vld [tilespmem:s10+$0x4100];
	v5 =	vsel vm1, v7, v4;
	v7 =	vsel vm5, v12, v11;
	v11 =	vand.u32 $0x7FFFFFFF, v10  }
0x1e5: {  	v8 =	vsel vm0, $0x4, v8  }
0x1e6: {  	v4 =	vld [tilespmem:s10+$0x4180];
	v8 =	vsel vm1, $0x5, v8;
	v5 =	vsel vm5, v9, v5;
	vm4 =	vgt.f32 v11, v7  }
0x1e7: {  	v9 =	vand.u32 $0x7FFFFFFF, v1;
	v7 =	vand.u32 $0x7FFFFFFF, v6;
	v10 =	vsel vm4, v10, v5;
	v11 =	vpop (erf)  }
0x1e8: {  	vm1 =	vgt.f32 v9, v7;
	v5 =	vld [tilespmem:s10+$0x4200];
	v10 =	vsub.f32 $0.0e+00, v10;
	v11 =	vadd.f32 $1.000000000e+00, v11  }
0x1e9: {  	p6 =	por $0x1, $0x1;
	v12 =	vand.u32 $0x7FFFFFFF, v2;
	v9 =	vsel vm1, v9, v7  }
.Ltmp9:
0x1ea: {  	v7 =	vld [tilespmem:s10+$0x4280];
	vm2 =	vgt.f32 v12, v9;
	v10 =	vmul.f32 $1.442695020e+00, v10;
	(erf) = vrcp.f32 v11;
	(pc) =	sbr.rel @!p6 .LBB2_17-.Ltmp9, $4  }
0x1eb: {  	v15 =	vsel vm5, $0x6, v8;
	v11 =	vsel vm2, v12, v9;
	v12 =	vand.u32 $0x7FFFFFFF, v4  }
0x1ec: {  	s13 =	simm.s32 $0x180;
	v13 =	vsel vm1, $0x1, v0;
	v9 =	vld [tilespmem:s10+$0x4300];
	vm3 =	vgt.f32 v12, v11;
	(erf) = vpow2.f32 v10  }
0x1ed: {  	s9 =	sand.u32 $0x70, s9;
	s16 =	simm.s32 $0x40;
	s11 =	sand.u32 $0xC00, s13;
	v14 =	vsel vm2, $0x2, v13;
	v13 =	vld [tilespmem:s0+$0x10200];
	v11 =	vsel vm3, v12, v11;
	v12 =	vand.u32 $0x7FFFFFFF, v5  }
0x1ee: {  	p5 =	por $0x1, $0x1;
	s9 =	sor.u32 s9, s11;
	s11 =	smov.u32 s0;
	v10 =	vld [tilespmem:s10+$0x4380];
	v8 =	vsel vm3, $0x3, v14;
	v14 =	vsel vm4, $0x7, v15;
	vm0 =	vgt.f32 v12, v11  }
.LBB2_18:
0x1ef: {  	p6 =	sne.s32 s16, $0x1F0;
	v15 =	vsel vm1, v1, v6;
	v6 =	vld [tilespmem:s9+$0x4000];
	v11 =	vsel vm0, v12, v11;
	v12 =	vand.u32 $0x7FFFFFFF, v7;
	[tilespmem:s8+$0x14200] =	vst v14  }
0x1f0: {  	v8 =	vsel vm0, $0x4, v8;
	v1 =	vld [tilespmem:s9+$0x4080];
	v2 =	vsel vm2, v2, v15;
	vm1 =	vgt.f32 v12, v11  }
0x1f1: {  	v4 =	vsel vm3, v4, v2;
	v11 =	vsel vm1, v12, v11;
	v14 =	vand.u32 $0x7FFFFFFF, v9  }
0x1f2: {  	v8 =	vsel vm1, $0x5, v8;
	v2 =	vld [tilespmem:s9+$0x4100];
	v4 =	vsel vm0, v5, v4;
	vm0 =	vgt.f32 v14, v11  }
0x1f3: {  	v5 =	vsel vm1, v7, v4;
	v7 =	vsel vm0, v14, v11;
	v11 =	vand.u32 $0x7FFFFFFF, v10;
	v12 =	vpop (erf)  }
0x1f4: {  	v4 =	vld [tilespmem:s9+$0x4180];
	v5 =	vsel vm0, v9, v5;
	vm4 =	vgt.f32 v11, v7;
	v7 =	vmul.f32 v12, v13  }
0x1f5: {  	v9 =	vand.u32 $0x7FFFFFFF, v6;
	v11 =	vand.u32 $0x7FFFFFFF, v1;
	v10 =	vsel vm4, v10, v5;
	v12 =	vpop (erf)  }
0x1f6: {  	vm1 =	vgt.f32 v11, v9;
	v5 =	vld [tilespmem:s9+$0x4200];
	v10 =	vsub.f32 $0.0e+00, v10;
	v12 =	vadd.f32 $1.000000000e+00, v12;
	[tilespmem:s11+$0x12200] =	vst v7;
	s11 =	smov.u32 s8;
	s8 =	smov.u32 s10;
	s10 =	smov.u32 s9  }
0x1f7: {  	v9 =	vsel vm1, v11, v9;
	v11 =	vsel vm1, $0x1, v0;
	v13 =	vand.u32 $0x7FFFFFFF, v2  }
.Ltmp10:
0x1f8: {  	vm2 =	vgt.f32 v13, v9;
	v7 =	vld [tilespmem:s10+$0x4280];
	v10 =	vmul.f32 $1.442695020e+00, v10;
	(erf) = vrcp.f32 v12;
	(pc) =	sbr.rel @p6 .LBB2_18-.Ltmp10, $4  }
0x1f9: {  	v12 =	vsel vm2, v13, v9;
	v13 =	vsel vm2, $0x2, v11;
	v11 =	vand.u32 $0x7FFFFFFF, v4  }
0x1fa: {  	s13 =	sadd.s32 $0x80, s13;
	v14 =	vsel vm0, $0x6, v8;
	vm3 =	vgt.f32 v11, v12;
	v9 =	vld [tilespmem:s10+$0x4300];
	(erf) = vpow2.f32 v10  }
0x1fb: {  	s17 =	sand.u32 $0xC00, s13;
	s9 =	sand.u32 $0x70, s16;
	v11 =	vsel vm3, v11, v12;
	v8 =	vsel vm3, $0x3, v13;
	v12 =	vand.u32 $0x7FFFFFFF, v5;
	v13 =	vld [tilespmem:s11+$0x10200]  }
0x1fc: {  	v14 =	vsel vm4, $0x7, v14;
	s16 =	sadd.s32 $0x10, s16;
	s9 =	sor.u32 s9, s17;
	vm0 =	vgt.f32 v12, v11;
	v10 =	vld [tilespmem:s10+$0x4380]  }
0x1fd: {  	s13 =	smov.u32 s8;
	s8 =	smov.u32 s10  }
.LBB2_20:
0x1fe: {  	v15 =	vld [tilespmem:s9+$0x4000];
	v1 =	vsel @p3 vm1, v1, v6;
	v6 =	vsel @p3 vm0, v12, v11;
	v11 =	vand.u32 @p3 $0x7FFFFFFF, v7;
	[tilespmem:s13+$0x14200] =	vst @p4 v14  }
0x1ff: {  	v51 =	vld [tilespmem:s9+$0x4080];
	v1 =	vsel @p3 vm2, v2, v1;
	vm1 =	vgt.f32 @p3 v11, v6  }
0x200: {  	v1 =	vsel @p3 vm3, v4, v1;
	v2 =	vsel @p3 vm1, v11, v6;
	v4 =	vand.u32 @p3 $0x7FFFFFFF, v9  }
0x201: {  	v52 =	vld [tilespmem:s9+$0x4100];
	v1 =	vsel @p3 vm0, v5, v1;
	vm2 =	vgt.f32 @p3 v4, v2  }
0x202: {  	v1 =	vsel @p3 vm1, v7, v1;
	v2 =	vsel @p3 vm2, v4, v2;
	v4 =	vand.u32 @p3 $0x7FFFFFFF, v10  }
0x203: {  	v53 =	vld [tilespmem:s9+$0x4180];
	v5 =	vpop @p5 (erf);
	v1 =	vsel @p3 vm2, v9, v1;
	vm5 =	vgt.f32 @p3 v4, v2  }
0x204: {  	v2 =	vmul.f32 @p5 v5, v13;
	v54 =	vand.u32 $0x7FFFFFFF, v15;
	v55 =	vand.u32 $0x7FFFFFFF, v51  }
0x205: {  	v56 =	vld [tilespmem:s9+$0x4200];
	v1 =	vsel @p3 vm5, v10, v1;
	vm15 =	vgt.f32 v55, v54  }
0x206: {  	v10 =	vpop @p4 (erf);
	v57 =	vand.u32 $0x7FFFFFFF, v52;
	v1 =	vsub.f32 @p3 $0.0e+00, v1;
	[tilespmem:s11+$0x12200] =	vst @p5 v2;
	v2 =	vsel vm15, v55, v54  }
0x207: {  	v5 =	vadd.f32 @p4 $1.000000000e+00, v10;
	v58 =	vld [tilespmem:s9+$0x4280];
	vm4 =	vgt.f32 v57, v2  }
0x208: {  	v59 =	vand.u32 $0x7FFFFFFF, v53;
	v1 =	vmul.f32 @p3 $1.442695020e+00, v1;
	v2 =	vsel vm4, v57, v2  }
0x209: {  	v60 =	vld [tilespmem:s9+$0x4300];
	(erf) = vrcp.f32 @p4 v5;
	vm6 =	vgt.f32 v59, v2  }
0x20a: {  	(erf) = vpow2.f32 @p3 v1;
	v1 =	vsel vm6, v59, v2;
	v2 =	vand.u32 $0x7FFFFFFF, v56  }
0x20b: {  	vm7 =	vgt.f32 v2, v1  }
0x20c: {  	v61 =	vld [tilespmem:s9+$0x4380];
	v1 =	vsel vm7, v2, v1;
	v2 =	vand.u32 $0x7FFFFFFF, v58  }
0x20d: {  	v62 =	vsel vm15, v51, v15;
	vm8 =	vgt.f32 v2, v1  }
0x20e: {  	v6 =	vsel vm4, v52, v62;
	v1 =	vsel vm8, v2, v1;
	v2 =	vand.u32 $0x7FFFFFFF, v60  }
0x20f: {  	v6 =	vsel vm6, v53, v6;
	vm9 =	vgt.f32 v2, v1  }
0x210: {  	v6 =	vsel vm7, v56, v6;
	v1 =	vsel vm9, v2, v1  }
0x211: {  	v6 =	vsel vm8, v58, v6;
	v2 =	vand.u32 $0x7FFFFFFF, v61  }
0x212: {  	v5 =	vsel vm9, v60, v6;
	vm10 =	vgt.f32 v2, v1  }
0x213: {  	v2 =	vsel vm10, v61, v5;
	v1 =	vpop @p4 (erf)  }
0x214: {  	v2 =	vsub.f32 $0.0e+00, v2;
	v4 =	vpop @p3 (erf)  }
0x215: {  	v4 =	vadd.f32 @p3 $1.000000000e+00, v4  }
0x216: {  	s10 =	smov.u32 @p4 s13;
	v2 =	vmul.f32 $1.442695020e+00, v2  }
0x217: {  	v5 =	vld @p4 [tilespmem:s10+$0x10200];
	(erf) = vrcp.f32 @p3 v4  }
0x218: {  	(erf) = vpow2.f32 v2  }
0x219: {  	v2 =	vsel @p3 vm0, $0x4, v8  }
0x21a: {  	v2 =	vsel @p3 vm1, $0x5, v2  }
0x21b: {  	v2 =	vsel @p3 vm2, $0x6, v2  }
0x21c: {  	s11 =	smov.u32 s0;
	v4 =	vpsel p4, v5, v0;
	v2 =	vsel @p3 vm5, $0x7, v2  }
0x21d: {  	s11 =	smov.u32 @p3 s8;
	v1 =	vmul.f32 @p4 v1, v4;
	v2 =	vpsel p3, v2, v3  }
0x21e: {  	s8 =	smov.u32 @p4 s10;
	[tilespmem:s11+$0x14200] =	vst @p3 v2  }
0x21f: {  	[tilespmem:s8+$0x12200] =	vst @p4 v1;
	s8 =	smov.u32 @p3 s11  }
0x220: {  	v1 =	vsel vm15, $0x1, v0;
	v2 =	vld @p3 [tilespmem:s8+$0x10200];
	v3 =	vpop @p3 (erf)  }
0x221: {  	v1 =	vsel vm4, $0x2, v1;
	v63 =	vpop (erf)  }
0x222: {  	v1 =	vsel vm6, $0x3, v1;
	v4 =	vadd.f32 $1.000000000e+00, v63  }
0x223: {  	v1 =	vsel vm7, $0x4, v1  }
0x224: {  	v1 =	vsel vm8, $0x5, v1;
	(erf) = vrcp.f32 v4  }
0x225: {  	v1 =	vsel vm9, $0x6, v1;
	v2 =	vpsel p3, v2, v0  }
0x226: {  	v1 =	vsel vm10, $0x7, v1;
	v2 =	vmul.f32 @p3 v3, v2  }
0x227: {  	s8 =	smov.u32 @p3 s8;
	[tilespmem:s9+$0x14200] =	vst v1  }
0x228: {  	[tilespmem:s8+$0x12200] =	vst @p3 v2  }
0x229: {  	v1 =	vld [tilespmem:s9+$0x10200];
	_ =	sdelay $0x2  }
.Ltmp11:
0x22a: {  	_ = 	snop;
	(pc) =	sbr.rel @!p2 .LBB2_21-.Ltmp11, $3  }
0x22b: {  	v2 =	vpop (erf)  }
0x22c: {  	v1 =	vmul.f32 v2, v1;
	_ =	sdelay $0x1  }
0x22d: {  	[tilespmem:s9+$0x12200] =	vst v1  }
0x22e: {  	v6 =	vld [tilespmem:s0+$0x5000]  }
0x22f: {  	v1 =	vld [tilespmem:s0+$0x5080];
	_ =	sdelay $0x1  }
0x230: {  	v2 =	vld [tilespmem:s0+$0x5100];
	_ =	sdelay $0x1  }
0x231: {  	v4 =	vld [tilespmem:s0+$0x5180]  }
0x232: {  	v3 =	vand.u32 $0x7FFFFFFF, v6;
	v7 =	vand.u32 $0x7FFFFFFF, v1  }
0x233: {  	v5 =	vld [tilespmem:s0+$0x5200];
	vm1 =	vgt.f32 v7, v3  }
0x234: {  	p3 =	por $0x1, $0x1;
	v3 =	vsel vm1, v7, v3;
	v7 =	vand.u32 $0x7FFFFFFF, v2  }
.Ltmp12:
0x235: {  	vm2 =	vgt.f32 v7, v3;
	(pc) =	sbr.rel @!p3 .LBB2_23-.Ltmp12, $4  }
0x236: {  	v8 =	vand.u32 $0x7FFFFFFF, v4;
	v3 =	vsel vm2, v7, v3  }
0x237: {  	s8 =	simm.s32 $0x80;
	v9 =	vsel vm1, $0x1, v0;
	v7 =	vld [tilespmem:s0+$0x5280];
	vm3 =	vgt.f32 v8, v3  }
0x238: {  	s4 =	sand.u32 $0x70, s4;
	s8 =	sand.u32 $0xC00, s8;
	v12 =	vand.u32 $0x7FFFFFFF, v5;
	v10 =	vsel vm2, $0x2, v9;
	v9 =	vld [tilespmem:s0+$0x5300];
	v11 =	vsel vm3, v8, v3  }
0x239: {  	p2 =	por $0x1, $0x1;
	s4 =	sor.u32 s4, s8;
	s8 =	simm.s32 $0x20;
	v8 =	vsel vm3, $0x3, v10;
	v10 =	vld [tilespmem:s0+$0x5380];
	vm0 =	vgt.f32 v12, v11  }
0x23a: {  	_ = 	snop  }
0x23b: {  	v3 =	vsel vm1, v1, v6;
	v1 =	vld [tilespmem:s4+$0x5080]  }
0x23c: {  	v13 =	vld [tilespmem:s4+$0x5000];
	v6 =	vsel vm0, v12, v11;
	v2 =	vsel vm2, v2, v3;
	v11 =	vand.u32 $0x7FFFFFFF, v7  }
0x23d: {  	v3 =	vsel vm3, v4, v2;
	vm2 =	vgt.f32 v11, v6  }
0x23e: {  	v2 =	vld [tilespmem:s4+$0x5100];
	v3 =	vsel vm0, v5, v3;
	v4 =	vsel vm2, v11, v6;
	v6 =	vand.u32 $0x7FFFFFFF, v9  }
0x23f: {  	v3 =	vsel vm2, v7, v3;
	vm5 =	vgt.f32 v6, v4  }
0x240: {  	v7 =	vand.u32 $0x7FFFFFFF, v1;
	v5 =	vsel vm5, v6, v4;
	v6 =	vand.u32 $0x7FFFFFFF, v10;
	v4 =	vld [tilespmem:s4+$0x5180]  }
0x241: {  	v3 =	vsel vm5, v9, v3;
	vm4 =	vgt.f32 v6, v5;
	v6 =	vand.u32 $0x7FFFFFFF, v13  }
0x242: {  	v8 =	vsel vm0, $0x4, v8;
	v5 =	vld [tilespmem:s4+$0x5200];
	v3 =	vsel vm4, v10, v3;
	vm1 =	vgt.f32 v7, v6  }
0x243: {  	p4 =	por $0x1, $0x1;
	v3 =	vsub.f32 $0.0e+00, v3;
	v6 =	vsel vm1, v7, v6;
	v7 =	vand.u32 $0x7FFFFFFF, v2  }
.Ltmp13:
0x244: {  	v8 =	vsel vm2, $0x5, v8;
	v9 =	vsel vm1, $0x1, v0;
	vm2 =	vgt.f32 v7, v6;
	(pc) =	sbr.rel @!p4 .LBB2_25-.Ltmp13, $4  }
0x245: {  	v3 =	vmul.f32 $1.442695020e+00, v3;
	v6 =	vsel vm2, v7, v6;
	v10 =	vand.u32 $0x7FFFFFFF, v4  }
0x246: {  	s9 =	simm.s32 $0x100;
	v15 =	vsel vm5, $0x6, v8;
	v7 =	vld [tilespmem:s4+$0x5280];
	v14 =	vsel vm2, $0x2, v9;
	vm3 =	vgt.f32 v10, v6  }
0x247: {  	s8 =	sand.u32 $0x70, s8;
	s9 =	sand.u32 $0xC00, s9;
	v9 =	vld [tilespmem:s4+$0x5300];
	v12 =	vand.u32 $0x7FFFFFFF, v5;
	(erf) = vpow2.f32 v3;
	v11 =	vsel vm3, v10, v6  }
0x248: {  	p3 =	por $0x1, $0x1;
	s8 =	sor.u32 s8, s9;
	s9 =	simm.s32 $0x30;
	v8 =	vsel vm3, $0x3, v14;
	v10 =	vld [tilespmem:s4+$0x5380];
	v3 =	vsel vm4, $0x7, v15;
	vm0 =	vgt.f32 v12, v11  }
0x249: {  	_ =	sdelay $0x1  }
0x24a: {  	v13 =	vsel vm1, v1, v13;
	v11 =	vsel vm0, v12, v11;
	v12 =	vand.u32 $0x7FFFFFFF, v7  }
0x24b: {  	v6 =	vld [tilespmem:s8+$0x5000];
	[tilespmem:s0+$0x14280] =	vst v3;
	v2 =	vsel vm2, v2, v13;
	vm1 =	vgt.f32 v12, v11  }
0x24c: {  	v1 =	vld [tilespmem:s8+$0x5080];
	v4 =	vsel vm3, v4, v2;
	v11 =	vsel vm1, v12, v11;
	v12 =	vand.u32 $0x7FFFFFFF, v9  }
0x24d: {  	v4 =	vsel vm0, v5, v4;
	vm5 =	vgt.f32 v12, v11  }
0x24e: {  	v2 =	vld [tilespmem:s8+$0x5100];
	v5 =	vsel vm1, v7, v4;
	v7 =	vsel vm5, v12, v11;
	v11 =	vand.u32 $0x7FFFFFFF, v10  }
0x24f: {  	v8 =	vsel vm0, $0x4, v8  }
0x250: {  	v4 =	vld [tilespmem:s8+$0x5180];
	v8 =	vsel vm1, $0x5, v8;
	v5 =	vsel vm5, v9, v5;
	vm4 =	vgt.f32 v11, v7  }
0x251: {  	v9 =	vand.u32 $0x7FFFFFFF, v1;
	v7 =	vand.u32 $0x7FFFFFFF, v6;
	v10 =	vsel vm4, v10, v5;
	v11 =	vpop (erf)  }
0x252: {  	vm1 =	vgt.f32 v9, v7;
	v5 =	vld [tilespmem:s8+$0x5200];
	v10 =	vsub.f32 $0.0e+00, v10;
	v11 =	vadd.f32 $1.000000000e+00, v11  }
0x253: {  	p4 =	por $0x1, $0x1;
	v12 =	vand.u32 $0x7FFFFFFF, v2;
	v9 =	vsel vm1, v9, v7  }
.Ltmp14:
0x254: {  	v7 =	vld [tilespmem:s8+$0x5280];
	vm2 =	vgt.f32 v12, v9;
	v10 =	vmul.f32 $1.442695020e+00, v10;
	(erf) = vrcp.f32 v11;
	(pc) =	sbr.rel @!p4 .LBB2_27-.Ltmp14, $4  }
0x255: {  	v15 =	vsel vm5, $0x6, v8;
	v11 =	vsel vm2, v12, v9;
	v12 =	vand.u32 $0x7FFFFFFF, v4  }
0x256: {  	s11 =	simm.s32 $0x180;
	v13 =	vsel vm1, $0x1, v0;
	v9 =	vld [tilespmem:s8+$0x5300];
	vm3 =	vgt.f32 v12, v11;
	(erf) = vpow2.f32 v10  }
0x257: {  	s9 =	sand.u32 $0x70, s9;
	s13 =	simm.s32 $0x40;
	s10 =	sand.u32 $0xC00, s11;
	v14 =	vsel vm2, $0x2, v13;
	v13 =	vld [tilespmem:s0+$0x10280];
	v11 =	vsel vm3, v12, v11;
	v12 =	vand.u32 $0x7FFFFFFF, v5  }
0x258: {  	p1 =	por $0x1, $0x1;
	s9 =	sor.u32 s9, s10;
	s10 =	smov.u32 s0;
	v10 =	vld [tilespmem:s8+$0x5380];
	v8 =	vsel vm3, $0x3, v14;
	v14 =	vsel vm4, $0x7, v15;
	vm0 =	vgt.f32 v12, v11  }
.LBB2_28:
0x259: {  	p4 =	sne.s32 s13, $0x1F0;
	v15 =	vsel vm1, v1, v6;
	v6 =	vld [tilespmem:s9+$0x5000];
	v11 =	vsel vm0, v12, v11;
	v12 =	vand.u32 $0x7FFFFFFF, v7;
	[tilespmem:s4+$0x14280] =	vst v14  }
0x25a: {  	v8 =	vsel vm0, $0x4, v8;
	v1 =	vld [tilespmem:s9+$0x5080];
	v2 =	vsel vm2, v2, v15;
	vm1 =	vgt.f32 v12, v11  }
0x25b: {  	v4 =	vsel vm3, v4, v2;
	v11 =	vsel vm1, v12, v11;
	v14 =	vand.u32 $0x7FFFFFFF, v9  }
0x25c: {  	v8 =	vsel vm1, $0x5, v8;
	v2 =	vld [tilespmem:s9+$0x5100];
	v4 =	vsel vm0, v5, v4;
	vm0 =	vgt.f32 v14, v11  }
0x25d: {  	v5 =	vsel vm1, v7, v4;
	v7 =	vsel vm0, v14, v11;
	v11 =	vand.u32 $0x7FFFFFFF, v10;
	v12 =	vpop (erf)  }
0x25e: {  	v4 =	vld [tilespmem:s9+$0x5180];
	v5 =	vsel vm0, v9, v5;
	vm4 =	vgt.f32 v11, v7;
	v7 =	vmul.f32 v12, v13  }
0x25f: {  	v9 =	vand.u32 $0x7FFFFFFF, v6;
	v11 =	vand.u32 $0x7FFFFFFF, v1;
	v10 =	vsel vm4, v10, v5;
	v12 =	vpop (erf)  }
0x260: {  	vm1 =	vgt.f32 v11, v9;
	v5 =	vld [tilespmem:s9+$0x5200];
	v10 =	vsub.f32 $0.0e+00, v10;
	v12 =	vadd.f32 $1.000000000e+00, v12;
	[tilespmem:s10+$0x12280] =	vst v7;
	s10 =	smov.u32 s4;
	s4 =	smov.u32 s8  }
0x261: {  	s8 =	smov.u32 s9;
	v9 =	vsel vm1, v11, v9;
	v11 =	vsel vm1, $0x1, v0;
	v13 =	vand.u32 $0x7FFFFFFF, v2  }
.Ltmp15:
0x262: {  	vm2 =	vgt.f32 v13, v9;
	v7 =	vld [tilespmem:s8+$0x5280];
	v10 =	vmul.f32 $1.442695020e+00, v10;
	(erf) = vrcp.f32 v12;
	(pc) =	sbr.rel @p4 .LBB2_28-.Ltmp15, $4  }
0x263: {  	v12 =	vsel vm2, v13, v9;
	v13 =	vsel vm2, $0x2, v11;
	v11 =	vand.u32 $0x7FFFFFFF, v4  }
0x264: {  	s11 =	sadd.s32 $0x80, s11;
	v14 =	vsel vm0, $0x6, v8;
	vm3 =	vgt.f32 v11, v12;
	v9 =	vld [tilespmem:s8+$0x5300];
	(erf) = vpow2.f32 v10  }
0x265: {  	s16 =	sand.u32 $0xC00, s11;
	s9 =	sand.u32 $0x70, s13;
	v11 =	vsel vm3, v11, v12;
	v8 =	vsel vm3, $0x3, v13;
	v12 =	vand.u32 $0x7FFFFFFF, v5;
	v13 =	vld [tilespmem:s10+$0x10280]  }
0x266: {  	v14 =	vsel vm4, $0x7, v14;
	s13 =	sadd.s32 $0x10, s13;
	s9 =	sor.u32 s9, s16;
	vm0 =	vgt.f32 v12, v11;
	v10 =	vld [tilespmem:s8+$0x5380]  }
0x267: {  	s11 =	smov.u32 s4;
	s4 =	smov.u32 s8  }
.LBB2_30:
0x268: {  	v15 =	vld [tilespmem:s9+$0x5000];
	v1 =	vsel @p2 vm1, v1, v6;
	v6 =	vsel @p2 vm0, v12, v11;
	v11 =	vand.u32 @p2 $0x7FFFFFFF, v7;
	[tilespmem:s11+$0x14280] =	vst @p3 v14  }
0x269: {  	v12 =	vld [tilespmem:s9+$0x5080];
	v1 =	vsel @p2 vm2, v2, v1;
	vm1 =	vgt.f32 @p2 v11, v6  }
0x26a: {  	v1 =	vsel @p2 vm3, v4, v1;
	v2 =	vsel @p2 vm1, v11, v6;
	v4 =	vand.u32 @p2 $0x7FFFFFFF, v9  }
0x26b: {  	v6 =	vld [tilespmem:s9+$0x5100];
	v1 =	vsel @p2 vm0, v5, v1;
	vm2 =	vgt.f32 @p2 v4, v2  }
0x26c: {  	v1 =	vsel @p2 vm1, v7, v1;
	v2 =	vsel @p2 vm2, v4, v2;
	v4 =	vand.u32 @p2 $0x7FFFFFFF, v10  }
0x26d: {  	v5 =	vpop @p1 (erf);
	v7 =	vld [tilespmem:s9+$0x5180];
	v1 =	vsel @p2 vm2, v9, v1;
	vm4 =	vgt.f32 @p2 v4, v2  }
0x26e: {  	v2 =	vmul.f32 @p1 v5, v13;
	v4 =	vand.u32 $0x7FFFFFFF, v15;
	v5 =	vand.u32 $0x7FFFFFFF, v12  }
0x26f: {  	v9 =	vld [tilespmem:s9+$0x5200];
	v1 =	vsel @p2 vm4, v10, v1;
	vm3 =	vgt.f32 v5, v4  }
0x270: {  	v10 =	vpop @p3 (erf);
	v1 =	vsub.f32 @p2 $0.0e+00, v1;
	[tilespmem:s10+$0x12280] =	vst @p1 v2;
	v2 =	vsel vm3, v5, v4;
	v4 =	vand.u32 $0x7FFFFFFF, v6  }
0x271: {  	v5 =	vadd.f32 @p3 $1.000000000e+00, v10;
	v10 =	vld [tilespmem:s9+$0x5280];
	vm5 =	vgt.f32 v4, v2  }
0x272: {  	v1 =	vmul.f32 @p2 $1.442695020e+00, v1;
	v2 =	vsel vm5, v4, v2;
	v4 =	vand.u32 $0x7FFFFFFF, v7  }
0x273: {  	(erf) = vrcp.f32 @p3 v5;
	v5 =	vld [tilespmem:s9+$0x5300];
	vm6 =	vgt.f32 v4, v2  }
0x274: {  	(erf) = vpow2.f32 @p2 v1;
	v1 =	vsel vm6, v4, v2;
	v2 =	vand.u32 $0x7FFFFFFF, v9  }
0x275: {  	vm7 =	vgt.f32 v2, v1  }
0x276: {  	v4 =	vld [tilespmem:s9+$0x5380];
	v1 =	vsel vm7, v2, v1;
	v2 =	vand.u32 $0x7FFFFFFF, v10  }
0x277: {  	v11 =	vsel vm3, v12, v15;
	vm8 =	vgt.f32 v2, v1  }
0x278: {  	v6 =	vsel vm5, v6, v11;
	v1 =	vsel vm8, v2, v1;
	v2 =	vand.u32 $0x7FFFFFFF, v5  }
0x279: {  	v6 =	vsel vm6, v7, v6;
	vm9 =	vgt.f32 v2, v1  }
0x27a: {  	v6 =	vsel vm7, v9, v6;
	v1 =	vsel vm9, v2, v1  }
0x27b: {  	v6 =	vsel vm8, v10, v6;
	v2 =	vand.u32 $0x7FFFFFFF, v4  }
0x27c: {  	v5 =	vsel vm9, v5, v6;
	vm10 =	vgt.f32 v2, v1  }
0x27d: {  	v2 =	vsel vm10, v4, v5;
	v1 =	vpop @p3 (erf)  }
0x27e: {  	v2 =	vsub.f32 $0.0e+00, v2;
	v4 =	vpop @p2 (erf)  }
0x27f: {  	v4 =	vadd.f32 @p2 $1.000000000e+00, v4  }
0x280: {  	s8 =	smov.u32 @p3 s11;
	v2 =	vmul.f32 $1.442695020e+00, v2  }
0x281: {  	v5 =	vld @p3 [tilespmem:s8+$0x10280];
	(erf) = vrcp.f32 @p2 v4  }
0x282: {  	(erf) = vpow2.f32 v2  }
0x283: {  	v2 =	vsel @p2 vm0, $0x4, v8  }
0x284: {  	v2 =	vsel @p2 vm1, $0x5, v2  }
0x285: {  	v2 =	vsel @p2 vm2, $0x6, v2  }
0x286: {  	v4 =	vpsel p3, v5, v0;
	v2 =	vsel @p2 vm4, $0x7, v2  }
0x287: {  	s0 =	smov.u32 @p2 s4;
	v1 =	vmul.f32 @p3 v1, v4;
	v2 =	vpsel p2, v2, v3  }
0x288: {  	s4 =	smov.u32 @p3 s8;
	[tilespmem:s0+$0x14280] =	vst @p2 v2  }
0x289: {  	[tilespmem:s4+$0x12280] =	vst @p3 v1  }
0x28a: {  	v1 =	vsel vm3, $0x1, v0;
	v2 =	vld @p2 [tilespmem:s0+$0x10280];
	v3 =	vpop @p2 (erf)  }
0x28b: {  	v1 =	vsel vm5, $0x2, v1;
	v4 =	vpop (erf)  }
0x28c: {  	v1 =	vsel vm6, $0x3, v1;
	v4 =	vadd.f32 $1.000000000e+00, v4  }
0x28d: {  	v1 =	vsel vm7, $0x4, v1  }
0x28e: {  	v1 =	vsel vm8, $0x5, v1;
	(erf) = vrcp.f32 v4  }
0x28f: {  	v1 =	vsel vm9, $0x6, v1;
	v2 =	vpsel p2, v2, v0  }
0x290: {  	v1 =	vsel vm10, $0x7, v1;
	v2 =	vmul.f32 @p2 v3, v2  }
0x291: {  	s0 =	smov.u32 @p2 s0;
	[tilespmem:s9+$0x14280] =	vst v1  }
0x292: {  	[tilespmem:s0+$0x12280] =	vst @p2 v2  }
0x293: {  	v1 =	vld [tilespmem:s9+$0x10280];
	_ =	sdelay $0x3  }
0x294: {  	v2 =	vpop (erf)  }
0x295: {  	s10 =	simm.s32 $0x0;
	v1 =	vmul.f32 v2, v1  }
0x296: {  	s13 =	sand.u32 $0xC00, s10;
	s8 =	sand.u32 $0x70, s10  }
0x297: {  	s25 =	sor.u32 s8, s13;
	[tilespmem:s9+$0x12280] =	vst v1  }
0x298: {  	v1 =	vld [tilespmem:s25+$0x6000]  }
0x299: {  	v2 =	vld [tilespmem:s25+$0x6080];
	_ =	sdelay $0x1  }
0x29a: {  	v3 =	vld [tilespmem:s25+$0x6100];
	_ =	sdelay $0x1  }
0x29b: {  	v4 =	vld [tilespmem:s25+$0x6180]  }
0x29c: {  	v5 =	vand.u32 $0x7FFFFFFF, v1;
	v6 =	vand.u32 $0x7FFFFFFF, v2  }
0x29d: {  	v7 =	vld [tilespmem:s25+$0x6200];
	vm0 =	vgt.f32 v6, v5  }
0x29e: {  	v5 =	vsel vm0, v6, v5;
	v6 =	vand.u32 $0x7FFFFFFF, v3  }
0x29f: {  	v8 =	vld [tilespmem:s25+$0x6280];
	vm1 =	vgt.f32 v6, v5  }
0x2a0: {  	v5 =	vsel vm1, v6, v5;
	v6 =	vand.u32 $0x7FFFFFFF, v4  }
0x2a1: {  	s4 =	simm.s32 $0x80;
	s0 =	simm.s32 $0x10;
	v9 =	vld [tilespmem:s25+$0x6300];
	vm2 =	vgt.f32 v6, v5  }
0x2a2: {  	s18 =	sand.u32 $0xC00, s4;
	s16 =	sand.u32 $0x70, s0;
	v5 =	vsel vm2, v6, v5;
	v6 =	vand.u32 $0x7FFFFFFF, v7  }
0x2a3: {  	s9 =	sor.u32 s16, s18;
	v10 =	vld [tilespmem:s25+$0x6380];
	vm3 =	vgt.f32 v6, v5  }
0x2a4: {  	v12 =	vld [tilespmem:s9+$0x6000];
	v1 =	vsel vm0, v2, v1;
	v2 =	vsel vm3, v6, v5;
	v5 =	vand.u32 $0x7FFFFFFF, v8  }
0x2a5: {  	v11 =	vsel vm0, $0x1, v0;
	v1 =	vsel vm1, v3, v1;
	v6 =	vld [tilespmem:s9+$0x6080];
	vm0 =	vgt.f32 v5, v2  }
0x2a6: {  	v1 =	vsel vm2, v4, v1;
	v4 =	vand.u32 $0x7FFFFFFF, v9;
	v2 =	vsel vm0, v5, v2  }
0x2a7: {  	v3 =	vsel vm1, $0x2, v11;
	v1 =	vsel vm3, v7, v1;
	v5 =	vld [tilespmem:s9+$0x6100];
	vm1 =	vgt.f32 v4, v2  }
0x2a8: {  	v1 =	vsel vm0, v8, v1;
	v2 =	vsel vm1, v4, v2;
	v4 =	vand.u32 $0x7FFFFFFF, v10  }
0x2a9: {  	v3 =	vsel vm2, $0x3, v3;
	v7 =	vld [tilespmem:s9+$0x6180];
	v1 =	vsel vm1, v9, v1;
	vm2 =	vgt.f32 v4, v2  }
0x2aa: {  	v2 =	vand.u32 $0x7FFFFFFF, v12;
	v4 =	vand.u32 $0x7FFFFFFF, v6;
	v1 =	vsel vm2, v10, v1  }
0x2ab: {  	v3 =	vsel vm3, $0x4, v3;
	v8 =	vld [tilespmem:s9+$0x6200];
	vm3 =	vgt.f32 v4, v2;
	v1 =	vsub.f32 $0.0e+00, v1  }
0x2ac: {  	v2 =	vsel vm3, v4, v2;
	v4 =	vand.u32 $0x7FFFFFFF, v5  }
0x2ad: {  	v3 =	vsel vm0, $0x5, v3;
	v9 =	vld [tilespmem:s9+$0x6280];
	vm0 =	vgt.f32 v4, v2;
	v1 =	vmul.f32 $1.442695020e+00, v1  }
0x2ae: {  	v2 =	vsel vm0, v4, v2;
	v4 =	vand.u32 $0x7FFFFFFF, v7  }
0x2af: {  	s11 =	simm.s32 $0x20;
	s17 =	simm.s32 $0x100;
	v3 =	vsel vm1, $0x6, v3;
	v10 =	vld [tilespmem:s9+$0x6300];
	vm4 =	vgt.f32 v4, v2;
	(erf) = vpow2.f32 v1  }
0x2b0: {  	s17 =	sand.u32 $0xC00, s17;
	s18 =	sand.u32 $0x70, s11;
	v3 =	vsel vm2, $0x7, v3;
	v2 =	vsel vm4, v4, v2;
	v4 =	vand.u32 $0x7FFFFFFF, v8  }
0x2b1: {  	s26 =	sor.u32 s18, s17;
	v11 =	vld [tilespmem:s9+$0x6380];
	v13 =	vsel vm3, $0x1, v0;
	v6 =	vsel vm3, v6, v12;
	vm1 =	vgt.f32 v4, v2  }
0x2b2: {  	v12 =	vand.u32 $0x7FFFFFFF, v9;
	v5 =	vsel vm0, v5, v6;
	v1 =	vld [tilespmem:s26+$0x6000];
	[tilespmem:s25+$0x14300] =	vst v3;
	v4 =	vsel vm1, v4, v2  }
0x2b3: {  	v3 =	vsel vm0, $0x2, v13;
	v5 =	vsel vm4, v7, v5;
	v2 =	vld [tilespmem:s26+$0x6080];
	vm0 =	vgt.f32 v12, v4  }
0x2b4: {  	v6 =	vand.u32 $0x7FFFFFFF, v10;
	v7 =	vsel vm4, $0x3, v3;
	v4 =	vsel vm0, v12, v4  }
0x2b5: {  	v3 =	vld [tilespmem:s26+$0x6100];
	v5 =	vsel vm1, v8, v5;
	v7 =	vsel vm1, $0x4, v7;
	vm5 =	vgt.f32 v6, v4  }
0x2b6: {  	v8 =	vand.u32 $0x7FFFFFFF, v11;
	v5 =	vsel vm0, v9, v5;
	v6 =	vsel vm5, v6, v4  }
0x2b7: {  	v4 =	vld [tilespmem:s26+$0x6180];
	v5 =	vsel vm5, v10, v5;
	v10 =	vsel vm0, $0x5, v7;
	vm4 =	vgt.f32 v8, v6  }
0x2b8: {  	v6 =	vand.u32 $0x7FFFFFFF, v1;
	v8 =	vand.u32 $0x7FFFFFFF, v2;
	v9 =	vsel vm4, v11, v5;
	v7 =	vpop (erf)  }
0x2b9: {  	vm1 =	vgt.f32 v8, v6;
	v5 =	vld [tilespmem:s26+$0x6200];
	v9 =	vsub.f32 $0.0e+00, v9;
	v11 =	vadd.f32 $1.000000000e+00, v7  }
0x2ba: {  	v6 =	vsel vm1, v8, v6;
	v8 =	vand.u32 $0x7FFFFFFF, v3  }
0x2bb: {  	vm2 =	vgt.f32 v8, v6;
	v7 =	vld [tilespmem:s26+$0x6280];
	v9 =	vmul.f32 $1.442695020e+00, v9;
	(erf) = vrcp.f32 v11  }
0x2bc: {  	v14 =	vsel vm5, $0x6, v10;
	v6 =	vsel vm2, v8, v6;
	v11 =	vand.u32 $0x7FFFFFFF, v4  }
0x2bd: {  	s20 =	simm.s32 $0x30;
	s17 =	simm.s32 $0x180;
	v12 =	vsel vm1, $0x1, v0;
	v8 =	vld [tilespmem:s26+$0x6300];
	vm3 =	vgt.f32 v11, v6;
	(erf) = vpow2.f32 v9  }
0x2be: {  	s18 =	sand.u32 $0x70, s20;
	s20 =	sand.u32 $0xC00, s17;
	v10 =	vld [tilespmem:s26+$0x6380];
	v13 =	vsel vm2, $0x2, v12;
	v12 =	vand.u32 $0x7FFFFFFF, v5;
	v11 =	vsel vm3, v11, v6  }
0x2bf: {  	s28 =	sor.u32 s18, s20;
	s18 =	simm.s32 $0x40;
	v9 =	vld [tilespmem:s25+$0x10300];
	v6 =	vsel vm3, $0x3, v13;
	v13 =	vsel vm4, $0x7, v14;
	vm0 =	vgt.f32 v12, v11  }
.LBB2_31:
0x2c0: {  	p1 =	sne.s32 s18, $0x1F0;
	v14 =	vsel vm1, v2, v1;
	v1 =	vld [tilespmem:s28+$0x6000];
	v11 =	vsel vm0, v12, v11;
	v12 =	vand.u32 $0x7FFFFFFF, v7;
	[tilespmem:s9+$0x14300] =	vst v13  }
0x2c1: {  	v6 =	vsel vm0, $0x4, v6;
	v2 =	vld [tilespmem:s28+$0x6080];
	v3 =	vsel vm2, v3, v14;
	vm1 =	vgt.f32 v12, v11  }
0x2c2: {  	v4 =	vsel vm3, v4, v3;
	v11 =	vsel vm1, v12, v11;
	v13 =	vand.u32 $0x7FFFFFFF, v8  }
0x2c3: {  	v6 =	vsel vm1, $0x5, v6;
	v3 =	vld [tilespmem:s28+$0x6100];
	v4 =	vsel vm0, v5, v4;
	vm0 =	vgt.f32 v13, v11  }
0x2c4: {  	v5 =	vsel vm1, v7, v4;
	v7 =	vsel vm0, v13, v11;
	v13 =	vand.u32 $0x7FFFFFFF, v10;
	v12 =	vpop (erf)  }
0x2c5: {  	v4 =	vld [tilespmem:s28+$0x6180];
	v5 =	vsel vm0, v8, v5;
	vm4 =	vgt.f32 v13, v7;
	v7 =	vmul.f32 v12, v9  }
0x2c6: {  	v8 =	vand.u32 $0x7FFFFFFF, v1;
	v9 =	vand.u32 $0x7FFFFFFF, v2;
	v10 =	vsel vm4, v10, v5;
	v11 =	vpop (erf)  }
0x2c7: {  	vm1 =	vgt.f32 v9, v8;
	v5 =	vld [tilespmem:s28+$0x6200];
	v10 =	vsub.f32 $0.0e+00, v10;
	v11 =	vadd.f32 $1.000000000e+00, v11;
	[tilespmem:s25+$0x12300] =	vst v7;
	s25 =	smov.u32 s9;
	s9 =	smov.u32 s26;
	s26 =	smov.u32 s28  }
0x2c8: {  	v8 =	vsel vm1, v9, v8;
	v9 =	vsel vm1, $0x1, v0;
	v12 =	vand.u32 $0x7FFFFFFF, v3  }
.Ltmp16:
0x2c9: {  	vm2 =	vgt.f32 v12, v8;
	v7 =	vld [tilespmem:s26+$0x6280];
	v10 =	vmul.f32 $1.442695020e+00, v10;
	(erf) = vrcp.f32 v11;
	(pc) =	sbr.rel @p1 .LBB2_31-.Ltmp16, $4  }
0x2ca: {  	v11 =	vsel vm2, v12, v8;
	v9 =	vsel vm2, $0x2, v9;
	v12 =	vand.u32 $0x7FFFFFFF, v4  }
0x2cb: {  	s17 =	sadd.s32 $0x80, s17;
	v13 =	vsel vm0, $0x6, v6;
	vm3 =	vgt.f32 v12, v11;
	v8 =	vld [tilespmem:s26+$0x6300];
	(erf) = vpow2.f32 v10  }
0x2cc: {  	s20 =	sand.u32 $0x70, s18;
	s28 =	sand.u32 $0xC00, s17;
	v11 =	vsel vm3, v12, v11;
	v6 =	vsel vm3, $0x3, v9;
	v12 =	vand.u32 $0x7FFFFFFF, v5;
	v9 =	vld [tilespmem:s25+$0x10300]  }
0x2cd: {  	s18 =	sadd.s32 $0x10, s18;
	v13 =	vsel vm4, $0x7, v13;
	s28 =	sor.u32 s20, s28;
	vm0 =	vgt.f32 v12, v11;
	v10 =	vld [tilespmem:s26+$0x6380]  }
0x2ce: {  	v14 =	vld [tilespmem:s28+$0x6000];
	v1 =	vsel vm1, v2, v1;
	v2 =	vsel vm0, v12, v11;
	v40 =	vand.u32 $0x7FFFFFFF, v7;
	[tilespmem:s9+$0x14300] =	vst v13  }
0x2cf: {  	v41 =	vld [tilespmem:s28+$0x6080];
	v1 =	vsel vm2, v3, v1;
	vm13 =	vgt.f32 v40, v2  }
0x2d0: {  	v1 =	vsel vm3, v4, v1;
	v2 =	vsel vm13, v40, v2;
	v3 =	vand.u32 $0x7FFFFFFF, v8  }
0x2d1: {  	v42 =	vld [tilespmem:s28+$0x6100];
	v1 =	vsel vm0, v5, v1;
	vm14 =	vgt.f32 v3, v2  }
0x2d2: {  	v1 =	vsel vm13, v7, v1;
	v2 =	vsel vm14, v3, v2;
	v3 =	vand.u32 $0x7FFFFFFF, v10  }
0x2d3: {  	v44 =	vld [tilespmem:s28+$0x6180];
	v43 =	vpop (erf);
	v1 =	vsel vm14, v8, v1;
	vm15 =	vgt.f32 v3, v2  }
0x2d4: {  	v2 =	vmul.f32 v43, v9;
	v3 =	vand.u32 $0x7FFFFFFF, v14;
	v45 =	vand.u32 $0x7FFFFFFF, v41  }
0x2d5: {  	v46 =	vld [tilespmem:s28+$0x6200];
	v1 =	vsel vm15, v10, v1;
	vm4 =	vgt.f32 v45, v3  }
0x2d6: {  	v47 =	vpop (erf);
	v1 =	vsub.f32 $0.0e+00, v1;
	[tilespmem:s25+$0x12300] =	vst v2;
	v2 =	vsel vm4, v45, v3;
	v3 =	vand.u32 $0x7FFFFFFF, v42  }
0x2d7: {  	v48 =	vadd.f32 $1.000000000e+00, v47;
	v49 =	vld [tilespmem:s28+$0x6280];
	vm5 =	vgt.f32 v3, v2  }
0x2d8: {  	v1 =	vmul.f32 $1.442695020e+00, v1;
	v2 =	vsel vm5, v3, v2;
	v3 =	vand.u32 $0x7FFFFFFF, v44  }
0x2d9: {  	v50 =	vld [tilespmem:s28+$0x6300];
	(erf) = vrcp.f32 v48;
	vm6 =	vgt.f32 v3, v2  }
0x2da: {  	(erf) = vpow2.f32 v1;
	v1 =	vsel vm6, v3, v2;
	v2 =	vand.u32 $0x7FFFFFFF, v46  }
0x2db: {  	vm7 =	vgt.f32 v2, v1  }
0x2dc: {  	v3 =	vld [tilespmem:s28+$0x6380];
	v1 =	vsel vm7, v2, v1;
	v2 =	vand.u32 $0x7FFFFFFF, v49  }
0x2dd: {  	v51 =	vsel vm4, v41, v14;
	vm8 =	vgt.f32 v2, v1  }
0x2de: {  	v4 =	vsel vm5, v42, v51;
	v1 =	vsel vm8, v2, v1;
	v2 =	vand.u32 $0x7FFFFFFF, v50  }
0x2df: {  	v4 =	vsel vm6, v44, v4;
	vm9 =	vgt.f32 v2, v1  }
0x2e0: {  	v4 =	vsel vm7, v46, v4;
	v1 =	vsel vm9, v2, v1  }
0x2e1: {  	v4 =	vsel vm8, v49, v4;
	v2 =	vand.u32 $0x7FFFFFFF, v3  }
0x2e2: {  	v4 =	vsel vm9, v50, v4;
	vm10 =	vgt.f32 v2, v1  }
0x2e3: {  	v2 =	vsel vm10, v3, v4;
	v1 =	vpop (erf)  }
0x2e4: {  	v2 =	vsub.f32 $0.0e+00, v2;
	v3 =	vpop (erf)  }
0x2e5: {  	v3 =	vadd.f32 $1.000000000e+00, v3  }
0x2e6: {  	v2 =	vmul.f32 $1.442695020e+00, v2  }
0x2e7: {  	(erf) = vrcp.f32 v3  }
0x2e8: {  	(erf) = vpow2.f32 v2;
	v2 =	vld [tilespmem:s9+$0x10300];
	_ =	sdelay $0x3  }
0x2e9: {  	v3 =	vsel vm0, $0x4, v6  }
0x2ea: {  	v3 =	vsel vm13, $0x5, v3;
	v1 =	vmul.f32 v1, v2  }
0x2eb: {  	v3 =	vsel vm14, $0x6, v3  }
0x2ec: {  	v3 =	vsel vm15, $0x7, v3  }
0x2ed: {  	[tilespmem:s26+$0x14300] =	vst v3  }
0x2ee: {  	v2 =	vsel vm4, $0x1, v0;
	[tilespmem:s9+$0x12300] =	vst v1;
	v1 =	vpop (erf)  }
0x2ef: {  	v2 =	vsel vm5, $0x2, v2;
	v3 =	vld [tilespmem:s26+$0x10300];
	v52 =	vpop (erf)  }
0x2f0: {  	v2 =	vsel vm6, $0x3, v2;
	v4 =	vadd.f32 $1.000000000e+00, v52  }
0x2f1: {  	v2 =	vsel vm7, $0x4, v2  }
0x2f2: {  	v2 =	vsel vm8, $0x5, v2;
	(erf) = vrcp.f32 v4  }
0x2f3: {  	v2 =	vsel vm9, $0x6, v2  }
0x2f4: {  	v2 =	vsel vm10, $0x7, v2;
	v1 =	vmul.f32 v1, v3  }
0x2f5: {  	[tilespmem:s28+$0x14300] =	vst v2  }
0x2f6: {  	[tilespmem:s26+$0x12300] =	vst v1  }
0x2f7: {  	v1 =	vld [tilespmem:s28+$0x10300];
	_ =	sdelay $0x3  }
0x2f8: {  	v2 =	vpop (erf)  }
0x2f9: {  	v1 =	vmul.f32 v2, v1;
	_ =	sdelay $0x1  }
0x2fa: {  	s8 =	sor.u32 s8, s13;
	[tilespmem:s28+$0x12300] =	vst v1  }
0x2fb: {  	v1 =	vld [tilespmem:s8+$0x7080]  }
0x2fc: {  	v2 =	vld [tilespmem:s8+$0x7000];
	_ =	sdelay $0x1  }
0x2fd: {  	v3 =	vld [tilespmem:s8+$0x7100];
	_ =	sdelay $0x1  }
0x2fe: {  	v53 =	vld [tilespmem:s8+$0x7180]  }
0x2ff: {  	v54 =	vand.u32 $0x7FFFFFFF, v1;
	v55 =	vand.u32 $0x7FFFFFFF, v2  }
0x300: {  	v56 =	vld [tilespmem:s8+$0x7200];
	vm9 =	vgt.f32 v54, v55  }
0x301: {  	v57 =	vand.u32 $0x7FFFFFFF, v3;
	v5 =	vsel vm9, v54, v55  }
0x302: {  	v58 =	vld [tilespmem:s8+$0x7280];
	vm10 =	vgt.f32 v57, v5  }
0x303: {  	v59 =	vand.u32 $0x7FFFFFFF, v53;
	v5 =	vsel vm10, v57, v5  }
0x304: {  	v60 =	vld [tilespmem:s8+$0x7300];
	vm11 =	vgt.f32 v59, v5  }
0x305: {  	v61 =	vand.u32 $0x7FFFFFFF, v56;
	v5 =	vsel vm11, v59, v5  }
0x306: {  	v62 =	vld [tilespmem:s8+$0x7380];
	vm12 =	vgt.f32 v61, v5  }
0x307: {  	v1 =	vsel vm9, v1, v2;
	v2 =	vand.u32 $0x7FFFFFFF, v58;
	v5 =	vsel vm12, v61, v5  }
0x308: {  	v1 =	vsel vm10, v3, v1;
	vm13 =	vgt.f32 v2, v5  }
0x309: {  	v3 =	vand.u32 $0x7FFFFFFF, v60;
	v1 =	vsel vm11, v53, v1;
	v2 =	vsel vm13, v2, v5  }
0x30a: {  	v1 =	vsel vm12, v56, v1;
	vm14 =	vgt.f32 v3, v2  }
0x30b: {  	v63 =	vand.u32 $0x7FFFFFFF, v62;
	v1 =	vsel vm13, v58, v1;
	v2 =	vsel vm14, v3, v2  }
0x30c: {  	v1 =	vsel vm14, v60, v1;
	vm15 =	vgt.f32 v63, v2  }
0x30d: {  	v1 =	vsel vm15, v62, v1  }
0x30e: {  	v1 =	vsub.f32 $0.0e+00, v1;
	_ =	sdelay $0x1  }
0x30f: {  	v1 =	vmul.f32 $1.442695020e+00, v1;
	_ =	sdelay $0x1  }
0x310: {  	(erf) = vpow2.f32 v1;
	_ =	sdelay $0x8  }
0x311: {  	v2 =	vpop (erf)  }
0x312: {  	v1 =	vsel vm9, $0x1, v0;
	v2 =	vadd.f32 $1.000000000e+00, v2  }
0x313: {  	v1 =	vsel vm10, $0x2, v1  }
0x314: {  	v1 =	vsel vm11, $0x3, v1;
	(erf) = vrcp.f32 v2  }
0x315: {  	v1 =	vsel vm12, $0x4, v1  }
0x316: {  	v1 =	vsel vm13, $0x5, v1  }
0x317: {  	s28 =	sor.u32 s10, s10;
	v1 =	vsel vm14, $0x6, v1  }
0x318: {  	s10 =	sor.u32 $0x380, s28;
	v1 =	vsel vm15, $0x7, v1  }
0x319: {  	[tilespmem:s10+$0x14000] =	vst v1;
	v1 =	vld [tilespmem:s10+$0x10000];
	_ =	sdelay $0x3  }
0x31a: {  	v2 =	vpop (erf)  }
0x31b: {  	v1 =	vmul.f32 v2, v1  }
.LBB2_33:
0x31c: {  	s13 =	sand.u32 $0x70, s11  }
0x31d: {  	s17 =	sand.u32 $0xC00, s4;
	s9 =	smov.u32 s11;
	s8 =	sadd.s32 $0x10, s11  }
0x31e: {  	p1 =	sne.s32 s11, $0x1F0;
	s11 =	sor.u32 s16, s17;
	[tilespmem:s10+$0x12000] =	vst v1;
	s16 =	smov.u32 s13  }
0x31f: {  	v1 =	vld [tilespmem:s11+$0x7080]  }
0x320: {  	v2 =	vld [tilespmem:s11+$0x7000]  }
0x321: {  	v3 =	vld [tilespmem:s11+$0x7100];
	_ =	sdelay $0x1  }
0x322: {  	v4 =	vld [tilespmem:s11+$0x7180]  }
0x323: {  	v5 =	vand.u32 $0x7FFFFFFF, v1  }
0x324: {  	v6 =	vand.u32 $0x7FFFFFFF, v2;
	v7 =	vld [tilespmem:s11+$0x7200]  }
0x325: {  	vm0 =	vgt.f32 v5, v6;
	v8 =	vand.u32 $0x7FFFFFFF, v3  }
0x326: {  	v5 =	vsel vm0, v5, v6;
	v1 =	vsel vm0, v1, v2;
	v2 =	vld [tilespmem:s11+$0x7280]  }
0x327: {  	vm1 =	vgt.f32 v8, v5;
	v6 =	vand.u32 $0x7FFFFFFF, v4  }
0x328: {  	v9 =	vsel vm0, $0x1, v0;
	v5 =	vsel vm1, v8, v5;
	v1 =	vsel vm1, v3, v1;
	v3 =	vld [tilespmem:s11+$0x7300]  }
0x329: {  	v8 =	vsel vm1, $0x2, v9;
	vm0 =	vgt.f32 v6, v5;
	v9 =	vand.u32 $0x7FFFFFFF, v7  }
0x32a: {  	v5 =	vsel vm0, v6, v5;
	v6 =	vsel vm0, $0x3, v8;
	v8 =	vld [tilespmem:s11+$0x7380]  }
0x32b: {  	v1 =	vsel vm0, v4, v1;
	vm0 =	vgt.f32 v9, v5;
	v4 =	vand.u32 $0x7FFFFFFF, v2  }
0x32c: {  	v5 =	vsel vm0, v9, v5;
	v1 =	vsel vm0, v7, v1;
	v6 =	vsel vm0, $0x4, v6  }
0x32d: {  	vm0 =	vgt.f32 v4, v5;
	v7 =	vand.u32 $0x7FFFFFFF, v3  }
0x32e: {  	v4 =	vsel vm0, v4, v5;
	v1 =	vsel vm0, v2, v1;
	v2 =	vsel vm0, $0x5, v6  }
0x32f: {  	vm0 =	vgt.f32 v7, v4;
	v5 =	vand.u32 $0x7FFFFFFF, v8  }
0x330: {  	v4 =	vsel vm0, v7, v4;
	v1 =	vsel vm0, v3, v1  }
0x331: {  	s10 =	sor.u32 s4, s0;
	s0 =	smov.u32 s9;
	v2 =	vsel vm0, $0x6, v2;
	vm0 =	vgt.f32 v5, v4  }
0x332: {  	s10 =	sor.u32 $0x380, s10;
	v1 =	vsel vm0, v8, v1;
	v2 =	vsel vm0, $0x7, v2  }
0x333: {  	v1 =	vsub.f32 $0.0e+00, v1;
	[tilespmem:s10+$0x14000] =	vst v2;
	_ =	sdelay $0x1  }
0x334: {  	v1 =	vmul.f32 $1.442695020e+00, v1;
	_ =	sdelay $0x1  }
0x335: {  	(erf) = vpow2.f32 v1;
	_ =	sdelay $0x8  }
0x336: {  	v1 =	vpop (erf)  }
0x337: {  	v1 =	vadd.f32 $1.000000000e+00, v1;
	_ =	sdelay $0x1  }
0x338: {  	(erf) = vrcp.f32 v1;
	_ =	sdelay $0x3  }
0x339: {  	v1 =	vld [tilespmem:s10+$0x10000];
	_ =	sdelay $0x1  }
.Ltmp17:
0x33a: {  	(pc) =	sbr.rel @p1 .LBB2_33-.Ltmp17, $3  }
0x33b: {  	_ =	sdelay $0x1  }
0x33c: {  	v2 =	vpop (erf)  }
0x33d: {  	s4 =	sadd.s32 $0x80, s4;
	s11 =	smov.u32 s8;
	v1 =	vmul.f32 v2, v1  }
0x33e: {  	s8 =	sand.u32 $0xC00, s4  }
0x33f: {  	s8 =	sor.u32 s16, s8;
	[tilespmem:s10+$0x12000] =	vst v1  }
0x340: {  	v1 =	vld [tilespmem:s8+$0x7080]  }
0x341: {  	v2 =	vld [tilespmem:s8+$0x7000];
	_ =	sdelay $0x1  }
0x342: {  	v3 =	vld [tilespmem:s8+$0x7100];
	_ =	sdelay $0x1  }
0x343: {  	v4 =	vld [tilespmem:s8+$0x7180]  }
0x344: {  	v5 =	vand.u32 $0x7FFFFFFF, v1;
	v6 =	vand.u32 $0x7FFFFFFF, v2  }
0x345: {  	v7 =	vld [tilespmem:s8+$0x7200];
	vm0 =	vgt.f32 v5, v6  }
0x346: {  	v8 =	vand.u32 $0x7FFFFFFF, v3;
	v5 =	vsel vm0, v5, v6  }
0x347: {  	v50 =	vld [tilespmem:s8+$0x7280];
	vm1 =	vgt.f32 v8, v5  }
0x348: {  	v9 =	vand.u32 $0x7FFFFFFF, v4;
	v5 =	vsel vm1, v8, v5  }
0x349: {  	v51 =	vld [tilespmem:s8+$0x7300];
	vm2 =	vgt.f32 v9, v5  }
0x34a: {  	v10 =	vand.u32 $0x7FFFFFFF, v7;
	v5 =	vsel vm2, v9, v5  }
0x34b: {  	v52 =	vld [tilespmem:s8+$0x7380];
	vm3 =	vgt.f32 v10, v5  }
0x34c: {  	v1 =	vsel vm0, v1, v2;
	v2 =	vand.u32 $0x7FFFFFFF, v50;
	v5 =	vsel vm3, v10, v5  }
0x34d: {  	v1 =	vsel vm1, v3, v1;
	vm4 =	vgt.f32 v2, v5  }
0x34e: {  	v3 =	vand.u32 $0x7FFFFFFF, v51;
	v1 =	vsel vm2, v4, v1;
	v2 =	vsel vm4, v2, v5  }
0x34f: {  	v1 =	vsel vm3, v7, v1;
	vm5 =	vgt.f32 v3, v2  }
0x350: {  	v53 =	vand.u32 $0x7FFFFFFF, v52;
	v1 =	vsel vm4, v50, v1;
	v2 =	vsel vm5, v3, v2  }
0x351: {  	v1 =	vsel vm5, v51, v1;
	vm6 =	vgt.f32 v53, v2  }
0x352: {  	v1 =	vsel vm6, v52, v1  }
0x353: {  	v1 =	vsub.f32 $0.0e+00, v1;
	_ =	sdelay $0x1  }
0x354: {  	v1 =	vmul.f32 $1.442695020e+00, v1;
	_ =	sdelay $0x1  }
0x355: {  	(erf) = vpow2.f32 v1;
	_ =	sdelay $0x8  }
0x356: {  	v1 =	vpop (erf)  }
0x357: {  	v1 =	vadd.f32 $1.000000000e+00, v1;
	_ =	sdelay $0x1  }
0x358: {  	(erf) = vrcp.f32 v1;
	_ =	sdelay $0x2  }
0x359: {  	s0 =	sor.u32 s4, s0  }
0x35a: {  	s0 =	sor.u32 $0x380, s0;
	v1 =	vsel vm0, $0x1, v0  }
0x35b: {  	v2 =	vld [tilespmem:s0+$0x10000];
	v1 =	vsel vm1, $0x2, v1  }
0x35c: {  	v1 =	vsel vm2, $0x3, v1  }
0x35d: {  	v1 =	vsel vm3, $0x4, v1  }
0x35e: {  	v1 =	vsel vm4, $0x5, v1  }
0x35f: {  	s11 =	sor.u32 s12, s31;
	s13 =	sshll.u32 s29, $0xA;
	v1 =	vsel vm5, $0x6, v1;
	v3 =	vpop (erf)  }
0x360: {  	s4 =	sshll.u32 s11, $0xB;
	s8 =	sand.u32 $0x400, s13;
	v1 =	vsel vm6, $0x7, v1;
	v2 =	vmul.f32 v3, v2  }
0x361: {  	p1 =	seq.s32 s29, $0x1F;
	s31 =	sor.u32 s8, s4;
	[tilespmem:s0+$0x14000] =	vst v1  }
0x362: {  	s17 =	simm.s32 $0x12000;
	s16 =	sadd.s32 s3, s31;
	[tilespmem:s0+$0x12000] =	vst v2;
	s0 =	sadd.s32 @!p1 $0x2, s30  }
0x363: {  	[hbm4b:s16+s6] =	stream.linear.scatter [tilespmem:s17], [sflag:$0x3], $0x1000, $0x38;
	[tilespmem:$0x16000] =	vst v63  }
0x364: {  	s4 =	sshll.u32 @!p1 s0, $0x1  }
0x365: {  	s18 =	sadd.s32 s5, s31;
	s4 =	sand.u32 @!p1 $0xF8, s4  }
0x366: {  	[hbm4b:s18+s6] =	stream.linear.scatter [tilespmem:s21], [sflag:$0x3], $0x1000, $0x38;
	[tilespmem:$0x16000] =	vst v63  }
0x367: {  	s0 =	sshll.u32 @!p1 s0, $0xC;
	s4 =	sadd.s32 @!p1 s7, s4  }
0x368: {  	s0 =	sand.u32 @!p1 $0x2000, s0;
	s8 =	sshll.u32 @!p1 s4, $0xE  }
0x369: {  	s9 =	simm.s32 @!p1 $0x1000;
	s4 =	sshll.u32 @!p1 s4, $0xB;
	s8 =	sor.u32 @!p1 s0, s8  }
0x36a: {  	s10 =	simm.s32 @!p1 $0x4000;
	s0 =	sor.u32 @!p1 s0, s4;
	s8 =	sshrl.u32 @!p1 s8, $0x3  }
0x36b: {  	s11 =	simm.s32 @!p1 $0x0;
	s0 =	sshrl.u32 @!p1 s0, $0x3;
	s8 =	sadd.s32 @!p1 s1, s8  }
0x36c: {  	[tilespmem:s11], [sflag:$0x1] =	stream.strided.gather @!p1 [hbm4b:s8+s9], $0x8000, s10, s9, $0x38;
	[tilespmem:$0x16000] =	vst v63  }
0x36d: {  	s4 =	simm.s32 @!p1 $0x10000;
	s0 =	sadd.s32 @!p1 s2, s0  }
0x36e: {  	[tilespmem:s4], [sflag:$0x1] =	stream.linear.gather @!p1 [hbm4b:s0+s11], $0x1000, $0x38;
	[tilespmem:$0x16000] =	vst v63  }
0x36f: {  	_ =	swait.ge [sflag:s22], $0x8000  }
0x370: {  	[sflag:s22] =	ssyncset.done $0x0  }
0x371: {  	[sflag:s22] =	ssyncadd.s32 $0xFFFF8000  }
0x372: {  	_ =	swait.ge [sflag:s22], $0x1000  }
0x373: {  	[sflag:s22] =	ssyncset.done $0x0  }
0x374: {  	s0 =	simm.s32 @!p0 $0x4;
	[sflag:s22] =	ssyncadd.s32 $0xFFFFF000  }
0x375: {  	_ =	swait.ge @!p0 [sflag:s0], $0x1000  }
0x376: {  	[sflag:s0] =	ssyncset.done @!p0 $0x0  }
0x377: {  	[sflag:s0] =	ssyncadd.s32 @!p0 $0xFFFFF000  }
0x378: {  	s20 =	simm.s32 $0x0;
	_ =	swait.ge @!p0 [sflag:s0], $0x1000  }
0x379: {  	s25 =	sand.u32 $0x70, s20;
	s26 =	sand.u32 $0xC00, s20;
	[sflag:s0] =	ssyncset.done @!p0 $0x0  }
0x37a: {  	[sflag:s0] =	ssyncadd.s32 @!p0 $0xFFFFF000;
	s0 =	sor.u32 s25, s26  }
0x37b: {  	v1 =	vld [tilespmem:s0+$0x8000]  }
0x37c: {  	v2 =	vld [tilespmem:s0+$0x8080];
	_ =	sdelay $0x1  }
0x37d: {  	v3 =	vld [tilespmem:s0+$0x8100];
	_ =	sdelay $0x1  }
0x37e: {  	v54 =	vld [tilespmem:s0+$0x8180]  }
0x37f: {  	v55 =	vand.u32 $0x7FFFFFFF, v1;
	v56 =	vand.u32 $0x7FFFFFFF, v2  }
0x380: {  	v57 =	vld [tilespmem:s0+$0x8200];
	vm9 =	vgt.f32 v56, v55  }
0x381: {  	v58 =	vand.u32 $0x7FFFFFFF, v3;
	v5 =	vsel vm9, v56, v55  }
0x382: {  	v59 =	vld [tilespmem:s0+$0x8280];
	vm10 =	vgt.f32 v58, v5  }
0x383: {  	v60 =	vand.u32 $0x7FFFFFFF, v54;
	v5 =	vsel vm10, v58, v5  }
0x384: {  	s4 =	sor.u32 s20, s20;
	v61 =	vld [tilespmem:s0+$0x8300];
	vm11 =	vgt.f32 v60, v5  }
0x385: {  	s4 =	sor.u32 $0x380, s4;
	v62 =	vand.u32 $0x7FFFFFFF, v57;
	v5 =	vsel vm11, v60, v5  }
0x386: {  	v63 =	vld [tilespmem:s4+$0x8000];
	vm12 =	vgt.f32 v62, v5  }
0x387: {  	v11 =	vand.u32 $0x7FFFFFFF, v59;
	v1 =	vsel vm9, v2, v1;
	v2 =	vsel vm12, v62, v5  }
0x388: {  	v1 =	vsel vm10, v3, v1;
	vm13 =	vgt.f32 v11, v2  }
0x389: {  	v3 =	vand.u32 $0x7FFFFFFF, v61;
	v1 =	vsel vm11, v54, v1;
	v2 =	vsel vm13, v11, v2  }
0x38a: {  	v1 =	vsel vm12, v57, v1;
	vm14 =	vgt.f32 v3, v2  }
0x38b: {  	v1 =	vsel vm13, v59, v1;
	v2 =	vsel vm14, v3, v2;
	v3 =	vand.u32 $0x7FFFFFFF, v63  }
0x38c: {  	v1 =	vsel vm14, v61, v1;
	vm15 =	vgt.f32 v3, v2  }
0x38d: {  	v1 =	vsel vm15, v63, v1  }
0x38e: {  	v1 =	vsub.f32 $0.0e+00, v1;
	_ =	sdelay $0x1  }
0x38f: {  	v1 =	vmul.f32 $1.442695020e+00, v1;
	_ =	sdelay $0x1  }
0x390: {  	(erf) = vpow2.f32 v1;
	_ =	sdelay $0x2  }
0x391: {  	v1 =	vsel vm9, $0x1, v0  }
0x392: {  	v1 =	vsel vm10, $0x2, v1  }
0x393: {  	v1 =	vsel vm11, $0x3, v1  }
0x394: {  	v1 =	vsel vm12, $0x4, v1  }
0x395: {  	v1 =	vsel vm13, $0x5, v1  }
0x396: {  	v1 =	vsel vm14, $0x6, v1  }
0x397: {  	s8 =	simm.s32 $0x10;
	s9 =	simm.s32 $0x80;
	v1 =	vsel vm15, $0x7, v1;
	v2 =	vpop (erf)  }
0x398: {  	s28 =	sand.u32 $0xC00, s9;
	s4 =	sand.u32 $0x70, s8;
	[tilespmem:s0+$0x15000] =	vst v1;
	v1 =	vadd.f32 $1.000000000e+00, v2  }
0x399: {  	s13 =	simm.s32 $0x20;
	s10 =	smov.u32 s0;
	s11 =	sor.u32 s4, s28  }
.LBB2_35:
0x39a: {  	p0 =	sne.s32 s13, $0x1F0;
	v2 =	vld [tilespmem:s11+$0x8000];
	(erf) = vrcp.f32 v1  }
0x39b: {  	v1 =	vld [tilespmem:s11+$0x8080];
	_ =	sdelay $0x1  }
0x39c: {  	v3 =	vld [tilespmem:s11+$0x8100]  }
0x39d: {  	v4 =	vld [tilespmem:s10+$0x11000]  }
0x39e: {  	v5 =	vld [tilespmem:s11+$0x8180]  }
0x39f: {  	v6 =	vand.u32 $0x7FFFFFFF, v2;
	v7 =	vand.u32 $0x7FFFFFFF, v1;
	v8 =	vld [tilespmem:s11+$0x8300]  }
0x3a0: {  	vm0 =	vgt.f32 v7, v6;
	v9 =	vld [tilespmem:s11+$0x8200]  }
0x3a1: {  	v6 =	vsel vm0, v7, v6;
	v7 =	vand.u32 $0x7FFFFFFF, v3;
	v10 =	vld [tilespmem:s11+$0x8280]  }
0x3a2: {  	vm1 =	vgt.f32 v7, v6;
	v11 =	vpop (erf)  }
0x3a3: {  	v6 =	vsel vm1, v7, v6;
	v7 =	vand.u32 $0x7FFFFFFF, v5;
	v4 =	vmul.f32 v11, v4  }
0x3a4: {  	s16 =	sor.u32 s9, s8;
	s8 =	smov.u32 s13;
	vm2 =	vgt.f32 v7, v6  }
0x3a5: {  	s16 =	sor.u32 $0x380, s16;
	v11 =	vand.u32 $0x7FFFFFFF, v8;
	v6 =	vsel vm2, v7, v6;
	v7 =	vand.u32 $0x7FFFFFFF, v9;
	[tilespmem:s10+$0x13000] =	vst v4;
	s10 =	smov.u32 s11  }
0x3a6: {  	v4 =	vsel vm0, $0x1, v0;
	vm3 =	vgt.f32 v7, v6;
	v12 =	vand.u32 $0x7FFFFFFF, v10;
	v13 =	vld [tilespmem:s16+$0x8000]  }
0x3a7: {  	v1 =	vsel vm0, v1, v2;
	v2 =	vsel vm1, $0x2, v4;
	v4 =	vsel vm3, v7, v6  }
0x3a8: {  	v1 =	vsel vm1, v3, v1;
	v2 =	vsel vm2, $0x3, v2;
	vm0 =	vgt.f32 v12, v4  }
0x3a9: {  	v1 =	vsel vm2, v5, v1;
	v2 =	vsel vm3, $0x4, v2;
	v3 =	vsel vm0, v12, v4  }
0x3aa: {  	v1 =	vsel vm3, v9, v1;
	v2 =	vsel vm0, $0x5, v2;
	vm1 =	vgt.f32 v11, v3  }
0x3ab: {  	v1 =	vsel vm0, v10, v1;
	v3 =	vsel vm1, v11, v3;
	v4 =	vand.u32 $0x7FFFFFFF, v13  }
0x3ac: {  	v1 =	vsel vm1, v8, v1;
	v2 =	vsel vm1, $0x6, v2;
	vm0 =	vgt.f32 v4, v3  }
0x3ad: {  	v1 =	vsel vm0, v13, v1;
	v2 =	vsel vm0, $0x7, v2  }
0x3ae: {  	v1 =	vsub.f32 $0.0e+00, v1;
	[tilespmem:s10+$0x15000] =	vst v2;
	_ =	sdelay $0x1  }
0x3af: {  	v1 =	vmul.f32 $1.442695020e+00, v1;
	_ =	sdelay $0x1  }
0x3b0: {  	(erf) = vpow2.f32 v1;
	_ =	sdelay $0x6  }
.Ltmp18:
0x3b1: {  	(pc) =	sbr.rel @p0 .LBB2_35-.Ltmp18, $4  }
0x3b2: {  	_ = 	snop  }
0x3b3: {  	s9 =	sadd.s32 $0x80, s9;
	v1 =	vpop (erf)  }
0x3b4: {  	s11 =	sand.u32 $0x70, s13;
	s16 =	sand.u32 $0xC00, s9;
	v1 =	vadd.f32 $1.000000000e+00, v1  }
0x3b5: {  	s13 =	sadd.s32 $0x10, s13;
	s11 =	sor.u32 s11, s16  }
0x3b6: {  	v2 =	vld [tilespmem:s11+$0x8000];
	(erf) = vrcp.f32 v1  }
0x3b7: {  	v1 =	vld [tilespmem:s11+$0x8080];
	_ =	sdelay $0x1  }
0x3b8: {  	v3 =	vld [tilespmem:s11+$0x8100]  }
0x3b9: {  	v4 =	vld [tilespmem:s10+$0x11000]  }
0x3ba: {  	v5 =	vld [tilespmem:s11+$0x8180]  }
0x3bb: {  	v6 =	vand.u32 $0x7FFFFFFF, v2;
	v7 =	vand.u32 $0x7FFFFFFF, v1  }
0x3bc: {  	v8 =	vld [tilespmem:s11+$0x8200];
	vm0 =	vgt.f32 v7, v6  }
0x3bd: {  	v6 =	vsel vm0, v7, v6;
	v7 =	vand.u32 $0x7FFFFFFF, v3  }
0x3be: {  	v9 =	vld [tilespmem:s11+$0x8280];
	vm1 =	vgt.f32 v7, v6;
	v10 =	vpop (erf)  }
0x3bf: {  	v6 =	vsel vm1, v7, v6;
	v7 =	vand.u32 $0x7FFFFFFF, v5;
	v4 =	vmul.f32 v10, v4  }
0x3c0: {  	s8 =	sor.u32 s9, s8;
	v10 =	vld [tilespmem:s11+$0x8300];
	vm2 =	vgt.f32 v7, v6  }
0x3c1: {  	s8 =	sor.u32 $0x380, s8;
	v6 =	vsel vm2, v7, v6;
	v7 =	vand.u32 $0x7FFFFFFF, v8;
	[tilespmem:s10+$0x13000] =	vst v4  }
0x3c2: {  	vm3 =	vgt.f32 v7, v6;
	v4 =	vld [tilespmem:s8+$0x8000]  }
0x3c3: {  	v11 =	vand.u32 $0x7FFFFFFF, v9;
	v1 =	vsel vm0, v1, v2;
	v2 =	vsel vm3, v7, v6  }
0x3c4: {  	v1 =	vsel vm1, v3, v1;
	vm4 =	vgt.f32 v11, v2  }
0x3c5: {  	v1 =	vsel vm2, v5, v1;
	v3 =	vand.u32 $0x7FFFFFFF, v10;
	v2 =	vsel vm4, v11, v2  }
0x3c6: {  	v1 =	vsel vm3, v8, v1;
	vm5 =	vgt.f32 v3, v2  }
0x3c7: {  	v1 =	vsel vm4, v9, v1;
	v2 =	vsel vm5, v3, v2;
	v3 =	vand.u32 $0x7FFFFFFF, v4  }
0x3c8: {  	v1 =	vsel vm5, v10, v1;
	vm6 =	vgt.f32 v3, v2  }
0x3c9: {  	v1 =	vsel vm6, v4, v1  }
0x3ca: {  	v1 =	vsub.f32 $0.0e+00, v1;
	_ =	sdelay $0x1  }
0x3cb: {  	v1 =	vmul.f32 $1.442695020e+00, v1;
	_ =	sdelay $0x1  }
0x3cc: {  	(erf) = vpow2.f32 v1;
	_ =	sdelay $0x8  }
0x3cd: {  	v2 =	vpop (erf)  }
0x3ce: {  	v1 =	vsel vm0, $0x1, v0;
	v2 =	vadd.f32 $1.000000000e+00, v2  }
0x3cf: {  	v1 =	vsel vm1, $0x2, v1  }
0x3d0: {  	v1 =	vsel vm2, $0x3, v1;
	(erf) = vrcp.f32 v2  }
0x3d1: {  	v1 =	vsel vm3, $0x4, v1  }
0x3d2: {  	v1 =	vsel vm4, $0x5, v1  }
0x3d3: {  	v1 =	vsel vm5, $0x6, v1  }
0x3d4: {  	v1 =	vsel vm6, $0x7, v1  }
0x3d5: {  	[tilespmem:s11+$0x15000] =	vst v1;
	v1 =	vld [tilespmem:s11+$0x11000];
	_ =	sdelay $0x3  }
0x3d6: {  	v2 =	vpop (erf)  }
0x3d7: {  	v1 =	vmul.f32 v2, v1;
	_ =	sdelay $0x1  }
0x3d8: {  	[tilespmem:s11+$0x13000] =	vst v1  }
0x3d9: {  	v1 =	vld [tilespmem:s0+$0x9000]  }
0x3da: {  	v2 =	vld [tilespmem:s0+$0x9080];
	_ =	sdelay $0x1  }
0x3db: {  	v3 =	vld [tilespmem:s0+$0x9100];
	_ =	sdelay $0x1  }
0x3dc: {  	v4 =	vld [tilespmem:s0+$0x9180]  }
0x3dd: {  	v5 =	vand.u32 $0x7FFFFFFF, v1;
	v6 =	vand.u32 $0x7FFFFFFF, v2  }
0x3de: {  	v7 =	vld [tilespmem:s0+$0x9200];
	vm0 =	vgt.f32 v6, v5  }
0x3df: {  	v5 =	vsel vm0, v6, v5;
	v6 =	vand.u32 $0x7FFFFFFF, v3  }
0x3e0: {  	v8 =	vld [tilespmem:s0+$0x9280];
	vm1 =	vgt.f32 v6, v5  }
0x3e1: {  	v5 =	vsel vm1, v6, v5;
	v6 =	vand.u32 $0x7FFFFFFF, v4  }
0x3e2: {  	s18 =	simm.s32 $0x80;
	v9 =	vld [tilespmem:s0+$0x9300];
	vm2 =	vgt.f32 v6, v5  }
0x3e3: {  	s8 =	sand.u32 $0xC00, s18;
	v5 =	vsel vm2, v6, v5;
	v6 =	vand.u32 $0x7FFFFFFF, v7  }
0x3e4: {  	s4 =	sor.u32 s4, s8;
	v10 =	vld [tilespmem:s0+$0x9380];
	vm3 =	vgt.f32 v6, v5  }
0x3e5: {  	v12 =	vld [tilespmem:s4+$0x9000];
	v1 =	vsel vm0, v2, v1;
	v2 =	vsel vm3, v6, v5;
	v5 =	vand.u32 $0x7FFFFFFF, v8  }
0x3e6: {  	v11 =	vsel vm0, $0x1, v0;
	v1 =	vsel vm1, v3, v1;
	v6 =	vld [tilespmem:s4+$0x9080];
	vm0 =	vgt.f32 v5, v2  }
0x3e7: {  	v1 =	vsel vm2, v4, v1;
	v4 =	vand.u32 $0x7FFFFFFF, v9;
	v2 =	vsel vm0, v5, v2  }
0x3e8: {  	v3 =	vsel vm1, $0x2, v11;
	v1 =	vsel vm3, v7, v1;
	v5 =	vld [tilespmem:s4+$0x9100];
	vm1 =	vgt.f32 v4, v2  }
0x3e9: {  	v1 =	vsel vm0, v8, v1;
	v2 =	vsel vm1, v4, v2;
	v4 =	vand.u32 $0x7FFFFFFF, v10  }
0x3ea: {  	v3 =	vsel vm2, $0x3, v3;
	v7 =	vld [tilespmem:s4+$0x9180];
	v1 =	vsel vm1, v9, v1;
	vm2 =	vgt.f32 v4, v2  }
0x3eb: {  	v2 =	vand.u32 $0x7FFFFFFF, v12;
	v4 =	vand.u32 $0x7FFFFFFF, v6;
	v1 =	vsel vm2, v10, v1  }
0x3ec: {  	v3 =	vsel vm3, $0x4, v3;
	v8 =	vld [tilespmem:s4+$0x9200];
	vm3 =	vgt.f32 v4, v2;
	v1 =	vsub.f32 $0.0e+00, v1  }
0x3ed: {  	v2 =	vsel vm3, v4, v2;
	v4 =	vand.u32 $0x7FFFFFFF, v5  }
0x3ee: {  	v3 =	vsel vm0, $0x5, v3;
	v9 =	vld [tilespmem:s4+$0x9280];
	vm0 =	vgt.f32 v4, v2;
	v1 =	vmul.f32 $1.442695020e+00, v1  }
0x3ef: {  	v2 =	vsel vm0, v4, v2;
	v4 =	vand.u32 $0x7FFFFFFF, v7  }
0x3f0: {  	s20 =	simm.s32 $0x20;
	s25 =	simm.s32 $0x100;
	v3 =	vsel vm1, $0x6, v3;
	v10 =	vld [tilespmem:s4+$0x9300];
	vm4 =	vgt.f32 v4, v2;
	(erf) = vpow2.f32 v1  }
0x3f1: {  	s9 =	sand.u32 $0xC00, s25;
	s8 =	sand.u32 $0x70, s20;
	v3 =	vsel vm2, $0x7, v3;
	v2 =	vsel vm4, v4, v2;
	v4 =	vand.u32 $0x7FFFFFFF, v8  }
0x3f2: {  	s8 =	sor.u32 s8, s9;
	v11 =	vld [tilespmem:s4+$0x9380];
	v13 =	vsel vm3, $0x1, v0;
	v6 =	vsel vm3, v6, v12;
	vm1 =	vgt.f32 v4, v2  }
0x3f3: {  	v12 =	vand.u32 $0x7FFFFFFF, v9;
	v5 =	vsel vm0, v5, v6;
	v1 =	vld [tilespmem:s8+$0x9000];
	[tilespmem:s0+$0x15080] =	vst v3;
	v4 =	vsel vm1, v4, v2  }
0x3f4: {  	v3 =	vsel vm0, $0x2, v13;
	v5 =	vsel vm4, v7, v5;
	v2 =	vld [tilespmem:s8+$0x9080];
	vm0 =	vgt.f32 v12, v4  }
0x3f5: {  	v6 =	vand.u32 $0x7FFFFFFF, v10;
	v7 =	vsel vm4, $0x3, v3;
	v4 =	vsel vm0, v12, v4  }
0x3f6: {  	v3 =	vld [tilespmem:s8+$0x9100];
	v5 =	vsel vm1, v8, v5;
	v7 =	vsel vm1, $0x4, v7;
	vm5 =	vgt.f32 v6, v4  }
0x3f7: {  	v8 =	vand.u32 $0x7FFFFFFF, v11;
	v5 =	vsel vm0, v9, v5;
	v6 =	vsel vm5, v6, v4  }
0x3f8: {  	v4 =	vld [tilespmem:s8+$0x9180];
	v5 =	vsel vm5, v10, v5;
	v10 =	vsel vm0, $0x5, v7;
	vm4 =	vgt.f32 v8, v6  }
0x3f9: {  	v6 =	vand.u32 $0x7FFFFFFF, v1;
	v8 =	vand.u32 $0x7FFFFFFF, v2;
	v9 =	vsel vm4, v11, v5;
	v7 =	vpop (erf)  }
0x3fa: {  	vm1 =	vgt.f32 v8, v6;
	v5 =	vld [tilespmem:s8+$0x9200];
	v9 =	vsub.f32 $0.0e+00, v9;
	v11 =	vadd.f32 $1.000000000e+00, v7  }
0x3fb: {  	v6 =	vsel vm1, v8, v6;
	v8 =	vand.u32 $0x7FFFFFFF, v3  }
0x3fc: {  	vm2 =	vgt.f32 v8, v6;
	v7 =	vld [tilespmem:s8+$0x9280];
	v9 =	vmul.f32 $1.442695020e+00, v9;
	(erf) = vrcp.f32 v11  }
0x3fd: {  	v14 =	vsel vm5, $0x6, v10;
	v6 =	vsel vm2, v8, v6;
	v11 =	vand.u32 $0x7FFFFFFF, v4  }
0x3fe: {  	s26 =	simm.s32 $0x30;
	s10 =	simm.s32 $0x180;
	v12 =	vsel vm1, $0x1, v0;
	v8 =	vld [tilespmem:s8+$0x9300];
	vm3 =	vgt.f32 v11, v6;
	(erf) = vpow2.f32 v9  }
0x3ff: {  	s28 =	sand.u32 $0xC00, s10;
	s9 =	sand.u32 $0x70, s26;
	v10 =	vld [tilespmem:s8+$0x9380];
	v13 =	vsel vm2, $0x2, v12;
	v12 =	vand.u32 $0x7FFFFFFF, v5;
	v11 =	vsel vm3, v11, v6  }
0x400: {  	s9 =	sor.u32 s9, s28;
	s11 =	simm.s32 $0x40;
	v9 =	vld [tilespmem:s0+$0x11080];
	v6 =	vsel vm3, $0x3, v13;
	v13 =	vsel vm4, $0x7, v14;
	vm0 =	vgt.f32 v12, v11  }
.LBB2_37:
0x401: {  	p0 =	sne.s32 s11, $0x1F0;
	v14 =	vsel vm1, v2, v1;
	v1 =	vld [tilespmem:s9+$0x9000];
	v11 =	vsel vm0, v12, v11;
	v12 =	vand.u32 $0x7FFFFFFF, v7;
	[tilespmem:s4+$0x15080] =	vst v13  }
0x402: {  	v6 =	vsel vm0, $0x4, v6;
	v2 =	vld [tilespmem:s9+$0x9080];
	v3 =	vsel vm2, v3, v14;
	vm1 =	vgt.f32 v12, v11  }
0x403: {  	v4 =	vsel vm3, v4, v3;
	v11 =	vsel vm1, v12, v11;
	v13 =	vand.u32 $0x7FFFFFFF, v8  }
0x404: {  	v6 =	vsel vm1, $0x5, v6;
	v3 =	vld [tilespmem:s9+$0x9100];
	v4 =	vsel vm0, v5, v4;
	vm0 =	vgt.f32 v13, v11  }
0x405: {  	v5 =	vsel vm1, v7, v4;
	v7 =	vsel vm0, v13, v11;
	v13 =	vand.u32 $0x7FFFFFFF, v10;
	v12 =	vpop (erf)  }
0x406: {  	v4 =	vld [tilespmem:s9+$0x9180];
	v5 =	vsel vm0, v8, v5;
	vm4 =	vgt.f32 v13, v7;
	v7 =	vmul.f32 v12, v9  }
0x407: {  	v8 =	vand.u32 $0x7FFFFFFF, v1;
	v9 =	vand.u32 $0x7FFFFFFF, v2;
	v10 =	vsel vm4, v10, v5;
	v11 =	vpop (erf)  }
0x408: {  	vm1 =	vgt.f32 v9, v8;
	v5 =	vld [tilespmem:s9+$0x9200];
	v10 =	vsub.f32 $0.0e+00, v10;
	v11 =	vadd.f32 $1.000000000e+00, v11;
	[tilespmem:s0+$0x13080] =	vst v7;
	s0 =	smov.u32 s4;
	s4 =	smov.u32 s8  }
0x409: {  	s8 =	smov.u32 s9;
	v8 =	vsel vm1, v9, v8;
	v9 =	vsel vm1, $0x1, v0;
	v12 =	vand.u32 $0x7FFFFFFF, v3  }
.Ltmp19:
0x40a: {  	vm2 =	vgt.f32 v12, v8;
	v7 =	vld [tilespmem:s8+$0x9280];
	v10 =	vmul.f32 $1.442695020e+00, v10;
	(erf) = vrcp.f32 v11;
	(pc) =	sbr.rel @p0 .LBB2_37-.Ltmp19, $4  }
0x40b: {  	v11 =	vsel vm2, v12, v8;
	v9 =	vsel vm2, $0x2, v9;
	v12 =	vand.u32 $0x7FFFFFFF, v4  }
0x40c: {  	s10 =	sadd.s32 $0x80, s10;
	v13 =	vsel vm0, $0x6, v6;
	vm3 =	vgt.f32 v12, v11;
	v8 =	vld [tilespmem:s8+$0x9300];
	(erf) = vpow2.f32 v10  }
0x40d: {  	s13 =	sand.u32 $0xC00, s10;
	s9 =	sand.u32 $0x70, s11;
	v11 =	vsel vm3, v12, v11;
	v6 =	vsel vm3, $0x3, v9;
	v12 =	vand.u32 $0x7FFFFFFF, v5;
	v9 =	vld [tilespmem:s0+$0x11080]  }
0x40e: {  	v13 =	vsel vm4, $0x7, v13;
	s11 =	sadd.s32 $0x10, s11;
	s9 =	sor.u32 s9, s13;
	vm0 =	vgt.f32 v12, v11;
	v10 =	vld [tilespmem:s8+$0x9380]  }
0x40f: {  	v14 =	vld [tilespmem:s9+$0x9000];
	v1 =	vsel vm1, v2, v1;
	v2 =	vsel vm0, v12, v11;
	v11 =	vand.u32 $0x7FFFFFFF, v7;
	[tilespmem:s4+$0x15080] =	vst v13  }
0x410: {  	v12 =	vld [tilespmem:s9+$0x9080];
	v1 =	vsel vm2, v3, v1;
	vm1 =	vgt.f32 v11, v2  }
0x411: {  	v1 =	vsel vm3, v4, v1;
	v2 =	vsel vm1, v11, v2;
	v3 =	vand.u32 $0x7FFFFFFF, v8  }
0x412: {  	v4 =	vld [tilespmem:s9+$0x9100];
	v1 =	vsel vm0, v5, v1;
	vm2 =	vgt.f32 v3, v2  }
0x413: {  	v1 =	vsel vm1, v7, v1;
	v2 =	vsel vm2, v3, v2;
	v3 =	vand.u32 $0x7FFFFFFF, v10  }
0x414: {  	v5 =	vpop (erf);
	v7 =	vld [tilespmem:s9+$0x9180];
	v1 =	vsel vm2, v8, v1;
	vm3 =	vgt.f32 v3, v2  }
0x415: {  	v2 =	vmul.f32 v5, v9;
	v3 =	vand.u32 $0x7FFFFFFF, v14;
	v5 =	vand.u32 $0x7FFFFFFF, v12  }
0x416: {  	v8 =	vld [tilespmem:s9+$0x9200];
	v1 =	vsel vm3, v10, v1;
	vm4 =	vgt.f32 v5, v3  }
0x417: {  	v9 =	vpop (erf);
	v1 =	vsub.f32 $0.0e+00, v1;
	[tilespmem:s0+$0x13080] =	vst v2;
	v2 =	vsel vm4, v5, v3;
	v3 =	vand.u32 $0x7FFFFFFF, v4  }
0x418: {  	v5 =	vadd.f32 $1.000000000e+00, v9;
	v9 =	vld [tilespmem:s9+$0x9280];
	vm5 =	vgt.f32 v3, v2  }
0x419: {  	v1 =	vmul.f32 $1.442695020e+00, v1;
	v2 =	vsel vm5, v3, v2;
	v3 =	vand.u32 $0x7FFFFFFF, v7  }
0x41a: {  	(erf) = vrcp.f32 v5;
	v5 =	vld [tilespmem:s9+$0x9300];
	vm6 =	vgt.f32 v3, v2  }
0x41b: {  	(erf) = vpow2.f32 v1;
	v1 =	vsel vm6, v3, v2;
	v2 =	vand.u32 $0x7FFFFFFF, v8  }
0x41c: {  	vm7 =	vgt.f32 v2, v1  }
0x41d: {  	v3 =	vld [tilespmem:s9+$0x9380];
	v1 =	vsel vm7, v2, v1;
	v2 =	vand.u32 $0x7FFFFFFF, v9  }
0x41e: {  	v10 =	vsel vm4, v12, v14;
	vm8 =	vgt.f32 v2, v1  }
0x41f: {  	v4 =	vsel vm5, v4, v10;
	v1 =	vsel vm8, v2, v1;
	v2 =	vand.u32 $0x7FFFFFFF, v5  }
0x420: {  	v4 =	vsel vm6, v7, v4;
	vm9 =	vgt.f32 v2, v1  }
0x421: {  	v4 =	vsel vm7, v8, v4;
	v1 =	vsel vm9, v2, v1  }
0x422: {  	v4 =	vsel vm8, v9, v4;
	v2 =	vand.u32 $0x7FFFFFFF, v3  }
0x423: {  	v4 =	vsel vm9, v5, v4;
	vm10 =	vgt.f32 v2, v1  }
0x424: {  	v2 =	vsel vm10, v3, v4;
	v1 =	vpop (erf)  }
0x425: {  	v2 =	vsub.f32 $0.0e+00, v2;
	v3 =	vpop (erf)  }
0x426: {  	v3 =	vadd.f32 $1.000000000e+00, v3  }
0x427: {  	v2 =	vmul.f32 $1.442695020e+00, v2  }
0x428: {  	(erf) = vrcp.f32 v3  }
0x429: {  	(erf) = vpow2.f32 v2;
	v2 =	vld [tilespmem:s4+$0x11080];
	_ =	sdelay $0x3  }
0x42a: {  	v3 =	vsel vm0, $0x4, v6  }
0x42b: {  	v3 =	vsel vm1, $0x5, v3;
	v1 =	vmul.f32 v1, v2  }
0x42c: {  	v3 =	vsel vm2, $0x6, v3  }
0x42d: {  	v3 =	vsel vm3, $0x7, v3  }
0x42e: {  	[tilespmem:s8+$0x15080] =	vst v3  }
0x42f: {  	v2 =	vsel vm4, $0x1, v0;
	[tilespmem:s4+$0x13080] =	vst v1;
	v1 =	vpop (erf)  }
0x430: {  	v2 =	vsel vm5, $0x2, v2;
	v3 =	vld [tilespmem:s8+$0x11080];
	v4 =	vpop (erf)  }
0x431: {  	v2 =	vsel vm6, $0x3, v2;
	v4 =	vadd.f32 $1.000000000e+00, v4  }
0x432: {  	v2 =	vsel vm7, $0x4, v2  }
0x433: {  	v2 =	vsel vm8, $0x5, v2;
	(erf) = vrcp.f32 v4  }
0x434: {  	v2 =	vsel vm9, $0x6, v2  }
0x435: {  	v2 =	vsel vm10, $0x7, v2;
	v1 =	vmul.f32 v1, v3  }
0x436: {  	[tilespmem:s9+$0x15080] =	vst v2  }
0x437: {  	[tilespmem:s8+$0x13080] =	vst v1  }
0x438: {  	v1 =	vld [tilespmem:s9+$0x11080];
	_ =	sdelay $0x3  }
0x439: {  	v2 =	vpop (erf)  }
0x43a: {  	s10 =	simm.s32 $0x0;
	v1 =	vmul.f32 v2, v1  }
0x43b: {  	s11 =	sand.u32 $0xC00, s10;
	s8 =	sand.u32 $0x70, s10  }
0x43c: {  	s25 =	sor.u32 s8, s11;
	[tilespmem:s9+$0x13080] =	vst v1  }
0x43d: {  	v1 =	vld [tilespmem:s25+$0xA000]  }
0x43e: {  	v2 =	vld [tilespmem:s25+$0xA080];
	_ =	sdelay $0x1  }
0x43f: {  	v3 =	vld [tilespmem:s25+$0xA100];
	_ =	sdelay $0x1  }
0x440: {  	v4 =	vld [tilespmem:s25+$0xA180]  }
0x441: {  	v5 =	vand.u32 $0x7FFFFFFF, v1;
	v6 =	vand.u32 $0x7FFFFFFF, v2  }
0x442: {  	v7 =	vld [tilespmem:s25+$0xA200];
	vm0 =	vgt.f32 v6, v5  }
0x443: {  	v5 =	vsel vm0, v6, v5;
	v6 =	vand.u32 $0x7FFFFFFF, v3  }
0x444: {  	v8 =	vld [tilespmem:s25+$0xA280];
	vm1 =	vgt.f32 v6, v5  }
0x445: {  	v5 =	vsel vm1, v6, v5;
	v6 =	vand.u32 $0x7FFFFFFF, v4  }
0x446: {  	s0 =	simm.s32 $0x10;
	s4 =	simm.s32 $0x80;
	v9 =	vld [tilespmem:s25+$0xA300];
	vm2 =	vgt.f32 v6, v5  }
0x447: {  	s16 =	sand.u32 $0x70, s0;
	s18 =	sand.u32 $0xC00, s4;
	v5 =	vsel vm2, v6, v5;
	v6 =	vand.u32 $0x7FFFFFFF, v7  }
0x448: {  	s9 =	sor.u32 s16, s18;
	v10 =	vld [tilespmem:s25+$0xA380];
	vm3 =	vgt.f32 v6, v5  }
0x449: {  	v12 =	vld [tilespmem:s9+$0xA000];
	v1 =	vsel vm0, v2, v1;
	v2 =	vsel vm3, v6, v5;
	v5 =	vand.u32 $0x7FFFFFFF, v8  }
0x44a: {  	v11 =	vsel vm0, $0x1, v0;
	v1 =	vsel vm1, v3, v1;
	v6 =	vld [tilespmem:s9+$0xA080];
	vm0 =	vgt.f32 v5, v2  }
0x44b: {  	v1 =	vsel vm2, v4, v1;
	v4 =	vand.u32 $0x7FFFFFFF, v9;
	v2 =	vsel vm0, v5, v2  }
0x44c: {  	v3 =	vsel vm1, $0x2, v11;
	v1 =	vsel vm3, v7, v1;
	v5 =	vld [tilespmem:s9+$0xA100];
	vm1 =	vgt.f32 v4, v2  }
0x44d: {  	v1 =	vsel vm0, v8, v1;
	v2 =	vsel vm1, v4, v2;
	v4 =	vand.u32 $0x7FFFFFFF, v10  }
0x44e: {  	v3 =	vsel vm2, $0x3, v3;
	v7 =	vld [tilespmem:s9+$0xA180];
	v1 =	vsel vm1, v9, v1;
	vm2 =	vgt.f32 v4, v2  }
0x44f: {  	v2 =	vand.u32 $0x7FFFFFFF, v12;
	v4 =	vand.u32 $0x7FFFFFFF, v6;
	v1 =	vsel vm2, v10, v1  }
0x450: {  	v3 =	vsel vm3, $0x4, v3;
	v8 =	vld [tilespmem:s9+$0xA200];
	vm3 =	vgt.f32 v4, v2;
	v1 =	vsub.f32 $0.0e+00, v1  }
0x451: {  	v2 =	vsel vm3, v4, v2;
	v4 =	vand.u32 $0x7FFFFFFF, v5  }
0x452: {  	v3 =	vsel vm0, $0x5, v3;
	v9 =	vld [tilespmem:s9+$0xA280];
	vm0 =	vgt.f32 v4, v2;
	v1 =	vmul.f32 $1.442695020e+00, v1  }
0x453: {  	v2 =	vsel vm0, v4, v2;
	v4 =	vand.u32 $0x7FFFFFFF, v7  }
0x454: {  	s13 =	simm.s32 $0x20;
	s17 =	simm.s32 $0x100;
	v3 =	vsel vm1, $0x6, v3;
	v10 =	vld [tilespmem:s9+$0xA300];
	vm4 =	vgt.f32 v4, v2;
	(erf) = vpow2.f32 v1  }
0x455: {  	s17 =	sand.u32 $0xC00, s17;
	s18 =	sand.u32 $0x70, s13;
	v3 =	vsel vm2, $0x7, v3;
	v2 =	vsel vm4, v4, v2;
	v4 =	vand.u32 $0x7FFFFFFF, v8  }
0x456: {  	s26 =	sor.u32 s18, s17;
	v11 =	vld [tilespmem:s9+$0xA380];
	v13 =	vsel vm3, $0x1, v0;
	v6 =	vsel vm3, v6, v12;
	vm1 =	vgt.f32 v4, v2  }
0x457: {  	v12 =	vand.u32 $0x7FFFFFFF, v9;
	v5 =	vsel vm0, v5, v6;
	v1 =	vld [tilespmem:s26+$0xA000];
	[tilespmem:s25+$0x15100] =	vst v3;
	v4 =	vsel vm1, v4, v2  }
0x458: {  	v3 =	vsel vm0, $0x2, v13;
	v5 =	vsel vm4, v7, v5;
	v2 =	vld [tilespmem:s26+$0xA080];
	vm0 =	vgt.f32 v12, v4  }
0x459: {  	v6 =	vand.u32 $0x7FFFFFFF, v10;
	v7 =	vsel vm4, $0x3, v3;
	v4 =	vsel vm0, v12, v4  }
0x45a: {  	v3 =	vld [tilespmem:s26+$0xA100];
	v5 =	vsel vm1, v8, v5;
	v7 =	vsel vm1, $0x4, v7;
	vm5 =	vgt.f32 v6, v4  }
0x45b: {  	v8 =	vand.u32 $0x7FFFFFFF, v11;
	v5 =	vsel vm0, v9, v5;
	v6 =	vsel vm5, v6, v4  }
0x45c: {  	v4 =	vld [tilespmem:s26+$0xA180];
	v5 =	vsel vm5, v10, v5;
	v10 =	vsel vm0, $0x5, v7;
	vm4 =	vgt.f32 v8, v6  }
0x45d: {  	v6 =	vand.u32 $0x7FFFFFFF, v1;
	v8 =	vand.u32 $0x7FFFFFFF, v2;
	v9 =	vsel vm4, v11, v5;
	v7 =	vpop (erf)  }
0x45e: {  	vm1 =	vgt.f32 v8, v6;
	v5 =	vld [tilespmem:s26+$0xA200];
	v9 =	vsub.f32 $0.0e+00, v9;
	v11 =	vadd.f32 $1.000000000e+00, v7  }
0x45f: {  	v6 =	vsel vm1, v8, v6;
	v8 =	vand.u32 $0x7FFFFFFF, v3  }
0x460: {  	vm2 =	vgt.f32 v8, v6;
	v7 =	vld [tilespmem:s26+$0xA280];
	v9 =	vmul.f32 $1.442695020e+00, v9;
	(erf) = vrcp.f32 v11  }
0x461: {  	v14 =	vsel vm5, $0x6, v10;
	v6 =	vsel vm2, v8, v6;
	v11 =	vand.u32 $0x7FFFFFFF, v4  }
0x462: {  	s20 =	simm.s32 $0x30;
	s17 =	simm.s32 $0x180;
	v12 =	vsel vm1, $0x1, v0;
	v8 =	vld [tilespmem:s26+$0xA300];
	vm3 =	vgt.f32 v11, v6;
	(erf) = vpow2.f32 v9  }
0x463: {  	s18 =	sand.u32 $0x70, s20;
	s20 =	sand.u32 $0xC00, s17;
	v10 =	vld [tilespmem:s26+$0xA380];
	v13 =	vsel vm2, $0x2, v12;
	v12 =	vand.u32 $0x7FFFFFFF, v5;
	v11 =	vsel vm3, v11, v6  }
0x464: {  	s28 =	sor.u32 s18, s20;
	s18 =	simm.s32 $0x40;
	v9 =	vld [tilespmem:s25+$0x11100];
	v6 =	vsel vm3, $0x3, v13;
	v13 =	vsel vm4, $0x7, v14;
	vm0 =	vgt.f32 v12, v11  }
.LBB2_39:
0x465: {  	p0 =	sne.s32 s18, $0x1F0;
	v14 =	vsel vm1, v2, v1;
	v1 =	vld [tilespmem:s28+$0xA000];
	v11 =	vsel vm0, v12, v11;
	v12 =	vand.u32 $0x7FFFFFFF, v7;
	[tilespmem:s9+$0x15100] =	vst v13  }
0x466: {  	v6 =	vsel vm0, $0x4, v6;
	v2 =	vld [tilespmem:s28+$0xA080];
	v3 =	vsel vm2, v3, v14;
	vm1 =	vgt.f32 v12, v11  }
0x467: {  	v4 =	vsel vm3, v4, v3;
	v11 =	vsel vm1, v12, v11;
	v13 =	vand.u32 $0x7FFFFFFF, v8  }
0x468: {  	v6 =	vsel vm1, $0x5, v6;
	v3 =	vld [tilespmem:s28+$0xA100];
	v4 =	vsel vm0, v5, v4;
	vm0 =	vgt.f32 v13, v11  }
0x469: {  	v5 =	vsel vm1, v7, v4;
	v7 =	vsel vm0, v13, v11;
	v13 =	vand.u32 $0x7FFFFFFF, v10;
	v12 =	vpop (erf)  }
0x46a: {  	v4 =	vld [tilespmem:s28+$0xA180];
	v5 =	vsel vm0, v8, v5;
	vm4 =	vgt.f32 v13, v7;
	v7 =	vmul.f32 v12, v9  }
0x46b: {  	v8 =	vand.u32 $0x7FFFFFFF, v1;
	v9 =	vand.u32 $0x7FFFFFFF, v2;
	v10 =	vsel vm4, v10, v5;
	v11 =	vpop (erf)  }
0x46c: {  	vm1 =	vgt.f32 v9, v8;
	v5 =	vld [tilespmem:s28+$0xA200];
	v10 =	vsub.f32 $0.0e+00, v10;
	v11 =	vadd.f32 $1.000000000e+00, v11;
	[tilespmem:s25+$0x13100] =	vst v7;
	s25 =	smov.u32 s9;
	s9 =	smov.u32 s26;
	s26 =	smov.u32 s28  }
0x46d: {  	v8 =	vsel vm1, v9, v8;
	v9 =	vsel vm1, $0x1, v0;
	v12 =	vand.u32 $0x7FFFFFFF, v3  }
.Ltmp20:
0x46e: {  	vm2 =	vgt.f32 v12, v8;
	v7 =	vld [tilespmem:s26+$0xA280];
	v10 =	vmul.f32 $1.442695020e+00, v10;
	(erf) = vrcp.f32 v11;
	(pc) =	sbr.rel @p0 .LBB2_39-.Ltmp20, $4  }
0x46f: {  	v11 =	vsel vm2, v12, v8;
	v9 =	vsel vm2, $0x2, v9;
	v12 =	vand.u32 $0x7FFFFFFF, v4  }
0x470: {  	s17 =	sadd.s32 $0x80, s17;
	v13 =	vsel vm0, $0x6, v6;
	vm3 =	vgt.f32 v12, v11;
	v8 =	vld [tilespmem:s26+$0xA300];
	(erf) = vpow2.f32 v10  }
0x471: {  	s20 =	sand.u32 $0x70, s18;
	s28 =	sand.u32 $0xC00, s17;
	v11 =	vsel vm3, v12, v11;
	v6 =	vsel vm3, $0x3, v9;
	v12 =	vand.u32 $0x7FFFFFFF, v5;
	v9 =	vld [tilespmem:s25+$0x11100]  }
0x472: {  	s18 =	sadd.s32 $0x10, s18;
	v13 =	vsel vm4, $0x7, v13;
	s28 =	sor.u32 s20, s28;
	vm0 =	vgt.f32 v12, v11;
	v10 =	vld [tilespmem:s26+$0xA380]  }
0x473: {  	v14 =	vld [tilespmem:s28+$0xA000];
	v1 =	vsel vm1, v2, v1;
	v2 =	vsel vm0, v12, v11;
	v40 =	vand.u32 $0x7FFFFFFF, v7;
	[tilespmem:s9+$0x15100] =	vst v13  }
0x474: {  	v41 =	vld [tilespmem:s28+$0xA080];
	v1 =	vsel vm2, v3, v1;
	vm13 =	vgt.f32 v40, v2  }
0x475: {  	v1 =	vsel vm3, v4, v1;
	v2 =	vsel vm13, v40, v2;
	v3 =	vand.u32 $0x7FFFFFFF, v8  }
0x476: {  	v42 =	vld [tilespmem:s28+$0xA100];
	v1 =	vsel vm0, v5, v1;
	vm14 =	vgt.f32 v3, v2  }
0x477: {  	v1 =	vsel vm13, v7, v1;
	v2 =	vsel vm14, v3, v2;
	v3 =	vand.u32 $0x7FFFFFFF, v10  }
0x478: {  	v44 =	vld [tilespmem:s28+$0xA180];
	v43 =	vpop (erf);
	v1 =	vsel vm14, v8, v1;
	vm15 =	vgt.f32 v3, v2  }
0x479: {  	v2 =	vmul.f32 v43, v9;
	v3 =	vand.u32 $0x7FFFFFFF, v14;
	v45 =	vand.u32 $0x7FFFFFFF, v41  }
0x47a: {  	v46 =	vld [tilespmem:s28+$0xA200];
	v1 =	vsel vm15, v10, v1;
	vm4 =	vgt.f32 v45, v3  }
0x47b: {  	v47 =	vpop (erf);
	v1 =	vsub.f32 $0.0e+00, v1;
	[tilespmem:s25+$0x13100] =	vst v2;
	v2 =	vsel vm4, v45, v3;
	v3 =	vand.u32 $0x7FFFFFFF, v42  }
0x47c: {  	v48 =	vadd.f32 $1.000000000e+00, v47;
	v49 =	vld [tilespmem:s28+$0xA280];
	vm5 =	vgt.f32 v3, v2  }
0x47d: {  	v1 =	vmul.f32 $1.442695020e+00, v1;
	v2 =	vsel vm5, v3, v2;
	v3 =	vand.u32 $0x7FFFFFFF, v44  }
0x47e: {  	v50 =	vld [tilespmem:s28+$0xA300];
	(erf) = vrcp.f32 v48;
	vm6 =	vgt.f32 v3, v2  }
0x47f: {  	(erf) = vpow2.f32 v1;
	v1 =	vsel vm6, v3, v2;
	v2 =	vand.u32 $0x7FFFFFFF, v46  }
0x480: {  	vm7 =	vgt.f32 v2, v1  }
0x481: {  	v3 =	vld [tilespmem:s28+$0xA380];
	v1 =	vsel vm7, v2, v1;
	v2 =	vand.u32 $0x7FFFFFFF, v49  }
0x482: {  	v51 =	vsel vm4, v41, v14;
	vm8 =	vgt.f32 v2, v1  }
0x483: {  	v4 =	vsel vm5, v42, v51;
	v1 =	vsel vm8, v2, v1;
	v2 =	vand.u32 $0x7FFFFFFF, v50  }
0x484: {  	v4 =	vsel vm6, v44, v4;
	vm9 =	vgt.f32 v2, v1  }
0x485: {  	v4 =	vsel vm7, v46, v4;
	v1 =	vsel vm9, v2, v1  }
0x486: {  	v4 =	vsel vm8, v49, v4;
	v2 =	vand.u32 $0x7FFFFFFF, v3  }
0x487: {  	v4 =	vsel vm9, v50, v4;
	vm10 =	vgt.f32 v2, v1  }
0x488: {  	v2 =	vsel vm10, v3, v4;
	v1 =	vpop (erf)  }
0x489: {  	v2 =	vsub.f32 $0.0e+00, v2;
	v3 =	vpop (erf)  }
0x48a: {  	v3 =	vadd.f32 $1.000000000e+00, v3  }
0x48b: {  	v2 =	vmul.f32 $1.442695020e+00, v2  }
0x48c: {  	(erf) = vrcp.f32 v3  }
0x48d: {  	(erf) = vpow2.f32 v2;
	v2 =	vld [tilespmem:s9+$0x11100];
	_ =	sdelay $0x3  }
0x48e: {  	v3 =	vsel vm0, $0x4, v6  }
0x48f: {  	v3 =	vsel vm13, $0x5, v3;
	v1 =	vmul.f32 v1, v2  }
0x490: {  	v3 =	vsel vm14, $0x6, v3  }
0x491: {  	v3 =	vsel vm15, $0x7, v3  }
0x492: {  	[tilespmem:s26+$0x15100] =	vst v3  }
0x493: {  	v2 =	vsel vm4, $0x1, v0;
	[tilespmem:s9+$0x13100] =	vst v1;
	v1 =	vpop (erf)  }
0x494: {  	v2 =	vsel vm5, $0x2, v2;
	v3 =	vld [tilespmem:s26+$0x11100];
	v52 =	vpop (erf)  }
0x495: {  	v2 =	vsel vm6, $0x3, v2;
	v4 =	vadd.f32 $1.000000000e+00, v52  }
0x496: {  	v2 =	vsel vm7, $0x4, v2  }
0x497: {  	v2 =	vsel vm8, $0x5, v2;
	(erf) = vrcp.f32 v4  }
0x498: {  	v2 =	vsel vm9, $0x6, v2  }
0x499: {  	v2 =	vsel vm10, $0x7, v2;
	v1 =	vmul.f32 v1, v3  }
0x49a: {  	[tilespmem:s28+$0x15100] =	vst v2  }
0x49b: {  	[tilespmem:s26+$0x13100] =	vst v1  }
0x49c: {  	v1 =	vld [tilespmem:s28+$0x11100];
	_ =	sdelay $0x3  }
0x49d: {  	v2 =	vpop (erf)  }
0x49e: {  	v1 =	vmul.f32 v2, v1;
	_ =	sdelay $0x1  }
0x49f: {  	s8 =	sor.u32 s8, s11;
	[tilespmem:s28+$0x13100] =	vst v1  }
0x4a0: {  	v1 =	vld [tilespmem:s8+$0xB080]  }
0x4a1: {  	v2 =	vld [tilespmem:s8+$0xB000];
	_ =	sdelay $0x1  }
0x4a2: {  	v3 =	vld [tilespmem:s8+$0xB100];
	_ =	sdelay $0x1  }
0x4a3: {  	v53 =	vld [tilespmem:s8+$0xB180]  }
0x4a4: {  	v54 =	vand.u32 $0x7FFFFFFF, v1;
	v55 =	vand.u32 $0x7FFFFFFF, v2  }
0x4a5: {  	v56 =	vld [tilespmem:s8+$0xB200];
	vm9 =	vgt.f32 v54, v55  }
0x4a6: {  	v57 =	vand.u32 $0x7FFFFFFF, v3;
	v5 =	vsel vm9, v54, v55  }
0x4a7: {  	v58 =	vld [tilespmem:s8+$0xB280];
	vm10 =	vgt.f32 v57, v5  }
0x4a8: {  	v59 =	vand.u32 $0x7FFFFFFF, v53;
	v5 =	vsel vm10, v57, v5  }
0x4a9: {  	v60 =	vld [tilespmem:s8+$0xB300];
	vm11 =	vgt.f32 v59, v5  }
0x4aa: {  	v61 =	vand.u32 $0x7FFFFFFF, v56;
	v5 =	vsel vm11, v59, v5  }
0x4ab: {  	v62 =	vld [tilespmem:s8+$0xB380];
	vm12 =	vgt.f32 v61, v5  }
0x4ac: {  	v1 =	vsel vm9, v1, v2;
	v2 =	vand.u32 $0x7FFFFFFF, v58;
	v5 =	vsel vm12, v61, v5  }
0x4ad: {  	v1 =	vsel vm10, v3, v1;
	vm13 =	vgt.f32 v2, v5  }
0x4ae: {  	v3 =	vand.u32 $0x7FFFFFFF, v60;
	v1 =	vsel vm11, v53, v1;
	v2 =	vsel vm13, v2, v5  }
0x4af: {  	v1 =	vsel vm12, v56, v1;
	vm14 =	vgt.f32 v3, v2  }
0x4b0: {  	v63 =	vand.u32 $0x7FFFFFFF, v62;
	v1 =	vsel vm13, v58, v1;
	v2 =	vsel vm14, v3, v2  }
0x4b1: {  	v1 =	vsel vm14, v60, v1;
	vm15 =	vgt.f32 v63, v2  }
0x4b2: {  	v1 =	vsel vm15, v62, v1  }
0x4b3: {  	v1 =	vsub.f32 $0.0e+00, v1;
	_ =	sdelay $0x1  }
0x4b4: {  	v1 =	vmul.f32 $1.442695020e+00, v1;
	_ =	sdelay $0x1  }
0x4b5: {  	(erf) = vpow2.f32 v1;
	_ =	sdelay $0x8  }
0x4b6: {  	v2 =	vpop (erf)  }
0x4b7: {  	v1 =	vsel vm9, $0x1, v0;
	v2 =	vadd.f32 $1.000000000e+00, v2  }
0x4b8: {  	v1 =	vsel vm10, $0x2, v1  }
0x4b9: {  	v1 =	vsel vm11, $0x3, v1;
	(erf) = vrcp.f32 v2  }
0x4ba: {  	v1 =	vsel vm12, $0x4, v1  }
0x4bb: {  	v1 =	vsel vm13, $0x5, v1  }
0x4bc: {  	s28 =	sor.u32 s11, s10;
	v1 =	vsel vm14, $0x6, v1  }
0x4bd: {  	s10 =	sor.u32 $0x180, s28;
	v1 =	vsel vm15, $0x7, v1  }
0x4be: {  	[tilespmem:s10+$0x15000] =	vst v1;
	v1 =	vld [tilespmem:s10+$0x11000];
	_ =	sdelay $0x3  }
0x4bf: {  	v2 =	vpop (erf)  }
0x4c0: {  	v1 =	vmul.f32 v2, v1  }
.LBB2_41:
0x4c1: {  	s11 =	sand.u32 $0x70, s13  }
0x4c2: {  	s9 =	sand.u32 $0xC00, s4;
	s17 =	smov.u32 s13;
	s8 =	sadd.s32 $0x10, s13  }
0x4c3: {  	p0 =	sne.s32 s13, $0x1F0;
	s13 =	sor.u32 s16, s9;
	s9 =	sor.u32 s9, s0;
	[tilespmem:s10+$0x13000] =	vst v1  }
0x4c4: {  	s16 =	smov.u32 s11;
	s0 =	smov.u32 s17;
	v1 =	vld [tilespmem:s13+$0xB080]  }
0x4c5: {  	v2 =	vld [tilespmem:s13+$0xB000]  }
0x4c6: {  	v3 =	vld [tilespmem:s13+$0xB100];
	_ =	sdelay $0x1  }
0x4c7: {  	v4 =	vld [tilespmem:s13+$0xB180]  }
0x4c8: {  	v5 =	vand.u32 $0x7FFFFFFF, v1  }
0x4c9: {  	v6 =	vand.u32 $0x7FFFFFFF, v2;
	v7 =	vld [tilespmem:s13+$0xB200]  }
0x4ca: {  	vm0 =	vgt.f32 v5, v6;
	v8 =	vand.u32 $0x7FFFFFFF, v3  }
0x4cb: {  	v5 =	vsel vm0, v5, v6;
	v1 =	vsel vm0, v1, v2;
	v2 =	vld [tilespmem:s13+$0xB280]  }
0x4cc: {  	vm1 =	vgt.f32 v8, v5;
	v6 =	vand.u32 $0x7FFFFFFF, v4  }
0x4cd: {  	v9 =	vsel vm0, $0x1, v0;
	v5 =	vsel vm1, v8, v5;
	v1 =	vsel vm1, v3, v1;
	v3 =	vld [tilespmem:s13+$0xB300]  }
0x4ce: {  	v8 =	vsel vm1, $0x2, v9;
	vm0 =	vgt.f32 v6, v5;
	v9 =	vand.u32 $0x7FFFFFFF, v7  }
0x4cf: {  	v5 =	vsel vm0, v6, v5;
	v6 =	vsel vm0, $0x3, v8;
	v8 =	vld [tilespmem:s13+$0xB380]  }
0x4d0: {  	v1 =	vsel vm0, v4, v1;
	vm0 =	vgt.f32 v9, v5;
	v4 =	vand.u32 $0x7FFFFFFF, v2  }
0x4d1: {  	v5 =	vsel vm0, v9, v5;
	v1 =	vsel vm0, v7, v1;
	v6 =	vsel vm0, $0x4, v6  }
0x4d2: {  	vm0 =	vgt.f32 v4, v5;
	v7 =	vand.u32 $0x7FFFFFFF, v3  }
0x4d3: {  	v4 =	vsel vm0, v4, v5;
	v1 =	vsel vm0, v2, v1;
	v2 =	vsel vm0, $0x5, v6  }
0x4d4: {  	vm0 =	vgt.f32 v7, v4;
	v5 =	vand.u32 $0x7FFFFFFF, v8  }
0x4d5: {  	v4 =	vsel vm0, v7, v4;
	v1 =	vsel vm0, v3, v1  }
0x4d6: {  	v2 =	vsel vm0, $0x6, v2;
	vm0 =	vgt.f32 v5, v4  }
0x4d7: {  	s10 =	sor.u32 $0x180, s9;
	v1 =	vsel vm0, v8, v1;
	v2 =	vsel vm0, $0x7, v2  }
0x4d8: {  	v1 =	vsub.f32 $0.0e+00, v1;
	[tilespmem:s10+$0x15000] =	vst v2;
	_ =	sdelay $0x1  }
0x4d9: {  	v1 =	vmul.f32 $1.442695020e+00, v1;
	_ =	sdelay $0x1  }
0x4da: {  	(erf) = vpow2.f32 v1;
	_ =	sdelay $0x8  }
0x4db: {  	v1 =	vpop (erf)  }
0x4dc: {  	v1 =	vadd.f32 $1.000000000e+00, v1;
	_ =	sdelay $0x1  }
0x4dd: {  	(erf) = vrcp.f32 v1;
	_ =	sdelay $0x3  }
0x4de: {  	v1 =	vld [tilespmem:s10+$0x11000];
	_ =	sdelay $0x1  }
.Ltmp21:
0x4df: {  	(pc) =	sbr.rel @p0 .LBB2_41-.Ltmp21, $3  }
0x4e0: {  	_ =	sdelay $0x1  }
0x4e1: {  	v2 =	vpop (erf)  }
0x4e2: {  	s4 =	sadd.s32 $0x80, s4;
	s13 =	smov.u32 s8;
	v1 =	vmul.f32 v2, v1  }
0x4e3: {  	s4 =	sand.u32 $0xC00, s4  }
0x4e4: {  	s8 =	sor.u32 s16, s4;
	[tilespmem:s10+$0x13000] =	vst v1  }
0x4e5: {  	v1 =	vld [tilespmem:s8+$0xB080]  }
0x4e6: {  	v2 =	vld [tilespmem:s8+$0xB000];
	_ =	sdelay $0x1  }
0x4e7: {  	v3 =	vld [tilespmem:s8+$0xB100];
	_ =	sdelay $0x1  }
0x4e8: {  	v4 =	vld [tilespmem:s8+$0xB180]  }
0x4e9: {  	v5 =	vand.u32 $0x7FFFFFFF, v1;
	v6 =	vand.u32 $0x7FFFFFFF, v2  }
0x4ea: {  	v7 =	vld [tilespmem:s8+$0xB200];
	vm0 =	vgt.f32 v5, v6  }
0x4eb: {  	v8 =	vand.u32 $0x7FFFFFFF, v3;
	v5 =	vsel vm0, v5, v6  }
0x4ec: {  	v60 =	vld [tilespmem:s8+$0xB280];
	vm1 =	vgt.f32 v8, v5  }
0x4ed: {  	v9 =	vand.u32 $0x7FFFFFFF, v4;
	v5 =	vsel vm1, v8, v5  }
0x4ee: {  	v61 =	vld [tilespmem:s8+$0xB300];
	vm2 =	vgt.f32 v9, v5  }
0x4ef: {  	v10 =	vand.u32 $0x7FFFFFFF, v7;
	v5 =	vsel vm2, v9, v5  }
0x4f0: {  	v62 =	vld [tilespmem:s8+$0xB380];
	vm3 =	vgt.f32 v10, v5  }
0x4f1: {  	v63 =	vand.u32 $0x7FFFFFFF, v60;
	v1 =	vsel vm0, v1, v2;
	v2 =	vsel vm3, v10, v5  }
0x4f2: {  	v1 =	vsel vm1, v3, v1;
	vm4 =	vgt.f32 v63, v2  }
0x4f3: {  	v3 =	vand.u32 $0x7FFFFFFF, v61;
	v1 =	vsel vm2, v4, v1;
	v2 =	vsel vm4, v63, v2  }
0x4f4: {  	v1 =	vsel vm3, v7, v1;
	vm5 =	vgt.f32 v3, v2  }
0x4f5: {  	v1 =	vsel vm4, v60, v1;
	v2 =	vsel vm5, v3, v2;
	v3 =	vand.u32 $0x7FFFFFFF, v62  }
0x4f6: {  	v1 =	vsel vm5, v61, v1;
	vm6 =	vgt.f32 v3, v2  }
0x4f7: {  	v1 =	vsel vm6, v62, v1  }
0x4f8: {  	v1 =	vsub.f32 $0.0e+00, v1;
	_ =	sdelay $0x1  }
0x4f9: {  	v1 =	vmul.f32 $1.442695020e+00, v1;
	_ =	sdelay $0x1  }
0x4fa: {  	(erf) = vpow2.f32 v1;
	_ =	sdelay $0x8  }
0x4fb: {  	v1 =	vpop (erf)  }
0x4fc: {  	v1 =	vadd.f32 $1.000000000e+00, v1;
	_ =	sdelay $0x1  }
0x4fd: {  	(erf) = vrcp.f32 v1;
	_ =	sdelay $0x2  }
0x4fe: {  	s0 =	sor.u32 s4, s0  }
0x4ff: {  	s25 =	sor.u32 $0x180, s0;
	v1 =	vsel vm0, $0x1, v0  }
0x500: {  	v2 =	vld [tilespmem:s25+$0x11000];
	v1 =	vsel vm1, $0x2, v1  }
0x501: {  	v1 =	vsel vm2, $0x3, v1  }
0x502: {  	p2 =	por $0x1, $0x1;
	v1 =	vsel vm3, $0x4, v1  }
.Ltmp22:
0x503: {  	v1 =	vsel vm4, $0x5, v1;
	(pc) =	sbr.rel @!p2 .LBB2_43-.Ltmp22, $4  }
0x504: {  	v1 =	vsel vm5, $0x6, v1;
	v3 =	vpop (erf)  }
0x505: {  	s26 =	simm.s32 $0x0;
	p3 =	por $0x0, $0x0;
	v1 =	vsel vm6, $0x7, v1;
	v2 =	vmul.f32 v3, v2  }
0x506: {  	p4 =	por $0x0, $0x0;
	s28 =	sand.u32 $0x70, s26;
	s0 =	sand.u32 $0xC00, s26;
	[tilespmem:s25+$0x15000] =	vst v1  }
0x507: {  	p0 =	por $0x0, $0x0;
	s4 =	simm.s32 $0x10;
	s0 =	sor.u32 s28, s0;
	[tilespmem:s25+$0x13000] =	vst v2  }
0x508: {  	v6 =	vld [tilespmem:s0+$0xC000]  }
0x509: {  	v1 =	vld [tilespmem:s0+$0xC080];
	_ =	sdelay $0x1  }
0x50a: {  	v2 =	vld [tilespmem:s0+$0xC100];
	_ =	sdelay $0x1  }
0x50b: {  	v4 =	vld [tilespmem:s0+$0xC180]  }
0x50c: {  	v3 =	vand.u32 $0x7FFFFFFF, v6;
	v7 =	vand.u32 $0x7FFFFFFF, v1  }
0x50d: {  	v5 =	vld [tilespmem:s0+$0xC200];
	vm1 =	vgt.f32 v7, v3  }
0x50e: {  	p5 =	por $0x1, $0x1;
	v3 =	vsel vm1, v7, v3;
	v7 =	vand.u32 $0x7FFFFFFF, v2  }
.Ltmp23:
0x50f: {  	vm2 =	vgt.f32 v7, v3;
	(pc) =	sbr.rel @!p5 .LBB2_45-.Ltmp23, $4  }
0x510: {  	v8 =	vand.u32 $0x7FFFFFFF, v4;
	v3 =	vsel vm2, v7, v3  }
0x511: {  	s8 =	simm.s32 $0x80;
	v9 =	vsel vm1, $0x1, v0;
	v7 =	vld [tilespmem:s0+$0xC280];
	vm3 =	vgt.f32 v8, v3  }
0x512: {  	s9 =	sand.u32 $0x70, s4;
	s8 =	sand.u32 $0xC00, s8;
	v12 =	vand.u32 $0x7FFFFFFF, v5;
	v10 =	vsel vm2, $0x2, v9;
	v9 =	vld [tilespmem:s0+$0xC300];
	v11 =	vsel vm3, v8, v3  }
0x513: {  	p3 =	por $0x1, $0x1;
	s8 =	sor.u32 s9, s8;
	s9 =	simm.s32 $0x20;
	v8 =	vsel vm3, $0x3, v10;
	v10 =	vld [tilespmem:s0+$0xC380];
	vm0 =	vgt.f32 v12, v11  }
0x514: {  	_ = 	snop  }
0x515: {  	v3 =	vsel vm1, v1, v6;
	v1 =	vld [tilespmem:s8+$0xC080]  }
0x516: {  	v13 =	vld [tilespmem:s8+$0xC000];
	v6 =	vsel vm0, v12, v11;
	v2 =	vsel vm2, v2, v3;
	v11 =	vand.u32 $0x7FFFFFFF, v7  }
0x517: {  	v3 =	vsel vm3, v4, v2;
	vm2 =	vgt.f32 v11, v6  }
0x518: {  	v2 =	vld [tilespmem:s8+$0xC100];
	v3 =	vsel vm0, v5, v3;
	v4 =	vsel vm2, v11, v6;
	v6 =	vand.u32 $0x7FFFFFFF, v9  }
0x519: {  	v3 =	vsel vm2, v7, v3;
	vm5 =	vgt.f32 v6, v4  }
0x51a: {  	v7 =	vand.u32 $0x7FFFFFFF, v1;
	v5 =	vsel vm5, v6, v4;
	v6 =	vand.u32 $0x7FFFFFFF, v10;
	v4 =	vld [tilespmem:s8+$0xC180]  }
0x51b: {  	v3 =	vsel vm5, v9, v3;
	vm4 =	vgt.f32 v6, v5;
	v6 =	vand.u32 $0x7FFFFFFF, v13  }
0x51c: {  	v8 =	vsel vm0, $0x4, v8;
	v5 =	vld [tilespmem:s8+$0xC200];
	v3 =	vsel vm4, v10, v3;
	vm1 =	vgt.f32 v7, v6  }
0x51d: {  	p5 =	por $0x1, $0x1;
	v3 =	vsub.f32 $0.0e+00, v3;
	v6 =	vsel vm1, v7, v6;
	v7 =	vand.u32 $0x7FFFFFFF, v2  }
.Ltmp24:
0x51e: {  	v8 =	vsel vm2, $0x5, v8;
	v9 =	vsel vm1, $0x1, v0;
	vm2 =	vgt.f32 v7, v6;
	(pc) =	sbr.rel @!p5 .LBB2_47-.Ltmp24, $4  }
0x51f: {  	v3 =	vmul.f32 $1.442695020e+00, v3;
	v6 =	vsel vm2, v7, v6;
	v10 =	vand.u32 $0x7FFFFFFF, v4  }
0x520: {  	s10 =	simm.s32 $0x100;
	v15 =	vsel vm5, $0x6, v8;
	v7 =	vld [tilespmem:s8+$0xC280];
	v14 =	vsel vm2, $0x2, v9;
	vm3 =	vgt.f32 v10, v6  }
0x521: {  	s9 =	sand.u32 $0x70, s9;
	s10 =	sand.u32 $0xC00, s10;
	v9 =	vld [tilespmem:s8+$0xC300];
	v12 =	vand.u32 $0x7FFFFFFF, v5;
	(erf) = vpow2.f32 v3;
	v11 =	vsel vm3, v10, v6  }
0x522: {  	p4 =	por $0x1, $0x1;
	s10 =	sor.u32 s9, s10;
	s9 =	simm.s32 $0x30;
	v8 =	vsel vm3, $0x3, v14;
	v10 =	vld [tilespmem:s8+$0xC380];
	v3 =	vsel vm4, $0x7, v15;
	vm0 =	vgt.f32 v12, v11  }
0x523: {  	_ =	sdelay $0x1  }
0x524: {  	v13 =	vsel vm1, v1, v13;
	v11 =	vsel vm0, v12, v11;
	v12 =	vand.u32 $0x7FFFFFFF, v7  }
0x525: {  	v6 =	vld [tilespmem:s10+$0xC000];
	[tilespmem:s0+$0x15200] =	vst v3;
	v2 =	vsel vm2, v2, v13;
	vm1 =	vgt.f32 v12, v11  }
0x526: {  	v1 =	vld [tilespmem:s10+$0xC080];
	v4 =	vsel vm3, v4, v2;
	v11 =	vsel vm1, v12, v11;
	v12 =	vand.u32 $0x7FFFFFFF, v9  }
0x527: {  	v4 =	vsel vm0, v5, v4;
	vm5 =	vgt.f32 v12, v11  }
0x528: {  	v2 =	vld [tilespmem:s10+$0xC100];
	v5 =	vsel vm1, v7, v4;
	v7 =	vsel vm5, v12, v11;
	v11 =	vand.u32 $0x7FFFFFFF, v10  }
0x529: {  	v8 =	vsel vm0, $0x4, v8  }
0x52a: {  	v4 =	vld [tilespmem:s10+$0xC180];
	v8 =	vsel vm1, $0x5, v8;
	v5 =	vsel vm5, v9, v5;
	vm4 =	vgt.f32 v11, v7  }
0x52b: {  	v9 =	vand.u32 $0x7FFFFFFF, v1;
	v7 =	vand.u32 $0x7FFFFFFF, v6;
	v10 =	vsel vm4, v10, v5;
	v11 =	vpop (erf)  }
0x52c: {  	vm1 =	vgt.f32 v9, v7;
	v5 =	vld [tilespmem:s10+$0xC200];
	v10 =	vsub.f32 $0.0e+00, v10;
	v11 =	vadd.f32 $1.000000000e+00, v11  }
0x52d: {  	p6 =	por $0x1, $0x1;
	v12 =	vand.u32 $0x7FFFFFFF, v2;
	v9 =	vsel vm1, v9, v7  }
.Ltmp25:
0x52e: {  	v7 =	vld [tilespmem:s10+$0xC280];
	vm2 =	vgt.f32 v12, v9;
	v10 =	vmul.f32 $1.442695020e+00, v10;
	(erf) = vrcp.f32 v11;
	(pc) =	sbr.rel @!p6 .LBB2_49-.Ltmp25, $4  }
0x52f: {  	v15 =	vsel vm5, $0x6, v8;
	v11 =	vsel vm2, v12, v9;
	v12 =	vand.u32 $0x7FFFFFFF, v4  }
0x530: {  	s13 =	simm.s32 $0x180;
	v13 =	vsel vm1, $0x1, v0;
	v9 =	vld [tilespmem:s10+$0xC300];
	vm3 =	vgt.f32 v12, v11;
	(erf) = vpow2.f32 v10  }
0x531: {  	s9 =	sand.u32 $0x70, s9;
	s16 =	simm.s32 $0x40;
	s11 =	sand.u32 $0xC00, s13;
	v14 =	vsel vm2, $0x2, v13;
	v13 =	vld [tilespmem:s0+$0x11200];
	v11 =	vsel vm3, v12, v11;
	v12 =	vand.u32 $0x7FFFFFFF, v5  }
0x532: {  	p5 =	por $0x1, $0x1;
	s9 =	sor.u32 s9, s11;
	s11 =	smov.u32 s0;
	v10 =	vld [tilespmem:s10+$0xC380];
	v8 =	vsel vm3, $0x3, v14;
	v14 =	vsel vm4, $0x7, v15;
	vm0 =	vgt.f32 v12, v11  }
.LBB2_50:
0x533: {  	p6 =	sne.s32 s16, $0x1F0;
	v15 =	vsel vm1, v1, v6;
	v6 =	vld [tilespmem:s9+$0xC000];
	v11 =	vsel vm0, v12, v11;
	v12 =	vand.u32 $0x7FFFFFFF, v7;
	[tilespmem:s8+$0x15200] =	vst v14  }
0x534: {  	v8 =	vsel vm0, $0x4, v8;
	v1 =	vld [tilespmem:s9+$0xC080];
	v2 =	vsel vm2, v2, v15;
	vm1 =	vgt.f32 v12, v11  }
0x535: {  	v4 =	vsel vm3, v4, v2;
	v11 =	vsel vm1, v12, v11;
	v14 =	vand.u32 $0x7FFFFFFF, v9  }
0x536: {  	v8 =	vsel vm1, $0x5, v8;
	v2 =	vld [tilespmem:s9+$0xC100];
	v4 =	vsel vm0, v5, v4;
	vm0 =	vgt.f32 v14, v11  }
0x537: {  	v5 =	vsel vm1, v7, v4;
	v7 =	vsel vm0, v14, v11;
	v11 =	vand.u32 $0x7FFFFFFF, v10;
	v12 =	vpop (erf)  }
0x538: {  	v4 =	vld [tilespmem:s9+$0xC180];
	v5 =	vsel vm0, v9, v5;
	vm4 =	vgt.f32 v11, v7;
	v7 =	vmul.f32 v12, v13  }
0x539: {  	v9 =	vand.u32 $0x7FFFFFFF, v6;
	v11 =	vand.u32 $0x7FFFFFFF, v1;
	v10 =	vsel vm4, v10, v5;
	v12 =	vpop (erf)  }
0x53a: {  	vm1 =	vgt.f32 v11, v9;
	v5 =	vld [tilespmem:s9+$0xC200];
	v10 =	vsub.f32 $0.0e+00, v10;
	v12 =	vadd.f32 $1.000000000e+00, v12;
	[tilespmem:s11+$0x13200] =	vst v7;
	s11 =	smov.u32 s8;
	s8 =	smov.u32 s10;
	s10 =	smov.u32 s9  }
0x53b: {  	v9 =	vsel vm1, v11, v9;
	v11 =	vsel vm1, $0x1, v0;
	v13 =	vand.u32 $0x7FFFFFFF, v2  }
.Ltmp26:
0x53c: {  	vm2 =	vgt.f32 v13, v9;
	v7 =	vld [tilespmem:s10+$0xC280];
	v10 =	vmul.f32 $1.442695020e+00, v10;
	(erf) = vrcp.f32 v12;
	(pc) =	sbr.rel @p6 .LBB2_50-.Ltmp26, $4  }
0x53d: {  	v12 =	vsel vm2, v13, v9;
	v13 =	vsel vm2, $0x2, v11;
	v11 =	vand.u32 $0x7FFFFFFF, v4  }
0x53e: {  	s13 =	sadd.s32 $0x80, s13;
	v14 =	vsel vm0, $0x6, v8;
	vm3 =	vgt.f32 v11, v12;
	v9 =	vld [tilespmem:s10+$0xC300];
	(erf) = vpow2.f32 v10  }
0x53f: {  	s17 =	sand.u32 $0xC00, s13;
	s9 =	sand.u32 $0x70, s16;
	v11 =	vsel vm3, v11, v12;
	v8 =	vsel vm3, $0x3, v13;
	v12 =	vand.u32 $0x7FFFFFFF, v5;
	v13 =	vld [tilespmem:s11+$0x11200]  }
0x540: {  	v14 =	vsel vm4, $0x7, v14;
	s16 =	sadd.s32 $0x10, s16;
	s9 =	sor.u32 s9, s17;
	vm0 =	vgt.f32 v12, v11;
	v10 =	vld [tilespmem:s10+$0xC380]  }
0x541: {  	s13 =	smov.u32 s8;
	s8 =	smov.u32 s10  }
.LBB2_52:
0x542: {  	v15 =	vld [tilespmem:s9+$0xC000];
	v1 =	vsel @p3 vm1, v1, v6;
	v6 =	vsel @p3 vm0, v12, v11;
	v11 =	vand.u32 @p3 $0x7FFFFFFF, v7;
	[tilespmem:s13+$0x15200] =	vst @p4 v14  }
0x543: {  	v51 =	vld [tilespmem:s9+$0xC080];
	v1 =	vsel @p3 vm2, v2, v1;
	vm1 =	vgt.f32 @p3 v11, v6  }
0x544: {  	v1 =	vsel @p3 vm3, v4, v1;
	v2 =	vsel @p3 vm1, v11, v6;
	v4 =	vand.u32 @p3 $0x7FFFFFFF, v9  }
0x545: {  	v52 =	vld [tilespmem:s9+$0xC100];
	v1 =	vsel @p3 vm0, v5, v1;
	vm2 =	vgt.f32 @p3 v4, v2  }
0x546: {  	v1 =	vsel @p3 vm1, v7, v1;
	v2 =	vsel @p3 vm2, v4, v2;
	v4 =	vand.u32 @p3 $0x7FFFFFFF, v10  }
0x547: {  	v53 =	vld [tilespmem:s9+$0xC180];
	v5 =	vpop @p5 (erf);
	v1 =	vsel @p3 vm2, v9, v1;
	vm5 =	vgt.f32 @p3 v4, v2  }
0x548: {  	v2 =	vmul.f32 @p5 v5, v13;
	v54 =	vand.u32 $0x7FFFFFFF, v15;
	v55 =	vand.u32 $0x7FFFFFFF, v51  }
0x549: {  	v56 =	vld [tilespmem:s9+$0xC200];
	v1 =	vsel @p3 vm5, v10, v1;
	vm15 =	vgt.f32 v55, v54  }
0x54a: {  	v10 =	vpop @p4 (erf);
	v57 =	vand.u32 $0x7FFFFFFF, v52;
	v1 =	vsub.f32 @p3 $0.0e+00, v1;
	[tilespmem:s11+$0x13200] =	vst @p5 v2;
	v2 =	vsel vm15, v55, v54  }
0x54b: {  	v5 =	vadd.f32 @p4 $1.000000000e+00, v10;
	v58 =	vld [tilespmem:s9+$0xC280];
	vm4 =	vgt.f32 v57, v2  }
0x54c: {  	v59 =	vand.u32 $0x7FFFFFFF, v53;
	v1 =	vmul.f32 @p3 $1.442695020e+00, v1;
	v2 =	vsel vm4, v57, v2  }
0x54d: {  	v60 =	vld [tilespmem:s9+$0xC300];
	(erf) = vrcp.f32 @p4 v5;
	vm6 =	vgt.f32 v59, v2  }
0x54e: {  	(erf) = vpow2.f32 @p3 v1;
	v1 =	vsel vm6, v59, v2;
	v2 =	vand.u32 $0x7FFFFFFF, v56  }
0x54f: {  	vm7 =	vgt.f32 v2, v1  }
0x550: {  	v61 =	vld [tilespmem:s9+$0xC380];
	v1 =	vsel vm7, v2, v1;
	v2 =	vand.u32 $0x7FFFFFFF, v58  }
0x551: {  	v62 =	vsel vm15, v51, v15;
	vm8 =	vgt.f32 v2, v1  }
0x552: {  	v6 =	vsel vm4, v52, v62;
	v1 =	vsel vm8, v2, v1;
	v2 =	vand.u32 $0x7FFFFFFF, v60  }
0x553: {  	v6 =	vsel vm6, v53, v6;
	vm9 =	vgt.f32 v2, v1  }
0x554: {  	v6 =	vsel vm7, v56, v6;
	v1 =	vsel vm9, v2, v1  }
0x555: {  	v6 =	vsel vm8, v58, v6;
	v2 =	vand.u32 $0x7FFFFFFF, v61  }
0x556: {  	v5 =	vsel vm9, v60, v6;
	vm10 =	vgt.f32 v2, v1  }
0x557: {  	v2 =	vsel vm10, v61, v5;
	v1 =	vpop @p4 (erf)  }
0x558: {  	v2 =	vsub.f32 $0.0e+00, v2;
	v4 =	vpop @p3 (erf)  }
0x559: {  	v4 =	vadd.f32 @p3 $1.000000000e+00, v4  }
0x55a: {  	s10 =	smov.u32 @p4 s13;
	v2 =	vmul.f32 $1.442695020e+00, v2  }
0x55b: {  	v5 =	vld @p4 [tilespmem:s10+$0x11200];
	(erf) = vrcp.f32 @p3 v4  }
0x55c: {  	(erf) = vpow2.f32 v2  }
0x55d: {  	v2 =	vsel @p3 vm0, $0x4, v8  }
0x55e: {  	v2 =	vsel @p3 vm1, $0x5, v2  }
0x55f: {  	v2 =	vsel @p3 vm2, $0x6, v2  }
0x560: {  	s11 =	smov.u32 s0;
	v4 =	vpsel p4, v5, v0;
	v2 =	vsel @p3 vm5, $0x7, v2  }
0x561: {  	s11 =	smov.u32 @p3 s8;
	v1 =	vmul.f32 @p4 v1, v4;
	v2 =	vpsel p3, v2, v3  }
0x562: {  	s8 =	smov.u32 @p4 s10;
	[tilespmem:s11+$0x15200] =	vst @p3 v2  }
0x563: {  	[tilespmem:s8+$0x13200] =	vst @p4 v1;
	s8 =	smov.u32 @p3 s11  }
0x564: {  	v1 =	vsel vm15, $0x1, v0;
	v2 =	vld @p3 [tilespmem:s8+$0x11200];
	v3 =	vpop @p3 (erf)  }
0x565: {  	v1 =	vsel vm4, $0x2, v1;
	v63 =	vpop (erf)  }
0x566: {  	v1 =	vsel vm6, $0x3, v1;
	v4 =	vadd.f32 $1.000000000e+00, v63  }
0x567: {  	v1 =	vsel vm7, $0x4, v1  }
0x568: {  	v1 =	vsel vm8, $0x5, v1;
	(erf) = vrcp.f32 v4  }
0x569: {  	v1 =	vsel vm9, $0x6, v1;
	v2 =	vpsel p3, v2, v0  }
0x56a: {  	v1 =	vsel vm10, $0x7, v1;
	v2 =	vmul.f32 @p3 v3, v2  }
0x56b: {  	s8 =	smov.u32 @p3 s8;
	[tilespmem:s9+$0x15200] =	vst v1  }
0x56c: {  	[tilespmem:s8+$0x13200] =	vst @p3 v2  }
0x56d: {  	v1 =	vld [tilespmem:s9+$0x11200];
	_ =	sdelay $0x2  }
.Ltmp27:
0x56e: {  	_ = 	snop;
	(pc) =	sbr.rel @!p2 .LBB2_53-.Ltmp27, $3  }
0x56f: {  	v2 =	vpop (erf)  }
0x570: {  	v1 =	vmul.f32 v2, v1;
	_ =	sdelay $0x1  }
0x571: {  	[tilespmem:s9+$0x13200] =	vst v1  }
0x572: {  	v6 =	vld [tilespmem:s0+$0xD000]  }
0x573: {  	v1 =	vld [tilespmem:s0+$0xD080];
	_ =	sdelay $0x1  }
0x574: {  	v2 =	vld [tilespmem:s0+$0xD100];
	_ =	sdelay $0x1  }
0x575: {  	v4 =	vld [tilespmem:s0+$0xD180]  }
0x576: {  	v3 =	vand.u32 $0x7FFFFFFF, v6;
	v7 =	vand.u32 $0x7FFFFFFF, v1  }
0x577: {  	v5 =	vld [tilespmem:s0+$0xD200];
	vm1 =	vgt.f32 v7, v3  }
0x578: {  	p3 =	por $0x1, $0x1;
	v3 =	vsel vm1, v7, v3;
	v7 =	vand.u32 $0x7FFFFFFF, v2  }
.Ltmp28:
0x579: {  	vm2 =	vgt.f32 v7, v3;
	(pc) =	sbr.rel @!p3 .LBB2_55-.Ltmp28, $4  }
0x57a: {  	v8 =	vand.u32 $0x7FFFFFFF, v4;
	v3 =	vsel vm2, v7, v3  }
0x57b: {  	s8 =	simm.s32 $0x80;
	v9 =	vsel vm1, $0x1, v0;
	v7 =	vld [tilespmem:s0+$0xD280];
	vm3 =	vgt.f32 v8, v3  }
0x57c: {  	s4 =	sand.u32 $0x70, s4;
	s8 =	sand.u32 $0xC00, s8;
	v12 =	vand.u32 $0x7FFFFFFF, v5;
	v10 =	vsel vm2, $0x2, v9;
	v9 =	vld [tilespmem:s0+$0xD300];
	v11 =	vsel vm3, v8, v3  }
0x57d: {  	p2 =	por $0x1, $0x1;
	s4 =	sor.u32 s4, s8;
	s8 =	simm.s32 $0x20;
	v8 =	vsel vm3, $0x3, v10;
	v10 =	vld [tilespmem:s0+$0xD380];
	vm0 =	vgt.f32 v12, v11  }
0x57e: {  	_ = 	snop  }
0x57f: {  	v3 =	vsel vm1, v1, v6;
	v1 =	vld [tilespmem:s4+$0xD080]  }
0x580: {  	v13 =	vld [tilespmem:s4+$0xD000];
	v6 =	vsel vm0, v12, v11;
	v2 =	vsel vm2, v2, v3;
	v11 =	vand.u32 $0x7FFFFFFF, v7  }
0x581: {  	v3 =	vsel vm3, v4, v2;
	vm2 =	vgt.f32 v11, v6  }
0x582: {  	v2 =	vld [tilespmem:s4+$0xD100];
	v3 =	vsel vm0, v5, v3;
	v4 =	vsel vm2, v11, v6;
	v6 =	vand.u32 $0x7FFFFFFF, v9  }
0x583: {  	v3 =	vsel vm2, v7, v3;
	vm5 =	vgt.f32 v6, v4  }
0x584: {  	v7 =	vand.u32 $0x7FFFFFFF, v1;
	v5 =	vsel vm5, v6, v4;
	v6 =	vand.u32 $0x7FFFFFFF, v10;
	v4 =	vld [tilespmem:s4+$0xD180]  }
0x585: {  	v3 =	vsel vm5, v9, v3;
	vm4 =	vgt.f32 v6, v5;
	v6 =	vand.u32 $0x7FFFFFFF, v13  }
0x586: {  	v8 =	vsel vm0, $0x4, v8;
	v5 =	vld [tilespmem:s4+$0xD200];
	v3 =	vsel vm4, v10, v3;
	vm1 =	vgt.f32 v7, v6  }
0x587: {  	p4 =	por $0x1, $0x1;
	v3 =	vsub.f32 $0.0e+00, v3;
	v6 =	vsel vm1, v7, v6;
	v7 =	vand.u32 $0x7FFFFFFF, v2  }
.Ltmp29:
0x588: {  	v8 =	vsel vm2, $0x5, v8;
	v9 =	vsel vm1, $0x1, v0;
	vm2 =	vgt.f32 v7, v6;
	(pc) =	sbr.rel @!p4 .LBB2_57-.Ltmp29, $4  }
0x589: {  	v3 =	vmul.f32 $1.442695020e+00, v3;
	v6 =	vsel vm2, v7, v6;
	v10 =	vand.u32 $0x7FFFFFFF, v4  }
0x58a: {  	s9 =	simm.s32 $0x100;
	v15 =	vsel vm5, $0x6, v8;
	v7 =	vld [tilespmem:s4+$0xD280];
	v14 =	vsel vm2, $0x2, v9;
	vm3 =	vgt.f32 v10, v6  }
0x58b: {  	s8 =	sand.u32 $0x70, s8;
	s9 =	sand.u32 $0xC00, s9;
	v9 =	vld [tilespmem:s4+$0xD300];
	v12 =	vand.u32 $0x7FFFFFFF, v5;
	(erf) = vpow2.f32 v3;
	v11 =	vsel vm3, v10, v6  }
0x58c: {  	p3 =	por $0x1, $0x1;
	s8 =	sor.u32 s8, s9;
	s9 =	simm.s32 $0x30;
	v8 =	vsel vm3, $0x3, v14;
	v10 =	vld [tilespmem:s4+$0xD380];
	v3 =	vsel vm4, $0x7, v15;
	vm0 =	vgt.f32 v12, v11  }
0x58d: {  	_ =	sdelay $0x1  }
0x58e: {  	v13 =	vsel vm1, v1, v13;
	v11 =	vsel vm0, v12, v11;
	v12 =	vand.u32 $0x7FFFFFFF, v7  }
0x58f: {  	v6 =	vld [tilespmem:s8+$0xD000];
	[tilespmem:s0+$0x15280] =	vst v3;
	v2 =	vsel vm2, v2, v13;
	vm1 =	vgt.f32 v12, v11  }
0x590: {  	v1 =	vld [tilespmem:s8+$0xD080];
	v4 =	vsel vm3, v4, v2;
	v11 =	vsel vm1, v12, v11;
	v12 =	vand.u32 $0x7FFFFFFF, v9  }
0x591: {  	v4 =	vsel vm0, v5, v4;
	vm5 =	vgt.f32 v12, v11  }
0x592: {  	v2 =	vld [tilespmem:s8+$0xD100];
	v5 =	vsel vm1, v7, v4;
	v7 =	vsel vm5, v12, v11;
	v11 =	vand.u32 $0x7FFFFFFF, v10  }
0x593: {  	v8 =	vsel vm0, $0x4, v8  }
0x594: {  	v4 =	vld [tilespmem:s8+$0xD180];
	v8 =	vsel vm1, $0x5, v8;
	v5 =	vsel vm5, v9, v5;
	vm4 =	vgt.f32 v11, v7  }
0x595: {  	v9 =	vand.u32 $0x7FFFFFFF, v1;
	v7 =	vand.u32 $0x7FFFFFFF, v6;
	v10 =	vsel vm4, v10, v5;
	v11 =	vpop (erf)  }
0x596: {  	vm1 =	vgt.f32 v9, v7;
	v5 =	vld [tilespmem:s8+$0xD200];
	v10 =	vsub.f32 $0.0e+00, v10;
	v11 =	vadd.f32 $1.000000000e+00, v11  }
0x597: {  	p4 =	por $0x1, $0x1;
	v12 =	vand.u32 $0x7FFFFFFF, v2;
	v9 =	vsel vm1, v9, v7  }
.Ltmp30:
0x598: {  	v7 =	vld [tilespmem:s8+$0xD280];
	vm2 =	vgt.f32 v12, v9;
	v10 =	vmul.f32 $1.442695020e+00, v10;
	(erf) = vrcp.f32 v11;
	(pc) =	sbr.rel @!p4 .LBB2_59-.Ltmp30, $4  }
0x599: {  	v15 =	vsel vm5, $0x6, v8;
	v11 =	vsel vm2, v12, v9;
	v12 =	vand.u32 $0x7FFFFFFF, v4  }
0x59a: {  	s11 =	simm.s32 $0x180;
	v13 =	vsel vm1, $0x1, v0;
	v9 =	vld [tilespmem:s8+$0xD300];
	vm3 =	vgt.f32 v12, v11;
	(erf) = vpow2.f32 v10  }
0x59b: {  	s9 =	sand.u32 $0x70, s9;
	s13 =	simm.s32 $0x40;
	s10 =	sand.u32 $0xC00, s11;
	v14 =	vsel vm2, $0x2, v13;
	v13 =	vld [tilespmem:s0+$0x11280];
	v11 =	vsel vm3, v12, v11;
	v12 =	vand.u32 $0x7FFFFFFF, v5  }
0x59c: {  	p0 =	por $0x1, $0x1;
	s9 =	sor.u32 s9, s10;
	s10 =	smov.u32 s0;
	v10 =	vld [tilespmem:s8+$0xD380];
	v8 =	vsel vm3, $0x3, v14;
	v14 =	vsel vm4, $0x7, v15;
	vm0 =	vgt.f32 v12, v11  }
.LBB2_60:
0x59d: {  	p4 =	sne.s32 s13, $0x1F0;
	v15 =	vsel vm1, v1, v6;
	v6 =	vld [tilespmem:s9+$0xD000];
	v11 =	vsel vm0, v12, v11;
	v12 =	vand.u32 $0x7FFFFFFF, v7;
	[tilespmem:s4+$0x15280] =	vst v14  }
0x59e: {  	v8 =	vsel vm0, $0x4, v8;
	v1 =	vld [tilespmem:s9+$0xD080];
	v2 =	vsel vm2, v2, v15;
	vm1 =	vgt.f32 v12, v11  }
0x59f: {  	v4 =	vsel vm3, v4, v2;
	v11 =	vsel vm1, v12, v11;
	v14 =	vand.u32 $0x7FFFFFFF, v9  }
0x5a0: {  	v8 =	vsel vm1, $0x5, v8;
	v2 =	vld [tilespmem:s9+$0xD100];
	v4 =	vsel vm0, v5, v4;
	vm0 =	vgt.f32 v14, v11  }
0x5a1: {  	v5 =	vsel vm1, v7, v4;
	v7 =	vsel vm0, v14, v11;
	v11 =	vand.u32 $0x7FFFFFFF, v10;
	v12 =	vpop (erf)  }
0x5a2: {  	v4 =	vld [tilespmem:s9+$0xD180];
	v5 =	vsel vm0, v9, v5;
	vm4 =	vgt.f32 v11, v7;
	v7 =	vmul.f32 v12, v13  }
0x5a3: {  	v9 =	vand.u32 $0x7FFFFFFF, v6;
	v11 =	vand.u32 $0x7FFFFFFF, v1;
	v10 =	vsel vm4, v10, v5;
	v12 =	vpop (erf)  }
0x5a4: {  	vm1 =	vgt.f32 v11, v9;
	v5 =	vld [tilespmem:s9+$0xD200];
	v10 =	vsub.f32 $0.0e+00, v10;
	v12 =	vadd.f32 $1.000000000e+00, v12;
	[tilespmem:s10+$0x13280] =	vst v7;
	s10 =	smov.u32 s4;
	s4 =	smov.u32 s8  }
0x5a5: {  	s8 =	smov.u32 s9;
	v9 =	vsel vm1, v11, v9;
	v11 =	vsel vm1, $0x1, v0;
	v13 =	vand.u32 $0x7FFFFFFF, v2  }
.Ltmp31:
0x5a6: {  	vm2 =	vgt.f32 v13, v9;
	v7 =	vld [tilespmem:s8+$0xD280];
	v10 =	vmul.f32 $1.442695020e+00, v10;
	(erf) = vrcp.f32 v12;
	(pc) =	sbr.rel @p4 .LBB2_60-.Ltmp31, $4  }
0x5a7: {  	v12 =	vsel vm2, v13, v9;
	v13 =	vsel vm2, $0x2, v11;
	v11 =	vand.u32 $0x7FFFFFFF, v4  }
0x5a8: {  	s11 =	sadd.s32 $0x80, s11;
	v14 =	vsel vm0, $0x6, v8;
	vm3 =	vgt.f32 v11, v12;
	v9 =	vld [tilespmem:s8+$0xD300];
	(erf) = vpow2.f32 v10  }
0x5a9: {  	s16 =	sand.u32 $0xC00, s11;
	s9 =	sand.u32 $0x70, s13;
	v11 =	vsel vm3, v11, v12;
	v8 =	vsel vm3, $0x3, v13;
	v12 =	vand.u32 $0x7FFFFFFF, v5;
	v13 =	vld [tilespmem:s10+$0x11280]  }
0x5aa: {  	v14 =	vsel vm4, $0x7, v14;
	s13 =	sadd.s32 $0x10, s13;
	s9 =	sor.u32 s9, s16;
	vm0 =	vgt.f32 v12, v11;
	v10 =	vld [tilespmem:s8+$0xD380]  }
0x5ab: {  	s11 =	smov.u32 s4;
	s4 =	smov.u32 s8  }
.LBB2_62:
0x5ac: {  	v15 =	vld [tilespmem:s9+$0xD000];
	v1 =	vsel @p2 vm1, v1, v6;
	v6 =	vsel @p2 vm0, v12, v11;
	v11 =	vand.u32 @p2 $0x7FFFFFFF, v7;
	[tilespmem:s11+$0x15280] =	vst @p3 v14  }
0x5ad: {  	v12 =	vld [tilespmem:s9+$0xD080];
	v1 =	vsel @p2 vm2, v2, v1;
	vm1 =	vgt.f32 @p2 v11, v6  }
0x5ae: {  	v1 =	vsel @p2 vm3, v4, v1;
	v2 =	vsel @p2 vm1, v11, v6;
	v4 =	vand.u32 @p2 $0x7FFFFFFF, v9  }
0x5af: {  	v6 =	vld [tilespmem:s9+$0xD100];
	v1 =	vsel @p2 vm0, v5, v1;
	vm2 =	vgt.f32 @p2 v4, v2  }
0x5b0: {  	v1 =	vsel @p2 vm1, v7, v1;
	v2 =	vsel @p2 vm2, v4, v2;
	v4 =	vand.u32 @p2 $0x7FFFFFFF, v10  }
0x5b1: {  	v5 =	vpop @p0 (erf);
	v7 =	vld [tilespmem:s9+$0xD180];
	v1 =	vsel @p2 vm2, v9, v1;
	vm4 =	vgt.f32 @p2 v4, v2  }
0x5b2: {  	v2 =	vmul.f32 @p0 v5, v13;
	v4 =	vand.u32 $0x7FFFFFFF, v15;
	v5 =	vand.u32 $0x7FFFFFFF, v12  }
0x5b3: {  	v9 =	vld [tilespmem:s9+$0xD200];
	v1 =	vsel @p2 vm4, v10, v1;
	vm3 =	vgt.f32 v5, v4  }
0x5b4: {  	v10 =	vpop @p3 (erf);
	v1 =	vsub.f32 @p2 $0.0e+00, v1;
	[tilespmem:s10+$0x13280] =	vst @p0 v2;
	v2 =	vsel vm3, v5, v4;
	v4 =	vand.u32 $0x7FFFFFFF, v6  }
0x5b5: {  	v5 =	vadd.f32 @p3 $1.000000000e+00, v10;
	v10 =	vld [tilespmem:s9+$0xD280];
	vm5 =	vgt.f32 v4, v2  }
0x5b6: {  	v1 =	vmul.f32 @p2 $1.442695020e+00, v1;
	v2 =	vsel vm5, v4, v2;
	v4 =	vand.u32 $0x7FFFFFFF, v7  }
0x5b7: {  	(erf) = vrcp.f32 @p3 v5;
	v5 =	vld [tilespmem:s9+$0xD300];
	vm6 =	vgt.f32 v4, v2  }
0x5b8: {  	(erf) = vpow2.f32 @p2 v1;
	v1 =	vsel vm6, v4, v2;
	v2 =	vand.u32 $0x7FFFFFFF, v9  }
0x5b9: {  	vm7 =	vgt.f32 v2, v1  }
0x5ba: {  	v4 =	vld [tilespmem:s9+$0xD380];
	v1 =	vsel vm7, v2, v1;
	v2 =	vand.u32 $0x7FFFFFFF, v10  }
0x5bb: {  	v11 =	vsel vm3, v12, v15;
	vm8 =	vgt.f32 v2, v1  }
0x5bc: {  	v6 =	vsel vm5, v6, v11;
	v1 =	vsel vm8, v2, v1;
	v2 =	vand.u32 $0x7FFFFFFF, v5  }
0x5bd: {  	v6 =	vsel vm6, v7, v6;
	vm9 =	vgt.f32 v2, v1  }
0x5be: {  	v6 =	vsel vm7, v9, v6;
	v1 =	vsel vm9, v2, v1  }
0x5bf: {  	v6 =	vsel vm8, v10, v6;
	v2 =	vand.u32 $0x7FFFFFFF, v4  }
0x5c0: {  	v5 =	vsel vm9, v5, v6;
	vm10 =	vgt.f32 v2, v1  }
0x5c1: {  	v2 =	vsel vm10, v4, v5;
	v1 =	vpop @p3 (erf)  }
0x5c2: {  	v2 =	vsub.f32 $0.0e+00, v2;
	v4 =	vpop @p2 (erf)  }
0x5c3: {  	v4 =	vadd.f32 @p2 $1.000000000e+00, v4  }
0x5c4: {  	s8 =	smov.u32 @p3 s11;
	v2 =	vmul.f32 $1.442695020e+00, v2  }
0x5c5: {  	v5 =	vld @p3 [tilespmem:s8+$0x11280];
	(erf) = vrcp.f32 @p2 v4  }
0x5c6: {  	(erf) = vpow2.f32 v2  }
0x5c7: {  	v2 =	vsel @p2 vm0, $0x4, v8  }
0x5c8: {  	v2 =	vsel @p2 vm1, $0x5, v2  }
0x5c9: {  	v2 =	vsel @p2 vm2, $0x6, v2  }
0x5ca: {  	v4 =	vpsel p3, v5, v0;
	v2 =	vsel @p2 vm4, $0x7, v2  }
0x5cb: {  	s0 =	smov.u32 @p2 s4;
	v1 =	vmul.f32 @p3 v1, v4;
	v2 =	vpsel p2, v2, v3  }
0x5cc: {  	s4 =	smov.u32 @p3 s8;
	[tilespmem:s0+$0x15280] =	vst @p2 v2  }
0x5cd: {  	[tilespmem:s4+$0x13280] =	vst @p3 v1  }
0x5ce: {  	v1 =	vsel vm3, $0x1, v0;
	v2 =	vld @p2 [tilespmem:s0+$0x11280];
	v3 =	vpop @p2 (erf)  }
0x5cf: {  	v1 =	vsel vm5, $0x2, v1;
	v4 =	vpop (erf)  }
0x5d0: {  	v1 =	vsel vm6, $0x3, v1;
	v4 =	vadd.f32 $1.000000000e+00, v4  }
0x5d1: {  	v1 =	vsel vm7, $0x4, v1  }
0x5d2: {  	v1 =	vsel vm8, $0x5, v1;
	(erf) = vrcp.f32 v4  }
0x5d3: {  	v1 =	vsel vm9, $0x6, v1;
	v2 =	vpsel p2, v2, v0  }
0x5d4: {  	v1 =	vsel vm10, $0x7, v1;
	v2 =	vmul.f32 @p2 v3, v2  }
0x5d5: {  	s0 =	smov.u32 @p2 s0;
	[tilespmem:s9+$0x15280] =	vst v1  }
0x5d6: {  	[tilespmem:s0+$0x13280] =	vst @p2 v2  }
0x5d7: {  	v1 =	vld [tilespmem:s9+$0x11280];
	_ =	sdelay $0x3  }
0x5d8: {  	v2 =	vpop (erf)  }
0x5d9: {  	s10 =	simm.s32 $0x0;
	v1 =	vmul.f32 v2, v1  }
0x5da: {  	s13 =	sand.u32 $0xC00, s10;
	s8 =	sand.u32 $0x70, s10  }
0x5db: {  	s25 =	sor.u32 s8, s13;
	[tilespmem:s9+$0x13280] =	vst v1  }
0x5dc: {  	v1 =	vld [tilespmem:s25+$0xE000]  }
0x5dd: {  	v2 =	vld [tilespmem:s25+$0xE080];
	_ =	sdelay $0x1  }
0x5de: {  	v3 =	vld [tilespmem:s25+$0xE100];
	_ =	sdelay $0x1  }
0x5df: {  	v4 =	vld [tilespmem:s25+$0xE180]  }
0x5e0: {  	v5 =	vand.u32 $0x7FFFFFFF, v1;
	v6 =	vand.u32 $0x7FFFFFFF, v2  }
0x5e1: {  	v7 =	vld [tilespmem:s25+$0xE200];
	vm0 =	vgt.f32 v6, v5  }
0x5e2: {  	v5 =	vsel vm0, v6, v5;
	v6 =	vand.u32 $0x7FFFFFFF, v3  }
0x5e3: {  	v8 =	vld [tilespmem:s25+$0xE280];
	vm1 =	vgt.f32 v6, v5  }
0x5e4: {  	v5 =	vsel vm1, v6, v5;
	v6 =	vand.u32 $0x7FFFFFFF, v4  }
0x5e5: {  	s4 =	simm.s32 $0x80;
	s0 =	simm.s32 $0x10;
	v9 =	vld [tilespmem:s25+$0xE300];
	vm2 =	vgt.f32 v6, v5  }
0x5e6: {  	s18 =	sand.u32 $0xC00, s4;
	s16 =	sand.u32 $0x70, s0;
	v5 =	vsel vm2, v6, v5;
	v6 =	vand.u32 $0x7FFFFFFF, v7  }
0x5e7: {  	s9 =	sor.u32 s16, s18;
	v10 =	vld [tilespmem:s25+$0xE380];
	vm3 =	vgt.f32 v6, v5  }
0x5e8: {  	v12 =	vld [tilespmem:s9+$0xE000];
	v1 =	vsel vm0, v2, v1;
	v2 =	vsel vm3, v6, v5;
	v5 =	vand.u32 $0x7FFFFFFF, v8  }
0x5e9: {  	v11 =	vsel vm0, $0x1, v0;
	v1 =	vsel vm1, v3, v1;
	v6 =	vld [tilespmem:s9+$0xE080];
	vm0 =	vgt.f32 v5, v2  }
0x5ea: {  	v1 =	vsel vm2, v4, v1;
	v4 =	vand.u32 $0x7FFFFFFF, v9;
	v2 =	vsel vm0, v5, v2  }
0x5eb: {  	v3 =	vsel vm1, $0x2, v11;
	v1 =	vsel vm3, v7, v1;
	v5 =	vld [tilespmem:s9+$0xE100];
	vm1 =	vgt.f32 v4, v2  }
0x5ec: {  	v1 =	vsel vm0, v8, v1;
	v2 =	vsel vm1, v4, v2;
	v4 =	vand.u32 $0x7FFFFFFF, v10  }
0x5ed: {  	v3 =	vsel vm2, $0x3, v3;
	v7 =	vld [tilespmem:s9+$0xE180];
	v1 =	vsel vm1, v9, v1;
	vm2 =	vgt.f32 v4, v2  }
0x5ee: {  	v2 =	vand.u32 $0x7FFFFFFF, v12;
	v4 =	vand.u32 $0x7FFFFFFF, v6;
	v1 =	vsel vm2, v10, v1  }
0x5ef: {  	v3 =	vsel vm3, $0x4, v3;
	v8 =	vld [tilespmem:s9+$0xE200];
	vm3 =	vgt.f32 v4, v2;
	v1 =	vsub.f32 $0.0e+00, v1  }
0x5f0: {  	v2 =	vsel vm3, v4, v2;
	v4 =	vand.u32 $0x7FFFFFFF, v5  }
0x5f1: {  	v3 =	vsel vm0, $0x5, v3;
	v9 =	vld [tilespmem:s9+$0xE280];
	vm0 =	vgt.f32 v4, v2;
	v1 =	vmul.f32 $1.442695020e+00, v1  }
0x5f2: {  	v2 =	vsel vm0, v4, v2;
	v4 =	vand.u32 $0x7FFFFFFF, v7  }
0x5f3: {  	s11 =	simm.s32 $0x20;
	s17 =	simm.s32 $0x100;
	v3 =	vsel vm1, $0x6, v3;
	v10 =	vld [tilespmem:s9+$0xE300];
	vm4 =	vgt.f32 v4, v2;
	(erf) = vpow2.f32 v1  }
0x5f4: {  	s17 =	sand.u32 $0xC00, s17;
	s18 =	sand.u32 $0x70, s11;
	v3 =	vsel vm2, $0x7, v3;
	v2 =	vsel vm4, v4, v2;
	v4 =	vand.u32 $0x7FFFFFFF, v8  }
0x5f5: {  	s26 =	sor.u32 s18, s17;
	v11 =	vld [tilespmem:s9+$0xE380];
	v13 =	vsel vm3, $0x1, v0;
	v6 =	vsel vm3, v6, v12;
	vm1 =	vgt.f32 v4, v2  }
0x5f6: {  	v12 =	vand.u32 $0x7FFFFFFF, v9;
	v5 =	vsel vm0, v5, v6;
	v1 =	vld [tilespmem:s26+$0xE000];
	[tilespmem:s25+$0x15300] =	vst v3;
	v4 =	vsel vm1, v4, v2  }
0x5f7: {  	v3 =	vsel vm0, $0x2, v13;
	v5 =	vsel vm4, v7, v5;
	v2 =	vld [tilespmem:s26+$0xE080];
	vm0 =	vgt.f32 v12, v4  }
0x5f8: {  	v6 =	vand.u32 $0x7FFFFFFF, v10;
	v7 =	vsel vm4, $0x3, v3;
	v4 =	vsel vm0, v12, v4  }
0x5f9: {  	v3 =	vld [tilespmem:s26+$0xE100];
	v5 =	vsel vm1, v8, v5;
	v7 =	vsel vm1, $0x4, v7;
	vm5 =	vgt.f32 v6, v4  }
0x5fa: {  	v8 =	vand.u32 $0x7FFFFFFF, v11;
	v5 =	vsel vm0, v9, v5;
	v6 =	vsel vm5, v6, v4  }
0x5fb: {  	v4 =	vld [tilespmem:s26+$0xE180];
	v5 =	vsel vm5, v10, v5;
	v10 =	vsel vm0, $0x5, v7;
	vm4 =	vgt.f32 v8, v6  }
0x5fc: {  	v6 =	vand.u32 $0x7FFFFFFF, v1;
	v8 =	vand.u32 $0x7FFFFFFF, v2;
	v9 =	vsel vm4, v11, v5;
	v7 =	vpop (erf)  }
0x5fd: {  	vm1 =	vgt.f32 v8, v6;
	v5 =	vld [tilespmem:s26+$0xE200];
	v9 =	vsub.f32 $0.0e+00, v9;
	v11 =	vadd.f32 $1.000000000e+00, v7  }
0x5fe: {  	v6 =	vsel vm1, v8, v6;
	v8 =	vand.u32 $0x7FFFFFFF, v3  }
0x5ff: {  	vm2 =	vgt.f32 v8, v6;
	v7 =	vld [tilespmem:s26+$0xE280];
	v9 =	vmul.f32 $1.442695020e+00, v9;
	(erf) = vrcp.f32 v11  }
0x600: {  	v14 =	vsel vm5, $0x6, v10;
	v6 =	vsel vm2, v8, v6;
	v11 =	vand.u32 $0x7FFFFFFF, v4  }
0x601: {  	s20 =	simm.s32 $0x30;
	s17 =	simm.s32 $0x180;
	v12 =	vsel vm1, $0x1, v0;
	v8 =	vld [tilespmem:s26+$0xE300];
	vm3 =	vgt.f32 v11, v6;
	(erf) = vpow2.f32 v9  }
0x602: {  	s18 =	sand.u32 $0x70, s20;
	s20 =	sand.u32 $0xC00, s17;
	v10 =	vld [tilespmem:s26+$0xE380];
	v13 =	vsel vm2, $0x2, v12;
	v12 =	vand.u32 $0x7FFFFFFF, v5;
	v11 =	vsel vm3, v11, v6  }
0x603: {  	s28 =	sor.u32 s18, s20;
	s18 =	simm.s32 $0x40;
	v9 =	vld [tilespmem:s25+$0x11300];
	v6 =	vsel vm3, $0x3, v13;
	v13 =	vsel vm4, $0x7, v14;
	vm0 =	vgt.f32 v12, v11  }
.LBB2_63:
0x604: {  	p0 =	sne.s32 s18, $0x1F0;
	v14 =	vsel vm1, v2, v1;
	v1 =	vld [tilespmem:s28+$0xE000];
	v11 =	vsel vm0, v12, v11;
	v12 =	vand.u32 $0x7FFFFFFF, v7;
	[tilespmem:s9+$0x15300] =	vst v13  }
0x605: {  	v6 =	vsel vm0, $0x4, v6;
	v2 =	vld [tilespmem:s28+$0xE080];
	v3 =	vsel vm2, v3, v14;
	vm1 =	vgt.f32 v12, v11  }
0x606: {  	v4 =	vsel vm3, v4, v3;
	v11 =	vsel vm1, v12, v11;
	v13 =	vand.u32 $0x7FFFFFFF, v8  }
0x607: {  	v6 =	vsel vm1, $0x5, v6;
	v3 =	vld [tilespmem:s28+$0xE100];
	v4 =	vsel vm0, v5, v4;
	vm0 =	vgt.f32 v13, v11  }
0x608: {  	v5 =	vsel vm1, v7, v4;
	v7 =	vsel vm0, v13, v11;
	v13 =	vand.u32 $0x7FFFFFFF, v10;
	v12 =	vpop (erf)  }
0x609: {  	v4 =	vld [tilespmem:s28+$0xE180];
	v5 =	vsel vm0, v8, v5;
	vm4 =	vgt.f32 v13, v7;
	v7 =	vmul.f32 v12, v9  }
0x60a: {  	v8 =	vand.u32 $0x7FFFFFFF, v1;
	v9 =	vand.u32 $0x7FFFFFFF, v2;
	v10 =	vsel vm4, v10, v5;
	v11 =	vpop (erf)  }
0x60b: {  	vm1 =	vgt.f32 v9, v8;
	v5 =	vld [tilespmem:s28+$0xE200];
	v10 =	vsub.f32 $0.0e+00, v10;
	v11 =	vadd.f32 $1.000000000e+00, v11;
	[tilespmem:s25+$0x13300] =	vst v7;
	s25 =	smov.u32 s9;
	s9 =	smov.u32 s26;
	s26 =	smov.u32 s28  }
0x60c: {  	v8 =	vsel vm1, v9, v8;
	v9 =	vsel vm1, $0x1, v0;
	v12 =	vand.u32 $0x7FFFFFFF, v3  }
.Ltmp32:
0x60d: {  	vm2 =	vgt.f32 v12, v8;
	v7 =	vld [tilespmem:s26+$0xE280];
	v10 =	vmul.f32 $1.442695020e+00, v10;
	(erf) = vrcp.f32 v11;
	(pc) =	sbr.rel @p0 .LBB2_63-.Ltmp32, $4  }
0x60e: {  	v11 =	vsel vm2, v12, v8;
	v9 =	vsel vm2, $0x2, v9;
	v12 =	vand.u32 $0x7FFFFFFF, v4  }
0x60f: {  	s17 =	sadd.s32 $0x80, s17;
	v13 =	vsel vm0, $0x6, v6;
	vm3 =	vgt.f32 v12, v11;
	v8 =	vld [tilespmem:s26+$0xE300];
	(erf) = vpow2.f32 v10  }
0x610: {  	s20 =	sand.u32 $0x70, s18;
	s28 =	sand.u32 $0xC00, s17;
	v11 =	vsel vm3, v12, v11;
	v6 =	vsel vm3, $0x3, v9;
	v12 =	vand.u32 $0x7FFFFFFF, v5;
	v9 =	vld [tilespmem:s25+$0x11300]  }
0x611: {  	s18 =	sadd.s32 $0x10, s18;
	v13 =	vsel vm4, $0x7, v13;
	s28 =	sor.u32 s20, s28;
	vm0 =	vgt.f32 v12, v11;
	v10 =	vld [tilespmem:s26+$0xE380]  }
0x612: {  	v14 =	vld [tilespmem:s28+$0xE000];
	v1 =	vsel vm1, v2, v1;
	v2 =	vsel vm0, v12, v11;
	v40 =	vand.u32 $0x7FFFFFFF, v7;
	[tilespmem:s9+$0x15300] =	vst v13  }
0x613: {  	v41 =	vld [tilespmem:s28+$0xE080];
	v1 =	vsel vm2, v3, v1;
	vm13 =	vgt.f32 v40, v2  }
0x614: {  	v1 =	vsel vm3, v4, v1;
	v2 =	vsel vm13, v40, v2;
	v3 =	vand.u32 $0x7FFFFFFF, v8  }
0x615: {  	v42 =	vld [tilespmem:s28+$0xE100];
	v1 =	vsel vm0, v5, v1;
	vm14 =	vgt.f32 v3, v2  }
0x616: {  	v1 =	vsel vm13, v7, v1;
	v2 =	vsel vm14, v3, v2;
	v3 =	vand.u32 $0x7FFFFFFF, v10  }
0x617: {  	v44 =	vld [tilespmem:s28+$0xE180];
	v43 =	vpop (erf);
	v1 =	vsel vm14, v8, v1;
	vm15 =	vgt.f32 v3, v2  }
0x618: {  	v2 =	vmul.f32 v43, v9;
	v3 =	vand.u32 $0x7FFFFFFF, v14;
	v45 =	vand.u32 $0x7FFFFFFF, v41  }
0x619: {  	v46 =	vld [tilespmem:s28+$0xE200];
	v1 =	vsel vm15, v10, v1;
	vm4 =	vgt.f32 v45, v3  }
0x61a: {  	v47 =	vpop (erf);
	v1 =	vsub.f32 $0.0e+00, v1;
	[tilespmem:s25+$0x13300] =	vst v2;
	v2 =	vsel vm4, v45, v3;
	v3 =	vand.u32 $0x7FFFFFFF, v42  }
0x61b: {  	v48 =	vadd.f32 $1.000000000e+00, v47;
	v49 =	vld [tilespmem:s28+$0xE280];
	vm5 =	vgt.f32 v3, v2  }
0x61c: {  	v1 =	vmul.f32 $1.442695020e+00, v1;
	v2 =	vsel vm5, v3, v2;
	v3 =	vand.u32 $0x7FFFFFFF, v44  }
0x61d: {  	v50 =	vld [tilespmem:s28+$0xE300];
	(erf) = vrcp.f32 v48;
	vm6 =	vgt.f32 v3, v2  }
0x61e: {  	(erf) = vpow2.f32 v1;
	v1 =	vsel vm6, v3, v2;
	v2 =	vand.u32 $0x7FFFFFFF, v46  }
0x61f: {  	vm7 =	vgt.f32 v2, v1  }
0x620: {  	v3 =	vld [tilespmem:s28+$0xE380];
	v1 =	vsel vm7, v2, v1;
	v2 =	vand.u32 $0x7FFFFFFF, v49  }
0x621: {  	v51 =	vsel vm4, v41, v14;
	vm8 =	vgt.f32 v2, v1  }
0x622: {  	v4 =	vsel vm5, v42, v51;
	v1 =	vsel vm8, v2, v1;
	v2 =	vand.u32 $0x7FFFFFFF, v50  }
0x623: {  	v4 =	vsel vm6, v44, v4;
	vm9 =	vgt.f32 v2, v1  }
0x624: {  	v4 =	vsel vm7, v46, v4;
	v1 =	vsel vm9, v2, v1  }
0x625: {  	v4 =	vsel vm8, v49, v4;
	v2 =	vand.u32 $0x7FFFFFFF, v3  }
0x626: {  	v4 =	vsel vm9, v50, v4;
	vm10 =	vgt.f32 v2, v1  }
0x627: {  	v2 =	vsel vm10, v3, v4;
	v1 =	vpop (erf)  }
0x628: {  	v2 =	vsub.f32 $0.0e+00, v2;
	v3 =	vpop (erf)  }
0x629: {  	v3 =	vadd.f32 $1.000000000e+00, v3  }
0x62a: {  	v2 =	vmul.f32 $1.442695020e+00, v2  }
0x62b: {  	(erf) = vrcp.f32 v3  }
0x62c: {  	(erf) = vpow2.f32 v2;
	v2 =	vld [tilespmem:s9+$0x11300];
	_ =	sdelay $0x3  }
0x62d: {  	v3 =	vsel vm0, $0x4, v6  }
0x62e: {  	v3 =	vsel vm13, $0x5, v3;
	v1 =	vmul.f32 v1, v2  }
0x62f: {  	v3 =	vsel vm14, $0x6, v3  }
0x630: {  	v3 =	vsel vm15, $0x7, v3  }
0x631: {  	[tilespmem:s26+$0x15300] =	vst v3  }
0x632: {  	v2 =	vsel vm4, $0x1, v0;
	[tilespmem:s9+$0x13300] =	vst v1;
	v1 =	vpop (erf)  }
0x633: {  	v2 =	vsel vm5, $0x2, v2;
	v3 =	vld [tilespmem:s26+$0x11300];
	v52 =	vpop (erf)  }
0x634: {  	v2 =	vsel vm6, $0x3, v2;
	v4 =	vadd.f32 $1.000000000e+00, v52  }
0x635: {  	v2 =	vsel vm7, $0x4, v2  }
0x636: {  	v2 =	vsel vm8, $0x5, v2;
	(erf) = vrcp.f32 v4  }
0x637: {  	v2 =	vsel vm9, $0x6, v2  }
0x638: {  	v2 =	vsel vm10, $0x7, v2;
	v1 =	vmul.f32 v1, v3  }
0x639: {  	[tilespmem:s28+$0x15300] =	vst v2  }
0x63a: {  	[tilespmem:s26+$0x13300] =	vst v1  }
0x63b: {  	v1 =	vld [tilespmem:s28+$0x11300];
	_ =	sdelay $0x3  }
0x63c: {  	v2 =	vpop (erf)  }
0x63d: {  	v1 =	vmul.f32 v2, v1;
	_ =	sdelay $0x1  }
0x63e: {  	s8 =	sor.u32 s8, s13;
	[tilespmem:s28+$0x13300] =	vst v1  }
0x63f: {  	v1 =	vld [tilespmem:s8+$0xF080]  }
0x640: {  	v2 =	vld [tilespmem:s8+$0xF000];
	_ =	sdelay $0x1  }
0x641: {  	v3 =	vld [tilespmem:s8+$0xF100];
	_ =	sdelay $0x1  }
0x642: {  	v53 =	vld [tilespmem:s8+$0xF180]  }
0x643: {  	v54 =	vand.u32 $0x7FFFFFFF, v1;
	v55 =	vand.u32 $0x7FFFFFFF, v2  }
0x644: {  	v56 =	vld [tilespmem:s8+$0xF200];
	vm9 =	vgt.f32 v54, v55  }
0x645: {  	v57 =	vand.u32 $0x7FFFFFFF, v3;
	v5 =	vsel vm9, v54, v55  }
0x646: {  	v58 =	vld [tilespmem:s8+$0xF280];
	vm10 =	vgt.f32 v57, v5  }
0x647: {  	v59 =	vand.u32 $0x7FFFFFFF, v53;
	v5 =	vsel vm10, v57, v5  }
0x648: {  	v60 =	vld [tilespmem:s8+$0xF300];
	vm11 =	vgt.f32 v59, v5  }
0x649: {  	v61 =	vand.u32 $0x7FFFFFFF, v56;
	v5 =	vsel vm11, v59, v5  }
0x64a: {  	v62 =	vld [tilespmem:s8+$0xF380];
	vm12 =	vgt.f32 v61, v5  }
0x64b: {  	v1 =	vsel vm9, v1, v2;
	v2 =	vand.u32 $0x7FFFFFFF, v58;
	v5 =	vsel vm12, v61, v5  }
0x64c: {  	v1 =	vsel vm10, v3, v1;
	vm13 =	vgt.f32 v2, v5  }
0x64d: {  	v3 =	vand.u32 $0x7FFFFFFF, v60;
	v1 =	vsel vm11, v53, v1;
	v2 =	vsel vm13, v2, v5  }
0x64e: {  	v1 =	vsel vm12, v56, v1;
	vm14 =	vgt.f32 v3, v2  }
0x64f: {  	v63 =	vand.u32 $0x7FFFFFFF, v62;
	v1 =	vsel vm13, v58, v1;
	v2 =	vsel vm14, v3, v2  }
0x650: {  	v1 =	vsel vm14, v60, v1;
	vm15 =	vgt.f32 v63, v2  }
0x651: {  	v1 =	vsel vm15, v62, v1  }
0x652: {  	v1 =	vsub.f32 $0.0e+00, v1;
	_ =	sdelay $0x1  }
0x653: {  	v1 =	vmul.f32 $1.442695020e+00, v1;
	_ =	sdelay $0x1  }
0x654: {  	(erf) = vpow2.f32 v1;
	_ =	sdelay $0x8  }
0x655: {  	v2 =	vpop (erf)  }
0x656: {  	v1 =	vsel vm9, $0x1, v0;
	v2 =	vadd.f32 $1.000000000e+00, v2  }
0x657: {  	v1 =	vsel vm10, $0x2, v1  }
0x658: {  	v1 =	vsel vm11, $0x3, v1;
	(erf) = vrcp.f32 v2  }
0x659: {  	v1 =	vsel vm12, $0x4, v1  }
0x65a: {  	v1 =	vsel vm13, $0x5, v1  }
0x65b: {  	s28 =	sor.u32 s10, s10;
	v1 =	vsel vm14, $0x6, v1  }
0x65c: {  	s10 =	sor.u32 $0x380, s28;
	v1 =	vsel vm15, $0x7, v1  }
0x65d: {  	[tilespmem:s10+$0x15000] =	vst v1;
	v1 =	vld [tilespmem:s10+$0x11000];
	_ =	sdelay $0x3  }
0x65e: {  	v2 =	vpop (erf)  }
0x65f: {  	v1 =	vmul.f32 v2, v1  }
.LBB2_65:
0x660: {  	s13 =	sand.u32 $0x70, s11  }
0x661: {  	s17 =	sand.u32 $0xC00, s4;
	s9 =	smov.u32 s11;
	s8 =	sadd.s32 $0x10, s11  }
0x662: {  	p0 =	sne.s32 s11, $0x1F0;
	s11 =	sor.u32 s16, s17;
	[tilespmem:s10+$0x13000] =	vst v1;
	s16 =	smov.u32 s13  }
0x663: {  	v1 =	vld [tilespmem:s11+$0xF080]  }
0x664: {  	v2 =	vld [tilespmem:s11+$0xF000]  }
0x665: {  	v3 =	vld [tilespmem:s11+$0xF100];
	_ =	sdelay $0x1  }
0x666: {  	v4 =	vld [tilespmem:s11+$0xF180]  }
0x667: {  	v5 =	vand.u32 $0x7FFFFFFF, v1  }
0x668: {  	v6 =	vand.u32 $0x7FFFFFFF, v2;
	v7 =	vld [tilespmem:s11+$0xF200]  }
0x669: {  	vm0 =	vgt.f32 v5, v6;
	v8 =	vand.u32 $0x7FFFFFFF, v3  }
0x66a: {  	v5 =	vsel vm0, v5, v6;
	v1 =	vsel vm0, v1, v2;
	v2 =	vld [tilespmem:s11+$0xF280]  }
0x66b: {  	vm1 =	vgt.f32 v8, v5;
	v6 =	vand.u32 $0x7FFFFFFF, v4  }
0x66c: {  	v9 =	vsel vm0, $0x1, v0;
	v5 =	vsel vm1, v8, v5;
	v1 =	vsel vm1, v3, v1;
	v3 =	vld [tilespmem:s11+$0xF300]  }
0x66d: {  	v8 =	vsel vm1, $0x2, v9;
	vm0 =	vgt.f32 v6, v5;
	v9 =	vand.u32 $0x7FFFFFFF, v7  }
0x66e: {  	v5 =	vsel vm0, v6, v5;
	v6 =	vsel vm0, $0x3, v8;
	v8 =	vld [tilespmem:s11+$0xF380]  }
0x66f: {  	v1 =	vsel vm0, v4, v1;
	vm0 =	vgt.f32 v9, v5;
	v4 =	vand.u32 $0x7FFFFFFF, v2  }
0x670: {  	v5 =	vsel vm0, v9, v5;
	v1 =	vsel vm0, v7, v1;
	v6 =	vsel vm0, $0x4, v6  }
0x671: {  	vm0 =	vgt.f32 v4, v5;
	v7 =	vand.u32 $0x7FFFFFFF, v3  }
0x672: {  	v4 =	vsel vm0, v4, v5;
	v1 =	vsel vm0, v2, v1;
	v2 =	vsel vm0, $0x5, v6  }
0x673: {  	vm0 =	vgt.f32 v7, v4;
	v5 =	vand.u32 $0x7FFFFFFF, v8  }
0x674: {  	v4 =	vsel vm0, v7, v4;
	v1 =	vsel vm0, v3, v1  }
0x675: {  	s10 =	sor.u32 s4, s0;
	s0 =	smov.u32 s9;
	v2 =	vsel vm0, $0x6, v2;
	vm0 =	vgt.f32 v5, v4  }
0x676: {  	s10 =	sor.u32 $0x380, s10;
	v1 =	vsel vm0, v8, v1;
	v2 =	vsel vm0, $0x7, v2  }
0x677: {  	v1 =	vsub.f32 $0.0e+00, v1;
	[tilespmem:s10+$0x15000] =	vst v2;
	_ =	sdelay $0x1  }
0x678: {  	v1 =	vmul.f32 $1.442695020e+00, v1;
	_ =	sdelay $0x1  }
0x679: {  	(erf) = vpow2.f32 v1;
	_ =	sdelay $0x8  }
0x67a: {  	v1 =	vpop (erf)  }
0x67b: {  	v1 =	vadd.f32 $1.000000000e+00, v1;
	_ =	sdelay $0x1  }
0x67c: {  	(erf) = vrcp.f32 v1;
	_ =	sdelay $0x3  }
0x67d: {  	v1 =	vld [tilespmem:s10+$0x11000];
	_ =	sdelay $0x1  }
.Ltmp33:
0x67e: {  	(pc) =	sbr.rel @p0 .LBB2_65-.Ltmp33, $3  }
0x67f: {  	_ =	sdelay $0x1  }
0x680: {  	v2 =	vpop (erf)  }
0x681: {  	s4 =	sadd.s32 $0x80, s4;
	s11 =	smov.u32 s8;
	v1 =	vmul.f32 v2, v1  }
0x682: {  	s8 =	sand.u32 $0xC00, s4  }
0x683: {  	s8 =	sor.u32 s16, s8;
	[tilespmem:s10+$0x13000] =	vst v1  }
0x684: {  	v1 =	vld [tilespmem:s8+$0xF080]  }
0x685: {  	v2 =	vld [tilespmem:s8+$0xF000];
	_ =	sdelay $0x1  }
0x686: {  	v3 =	vld [tilespmem:s8+$0xF100];
	_ =	sdelay $0x1  }
0x687: {  	v4 =	vld [tilespmem:s8+$0xF180]  }
0x688: {  	v5 =	vand.u32 $0x7FFFFFFF, v1;
	v6 =	vand.u32 $0x7FFFFFFF, v2  }
0x689: {  	v7 =	vld [tilespmem:s8+$0xF200];
	vm0 =	vgt.f32 v5, v6  }
0x68a: {  	v8 =	vand.u32 $0x7FFFFFFF, v3;
	v5 =	vsel vm0, v5, v6  }
0x68b: {  	v60 =	vld [tilespmem:s8+$0xF280];
	vm1 =	vgt.f32 v8, v5  }
0x68c: {  	v9 =	vand.u32 $0x7FFFFFFF, v4;
	v5 =	vsel vm1, v8, v5  }
0x68d: {  	v61 =	vld [tilespmem:s8+$0xF300];
	vm2 =	vgt.f32 v9, v5  }
0x68e: {  	v10 =	vand.u32 $0x7FFFFFFF, v7;
	v5 =	vsel vm2, v9, v5  }
0x68f: {  	v62 =	vld [tilespmem:s8+$0xF380];
	vm3 =	vgt.f32 v10, v5  }
0x690: {  	v63 =	vand.u32 $0x7FFFFFFF, v60;
	v1 =	vsel vm0, v1, v2;
	v2 =	vsel vm3, v10, v5  }
0x691: {  	v1 =	vsel vm1, v3, v1;
	vm4 =	vgt.f32 v63, v2  }
0x692: {  	v3 =	vand.u32 $0x7FFFFFFF, v61;
	v1 =	vsel vm2, v4, v1;
	v2 =	vsel vm4, v63, v2  }
0x693: {  	v1 =	vsel vm3, v7, v1;
	vm5 =	vgt.f32 v3, v2  }
0x694: {  	v1 =	vsel vm4, v60, v1;
	v2 =	vsel vm5, v3, v2;
	v3 =	vand.u32 $0x7FFFFFFF, v62  }
0x695: {  	v1 =	vsel vm5, v61, v1;
	vm6 =	vgt.f32 v3, v2  }
0x696: {  	v1 =	vsel vm6, v62, v1  }
0x697: {  	v1 =	vsub.f32 $0.0e+00, v1;
	_ =	sdelay $0x1  }
0x698: {  	v1 =	vmul.f32 $1.442695020e+00, v1;
	_ =	sdelay $0x1  }
0x699: {  	(erf) = vpow2.f32 v1;
	_ =	sdelay $0x8  }
0x69a: {  	v1 =	vpop (erf)  }
0x69b: {  	v1 =	vadd.f32 $1.000000000e+00, v1;
	_ =	sdelay $0x1  }
0x69c: {  	(erf) = vrcp.f32 v1;
	_ =	sdelay $0x2  }
0x69d: {  	s0 =	sor.u32 s4, s0  }
0x69e: {  	s0 =	sor.u32 $0x380, s0;
	v1 =	vsel vm0, $0x1, v0  }
0x69f: {  	v2 =	vld [tilespmem:s0+$0x11000];
	v1 =	vsel vm1, $0x2, v1  }
0x6a0: {  	v1 =	vsel vm2, $0x3, v1  }
0x6a1: {  	v1 =	vsel vm3, $0x4, v1  }
0x6a2: {  	v1 =	vsel vm4, $0x5, v1  }
0x6a3: {  	v1 =	vsel vm5, $0x6, v1;
	v3 =	vpop (erf)  }
0x6a4: {  	v1 =	vsel vm6, $0x7, v1;
	v2 =	vmul.f32 v3, v2  }
.Ltmp34:
0x6a5: {  	s26 =	sor.u32 $0x200, s31;
	[tilespmem:s0+$0x15000] =	vst v1;
	(pc) =	sbr.rel @p1 .LBB2_68-.Ltmp34, $4  }
0x6a6: {  	s28 =	sadd.s32 s3, s26;
	[tilespmem:s0+$0x13000] =	vst v2  }
0x6a7: {  	[hbm4b:s28+s6] =	stream.linear.scatter [tilespmem:s23], [sflag:$0x4], $0x1000, $0x38;
	[tilespmem:$0x16000] =	vst v63  }
0x6a8: {  	s31 =	sadd.s32 s5, s26  }
0x6a9: {  	[hbm4b:s31+s6] =	stream.linear.scatter [tilespmem:s24], [sflag:$0x4], $0x1000, $0x38;
	[tilespmem:$0x16000] =	vst v63  }
0x6aa: {  	s0 =	sadd.s32 $0x3, s30  }
0x6ab: {  	s4 =	sshll.u32 s0, $0x1  }
0x6ac: {  	s4 =	sand.u32 $0xF8, s4  }
0x6ad: {  	s0 =	sshll.u32 s0, $0xC;
	s4 =	sadd.s32 s7, s4  }
0x6ae: {  	s0 =	sand.u32 $0x3000, s0;
	s8 =	sshll.u32 s4, $0xE  }
0x6af: {  	s4 =	sshll.u32 s4, $0xB;
	s8 =	sor.u32 s0, s8  }
.Ltmp35:
0x6b0: {  	s0 =	sor.u32 s0, s4;
	s8 =	sshrl.u32 s8, $0x3;
	(pc) =	sbr.rel .LBB2_2-.Ltmp35, $4  }
0x6b1: {  	s9 =	simm.s32 $0x8000;
	s0 =	sshrl.u32 s0, $0x3;
	s8 =	sadd.s32 s1, s8  }
0x6b2: {  	[tilespmem:s9], [sflag:$0x2] =	stream.strided.gather [hbm4b:s8+s14], $0x8000, s15, s14, $0x38;
	[tilespmem:$0x16000] =	vst v63  }
0x6b3: {  	s31 =	simm.s32 $0x11000;
	s29 =	sadd.s32 $0x1, s29;
	s0 =	sadd.s32 s2, s0  }
0x6b4: {  	[tilespmem:s31], [sflag:$0x2] =	stream.linear.gather [hbm4b:s0+s6], $0x1000, $0x38;
	[tilespmem:$0x16000] =	vst v63  }
.LBB2_11:
.Ltmp36:
0x6b5: {  	(pc) =	sbr.rel .LBB2_20-.Ltmp36, $2  }
0x6b6: {  	_ =	sdelay $0x2  }
0x6b7: {  	s9 =	smov.u32 s0;
	p5 =	por $0x0, $0x0  }
.LBB2_21:
.Ltmp37:
0x6b8: {  	(pc) =	sbr.rel .LBB2_30-.Ltmp37, $2  }
0x6b9: {  	_ =	sdelay $0x2  }
0x6ba: {  	s9 =	smov.u32 s0;
	p2 =	por $0x0, $0x0;
	p3 =	por $0x0, $0x0  }
.LBB2_43:
.Ltmp38:
0x6bb: {  	(pc) =	sbr.rel .LBB2_52-.Ltmp38, $2  }
0x6bc: {  	_ =	sdelay $0x2  }
0x6bd: {  	s9 =	smov.u32 s0;
	p5 =	por $0x0, $0x0  }
.LBB2_53:
.Ltmp39:
0x6be: {  	(pc) =	sbr.rel .LBB2_62-.Ltmp39, $2  }
0x6bf: {  	_ =	sdelay $0x2  }
0x6c0: {  	s9 =	smov.u32 s0;
	p2 =	por $0x0, $0x0;
	p3 =	por $0x0, $0x0  }
.LBB2_13:
.Ltmp40:
0x6c1: {  	(pc) =	sbr.rel .LBB2_20-.Ltmp40, $2  }
0x6c2: {  	_ =	sdelay $0x2  }
0x6c3: {  	s9 =	smov.u32 s8;
	s8 =	smov.u32 s0;
	p5 =	por $0x0, $0x0  }
.LBB2_23:
.Ltmp41:
0x6c4: {  	(pc) =	sbr.rel .LBB2_30-.Ltmp41, $2  }
0x6c5: {  	_ =	sdelay $0x2  }
0x6c6: {  	s9 =	smov.u32 s4;
	s4 =	smov.u32 s0;
	p3 =	por $0x0, $0x0  }
.LBB2_45:
.Ltmp42:
0x6c7: {  	(pc) =	sbr.rel .LBB2_52-.Ltmp42, $2  }
0x6c8: {  	_ =	sdelay $0x2  }
0x6c9: {  	s9 =	smov.u32 s8;
	s8 =	smov.u32 s0;
	p5 =	por $0x0, $0x0  }
.LBB2_55:
.Ltmp43:
0x6ca: {  	(pc) =	sbr.rel .LBB2_62-.Ltmp43, $2  }
0x6cb: {  	_ =	sdelay $0x2  }
0x6cc: {  	s9 =	smov.u32 s4;
	s4 =	smov.u32 s0;
	p3 =	por $0x0, $0x0  }
.LBB2_15:
.Ltmp44:
0x6cd: {  	(pc) =	sbr.rel .LBB2_20-.Ltmp44, $2  }
0x6ce: {  	_ =	sdelay $0x2  }
0x6cf: {  	s9 =	smov.u32 s10;
	v6 =	vmov v13;
	v14 =	vmov v3;
	s13 =	smov.u32 s0;
	p5 =	por $0x0, $0x0  }
.LBB2_25:
.Ltmp45:
0x6d0: {  	(pc) =	sbr.rel .LBB2_30-.Ltmp45, $2  }
0x6d1: {  	_ =	sdelay $0x2  }
0x6d2: {  	s9 =	smov.u32 s8;
	v6 =	vmov v13;
	v14 =	vmov v3;
	s11 =	smov.u32 s0  }
.LBB2_47:
.Ltmp46:
0x6d3: {  	(pc) =	sbr.rel .LBB2_52-.Ltmp46, $2  }
0x6d4: {  	_ =	sdelay $0x2  }
0x6d5: {  	s9 =	smov.u32 s10;
	v6 =	vmov v13;
	v14 =	vmov v3;
	s13 =	smov.u32 s0;
	p5 =	por $0x0, $0x0  }
.LBB2_57:
.Ltmp47:
0x6d6: {  	(pc) =	sbr.rel .LBB2_62-.Ltmp47, $2  }
0x6d7: {  	_ =	sdelay $0x2  }
0x6d8: {  	s9 =	smov.u32 s8;
	v6 =	vmov v13;
	v14 =	vmov v3;
	s11 =	smov.u32 s0  }
.LBB2_17:
.Ltmp48:
0x6d9: {  	(pc) =	sbr.rel .LBB2_20-.Ltmp48, $2  }
0x6da: {  	_ =	sdelay $0x2  }
0x6db: {  	s13 =	smov.u32 s8;
	s11 =	smov.u32 s0;
	s8 =	smov.u32 s10  }
.LBB2_27:
.Ltmp49:
0x6dc: {  	(pc) =	sbr.rel .LBB2_30-.Ltmp49, $2  }
0x6dd: {  	_ =	sdelay $0x2  }
0x6de: {  	s11 =	smov.u32 s4;
	s10 =	smov.u32 s0;
	s4 =	smov.u32 s8  }
.LBB2_49:
.Ltmp50:
0x6df: {  	(pc) =	sbr.rel .LBB2_52-.Ltmp50, $2  }
0x6e0: {  	_ =	sdelay $0x2  }
0x6e1: {  	s13 =	smov.u32 s8;
	s11 =	smov.u32 s0;
	s8 =	smov.u32 s10  }
.LBB2_59:
.Ltmp51:
0x6e2: {  	(pc) =	sbr.rel .LBB2_62-.Ltmp51, $2  }
0x6e3: {  	_ =	sdelay $0x2  }
0x6e4: {  	s11 =	smov.u32 s4;
	s10 =	smov.u32 s0;
	s4 =	smov.u32 s8  }
.LBB2_69:
0x6e5: {  	_ =	sfence.sel $0x180000  }
0x6e6: {  	[bflag:$0x0] =	sbarrier.arrive $0xFFFF  }
0x6e7: {  	_ =	strace $0x90000047  }
0x6e8: {  	s0 =	stileid.u32;
	[bflag:$0x2] =	sbarrier.arrive $0xFFFF  }
0x6e9: {  	p0 =	sne.s32 s0, $0x0;
	s0 =	rddreg [dreg:$0x4]  }
0x6ea: {  	s0 =	sadd.s32 @!p0 $0x100000, s0  }
0x6eb: {  	[sflag:s0] =	ssyncadd.tile.s32 @!p0 $0x1;
	_ =	shalt  }
.Lfunc_end2:
_tile_overlayer_lowered:
.L_overlay_start_2:
0x6ec: {  	(tag) =	ssettag $0x2  }
0x6ed: {  	s0 =	rddreg [dreg:$0x0];
	s2 =	stileid.u32  }
0x6ee: {  	s1 =	rddreg [dreg:$0x1];
	p0 =	sne.s32 s2, $0x0  }
0x6ef: {  	s3 =	rddreg [dreg:$0x2];
	[bflag:$0x3] =	sbarrier.arrive $0xFFFF;
	s2 =	simm.s32 @!p0 $0x1C05  }
0x6f0: {  	[timem:s3], [sflag:s2] =	dma.local @!p0 [hbm:s0], s1  }
0x6f1: {  	s0 =	simm.s32 @!p0 $0x5  }
0x6f2: {  	_ =	swait.ge @!p0 [sflag:s0], s1  }
0x6f3: {  	s1 =	ssub.s32 @!p0 $0x0, s1;
	[sflag:s0] =	ssyncset.done @!p0 $0x0  }
0x6f4: {  	[sflag:s0] =	ssyncadd.s32 @!p0 s1  }
0x6f5: {  	[bflag:$0x3] =	sbarrier.arrive $0xFFFF  }
0x6f6: {  	_ =	shalt  }

</sc_bundles>
